<compile_context>
chip_gen: v7x
topology: tpu7x:2x2x1
jax: 0.10.2.dev20260603
libtpu: 0.0.44.dev20260713+nightly
codegen_flags: <defaults>
</compile_context>

<pallas_src>
import functools

import jax
import jax.numpy as jnp
from jax import lax
from jax.experimental import pallas as pl
from jax.experimental.pallas import tpu as pltpu
from jax.experimental.pallas import tpu_sc as plsc

N = 10000
D = 256
HQ = 64
CW = 8
E = 160000
NC = 2
NS = 16
B = 128
NBLK = 80
EPT = B * NBLK
EPAD = EPT * NS
NPT = 640
NPAD = NPT * NS
RB = 128
NRB = NPT // RB


def _sc_body(tab, sidx, didx, ones8, zrow, zcnt,
             sum_out, cnt_out,
             sidx_v, didx_v,
             rows0_v, rows1_v, rows2_v, rows3_v, rows4_v,
             ones_v, zero_v, zero16_v,
             acc_sh, cnt_sh, gsem, ssem, csem, dsem):
    c = lax.axis_index("c")
    s = lax.axis_index("s")
    rbase = s * NPT
    rows_bufs = (rows0_v, rows1_v, rows2_v, rows3_v, rows4_v)
    NBUF = len(rows_bufs)
    NGRP = NBLK // NBUF

    pltpu.sync_copy(ones8, ones_v)
    pltpu.sync_copy(zrow, zero_v)
    pltpu.sync_copy(zcnt, zero16_v)
    def _ldidx(k, carry):
        for j in range(16):
            b = k * 16 + j
            pltpu.async_copy(
                didx.at[pl.ds(s * EPT + b * B, B)], didx_v.at[b], dsem
            )
        for j in range(16):
            b = k * 16 + j
            pltpu.make_async_copy(
                didx.at[pl.ds(s * EPT + b * B, B)], didx_v.at[b], dsem
            ).wait()
        return carry

    lax.fori_loop(0, NBLK // 16, _ldidx, 0)

    for p in range(2):
        q = c * 2 + p
        pltpu.sync_copy(sidx.at[pl.ds(q * EPAD + s * EPT, EPT)], sidx_v)
        for k in range(NRB):
            pltpu.sync_copy(zero_v, acc_sh.at[pl.ds(rbase + k * RB, RB)])
            if p == 0:
                pltpu.sync_copy(zero16_v, cnt_sh.at[pl.ds(rbase + k * RB, RB)])
        plsc.subcore_barrier()

        for h in range(NBUF):
            pltpu.async_copy(tab.at[sidx_v.at[pl.ds(h * B, B)]], rows_bufs[h], gsem.at[h])

        def _grp(g, carry):
            for h in range(NBUF):
                b = g * NBUF + h
                pltpu.make_async_copy(
                    tab.at[sidx_v.at[pl.ds(b * B, B)]], rows_bufs[h],
                    gsem.at[h],
                ).wait()
                pltpu.async_copy(
                    rows_bufs[h], acc_sh.at[didx_v.at[b]], ssem.at[h],
                    add=True,
                )
                if p == 0:
                    pltpu.async_copy(
                        ones_v, cnt_sh.at[didx_v.at[b]], csem, add=True
                    )
            for h in range(NBUF):
                b = g * NBUF + h
                pltpu.make_async_copy(
                    rows_bufs[h], acc_sh.at[didx_v.at[b]], ssem.at[h]
                ).wait()

                @pl.when(g < NGRP - 1)
                def _():
                    pltpu.async_copy(
                        tab.at[sidx_v.at[pl.ds((b + NBUF) * B, B)]],
                        rows_bufs[h], gsem.at[h],
                    )

            return carry

        lax.fori_loop(0, NGRP, _grp, 0)

        if p == 0:
            def _drain(b, carry):
                pltpu.make_async_copy(
                    ones_v, cnt_sh.at[didx_v.at[b]], csem
                ).wait()
                return carry

            lax.fori_loop(0, NBLK, _drain, 0)
        plsc.subcore_barrier()

        pltpu.sync_copy(
            acc_sh.at[pl.ds(rbase, NPT)], sum_out.at[q, pl.ds(rbase, NPT)]
        )
        if p == 0:
            pltpu.sync_copy(
                cnt_sh.at[pl.ds(rbase, NPT)], cnt_out.at[pl.ds(rbase, NPT)]
            )


_sc_agg = functools.partial(
    pl.kernel,
    out_type=(
        jax.ShapeDtypeStruct((4, NPAD, HQ), jnp.float32),
        jax.ShapeDtypeStruct((NPAD, CW), jnp.float32),
    ),
    mesh=plsc.VectorSubcoreMesh(
        core_axis_name="c", subcore_axis_name="s", num_cores=NC, num_subcores=NS
    ),
    scratch_types=[
        pltpu.VMEM((EPT,), jnp.int32),
        pltpu.VMEM((NBLK, B), jnp.int32),
        pltpu.VMEM((B, HQ), jnp.float32),
        pltpu.VMEM((B, HQ), jnp.float32),
        pltpu.VMEM((B, HQ), jnp.float32),
        pltpu.VMEM((B, HQ), jnp.float32),
        pltpu.VMEM((B, HQ), jnp.float32),
        pltpu.VMEM((B, CW), jnp.float32),
        pltpu.VMEM((RB, HQ), jnp.float32),
        pltpu.VMEM((RB, CW), jnp.float32),
        pltpu.VMEM_SHARED((NPAD, HQ), jnp.float32),
        pltpu.VMEM_SHARED((NPAD, CW), jnp.float32),
        pltpu.SemaphoreType.DMA((5,)),
        pltpu.SemaphoreType.DMA((5,)),
        pltpu.SemaphoreType.DMA,
        pltpu.SemaphoreType.DMA,
    ],
    compiler_params=pltpu.CompilerParams(use_tc_tiling_on_sc=False),
)(_sc_body)


def _tc_body(xi, xu, si0, si1, si2, si3, su0, su1, su2, su3, ci, cu,
             wst, wn0, wn1, wn2, wn3, oi, ou):
    f32 = jnp.float32
    wn = (wn0, wn1, wn2, wn3)

    def one(x, sq, cnt, out):
        acc = jnp.dot(x[...], wst[...], preferred_element_type=f32)
        neigh = sum(
            jnp.dot(sq[j][0], wn[j][...], preferred_element_type=f32)
            for j in range(4)
        )
        scale = 1.0 / jnp.maximum(cnt[:, 0:1], 1.0)
        out[...] = acc + neigh * scale

    one(xi, (si0, si1, si2, si3), ci, oi)
    one(xu, (su0, su1, su2, su3), cu, ou)


ROWS_BLK = 1000
GRID = N // ROWS_BLK


def _sum_spec(q):
    return pl.BlockSpec((1, ROWS_BLK, HQ), lambda i, q=q: (q, i, 0))


_x_spec = pl.BlockSpec((ROWS_BLK, D), lambda i: (i, 0))
_cnt_spec = pl.BlockSpec((ROWS_BLK, CW), lambda i: (i, 0))
_w_spec = pl.BlockSpec((D, D), lambda i: (0, 0))
_wq_spec = pl.BlockSpec((HQ, D), lambda i: (0, 0))

_tc_dense = pl.pallas_call(
    _tc_body,
    grid=(GRID,),
    in_specs=[
        _x_spec, _x_spec,
        _sum_spec(0), _sum_spec(1), _sum_spec(2), _sum_spec(3),
        _sum_spec(0), _sum_spec(1), _sum_spec(2), _sum_spec(3),
        _cnt_spec, _cnt_spec,
        _w_spec, _wq_spec, _wq_spec, _wq_spec, _wq_spec,
    ],
    out_specs=[_x_spec, _x_spec],
    out_shape=[
        jax.ShapeDtypeStruct((N, D), jnp.float32),
        jax.ShapeDtypeStruct((N, D), jnp.float32),
    ],
)


def kernel(user_feat, item_feat, edge_index_ui, edge_index_iu, W_self, W_neigh):
    pad = EPAD - E
    spad = jnp.arange(pad, dtype=jnp.int32) % N
    dpad = N + jnp.arange(pad, dtype=jnp.int32) % (NPAD - N)

    def prep(edge_index):
        src = edge_index[0].astype(jnp.int32)
        dst = edge_index[1].astype(jnp.int32)
        srcp = 4 * jnp.concatenate([src, spad])
        dstp = jnp.concatenate([dst, dpad])
        sidx2 = jnp.concatenate([srcp, srcp + 1, srcp + 2, srcp + 3])
        return sidx2, dstp

    def split_cols(f):
        return f.reshape(4 * N, HQ)

    ones8 = jnp.ones((B, CW), jnp.float32)
    zrow = jnp.zeros((RB, HQ), jnp.float32)
    zcnt = jnp.zeros((RB, CW), jnp.float32)

    sidx_ui, didx_ui = prep(edge_index_ui)
    sidx_iu, didx_iu = prep(edge_index_iu)
    sums_ui, cnts_ui = _sc_agg(
        split_cols(user_feat), sidx_ui, didx_ui, ones8, zrow, zcnt
    )
    sums_iu, cnts_iu = _sc_agg(
        split_cols(item_feat), sidx_iu, didx_iu, ones8, zrow, zcnt
    )

    wst = W_self.T
    wnt = W_neigh.T
    wnq = [wnt[q * HQ:(q + 1) * HQ] for q in range(4)]
    rst_item, rst_user = _tc_dense(
        item_feat, user_feat,
        sums_ui, sums_ui, sums_ui, sums_ui,
        sums_iu, sums_iu, sums_iu, sums_iu,
        cnts_ui, cnts_iu,
        wst, *wnq,
    )
    return (rst_user, rst_item)

# --- scband reference (transcript-rebuilt; emitter-appended) ---
"""Pipeline reference for scband-sageconv-61460982006089 (READ-ONLY COPY).

The authoritative reference and input builder live on the scoring server;
editing this copy changes nothing except your own understanding.
"""

import jax, jax.numpy as jnp
import numpy as np

N_USER = 10000
N_ITEM = 10000
D = 256
E = 160000


def setup_inputs(seed: int = 0) -> dict:
    key = jax.random.key(seed)
    k1, k2, k3, k4, k5, k6 = jax.random.split(key, 6)
    user_feat = jax.random.normal(k1, (N_USER, D), dtype=jnp.float32)
    item_feat = jax.random.normal(k2, (N_ITEM, D), dtype=jnp.float32)
    # row 0: src node ids, row 1: dst node ids
    edge_index_ui = jax.random.randint(k3, (2, E), 0, N_USER, dtype=jnp.int64)
    edge_index_iu = jax.random.randint(k4, (2, E), 0, N_ITEM, dtype=jnp.int64)
    # xavier_uniform with relu gain, as in reset_parameters()
    gain = np.sqrt(2.0)
    limit = gain * np.sqrt(6.0 / (D + D))
    W_self = jax.random.uniform(k5, (D, D), minval=-limit, maxval=limit, dtype=jnp.float32)
    W_neigh = jax.random.uniform(k6, (D, D), minval=-limit, maxval=limit, dtype=jnp.float32)
    return {
        "user_feat": user_feat,
        "item_feat": item_feat,
        "edge_index_ui": edge_index_ui,
        "edge_index_iu": edge_index_iu,
        "W_self": W_self,
        "W_neigh": W_neigh,
    }


def _mean_agg(src_emb, src_idx, dst_idx, num_dst):
    # dgl: update_all(copy_src, mean) -> per-dst mean of src embeddings (0 for isolated dst)
    msgs = jnp.take(src_emb, src_idx, axis=0)
    summed = jax.ops.segment_sum(msgs, dst_idx, num_segments=num_dst)
    cnt = jax.ops.segment_sum(jnp.ones((src_idx.shape[0],), dtype=jnp.float32), dst_idx, num_segments=num_dst)
    return summed / jnp.maximum(cnt, 1.0)[:, None]


def reference(user_feat, item_feat, edge_index_ui, edge_index_iu, W_self, W_neigh):
    # etype (user -> item): aggregate user src embs onto item dst nodes
    neigh_item = _mean_agg(user_feat, edge_index_ui[0], edge_index_ui[1], item_feat.shape[0])
    rst_item = item_feat @ W_self.T + neigh_item @ W_neigh.T
    # etype (item -> user): aggregate item src embs onto user dst nodes
    neigh_user = _mean_agg(item_feat, edge_index_iu[0], edge_index_iu[1], user_feat.shape[0])
    rst_user = user_feat @ W_self.T + neigh_user @ W_neigh.T
    # msg_embs dict {'user': rst_user, 'item': rst_item} returned as tuple
    return (rst_user, rst_item)

if __name__ == "__main__":
    import jax
    _d = setup_inputs()
    print(jax.jit(kernel)(*tuple(_d.values())))

</pallas_src>

<mosaic_0001>
#map = affine_map<(d0, d1) -> (0, 0)>
#map1 = affine_map<(d0, d1) -> (0)>
#map2 = affine_map<(d0, d1) -> (0, 0, 0)>
module attributes {stable_mosaic.version = 14 : i64} {
  func.func @_sc_body(%arg0: i32, %arg1: i32, %arg2: memref<40000x64xf32, #tpu.memory_space<hbm>>, %arg3: memref<655360xi32, #tpu.memory_space<hbm>>, %arg4: memref<163840xi32, #tpu.memory_space<hbm>>, %arg5: memref<128x8xf32, #tpu.memory_space<hbm>>, %arg6: memref<128x64xf32, #tpu.memory_space<hbm>>, %arg7: memref<128x8xf32, #tpu.memory_space<hbm>>, %arg8: memref<4x10240x64xf32, #tpu.memory_space<hbm>>, %arg9: memref<10240x8xf32, #tpu.memory_space<hbm>>, %arg10: memref<10240xi32, #tpu.memory_space<vmem>>, %arg11: memref<80x128xi32, #tpu.memory_space<vmem>>, %arg12: memref<128x64xf32, #tpu.memory_space<vmem>>, %arg13: memref<128x64xf32, #tpu.memory_space<vmem>>, %arg14: memref<128x64xf32, #tpu.memory_space<vmem>>, %arg15: memref<128x64xf32, #tpu.memory_space<vmem>>, %arg16: memref<128x64xf32, #tpu.memory_space<vmem>>, %arg17: memref<128x8xf32, #tpu.memory_space<vmem>>, %arg18: memref<128x64xf32, #tpu.memory_space<vmem>>, %arg19: memref<128x8xf32, #tpu.memory_space<vmem>>, %arg20: memref<10240x64xf32, #tpu.memory_space<vmem_shared>>, %arg21: memref<10240x8xf32, #tpu.memory_space<vmem_shared>>, %arg22: memref<5x!tpu.dma_semaphore, #tpu.memory_space<semaphore_mem>>, %arg23: memref<5x!tpu.dma_semaphore, #tpu.memory_space<semaphore_mem>>, %arg24: memref<!tpu.dma_semaphore, #tpu.memory_space<semaphore_mem>>, %arg25: memref<!tpu.dma_semaphore, #tpu.memory_space<semaphore_mem>>) attributes {dimension_semantics = [#tpu.dimension_semantics<core_parallel>, #tpu.dimension_semantics<subcore_parallel>], iteration_bounds = array<i64: 2, 16>, scalar_prefetch = 0 : i64, scratch_operands = 16 : i64, tpu.core_type = #tpu.core_type<sc_vector_subcore>, window_params = [{transform_indices = #map}, {transform_indices = #map1}, {transform_indices = #map1}, {transform_indices = #map}, {transform_indices = #map}, {transform_indices = #map}, {transform_indices = #map2}, {transform_indices = #map}]} {
    %mul3A = arith.constant 640 : i32
    %mul3A_0 = arith.muli %arg1, %mul3A : i32
    "tpu.region"() ({
      %run_scoped3A = tpu.sem_alloc : memref<!tpu.dma_semaphore, #tpu.memory_space<semaphore_mem>>
      tpu.enqueue_dma source(%arg5 : memref<128x8xf32, #tpu.memory_space<hbm>>) target(%arg17 : memref<128x8xf32, #tpu.memory_space<vmem>>) target_semaphore(%run_scoped3A : memref<!tpu.dma_semaphore, #tpu.memory_space<semaphore_mem>>)
      tpu.wait_dma2 semaphore(%run_scoped3A : memref<!tpu.dma_semaphore, #tpu.memory_space<semaphore_mem>>) src(%arg5 : memref<128x8xf32, #tpu.memory_space<hbm>>) dst(%arg17 : memref<128x8xf32, #tpu.memory_space<vmem>>)
      tpu.yield
    }) : () -> ()
    "tpu.region"() ({
      %run_scoped3A = tpu.sem_alloc : memref<!tpu.dma_semaphore, #tpu.memory_space<semaphore_mem>>
      tpu.enqueue_dma source(%arg6 : memref<128x64xf32, #tpu.memory_space<hbm>>) target(%arg18 : memref<128x64xf32, #tpu.memory_space<vmem>>) target_semaphore(%run_scoped3A : memref<!tpu.dma_semaphore, #tpu.memory_space<semaphore_mem>>)
      tpu.wait_dma2 semaphore(%run_scoped3A : memref<!tpu.dma_semaphore, #tpu.memory_space<semaphore_mem>>) src(%arg6 : memref<128x64xf32, #tpu.memory_space<hbm>>) dst(%arg18 : memref<128x64xf32, #tpu.memory_space<vmem>>)
      tpu.yield
    }) : () -> ()
    "tpu.region"() ({
      %run_scoped3A = tpu.sem_alloc : memref<!tpu.dma_semaphore, #tpu.memory_space<semaphore_mem>>
      tpu.enqueue_dma source(%arg7 : memref<128x8xf32, #tpu.memory_space<hbm>>) target(%arg19 : memref<128x8xf32, #tpu.memory_space<vmem>>) target_semaphore(%run_scoped3A : memref<!tpu.dma_semaphore, #tpu.memory_space<semaphore_mem>>)
      tpu.wait_dma2 semaphore(%run_scoped3A : memref<!tpu.dma_semaphore, #tpu.memory_space<semaphore_mem>>) src(%arg7 : memref<128x8xf32, #tpu.memory_space<hbm>>) dst(%arg19 : memref<128x8xf32, #tpu.memory_space<vmem>>)
      tpu.yield
    }) : () -> ()
    %scan3A = arith.constant 0 : i32
    %scan3A_1 = arith.constant 0 : i32
    %scan3A_2 = arith.constant 5 : i32
    %scan3A_3 = arith.addi %scan3A_1, %scan3A_2 : i32
    %scan3A_4 = arith.constant 1 : i32
    scf.for %scan3A_153 = %scan3A_1 to %scan3A_3 step %scan3A_4  : i32 {
      %mul3A_154 = arith.constant 16 : i32
      %mul3A_155 = arith.muli %scan3A_153, %mul3A_154 : i32
      %add3A_156 = arith.constant 0 : i32
      %add3A_157 = arith.addi %mul3A_155, %add3A_156 : i32
      %mul3A_158 = arith.constant 10240 : i32
      %mul3A_159 = arith.muli %arg1, %mul3A_158 : i32
      %mul3A_160 = arith.constant 128 : i32
      %mul3A_161 = arith.muli %add3A_157, %mul3A_160 : i32
      %add3A_162 = arith.addi %mul3A_159, %mul3A_161 : i32
      %dma_start3A_163 = arith.constant 0 : i32
      %dma_start3A_164 = tpu.memref_slice %arg11[%add3A_157, %dma_start3A_163] : memref<80x128xi32, #tpu.memory_space<vmem>> -> memref<1x128xi32, #tpu.memory_space<vmem>>
      %dma_start3A_165 = tpu.memref_squeeze %dma_start3A_164 : memref<1x128xi32, #tpu.memory_space<vmem>> -> memref<128xi32, #tpu.memory_space<vmem>>
      %dma_start3A_166 = tpu.memref_slice %arg4[%add3A_162] : memref<163840xi32, #tpu.memory_space<hbm>> -> memref<128xi32, #tpu.memory_space<hbm>>
      %dma_start3A_167 = arith.constant 0 : i32
      %dma_start3A_168 = tpu.memref_slice %arg11[%add3A_157, %dma_start3A_167] : memref<80x128xi32, #tpu.memory_space<vmem>> -> memref<1x128xi32, #tpu.memory_space<vmem>>
      %dma_start3A_169 = tpu.memref_squeeze %dma_start3A_168 : memref<1x128xi32, #tpu.memory_space<vmem>> -> memref<128xi32, #tpu.memory_space<vmem>>
      %dma_start3A_170 = tpu.memref_slice %arg4[%add3A_162] : memref<163840xi32, #tpu.memory_space<hbm>> -> memref<128xi32, #tpu.memory_space<hbm>>
      tpu.enqueue_dma source(%dma_start3A_170 : memref<128xi32, #tpu.memory_space<hbm>>) target(%dma_start3A_169 : memref<128xi32, #tpu.memory_space<vmem>>) target_semaphore(%arg25 : memref<!tpu.dma_semaphore, #tpu.memory_space<semaphore_mem>>)
      %mul3A_171 = arith.constant 16 : i32
      %mul3A_172 = arith.muli %scan3A_153, %mul3A_171 : i32
      %add3A_173 = arith.constant 1 : i32
      %add3A_174 = arith.addi %mul3A_172, %add3A_173 : i32
      %mul3A_175 = arith.constant 10240 : i32
      %mul3A_176 = arith.muli %arg1, %mul3A_175 : i32
      %mul3A_177 = arith.constant 128 : i32
      %mul3A_178 = arith.muli %add3A_174, %mul3A_177 : i32
      %add3A_179 = arith.addi %mul3A_176, %mul3A_178 : i32
      %dma_start3A_180 = arith.constant 0 : i32
      %dma_start3A_181 = tpu.memref_slice %arg11[%add3A_174, %dma_start3A_180] : memref<80x128xi32, #tpu.memory_space<vmem>> -> memref<1x128xi32, #tpu.memory_space<vmem>>
      %dma_start3A_182 = tpu.memref_squeeze %dma_start3A_181 : memref<1x128xi32, #tpu.memory_space<vmem>> -> memref<128xi32, #tpu.memory_space<vmem>>
      %dma_start3A_183 = tpu.memref_slice %arg4[%add3A_179] : memref<163840xi32, #tpu.memory_space<hbm>> -> memref<128xi32, #tpu.memory_space<hbm>>
      %dma_start3A_184 = arith.constant 0 : i32
      %dma_start3A_185 = tpu.memref_slice %arg11[%add3A_174, %dma_start3A_184] : memref<80x128xi32, #tpu.memory_space<vmem>> -> memref<1x128xi32, #tpu.memory_space<vmem>>
      %dma_start3A_186 = tpu.memref_squeeze %dma_start3A_185 : memref<1x128xi32, #tpu.memory_space<vmem>> -> memref<128xi32, #tpu.memory_space<vmem>>
      %dma_start3A_187 = tpu.memref_slice %arg4[%add3A_179] : memref<163840xi32, #tpu.memory_space<hbm>> -> memref<128xi32, #tpu.memory_space<hbm>>
      tpu.enqueue_dma source(%dma_start3A_187 : memref<128xi32, #tpu.memory_space<hbm>>) target(%dma_start3A_186 : memref<128xi32, #tpu.memory_space<vmem>>) target_semaphore(%arg25 : memref<!tpu.dma_semaphore, #tpu.memory_space<semaphore_mem>>)
      %mul3A_188 = arith.constant 16 : i32
      %mul3A_189 = arith.muli %scan3A_153, %mul3A_188 : i32
      %add3A_190 = arith.constant 2 : i32
      %add3A_191 = arith.addi %mul3A_189, %add3A_190 : i32
      %mul3A_192 = arith.constant 10240 : i32
      %mul3A_193 = arith.muli %arg1, %mul3A_192 : i32
      %mul3A_194 = arith.constant 128 : i32
      %mul3A_195 = arith.muli %add3A_191, %mul3A_194 : i32
      %add3A_196 = arith.addi %mul3A_193, %mul3A_195 : i32
      %dma_start3A_197 = arith.constant 0 : i32
      %dma_start3A_198 = tpu.memref_slice %arg11[%add3A_191, %dma_start3A_197] : memref<80x128xi32, #tpu.memory_space<vmem>> -> memref<1x128xi32, #tpu.memory_space<vmem>>
      %dma_start3A_199 = tpu.memref_squeeze %dma_start3A_198 : memref<1x128xi32, #tpu.memory_space<vmem>> -> memref<128xi32, #tpu.memory_space<vmem>>
      %dma_start3A_200 = tpu.memref_slice %arg4[%add3A_196] : memref<163840xi32, #tpu.memory_space<hbm>> -> memref<128xi32, #tpu.memory_space<hbm>>
      %dma_start3A_201 = arith.constant 0 : i32
      %dma_start3A_202 = tpu.memref_slice %arg11[%add3A_191, %dma_start3A_201] : memref<80x128xi32, #tpu.memory_space<vmem>> -> memref<1x128xi32, #tpu.memory_space<vmem>>
      %dma_start3A_203 = tpu.memref_squeeze %dma_start3A_202 : memref<1x128xi32, #tpu.memory_space<vmem>> -> memref<128xi32, #tpu.memory_space<vmem>>
      %dma_start3A_204 = tpu.memref_slice %arg4[%add3A_196] : memref<163840xi32, #tpu.memory_space<hbm>> -> memref<128xi32, #tpu.memory_space<hbm>>
      tpu.enqueue_dma source(%dma_start3A_204 : memref<128xi32, #tpu.memory_space<hbm>>) target(%dma_start3A_203 : memref<128xi32, #tpu.memory_space<vmem>>) target_semaphore(%arg25 : memref<!tpu.dma_semaphore, #tpu.memory_space<semaphore_mem>>)
      %mul3A_205 = arith.constant 16 : i32
      %mul3A_206 = arith.muli %scan3A_153, %mul3A_205 : i32
      %add3A_207 = arith.constant 3 : i32
      %add3A_208 = arith.addi %mul3A_206, %add3A_207 : i32
      %mul3A_209 = arith.constant 10240 : i32
      %mul3A_210 = arith.muli %arg1, %mul3A_209 : i32
      %mul3A_211 = arith.constant 128 : i32
      %mul3A_212 = arith.muli %add3A_208, %mul3A_211 : i32
      %add3A_213 = arith.addi %mul3A_210, %mul3A_212 : i32
      %dma_start3A_214 = arith.constant 0 : i32
      %dma_start3A_215 = tpu.memref_slice %arg11[%add3A_208, %dma_start3A_214] : memref<80x128xi32, #tpu.memory_space<vmem>> -> memref<1x128xi32, #tpu.memory_space<vmem>>
      %dma_start3A_216 = tpu.memref_squeeze %dma_start3A_215 : memref<1x128xi32, #tpu.memory_space<vmem>> -> memref<128xi32, #tpu.memory_space<vmem>>
      %dma_start3A_217 = tpu.memref_slice %arg4[%add3A_213] : memref<163840xi32, #tpu.memory_space<hbm>> -> memref<128xi32, #tpu.memory_space<hbm>>
      %dma_start3A_218 = arith.constant 0 : i32
      %dma_start3A_219 = tpu.memref_slice %arg11[%add3A_208, %dma_start3A_218] : memref<80x128xi32, #tpu.memory_space<vmem>> -> memref<1x128xi32, #tpu.memory_space<vmem>>
      %dma_start3A_220 = tpu.memref_squeeze %dma_start3A_219 : memref<1x128xi32, #tpu.memory_space<vmem>> -> memref<128xi32, #tpu.memory_space<vmem>>
      %dma_start3A_221 = tpu.memref_slice %arg4[%add3A_213] : memref<163840xi32, #tpu.memory_space<hbm>> -> memref<128xi32, #tpu.memory_space<hbm>>
      tpu.enqueue_dma source(%dma_start3A_221 : memref<128xi32, #tpu.memory_space<hbm>>) target(%dma_start3A_220 : memref<128xi32, #tpu.memory_space<vmem>>) target_semaphore(%arg25 : memref<!tpu.dma_semaphore, #tpu.memory_space<semaphore_mem>>)
      %mul3A_222 = arith.constant 16 : i32
      %mul3A_223 = arith.muli %scan3A_153, %mul3A_222 : i32
      %add3A_224 = arith.constant 4 : i32
      %add3A_225 = arith.addi %mul3A_223, %add3A_224 : i32
      %mul3A_226 = arith.constant 10240 : i32
      %mul3A_227 = arith.muli %arg1, %mul3A_226 : i32
      %mul3A_228 = arith.constant 128 : i32
      %mul3A_229 = arith.muli %add3A_225, %mul3A_228 : i32
      %add3A_230 = arith.addi %mul3A_227, %mul3A_229 : i32
      %dma_start3A_231 = arith.constant 0 : i32
      %dma_start3A_232 = tpu.memref_slice %arg11[%add3A_225, %dma_start3A_231] : memref<80x128xi32, #tpu.memory_space<vmem>> -> memref<1x128xi32, #tpu.memory_space<vmem>>
      %dma_start3A_233 = tpu.memref_squeeze %dma_start3A_232 : memref<1x128xi32, #tpu.memory_space<vmem>> -> memref<128xi32, #tpu.memory_space<vmem>>
      %dma_start3A_234 = tpu.memref_slice %arg4[%add3A_230] : memref<163840xi32, #tpu.memory_space<hbm>> -> memref<128xi32, #tpu.memory_space<hbm>>
      %dma_start3A_235 = arith.constant 0 : i32
      %dma_start3A_236 = tpu.memref_slice %arg11[%add3A_225, %dma_start3A_235] : memref<80x128xi32, #tpu.memory_space<vmem>> -> memref<1x128xi32, #tpu.memory_space<vmem>>
      %dma_start3A_237 = tpu.memref_squeeze %dma_start3A_236 : memref<1x128xi32, #tpu.memory_space<vmem>> -> memref<128xi32, #tpu.memory_space<vmem>>
      %dma_start3A_238 = tpu.memref_slice %arg4[%add3A_230] : memref<163840xi32, #tpu.memory_space<hbm>> -> memref<128xi32, #tpu.memory_space<hbm>>
      tpu.enqueue_dma source(%dma_start3A_238 : memref<128xi32, #tpu.memory_space<hbm>>) target(%dma_start3A_237 : memref<128xi32, #tpu.memory_space<vmem>>) target_semaphore(%arg25 : memref<!tpu.dma_semaphore, #tpu.memory_space<semaphore_mem>>)
      %mul3A_239 = arith.constant 16 : i32
      %mul3A_240 = arith.muli %scan3A_153, %mul3A_239 : i32
      %add3A_241 = arith.constant 5 : i32
      %add3A_242 = arith.addi %mul3A_240, %add3A_241 : i32
      %mul3A_243 = arith.constant 10240 : i32
      %mul3A_244 = arith.muli %arg1, %mul3A_243 : i32
      %mul3A_245 = arith.constant 128 : i32
      %mul3A_246 = arith.muli %add3A_242, %mul3A_245 : i32
      %add3A_247 = arith.addi %mul3A_244, %mul3A_246 : i32
      %dma_start3A_248 = arith.constant 0 : i32
      %dma_start3A_249 = tpu.memref_slice %arg11[%add3A_242, %dma_start3A_248] : memref<80x128xi32, #tpu.memory_space<vmem>> -> memref<1x128xi32, #tpu.memory_space<vmem>>
      %dma_start3A_250 = tpu.memref_squeeze %dma_start3A_249 : memref<1x128xi32, #tpu.memory_space<vmem>> -> memref<128xi32, #tpu.memory_space<vmem>>
      %dma_start3A_251 = tpu.memref_slice %arg4[%add3A_247] : memref<163840xi32, #tpu.memory_space<hbm>> -> memref<128xi32, #tpu.memory_space<hbm>>
      %dma_start3A_252 = arith.constant 0 : i32
      %dma_start3A_253 = tpu.memref_slice %arg11[%add3A_242, %dma_start3A_252] : memref<80x128xi32, #tpu.memory_space<vmem>> -> memref<1x128xi32, #tpu.memory_space<vmem>>
      %dma_start3A_254 = tpu.memref_squeeze %dma_start3A_253 : memref<1x128xi32, #tpu.memory_space<vmem>> -> memref<128xi32, #tpu.memory_space<vmem>>
      %dma_start3A_255 = tpu.memref_slice %arg4[%add3A_247] : memref<163840xi32, #tpu.memory_space<hbm>> -> memref<128xi32, #tpu.memory_space<hbm>>
      tpu.enqueue_dma source(%dma_start3A_255 : memref<128xi32, #tpu.memory_space<hbm>>) target(%dma_start3A_254 : memref<128xi32, #tpu.memory_space<vmem>>) target_semaphore(%arg25 : memref<!tpu.dma_semaphore, #tpu.memory_space<semaphore_mem>>)
      %mul3A_256 = arith.constant 16 : i32
      %mul3A_257 = arith.muli %scan3A_153, %mul3A_256 : i32
      %add3A_258 = arith.constant 6 : i32
      %add3A_259 = arith.addi %mul3A_257, %add3A_258 : i32
      %mul3A_260 = arith.constant 10240 : i32
      %mul3A_261 = arith.muli %arg1, %mul3A_260 : i32
      %mul3A_262 = arith.constant 128 : i32
      %mul3A_263 = arith.muli %add3A_259, %mul3A_262 : i32
      %add3A_264 = arith.addi %mul3A_261, %mul3A_263 : i32
      %dma_start3A_265 = arith.constant 0 : i32
      %dma_start3A_266 = tpu.memref_slice %arg11[%add3A_259, %dma_start3A_265] : memref<80x128xi32, #tpu.memory_space<vmem>> -> memref<1x128xi32, #tpu.memory_space<vmem>>
      %dma_start3A_267 = tpu.memref_squeeze %dma_start3A_266 : memref<1x128xi32, #tpu.memory_space<vmem>> -> memref<128xi32, #tpu.memory_space<vmem>>
      %dma_start3A_268 = tpu.memref_slice %arg4[%add3A_264] : memref<163840xi32, #tpu.memory_space<hbm>> -> memref<128xi32, #tpu.memory_space<hbm>>
      %dma_start3A_269 = arith.constant 0 : i32
      %dma_start3A_270 = tpu.memref_slice %arg11[%add3A_259, %dma_start3A_269] : memref<80x128xi32, #tpu.memory_space<vmem>> -> memref<1x128xi32, #tpu.memory_space<vmem>>
      %dma_start3A_271 = tpu.memref_squeeze %dma_start3A_270 : memref<1x128xi32, #tpu.memory_space<vmem>> -> memref<128xi32, #tpu.memory_space<vmem>>
      %dma_start3A_272 = tpu.memref_slice %arg4[%add3A_264] : memref<163840xi32, #tpu.memory_space<hbm>> -> memref<128xi32, #tpu.memory_space<hbm>>
      tpu.enqueue_dma source(%dma_start3A_272 : memref<128xi32, #tpu.memory_space<hbm>>) target(%dma_start3A_271 : memref<128xi32, #tpu.memory_space<vmem>>) target_semaphore(%arg25 : memref<!tpu.dma_semaphore, #tpu.memory_space<semaphore_mem>>)
      %mul3A_273 = arith.constant 16 : i32
      %mul3A_274 = arith.muli %scan3A_153, %mul3A_273 : i32
      %add3A_275 = arith.constant 7 : i32
      %add3A_276 = arith.addi %mul3A_274, %add3A_275 : i32
      %mul3A_277 = arith.constant 10240 : i32
      %mul3A_278 = arith.muli %arg1, %mul3A_277 : i32
      %mul3A_279 = arith.constant 128 : i32
      %mul3A_280 = arith.muli %add3A_276, %mul3A_279 : i32
      %add3A_281 = arith.addi %mul3A_278, %mul3A_280 : i32
      %dma_start3A_282 = arith.constant 0 : i32
      %dma_start3A_283 = tpu.memref_slice %arg11[%add3A_276, %dma_start3A_282] : memref<80x128xi32, #tpu.memory_space<vmem>> -> memref<1x128xi32, #tpu.memory_space<vmem>>
      %dma_start3A_284 = tpu.memref_squeeze %dma_start3A_283 : memref<1x128xi32, #tpu.memory_space<vmem>> -> memref<128xi32, #tpu.memory_space<vmem>>
      %dma_start3A_285 = tpu.memref_slice %arg4[%add3A_281] : memref<163840xi32, #tpu.memory_space<hbm>> -> memref<128xi32, #tpu.memory_space<hbm>>
      %dma_start3A_286 = arith.constant 0 : i32
      %dma_start3A_287 = tpu.memref_slice %arg11[%add3A_276, %dma_start3A_286] : memref<80x128xi32, #tpu.memory_space<vmem>> -> memref<1x128xi32, #tpu.memory_space<vmem>>
      %dma_start3A_288 = tpu.memref_squeeze %dma_start3A_287 : memref<1x128xi32, #tpu.memory_space<vmem>> -> memref<128xi32, #tpu.memory_space<vmem>>
      %dma_start3A_289 = tpu.memref_slice %arg4[%add3A_281] : memref<163840xi32, #tpu.memory_space<hbm>> -> memref<128xi32, #tpu.memory_space<hbm>>
      tpu.enqueue_dma source(%dma_start3A_289 : memref<128xi32, #tpu.memory_space<hbm>>) target(%dma_start3A_288 : memref<128xi32, #tpu.memory_space<vmem>>) target_semaphore(%arg25 : memref<!tpu.dma_semaphore, #tpu.memory_space<semaphore_mem>>)
      %mul3A_290 = arith.constant 16 : i32
      %mul3A_291 = arith.muli %scan3A_153, %mul3A_290 : i32
      %add3A_292 = arith.constant 8 : i32
      %add3A_293 = arith.addi %mul3A_291, %add3A_292 : i32
      %mul3A_294 = arith.constant 10240 : i32
      %mul3A_295 = arith.muli %arg1, %mul3A_294 : i32
      %mul3A_296 = arith.constant 128 : i32
      %mul3A_297 = arith.muli %add3A_293, %mul3A_296 : i32
      %add3A_298 = arith.addi %mul3A_295, %mul3A_297 : i32
      %dma_start3A_299 = arith.constant 0 : i32
      %dma_start3A_300 = tpu.memref_slice %arg11[%add3A_293, %dma_start3A_299] : memref<80x128xi32, #tpu.memory_space<vmem>> -> memref<1x128xi32, #tpu.memory_space<vmem>>
      %dma_start3A_301 = tpu.memref_squeeze %dma_start3A_300 : memref<1x128xi32, #tpu.memory_space<vmem>> -> memref<128xi32, #tpu.memory_space<vmem>>
      %dma_start3A_302 = tpu.memref_slice %arg4[%add3A_298] : memref<163840xi32, #tpu.memory_space<hbm>> -> memref<128xi32, #tpu.memory_space<hbm>>
      %dma_start3A_303 = arith.constant 0 : i32
      %dma_start3A_304 = tpu.memref_slice %arg11[%add3A_293, %dma_start3A_303] : memref<80x128xi32, #tpu.memory_space<vmem>> -> memref<1x128xi32, #tpu.memory_space<vmem>>
      %dma_start3A_305 = tpu.memref_squeeze %dma_start3A_304 : memref<1x128xi32, #tpu.memory_space<vmem>> -> memref<128xi32, #tpu.memory_space<vmem>>
      %dma_start3A_306 = tpu.memref_slice %arg4[%add3A_298] : memref<163840xi32, #tpu.memory_space<hbm>> -> memref<128xi32, #tpu.memory_space<hbm>>
      tpu.enqueue_dma source(%dma_start3A_306 : memref<128xi32, #tpu.memory_space<hbm>>) target(%dma_start3A_305 : memref<128xi32, #tpu.memory_space<vmem>>) target_semaphore(%arg25 : memref<!tpu.dma_semaphore, #tpu.memory_space<semaphore_mem>>)
      %mul3A_307 = arith.constant 16 : i32
      %mul3A_308 = arith.muli %scan3A_153, %mul3A_307 : i32
      %add3A_309 = arith.constant 9 : i32
      %add3A_310 = arith.addi %mul3A_308, %add3A_309 : i32
      %mul3A_311 = arith.constant 10240 : i32
      %mul3A_312 = arith.muli %arg1, %mul3A_311 : i32
      %mul3A_313 = arith.constant 128 : i32
      %mul3A_314 = arith.muli %add3A_310, %mul3A_313 : i32
      %add3A_315 = arith.addi %mul3A_312, %mul3A_314 : i32
      %dma_start3A_316 = arith.constant 0 : i32
      %dma_start3A_317 = tpu.memref_slice %arg11[%add3A_310, %dma_start3A_316] : memref<80x128xi32, #tpu.memory_space<vmem>> -> memref<1x128xi32, #tpu.memory_space<vmem>>
      %dma_start3A_318 = tpu.memref_squeeze %dma_start3A_317 : memref<1x128xi32, #tpu.memory_space<vmem>> -> memref<128xi32, #tpu.memory_space<vmem>>
      %dma_start3A_319 = tpu.memref_slice %arg4[%add3A_315] : memref<163840xi32, #tpu.memory_space<hbm>> -> memref<128xi32, #tpu.memory_space<hbm>>
      %dma_start3A_320 = arith.constant 0 : i32
      %dma_start3A_321 = tpu.memref_slice %arg11[%add3A_310, %dma_start3A_320] : memref<80x128xi32, #tpu.memory_space<vmem>> -> memref<1x128xi32, #tpu.memory_space<vmem>>
      %dma_start3A_322 = tpu.memref_squeeze %dma_start3A_321 : memref<1x128xi32, #tpu.memory_space<vmem>> -> memref<128xi32, #tpu.memory_space<vmem>>
      %dma_start3A_323 = tpu.memref_slice %arg4[%add3A_315] : memref<163840xi32, #tpu.memory_space<hbm>> -> memref<128xi32, #tpu.memory_space<hbm>>
      tpu.enqueue_dma source(%dma_start3A_323 : memref<128xi32, #tpu.memory_space<hbm>>) target(%dma_start3A_322 : memref<128xi32, #tpu.memory_space<vmem>>) target_semaphore(%arg25 : memref<!tpu.dma_semaphore, #tpu.memory_space<semaphore_mem>>)
      %mul3A_324 = arith.constant 16 : i32
      %mul3A_325 = arith.muli %scan3A_153, %mul3A_324 : i32
      %add3A_326 = arith.constant 10 : i32
      %add3A_327 = arith.addi %mul3A_325, %add3A_326 : i32
      %mul3A_328 = arith.constant 10240 : i32
      %mul3A_329 = arith.muli %arg1, %mul3A_328 : i32
      %mul3A_330 = arith.constant 128 : i32
      %mul3A_331 = arith.muli %add3A_327, %mul3A_330 : i32
      %add3A_332 = arith.addi %mul3A_329, %mul3A_331 : i32
      %dma_start3A_333 = arith.constant 0 : i32
      %dma_start3A_334 = tpu.memref_slice %arg11[%add3A_327, %dma_start3A_333] : memref<80x128xi32, #tpu.memory_space<vmem>> -> memref<1x128xi32, #tpu.memory_space<vmem>>
      %dma_start3A_335 = tpu.memref_squeeze %dma_start3A_334 : memref<1x128xi32, #tpu.memory_space<vmem>> -> memref<128xi32, #tpu.memory_space<vmem>>
      %dma_start3A_336 = tpu.memref_slice %arg4[%add3A_332] : memref<163840xi32, #tpu.memory_space<hbm>> -> memref<128xi32, #tpu.memory_space<hbm>>
      %dma_start3A_337 = arith.constant 0 : i32
      %dma_start3A_338 = tpu.memref_slice %arg11[%add3A_327, %dma_start3A_337] : memref<80x128xi32, #tpu.memory_space<vmem>> -> memref<1x128xi32, #tpu.memory_space<vmem>>
      %dma_start3A_339 = tpu.memref_squeeze %dma_start3A_338 : memref<1x128xi32, #tpu.memory_space<vmem>> -> memref<128xi32, #tpu.memory_space<vmem>>
      %dma_start3A_340 = tpu.memref_slice %arg4[%add3A_332] : memref<163840xi32, #tpu.memory_space<hbm>> -> memref<128xi32, #tpu.memory_space<hbm>>
      tpu.enqueue_dma source(%dma_start3A_340 : memref<128xi32, #tpu.memory_space<hbm>>) target(%dma_start3A_339 : memref<128xi32, #tpu.memory_space<vmem>>) target_semaphore(%arg25 : memref<!tpu.dma_semaphore, #tpu.memory_space<semaphore_mem>>)
      %mul3A_341 = arith.constant 16 : i32
      %mul3A_342 = arith.muli %scan3A_153, %mul3A_341 : i32
      %add3A_343 = arith.constant 11 : i32
      %add3A_344 = arith.addi %mul3A_342, %add3A_343 : i32
      %mul3A_345 = arith.constant 10240 : i32
      %mul3A_346 = arith.muli %arg1, %mul3A_345 : i32
      %mul3A_347 = arith.constant 128 : i32
      %mul3A_348 = arith.muli %add3A_344, %mul3A_347 : i32
      %add3A_349 = arith.addi %mul3A_346, %mul3A_348 : i32
      %dma_start3A_350 = arith.constant 0 : i32
      %dma_start3A_351 = tpu.memref_slice %arg11[%add3A_344, %dma_start3A_350] : memref<80x128xi32, #tpu.memory_space<vmem>> -> memref<1x128xi32, #tpu.memory_space<vmem>>
      %dma_start3A_352 = tpu.memref_squeeze %dma_start3A_351 : memref<1x128xi32, #tpu.memory_space<vmem>> -> memref<128xi32, #tpu.memory_space<vmem>>
      %dma_start3A_353 = tpu.memref_slice %arg4[%add3A_349] : memref<163840xi32, #tpu.memory_space<hbm>> -> memref<128xi32, #tpu.memory_space<hbm>>
      %dma_start3A_354 = arith.constant 0 : i32
      %dma_start3A_355 = tpu.memref_slice %arg11[%add3A_344, %dma_start3A_354] : memref<80x128xi32, #tpu.memory_space<vmem>> -> memref<1x128xi32, #tpu.memory_space<vmem>>
      %dma_start3A_356 = tpu.memref_squeeze %dma_start3A_355 : memref<1x128xi32, #tpu.memory_space<vmem>> -> memref<128xi32, #tpu.memory_space<vmem>>
      %dma_start3A_357 = tpu.memref_slice %arg4[%add3A_349] : memref<163840xi32, #tpu.memory_space<hbm>> -> memref<128xi32, #tpu.memory_space<hbm>>
      tpu.enqueue_dma source(%dma_start3A_357 : memref<128xi32, #tpu.memory_space<hbm>>) target(%dma_start3A_356 : memref<128xi32, #tpu.memory_space<vmem>>) target_semaphore(%arg25 : memref<!tpu.dma_semaphore, #tpu.memory_space<semaphore_mem>>)
      %mul3A_358 = arith.constant 16 : i32
      %mul3A_359 = arith.muli %scan3A_153, %mul3A_358 : i32
      %add3A_360 = arith.constant 12 : i32
      %add3A_361 = arith.addi %mul3A_359, %add3A_360 : i32
      %mul3A_362 = arith.constant 10240 : i32
      %mul3A_363 = arith.muli %arg1, %mul3A_362 : i32
      %mul3A_364 = arith.constant 128 : i32
      %mul3A_365 = arith.muli %add3A_361, %mul3A_364 : i32
      %add3A_366 = arith.addi %mul3A_363, %mul3A_365 : i32
      %dma_start3A_367 = arith.constant 0 : i32
      %dma_start3A_368 = tpu.memref_slice %arg11[%add3A_361, %dma_start3A_367] : memref<80x128xi32, #tpu.memory_space<vmem>> -> memref<1x128xi32, #tpu.memory_space<vmem>>
      %dma_start3A_369 = tpu.memref_squeeze %dma_start3A_368 : memref<1x128xi32, #tpu.memory_space<vmem>> -> memref<128xi32, #tpu.memory_space<vmem>>
      %dma_start3A_370 = tpu.memref_slice %arg4[%add3A_366] : memref<163840xi32, #tpu.memory_space<hbm>> -> memref<128xi32, #tpu.memory_space<hbm>>
      %dma_start3A_371 = arith.constant 0 : i32
      %dma_start3A_372 = tpu.memref_slice %arg11[%add3A_361, %dma_start3A_371] : memref<80x128xi32, #tpu.memory_space<vmem>> -> memref<1x128xi32, #tpu.memory_space<vmem>>
      %dma_start3A_373 = tpu.memref_squeeze %dma_start3A_372 : memref<1x128xi32, #tpu.memory_space<vmem>> -> memref<128xi32, #tpu.memory_space<vmem>>
      %dma_start3A_374 = tpu.memref_slice %arg4[%add3A_366] : memref<163840xi32, #tpu.memory_space<hbm>> -> memref<128xi32, #tpu.memory_space<hbm>>
      tpu.enqueue_dma source(%dma_start3A_374 : memref<128xi32, #tpu.memory_space<hbm>>) target(%dma_start3A_373 : memref<128xi32, #tpu.memory_space<vmem>>) target_semaphore(%arg25 : memref<!tpu.dma_semaphore, #tpu.memory_space<semaphore_mem>>)
      %mul3A_375 = arith.constant 16 : i32
      %mul3A_376 = arith.muli %scan3A_153, %mul3A_375 : i32
      %add3A_377 = arith.constant 13 : i32
      %add3A_378 = arith.addi %mul3A_376, %add3A_377 : i32
      %mul3A_379 = arith.constant 10240 : i32
      %mul3A_380 = arith.muli %arg1, %mul3A_379 : i32
      %mul3A_381 = arith.constant 128 : i32
      %mul3A_382 = arith.muli %add3A_378, %mul3A_381 : i32
      %add3A_383 = arith.addi %mul3A_380, %mul3A_382 : i32
      %dma_start3A_384 = arith.constant 0 : i32
      %dma_start3A_385 = tpu.memref_slice %arg11[%add3A_378, %dma_start3A_384] : memref<80x128xi32, #tpu.memory_space<vmem>> -> memref<1x128xi32, #tpu.memory_space<vmem>>
      %dma_start3A_386 = tpu.memref_squeeze %dma_start3A_385 : memref<1x128xi32, #tpu.memory_space<vmem>> -> memref<128xi32, #tpu.memory_space<vmem>>
      %dma_start3A_387 = tpu.memref_slice %arg4[%add3A_383] : memref<163840xi32, #tpu.memory_space<hbm>> -> memref<128xi32, #tpu.memory_space<hbm>>
      %dma_start3A_388 = arith.constant 0 : i32
      %dma_start3A_389 = tpu.memref_slice %arg11[%add3A_378, %dma_start3A_388] : memref<80x128xi32, #tpu.memory_space<vmem>> -> memref<1x128xi32, #tpu.memory_space<vmem>>
      %dma_start3A_390 = tpu.memref_squeeze %dma_start3A_389 : memref<1x128xi32, #tpu.memory_space<vmem>> -> memref<128xi32, #tpu.memory_space<vmem>>
      %dma_start3A_391 = tpu.memref_slice %arg4[%add3A_383] : memref<163840xi32, #tpu.memory_space<hbm>> -> memref<128xi32, #tpu.memory_space<hbm>>
      tpu.enqueue_dma source(%dma_start3A_391 : memref<128xi32, #tpu.memory_space<hbm>>) target(%dma_start3A_390 : memref<128xi32, #tpu.memory_space<vmem>>) target_semaphore(%arg25 : memref<!tpu.dma_semaphore, #tpu.memory_space<semaphore_mem>>)
      %mul3A_392 = arith.constant 16 : i32
      %mul3A_393 = arith.muli %scan3A_153, %mul3A_392 : i32
      %add3A_394 = arith.constant 14 : i32
      %add3A_395 = arith.addi %mul3A_393, %add3A_394 : i32
      %mul3A_396 = arith.constant 10240 : i32
      %mul3A_397 = arith.muli %arg1, %mul3A_396 : i32
      %mul3A_398 = arith.constant 128 : i32
      %mul3A_399 = arith.muli %add3A_395, %mul3A_398 : i32
      %add3A_400 = arith.addi %mul3A_397, %mul3A_399 : i32
      %dma_start3A_401 = arith.constant 0 : i32
      %dma_start3A_402 = tpu.memref_slice %arg11[%add3A_395, %dma_start3A_401] : memref<80x128xi32, #tpu.memory_space<vmem>> -> memref<1x128xi32, #tpu.memory_space<vmem>>
      %dma_start3A_403 = tpu.memref_squeeze %dma_start3A_402 : memref<1x128xi32, #tpu.memory_space<vmem>> -> memref<128xi32, #tpu.memory_space<vmem>>
      %dma_start3A_404 = tpu.memref_slice %arg4[%add3A_400] : memref<163840xi32, #tpu.memory_space<hbm>> -> memref<128xi32, #tpu.memory_space<hbm>>
      %dma_start3A_405 = arith.constant 0 : i32
      %dma_start3A_406 = tpu.memref_slice %arg11[%add3A_395, %dma_start3A_405] : memref<80x128xi32, #tpu.memory_space<vmem>> -> memref<1x128xi32, #tpu.memory_space<vmem>>
      %dma_start3A_407 = tpu.memref_squeeze %dma_start3A_406 : memref<1x128xi32, #tpu.memory_space<vmem>> -> memref<128xi32, #tpu.memory_space<vmem>>
      %dma_start3A_408 = tpu.memref_slice %arg4[%add3A_400] : memref<163840xi32, #tpu.memory_space<hbm>> -> memref<128xi32, #tpu.memory_space<hbm>>
      tpu.enqueue_dma source(%dma_start3A_408 : memref<128xi32, #tpu.memory_space<hbm>>) target(%dma_start3A_407 : memref<128xi32, #tpu.memory_space<vmem>>) target_semaphore(%arg25 : memref<!tpu.dma_semaphore, #tpu.memory_space<semaphore_mem>>)
      %mul3A_409 = arith.constant 16 : i32
      %mul3A_410 = arith.muli %scan3A_153, %mul3A_409 : i32
      %add3A_411 = arith.constant 15 : i32
      %add3A_412 = arith.addi %mul3A_410, %add3A_411 : i32
      %mul3A_413 = arith.constant 10240 : i32
      %mul3A_414 = arith.muli %arg1, %mul3A_413 : i32
      %mul3A_415 = arith.constant 128 : i32
      %mul3A_416 = arith.muli %add3A_412, %mul3A_415 : i32
      %add3A_417 = arith.addi %mul3A_414, %mul3A_416 : i32
      %dma_start3A_418 = arith.constant 0 : i32
      %dma_start3A_419 = tpu.memref_slice %arg11[%add3A_412, %dma_start3A_418] : memref<80x128xi32, #tpu.memory_space<vmem>> -> memref<1x128xi32, #tpu.memory_space<vmem>>
      %dma_start3A_420 = tpu.memref_squeeze %dma_start3A_419 : memref<1x128xi32, #tpu.memory_space<vmem>> -> memref<128xi32, #tpu.memory_space<vmem>>
      %dma_start3A_421 = tpu.memref_slice %arg4[%add3A_417] : memref<163840xi32, #tpu.memory_space<hbm>> -> memref<128xi32, #tpu.memory_space<hbm>>
      %dma_start3A_422 = arith.constant 0 : i32
      %dma_start3A_423 = tpu.memref_slice %arg11[%add3A_412, %dma_start3A_422] : memref<80x128xi32, #tpu.memory_space<vmem>> -> memref<1x128xi32, #tpu.memory_space<vmem>>
      %dma_start3A_424 = tpu.memref_squeeze %dma_start3A_423 : memref<1x128xi32, #tpu.memory_space<vmem>> -> memref<128xi32, #tpu.memory_space<vmem>>
      %dma_start3A_425 = tpu.memref_slice %arg4[%add3A_417] : memref<163840xi32, #tpu.memory_space<hbm>> -> memref<128xi32, #tpu.memory_space<hbm>>
      tpu.enqueue_dma source(%dma_start3A_425 : memref<128xi32, #tpu.memory_space<hbm>>) target(%dma_start3A_424 : memref<128xi32, #tpu.memory_space<vmem>>) target_semaphore(%arg25 : memref<!tpu.dma_semaphore, #tpu.memory_space<semaphore_mem>>)
      %mul3A_426 = arith.constant 16 : i32
      %mul3A_427 = arith.muli %scan3A_153, %mul3A_426 : i32
      %add3A_428 = arith.constant 0 : i32
      %add3A_429 = arith.addi %mul3A_427, %add3A_428 : i32
      %mul3A_430 = arith.constant 10240 : i32
      %mul3A_431 = arith.muli %arg1, %mul3A_430 : i32
      %mul3A_432 = arith.constant 128 : i32
      %mul3A_433 = arith.muli %add3A_429, %mul3A_432 : i32
      %add3A_434 = arith.addi %mul3A_431, %mul3A_433 : i32
      %dma_wait3A = arith.constant 0 : i32
      %dma_wait3A_435 = tpu.memref_slice %arg11[%add3A_429, %dma_wait3A] : memref<80x128xi32, #tpu.memory_space<vmem>> -> memref<1x128xi32, #tpu.memory_space<vmem>>
      %dma_wait3A_436 = tpu.memref_squeeze %dma_wait3A_435 : memref<1x128xi32, #tpu.memory_space<vmem>> -> memref<128xi32, #tpu.memory_space<vmem>>
      %dma_wait3A_437 = tpu.memref_slice %arg4[%add3A_434] : memref<163840xi32, #tpu.memory_space<hbm>> -> memref<128xi32, #tpu.memory_space<hbm>>
      %dma_wait3A_438 = arith.constant 0 : i32
      %dma_wait3A_439 = tpu.memref_slice %arg11[%add3A_429, %dma_wait3A_438] : memref<80x128xi32, #tpu.memory_space<vmem>> -> memref<1x128xi32, #tpu.memory_space<vmem>>
      %dma_wait3A_440 = tpu.memref_squeeze %dma_wait3A_439 : memref<1x128xi32, #tpu.memory_space<vmem>> -> memref<128xi32, #tpu.memory_space<vmem>>
      %dma_wait3A_441 = tpu.memref_slice %arg4[%add3A_434] : memref<163840xi32, #tpu.memory_space<hbm>> -> memref<128xi32, #tpu.memory_space<hbm>>
      tpu.wait_dma2 semaphore(%arg25 : memref<!tpu.dma_semaphore, #tpu.memory_space<semaphore_mem>>) src(%dma_wait3A_441 : memref<128xi32, #tpu.memory_space<hbm>>) dst(%dma_wait3A_440 : memref<128xi32, #tpu.memory_space<vmem>>)
      %mul3A_442 = arith.constant 16 : i32
      %mul3A_443 = arith.muli %scan3A_153, %mul3A_442 : i32
      %add3A_444 = arith.constant 1 : i32
      %add3A_445 = arith.addi %mul3A_443, %add3A_444 : i32
      %mul3A_446 = arith.constant 10240 : i32
      %mul3A_447 = arith.muli %arg1, %mul3A_446 : i32
      %mul3A_448 = arith.constant 128 : i32
      %mul3A_449 = arith.muli %add3A_445, %mul3A_448 : i32
      %add3A_450 = arith.addi %mul3A_447, %mul3A_449 : i32
      %dma_wait3A_451 = arith.constant 0 : i32
      %dma_wait3A_452 = tpu.memref_slice %arg11[%add3A_445, %dma_wait3A_451] : memref<80x128xi32, #tpu.memory_space<vmem>> -> memref<1x128xi32, #tpu.memory_space<vmem>>
      %dma_wait3A_453 = tpu.memref_squeeze %dma_wait3A_452 : memref<1x128xi32, #tpu.memory_space<vmem>> -> memref<128xi32, #tpu.memory_space<vmem>>
      %dma_wait3A_454 = tpu.memref_slice %arg4[%add3A_450] : memref<163840xi32, #tpu.memory_space<hbm>> -> memref<128xi32, #tpu.memory_space<hbm>>
      %dma_wait3A_455 = arith.constant 0 : i32
      %dma_wait3A_456 = tpu.memref_slice %arg11[%add3A_445, %dma_wait3A_455] : memref<80x128xi32, #tpu.memory_space<vmem>> -> memref<1x128xi32, #tpu.memory_space<vmem>>
      %dma_wait3A_457 = tpu.memref_squeeze %dma_wait3A_456 : memref<1x128xi32, #tpu.memory_space<vmem>> -> memref<128xi32, #tpu.memory_space<vmem>>
      %dma_wait3A_458 = tpu.memref_slice %arg4[%add3A_450] : memref<163840xi32, #tpu.memory_space<hbm>> -> memref<128xi32, #tpu.memory_space<hbm>>
      tpu.wait_dma2 semaphore(%arg25 : memref<!tpu.dma_semaphore, #tpu.memory_space<semaphore_mem>>) src(%dma_wait3A_458 : memref<128xi32, #tpu.memory_space<hbm>>) dst(%dma_wait3A_457 : memref<128xi32, #tpu.memory_space<vmem>>)
      %mul3A_459 = arith.constant 16 : i32
      %mul3A_460 = arith.muli %scan3A_153, %mul3A_459 : i32
      %add3A_461 = arith.constant 2 : i32
      %add3A_462 = arith.addi %mul3A_460, %add3A_461 : i32
      %mul3A_463 = arith.constant 10240 : i32
      %mul3A_464 = arith.muli %arg1, %mul3A_463 : i32
      %mul3A_465 = arith.constant 128 : i32
      %mul3A_466 = arith.muli %add3A_462, %mul3A_465 : i32
      %add3A_467 = arith.addi %mul3A_464, %mul3A_466 : i32
      %dma_wait3A_468 = arith.constant 0 : i32
      %dma_wait3A_469 = tpu.memref_slice %arg11[%add3A_462, %dma_wait3A_468] : memref<80x128xi32, #tpu.memory_space<vmem>> -> memref<1x128xi32, #tpu.memory_space<vmem>>
      %dma_wait3A_470 = tpu.memref_squeeze %dma_wait3A_469 : memref<1x128xi32, #tpu.memory_space<vmem>> -> memref<128xi32, #tpu.memory_space<vmem>>
      %dma_wait3A_471 = tpu.memref_slice %arg4[%add3A_467] : memref<163840xi32, #tpu.memory_space<hbm>> -> memref<128xi32, #tpu.memory_space<hbm>>
      %dma_wait3A_472 = arith.constant 0 : i32
      %dma_wait3A_473 = tpu.memref_slice %arg11[%add3A_462, %dma_wait3A_472] : memref<80x128xi32, #tpu.memory_space<vmem>> -> memref<1x128xi32, #tpu.memory_space<vmem>>
      %dma_wait3A_474 = tpu.memref_squeeze %dma_wait3A_473 : memref<1x128xi32, #tpu.memory_space<vmem>> -> memref<128xi32, #tpu.memory_space<vmem>>
      %dma_wait3A_475 = tpu.memref_slice %arg4[%add3A_467] : memref<163840xi32, #tpu.memory_space<hbm>> -> memref<128xi32, #tpu.memory_space<hbm>>
      tpu.wait_dma2 semaphore(%arg25 : memref<!tpu.dma_semaphore, #tpu.memory_space<semaphore_mem>>) src(%dma_wait3A_475 : memref<128xi32, #tpu.memory_space<hbm>>) dst(%dma_wait3A_474 : memref<128xi32, #tpu.memory_space<vmem>>)
      %mul3A_476 = arith.constant 16 : i32
      %mul3A_477 = arith.muli %scan3A_153, %mul3A_476 : i32
      %add3A_478 = arith.constant 3 : i32
      %add3A_479 = arith.addi %mul3A_477, %add3A_478 : i32
      %mul3A_480 = arith.constant 10240 : i32
      %mul3A_481 = arith.muli %arg1, %mul3A_480 : i32
      %mul3A_482 = arith.constant 128 : i32
      %mul3A_483 = arith.muli %add3A_479, %mul3A_482 : i32
      %add3A_484 = arith.addi %mul3A_481, %mul3A_483 : i32
      %dma_wait3A_485 = arith.constant 0 : i32
      %dma_wait3A_486 = tpu.memref_slice %arg11[%add3A_479, %dma_wait3A_485] : memref<80x128xi32, #tpu.memory_space<vmem>> -> memref<1x128xi32, #tpu.memory_space<vmem>>
      %dma_wait3A_487 = tpu.memref_squeeze %dma_wait3A_486 : memref<1x128xi32, #tpu.memory_space<vmem>> -> memref<128xi32, #tpu.memory_space<vmem>>
      %dma_wait3A_488 = tpu.memref_slice %arg4[%add3A_484] : memref<163840xi32, #tpu.memory_space<hbm>> -> memref<128xi32, #tpu.memory_space<hbm>>
      %dma_wait3A_489 = arith.constant 0 : i32
      %dma_wait3A_490 = tpu.memref_slice %arg11[%add3A_479, %dma_wait3A_489] : memref<80x128xi32, #tpu.memory_space<vmem>> -> memref<1x128xi32, #tpu.memory_space<vmem>>
      %dma_wait3A_491 = tpu.memref_squeeze %dma_wait3A_490 : memref<1x128xi32, #tpu.memory_space<vmem>> -> memref<128xi32, #tpu.memory_space<vmem>>
      %dma_wait3A_492 = tpu.memref_slice %arg4[%add3A_484] : memref<163840xi32, #tpu.memory_space<hbm>> -> memref<128xi32, #tpu.memory_space<hbm>>
      tpu.wait_dma2 semaphore(%arg25 : memref<!tpu.dma_semaphore, #tpu.memory_space<semaphore_mem>>) src(%dma_wait3A_492 : memref<128xi32, #tpu.memory_space<hbm>>) dst(%dma_wait3A_491 : memref<128xi32, #tpu.memory_space<vmem>>)
      %mul3A_493 = arith.constant 16 : i32
      %mul3A_494 = arith.muli %scan3A_153, %mul3A_493 : i32
      %add3A_495 = arith.constant 4 : i32
      %add3A_496 = arith.addi %mul3A_494, %add3A_495 : i32
      %mul3A_497 = arith.constant 10240 : i32
      %mul3A_498 = arith.muli %arg1, %mul3A_497 : i32
      %mul3A_499 = arith.constant 128 : i32
      %mul3A_500 = arith.muli %add3A_496, %mul3A_499 : i32
      %add3A_501 = arith.addi %mul3A_498, %mul3A_500 : i32
      %dma_wait3A_502 = arith.constant 0 : i32
      %dma_wait3A_503 = tpu.memref_slice %arg11[%add3A_496, %dma_wait3A_502] : memref<80x128xi32, #tpu.memory_space<vmem>> -> memref<1x128xi32, #tpu.memory_space<vmem>>
      %dma_wait3A_504 = tpu.memref_squeeze %dma_wait3A_503 : memref<1x128xi32, #tpu.memory_space<vmem>> -> memref<128xi32, #tpu.memory_space<vmem>>
      %dma_wait3A_505 = tpu.memref_slice %arg4[%add3A_501] : memref<163840xi32, #tpu.memory_space<hbm>> -> memref<128xi32, #tpu.memory_space<hbm>>
      %dma_wait3A_506 = arith.constant 0 : i32
      %dma_wait3A_507 = tpu.memref_slice %arg11[%add3A_496, %dma_wait3A_506] : memref<80x128xi32, #tpu.memory_space<vmem>> -> memref<1x128xi32, #tpu.memory_space<vmem>>
      %dma_wait3A_508 = tpu.memref_squeeze %dma_wait3A_507 : memref<1x128xi32, #tpu.memory_space<vmem>> -> memref<128xi32, #tpu.memory_space<vmem>>
      %dma_wait3A_509 = tpu.memref_slice %arg4[%add3A_501] : memref<163840xi32, #tpu.memory_space<hbm>> -> memref<128xi32, #tpu.memory_space<hbm>>
      tpu.wait_dma2 semaphore(%arg25 : memref<!tpu.dma_semaphore, #tpu.memory_space<semaphore_mem>>) src(%dma_wait3A_509 : memref<128xi32, #tpu.memory_space<hbm>>) dst(%dma_wait3A_508 : memref<128xi32, #tpu.memory_space<vmem>>)
      %mul3A_510 = arith.constant 16 : i32
      %mul3A_511 = arith.muli %scan3A_153, %mul3A_510 : i32
      %add3A_512 = arith.constant 5 : i32
      %add3A_513 = arith.addi %mul3A_511, %add3A_512 : i32
      %mul3A_514 = arith.constant 10240 : i32
      %mul3A_515 = arith.muli %arg1, %mul3A_514 : i32
      %mul3A_516 = arith.constant 128 : i32
      %mul3A_517 = arith.muli %add3A_513, %mul3A_516 : i32
      %add3A_518 = arith.addi %mul3A_515, %mul3A_517 : i32
      %dma_wait3A_519 = arith.constant 0 : i32
      %dma_wait3A_520 = tpu.memref_slice %arg11[%add3A_513, %dma_wait3A_519] : memref<80x128xi32, #tpu.memory_space<vmem>> -> memref<1x128xi32, #tpu.memory_space<vmem>>
      %dma_wait3A_521 = tpu.memref_squeeze %dma_wait3A_520 : memref<1x128xi32, #tpu.memory_space<vmem>> -> memref<128xi32, #tpu.memory_space<vmem>>
      %dma_wait3A_522 = tpu.memref_slice %arg4[%add3A_518] : memref<163840xi32, #tpu.memory_space<hbm>> -> memref<128xi32, #tpu.memory_space<hbm>>
      %dma_wait3A_523 = arith.constant 0 : i32
      %dma_wait3A_524 = tpu.memref_slice %arg11[%add3A_513, %dma_wait3A_523] : memref<80x128xi32, #tpu.memory_space<vmem>> -> memref<1x128xi32, #tpu.memory_space<vmem>>
      %dma_wait3A_525 = tpu.memref_squeeze %dma_wait3A_524 : memref<1x128xi32, #tpu.memory_space<vmem>> -> memref<128xi32, #tpu.memory_space<vmem>>
      %dma_wait3A_526 = tpu.memref_slice %arg4[%add3A_518] : memref<163840xi32, #tpu.memory_space<hbm>> -> memref<128xi32, #tpu.memory_space<hbm>>
      tpu.wait_dma2 semaphore(%arg25 : memref<!tpu.dma_semaphore, #tpu.memory_space<semaphore_mem>>) src(%dma_wait3A_526 : memref<128xi32, #tpu.memory_space<hbm>>) dst(%dma_wait3A_525 : memref<128xi32, #tpu.memory_space<vmem>>)
      %mul3A_527 = arith.constant 16 : i32
      %mul3A_528 = arith.muli %scan3A_153, %mul3A_527 : i32
      %add3A_529 = arith.constant 6 : i32
      %add3A_530 = arith.addi %mul3A_528, %add3A_529 : i32
      %mul3A_531 = arith.constant 10240 : i32
      %mul3A_532 = arith.muli %arg1, %mul3A_531 : i32
      %mul3A_533 = arith.constant 128 : i32
      %mul3A_534 = arith.muli %add3A_530, %mul3A_533 : i32
      %add3A_535 = arith.addi %mul3A_532, %mul3A_534 : i32
      %dma_wait3A_536 = arith.constant 0 : i32
      %dma_wait3A_537 = tpu.memref_slice %arg11[%add3A_530, %dma_wait3A_536] : memref<80x128xi32, #tpu.memory_space<vmem>> -> memref<1x128xi32, #tpu.memory_space<vmem>>
      %dma_wait3A_538 = tpu.memref_squeeze %dma_wait3A_537 : memref<1x128xi32, #tpu.memory_space<vmem>> -> memref<128xi32, #tpu.memory_space<vmem>>
      %dma_wait3A_539 = tpu.memref_slice %arg4[%add3A_535] : memref<163840xi32, #tpu.memory_space<hbm>> -> memref<128xi32, #tpu.memory_space<hbm>>
      %dma_wait3A_540 = arith.constant 0 : i32
      %dma_wait3A_541 = tpu.memref_slice %arg11[%add3A_530, %dma_wait3A_540] : memref<80x128xi32, #tpu.memory_space<vmem>> -> memref<1x128xi32, #tpu.memory_space<vmem>>
      %dma_wait3A_542 = tpu.memref_squeeze %dma_wait3A_541 : memref<1x128xi32, #tpu.memory_space<vmem>> -> memref<128xi32, #tpu.memory_space<vmem>>
      %dma_wait3A_543 = tpu.memref_slice %arg4[%add3A_535] : memref<163840xi32, #tpu.memory_space<hbm>> -> memref<128xi32, #tpu.memory_space<hbm>>
      tpu.wait_dma2 semaphore(%arg25 : memref<!tpu.dma_semaphore, #tpu.memory_space<semaphore_mem>>) src(%dma_wait3A_543 : memref<128xi32, #tpu.memory_space<hbm>>) dst(%dma_wait3A_542 : memref<128xi32, #tpu.memory_space<vmem>>)
      %mul3A_544 = arith.constant 16 : i32
      %mul3A_545 = arith.muli %scan3A_153, %mul3A_544 : i32
      %add3A_546 = arith.constant 7 : i32
      %add3A_547 = arith.addi %mul3A_545, %add3A_546 : i32
      %mul3A_548 = arith.constant 10240 : i32
      %mul3A_549 = arith.muli %arg1, %mul3A_548 : i32
      %mul3A_550 = arith.constant 128 : i32
      %mul3A_551 = arith.muli %add3A_547, %mul3A_550 : i32
      %add3A_552 = arith.addi %mul3A_549, %mul3A_551 : i32
      %dma_wait3A_553 = arith.constant 0 : i32
      %dma_wait3A_554 = tpu.memref_slice %arg11[%add3A_547, %dma_wait3A_553] : memref<80x128xi32, #tpu.memory_space<vmem>> -> memref<1x128xi32, #tpu.memory_space<vmem>>
      %dma_wait3A_555 = tpu.memref_squeeze %dma_wait3A_554 : memref<1x128xi32, #tpu.memory_space<vmem>> -> memref<128xi32, #tpu.memory_space<vmem>>
      %dma_wait3A_556 = tpu.memref_slice %arg4[%add3A_552] : memref<163840xi32, #tpu.memory_space<hbm>> -> memref<128xi32, #tpu.memory_space<hbm>>
      %dma_wait3A_557 = arith.constant 0 : i32
      %dma_wait3A_558 = tpu.memref_slice %arg11[%add3A_547, %dma_wait3A_557] : memref<80x128xi32, #tpu.memory_space<vmem>> -> memref<1x128xi32, #tpu.memory_space<vmem>>
      %dma_wait3A_559 = tpu.memref_squeeze %dma_wait3A_558 : memref<1x128xi32, #tpu.memory_space<vmem>> -> memref<128xi32, #tpu.memory_space<vmem>>
      %dma_wait3A_560 = tpu.memref_slice %arg4[%add3A_552] : memref<163840xi32, #tpu.memory_space<hbm>> -> memref<128xi32, #tpu.memory_space<hbm>>
      tpu.wait_dma2 semaphore(%arg25 : memref<!tpu.dma_semaphore, #tpu.memory_space<semaphore_mem>>) src(%dma_wait3A_560 : memref<128xi32, #tpu.memory_space<hbm>>) dst(%dma_wait3A_559 : memref<128xi32, #tpu.memory_space<vmem>>)
      %mul3A_561 = arith.constant 16 : i32
      %mul3A_562 = arith.muli %scan3A_153, %mul3A_561 : i32
      %add3A_563 = arith.constant 8 : i32
      %add3A_564 = arith.addi %mul3A_562, %add3A_563 : i32
      %mul3A_565 = arith.constant 10240 : i32
      %mul3A_566 = arith.muli %arg1, %mul3A_565 : i32
      %mul3A_567 = arith.constant 128 : i32
      %mul3A_568 = arith.muli %add3A_564, %mul3A_567 : i32
      %add3A_569 = arith.addi %mul3A_566, %mul3A_568 : i32
      %dma_wait3A_570 = arith.constant 0 : i32
      %dma_wait3A_571 = tpu.memref_slice %arg11[%add3A_564, %dma_wait3A_570] : memref<80x128xi32, #tpu.memory_space<vmem>> -> memref<1x128xi32, #tpu.memory_space<vmem>>
      %dma_wait3A_572 = tpu.memref_squeeze %dma_wait3A_571 : memref<1x128xi32, #tpu.memory_space<vmem>> -> memref<128xi32, #tpu.memory_space<vmem>>
      %dma_wait3A_573 = tpu.memref_slice %arg4[%add3A_569] : memref<163840xi32, #tpu.memory_space<hbm>> -> memref<128xi32, #tpu.memory_space<hbm>>
      %dma_wait3A_574 = arith.constant 0 : i32
      %dma_wait3A_575 = tpu.memref_slice %arg11[%add3A_564, %dma_wait3A_574] : memref<80x128xi32, #tpu.memory_space<vmem>> -> memref<1x128xi32, #tpu.memory_space<vmem>>
      %dma_wait3A_576 = tpu.memref_squeeze %dma_wait3A_575 : memref<1x128xi32, #tpu.memory_space<vmem>> -> memref<128xi32, #tpu.memory_space<vmem>>
      %dma_wait3A_577 = tpu.memref_slice %arg4[%add3A_569] : memref<163840xi32, #tpu.memory_space<hbm>> -> memref<128xi32, #tpu.memory_space<hbm>>
      tpu.wait_dma2 semaphore(%arg25 : memref<!tpu.dma_semaphore, #tpu.memory_space<semaphore_mem>>) src(%dma_wait3A_577 : memref<128xi32, #tpu.memory_space<hbm>>) dst(%dma_wait3A_576 : memref<128xi32, #tpu.memory_space<vmem>>)
      %mul3A_578 = arith.constant 16 : i32
      %mul3A_579 = arith.muli %scan3A_153, %mul3A_578 : i32
      %add3A_580 = arith.constant 9 : i32
      %add3A_581 = arith.addi %mul3A_579, %add3A_580 : i32
      %mul3A_582 = arith.constant 10240 : i32
      %mul3A_583 = arith.muli %arg1, %mul3A_582 : i32
      %mul3A_584 = arith.constant 128 : i32
      %mul3A_585 = arith.muli %add3A_581, %mul3A_584 : i32
      %add3A_586 = arith.addi %mul3A_583, %mul3A_585 : i32
      %dma_wait3A_587 = arith.constant 0 : i32
      %dma_wait3A_588 = tpu.memref_slice %arg11[%add3A_581, %dma_wait3A_587] : memref<80x128xi32, #tpu.memory_space<vmem>> -> memref<1x128xi32, #tpu.memory_space<vmem>>
      %dma_wait3A_589 = tpu.memref_squeeze %dma_wait3A_588 : memref<1x128xi32, #tpu.memory_space<vmem>> -> memref<128xi32, #tpu.memory_space<vmem>>
      %dma_wait3A_590 = tpu.memref_slice %arg4[%add3A_586] : memref<163840xi32, #tpu.memory_space<hbm>> -> memref<128xi32, #tpu.memory_space<hbm>>
      %dma_wait3A_591 = arith.constant 0 : i32
      %dma_wait3A_592 = tpu.memref_slice %arg11[%add3A_581, %dma_wait3A_591] : memref<80x128xi32, #tpu.memory_space<vmem>> -> memref<1x128xi32, #tpu.memory_space<vmem>>
      %dma_wait3A_593 = tpu.memref_squeeze %dma_wait3A_592 : memref<1x128xi32, #tpu.memory_space<vmem>> -> memref<128xi32, #tpu.memory_space<vmem>>
      %dma_wait3A_594 = tpu.memref_slice %arg4[%add3A_586] : memref<163840xi32, #tpu.memory_space<hbm>> -> memref<128xi32, #tpu.memory_space<hbm>>
      tpu.wait_dma2 semaphore(%arg25 : memref<!tpu.dma_semaphore, #tpu.memory_space<semaphore_mem>>) src(%dma_wait3A_594 : memref<128xi32, #tpu.memory_space<hbm>>) dst(%dma_wait3A_593 : memref<128xi32, #tpu.memory_space<vmem>>)
      %mul3A_595 = arith.constant 16 : i32
      %mul3A_596 = arith.muli %scan3A_153, %mul3A_595 : i32
      %add3A_597 = arith.constant 10 : i32
      %add3A_598 = arith.addi %mul3A_596, %add3A_597 : i32
      %mul3A_599 = arith.constant 10240 : i32
      %mul3A_600 = arith.muli %arg1, %mul3A_599 : i32
      %mul3A_601 = arith.constant 128 : i32
      %mul3A_602 = arith.muli %add3A_598, %mul3A_601 : i32
      %add3A_603 = arith.addi %mul3A_600, %mul3A_602 : i32
      %dma_wait3A_604 = arith.constant 0 : i32
      %dma_wait3A_605 = tpu.memref_slice %arg11[%add3A_598, %dma_wait3A_604] : memref<80x128xi32, #tpu.memory_space<vmem>> -> memref<1x128xi32, #tpu.memory_space<vmem>>
      %dma_wait3A_606 = tpu.memref_squeeze %dma_wait3A_605 : memref<1x128xi32, #tpu.memory_space<vmem>> -> memref<128xi32, #tpu.memory_space<vmem>>
      %dma_wait3A_607 = tpu.memref_slice %arg4[%add3A_603] : memref<163840xi32, #tpu.memory_space<hbm>> -> memref<128xi32, #tpu.memory_space<hbm>>
      %dma_wait3A_608 = arith.constant 0 : i32
      %dma_wait3A_609 = tpu.memref_slice %arg11[%add3A_598, %dma_wait3A_608] : memref<80x128xi32, #tpu.memory_space<vmem>> -> memref<1x128xi32, #tpu.memory_space<vmem>>
      %dma_wait3A_610 = tpu.memref_squeeze %dma_wait3A_609 : memref<1x128xi32, #tpu.memory_space<vmem>> -> memref<128xi32, #tpu.memory_space<vmem>>
      %dma_wait3A_611 = tpu.memref_slice %arg4[%add3A_603] : memref<163840xi32, #tpu.memory_space<hbm>> -> memref<128xi32, #tpu.memory_space<hbm>>
      tpu.wait_dma2 semaphore(%arg25 : memref<!tpu.dma_semaphore, #tpu.memory_space<semaphore_mem>>) src(%dma_wait3A_611 : memref<128xi32, #tpu.memory_space<hbm>>) dst(%dma_wait3A_610 : memref<128xi32, #tpu.memory_space<vmem>>)
      %mul3A_612 = arith.constant 16 : i32
      %mul3A_613 = arith.muli %scan3A_153, %mul3A_612 : i32
      %add3A_614 = arith.constant 11 : i32
      %add3A_615 = arith.addi %mul3A_613, %add3A_614 : i32
      %mul3A_616 = arith.constant 10240 : i32
      %mul3A_617 = arith.muli %arg1, %mul3A_616 : i32
      %mul3A_618 = arith.constant 128 : i32
      %mul3A_619 = arith.muli %add3A_615, %mul3A_618 : i32
      %add3A_620 = arith.addi %mul3A_617, %mul3A_619 : i32
      %dma_wait3A_621 = arith.constant 0 : i32
      %dma_wait3A_622 = tpu.memref_slice %arg11[%add3A_615, %dma_wait3A_621] : memref<80x128xi32, #tpu.memory_space<vmem>> -> memref<1x128xi32, #tpu.memory_space<vmem>>
      %dma_wait3A_623 = tpu.memref_squeeze %dma_wait3A_622 : memref<1x128xi32, #tpu.memory_space<vmem>> -> memref<128xi32, #tpu.memory_space<vmem>>
      %dma_wait3A_624 = tpu.memref_slice %arg4[%add3A_620] : memref<163840xi32, #tpu.memory_space<hbm>> -> memref<128xi32, #tpu.memory_space<hbm>>
      %dma_wait3A_625 = arith.constant 0 : i32
      %dma_wait3A_626 = tpu.memref_slice %arg11[%add3A_615, %dma_wait3A_625] : memref<80x128xi32, #tpu.memory_space<vmem>> -> memref<1x128xi32, #tpu.memory_space<vmem>>
      %dma_wait3A_627 = tpu.memref_squeeze %dma_wait3A_626 : memref<1x128xi32, #tpu.memory_space<vmem>> -> memref<128xi32, #tpu.memory_space<vmem>>
      %dma_wait3A_628 = tpu.memref_slice %arg4[%add3A_620] : memref<163840xi32, #tpu.memory_space<hbm>> -> memref<128xi32, #tpu.memory_space<hbm>>
      tpu.wait_dma2 semaphore(%arg25 : memref<!tpu.dma_semaphore, #tpu.memory_space<semaphore_mem>>) src(%dma_wait3A_628 : memref<128xi32, #tpu.memory_space<hbm>>) dst(%dma_wait3A_627 : memref<128xi32, #tpu.memory_space<vmem>>)
      %mul3A_629 = arith.constant 16 : i32
      %mul3A_630 = arith.muli %scan3A_153, %mul3A_629 : i32
      %add3A_631 = arith.constant 12 : i32
      %add3A_632 = arith.addi %mul3A_630, %add3A_631 : i32
      %mul3A_633 = arith.constant 10240 : i32
      %mul3A_634 = arith.muli %arg1, %mul3A_633 : i32
      %mul3A_635 = arith.constant 128 : i32
      %mul3A_636 = arith.muli %add3A_632, %mul3A_635 : i32
      %add3A_637 = arith.addi %mul3A_634, %mul3A_636 : i32
      %dma_wait3A_638 = arith.constant 0 : i32
      %dma_wait3A_639 = tpu.memref_slice %arg11[%add3A_632, %dma_wait3A_638] : memref<80x128xi32, #tpu.memory_space<vmem>> -> memref<1x128xi32, #tpu.memory_space<vmem>>
      %dma_wait3A_640 = tpu.memref_squeeze %dma_wait3A_639 : memref<1x128xi32, #tpu.memory_space<vmem>> -> memref<128xi32, #tpu.memory_space<vmem>>
      %dma_wait3A_641 = tpu.memref_slice %arg4[%add3A_637] : memref<163840xi32, #tpu.memory_space<hbm>> -> memref<128xi32, #tpu.memory_space<hbm>>
      %dma_wait3A_642 = arith.constant 0 : i32
      %dma_wait3A_643 = tpu.memref_slice %arg11[%add3A_632, %dma_wait3A_642] : memref<80x128xi32, #tpu.memory_space<vmem>> -> memref<1x128xi32, #tpu.memory_space<vmem>>
      %dma_wait3A_644 = tpu.memref_squeeze %dma_wait3A_643 : memref<1x128xi32, #tpu.memory_space<vmem>> -> memref<128xi32, #tpu.memory_space<vmem>>
      %dma_wait3A_645 = tpu.memref_slice %arg4[%add3A_637] : memref<163840xi32, #tpu.memory_space<hbm>> -> memref<128xi32, #tpu.memory_space<hbm>>
      tpu.wait_dma2 semaphore(%arg25 : memref<!tpu.dma_semaphore, #tpu.memory_space<semaphore_mem>>) src(%dma_wait3A_645 : memref<128xi32, #tpu.memory_space<hbm>>) dst(%dma_wait3A_644 : memref<128xi32, #tpu.memory_space<vmem>>)
      %mul3A_646 = arith.constant 16 : i32
      %mul3A_647 = arith.muli %scan3A_153, %mul3A_646 : i32
      %add3A_648 = arith.constant 13 : i32
      %add3A_649 = arith.addi %mul3A_647, %add3A_648 : i32
      %mul3A_650 = arith.constant 10240 : i32
      %mul3A_651 = arith.muli %arg1, %mul3A_650 : i32
      %mul3A_652 = arith.constant 128 : i32
      %mul3A_653 = arith.muli %add3A_649, %mul3A_652 : i32
      %add3A_654 = arith.addi %mul3A_651, %mul3A_653 : i32
      %dma_wait3A_655 = arith.constant 0 : i32
      %dma_wait3A_656 = tpu.memref_slice %arg11[%add3A_649, %dma_wait3A_655] : memref<80x128xi32, #tpu.memory_space<vmem>> -> memref<1x128xi32, #tpu.memory_space<vmem>>
      %dma_wait3A_657 = tpu.memref_squeeze %dma_wait3A_656 : memref<1x128xi32, #tpu.memory_space<vmem>> -> memref<128xi32, #tpu.memory_space<vmem>>
      %dma_wait3A_658 = tpu.memref_slice %arg4[%add3A_654] : memref<163840xi32, #tpu.memory_space<hbm>> -> memref<128xi32, #tpu.memory_space<hbm>>
      %dma_wait3A_659 = arith.constant 0 : i32
      %dma_wait3A_660 = tpu.memref_slice %arg11[%add3A_649, %dma_wait3A_659] : memref<80x128xi32, #tpu.memory_space<vmem>> -> memref<1x128xi32, #tpu.memory_space<vmem>>
      %dma_wait3A_661 = tpu.memref_squeeze %dma_wait3A_660 : memref<1x128xi32, #tpu.memory_space<vmem>> -> memref<128xi32, #tpu.memory_space<vmem>>
      %dma_wait3A_662 = tpu.memref_slice %arg4[%add3A_654] : memref<163840xi32, #tpu.memory_space<hbm>> -> memref<128xi32, #tpu.memory_space<hbm>>
      tpu.wait_dma2 semaphore(%arg25 : memref<!tpu.dma_semaphore, #tpu.memory_space<semaphore_mem>>) src(%dma_wait3A_662 : memref<128xi32, #tpu.memory_space<hbm>>) dst(%dma_wait3A_661 : memref<128xi32, #tpu.memory_space<vmem>>)
      %mul3A_663 = arith.constant 16 : i32
      %mul3A_664 = arith.muli %scan3A_153, %mul3A_663 : i32
      %add3A_665 = arith.constant 14 : i32
      %add3A_666 = arith.addi %mul3A_664, %add3A_665 : i32
      %mul3A_667 = arith.constant 10240 : i32
      %mul3A_668 = arith.muli %arg1, %mul3A_667 : i32
      %mul3A_669 = arith.constant 128 : i32
      %mul3A_670 = arith.muli %add3A_666, %mul3A_669 : i32
      %add3A_671 = arith.addi %mul3A_668, %mul3A_670 : i32
      %dma_wait3A_672 = arith.constant 0 : i32
      %dma_wait3A_673 = tpu.memref_slice %arg11[%add3A_666, %dma_wait3A_672] : memref<80x128xi32, #tpu.memory_space<vmem>> -> memref<1x128xi32, #tpu.memory_space<vmem>>
      %dma_wait3A_674 = tpu.memref_squeeze %dma_wait3A_673 : memref<1x128xi32, #tpu.memory_space<vmem>> -> memref<128xi32, #tpu.memory_space<vmem>>
      %dma_wait3A_675 = tpu.memref_slice %arg4[%add3A_671] : memref<163840xi32, #tpu.memory_space<hbm>> -> memref<128xi32, #tpu.memory_space<hbm>>
      %dma_wait3A_676 = arith.constant 0 : i32
      %dma_wait3A_677 = tpu.memref_slice %arg11[%add3A_666, %dma_wait3A_676] : memref<80x128xi32, #tpu.memory_space<vmem>> -> memref<1x128xi32, #tpu.memory_space<vmem>>
      %dma_wait3A_678 = tpu.memref_squeeze %dma_wait3A_677 : memref<1x128xi32, #tpu.memory_space<vmem>> -> memref<128xi32, #tpu.memory_space<vmem>>
      %dma_wait3A_679 = tpu.memref_slice %arg4[%add3A_671] : memref<163840xi32, #tpu.memory_space<hbm>> -> memref<128xi32, #tpu.memory_space<hbm>>
      tpu.wait_dma2 semaphore(%arg25 : memref<!tpu.dma_semaphore, #tpu.memory_space<semaphore_mem>>) src(%dma_wait3A_679 : memref<128xi32, #tpu.memory_space<hbm>>) dst(%dma_wait3A_678 : memref<128xi32, #tpu.memory_space<vmem>>)
      %mul3A_680 = arith.constant 16 : i32
      %mul3A_681 = arith.muli %scan3A_153, %mul3A_680 : i32
      %add3A_682 = arith.constant 15 : i32
      %add3A_683 = arith.addi %mul3A_681, %add3A_682 : i32
      %mul3A_684 = arith.constant 10240 : i32
      %mul3A_685 = arith.muli %arg1, %mul3A_684 : i32
      %mul3A_686 = arith.constant 128 : i32
      %mul3A_687 = arith.muli %add3A_683, %mul3A_686 : i32
      %add3A_688 = arith.addi %mul3A_685, %mul3A_687 : i32
      %dma_wait3A_689 = arith.constant 0 : i32
      %dma_wait3A_690 = tpu.memref_slice %arg11[%add3A_683, %dma_wait3A_689] : memref<80x128xi32, #tpu.memory_space<vmem>> -> memref<1x128xi32, #tpu.memory_space<vmem>>
      %dma_wait3A_691 = tpu.memref_squeeze %dma_wait3A_690 : memref<1x128xi32, #tpu.memory_space<vmem>> -> memref<128xi32, #tpu.memory_space<vmem>>
      %dma_wait3A_692 = tpu.memref_slice %arg4[%add3A_688] : memref<163840xi32, #tpu.memory_space<hbm>> -> memref<128xi32, #tpu.memory_space<hbm>>
      %dma_wait3A_693 = arith.constant 0 : i32
      %dma_wait3A_694 = tpu.memref_slice %arg11[%add3A_683, %dma_wait3A_693] : memref<80x128xi32, #tpu.memory_space<vmem>> -> memref<1x128xi32, #tpu.memory_space<vmem>>
      %dma_wait3A_695 = tpu.memref_squeeze %dma_wait3A_694 : memref<1x128xi32, #tpu.memory_space<vmem>> -> memref<128xi32, #tpu.memory_space<vmem>>
      %dma_wait3A_696 = tpu.memref_slice %arg4[%add3A_688] : memref<163840xi32, #tpu.memory_space<hbm>> -> memref<128xi32, #tpu.memory_space<hbm>>
      tpu.wait_dma2 semaphore(%arg25 : memref<!tpu.dma_semaphore, #tpu.memory_space<semaphore_mem>>) src(%dma_wait3A_696 : memref<128xi32, #tpu.memory_space<hbm>>) dst(%dma_wait3A_695 : memref<128xi32, #tpu.memory_space<vmem>>)
    }
    %scan3A_5 = arith.constant 5 : i32
    %mul3A_6 = arith.constant 2 : i32
    %mul3A_7 = arith.muli %arg0, %mul3A_6 : i32
    %add3A = arith.constant 0 : i32
    %add3A_8 = arith.addi %mul3A_7, %add3A : i32
    %mul3A_9 = arith.constant 163840 : i32
    %mul3A_10 = arith.muli %add3A_8, %mul3A_9 : i32
    %mul3A_11 = arith.constant 10240 : i32
    %mul3A_12 = arith.muli %arg1, %mul3A_11 : i32
    %add3A_13 = arith.addi %mul3A_10, %mul3A_12 : i32
    "tpu.region"() ({
      %run_scoped3A = tpu.sem_alloc : memref<!tpu.dma_semaphore, #tpu.memory_space<semaphore_mem>>
      %dma_start3A_153 = tpu.memref_slice %arg3[%add3A_13] : memref<655360xi32, #tpu.memory_space<hbm>> -> memref<10240xi32, #tpu.memory_space<hbm>>
      %dma_start3A_154 = tpu.memref_slice %arg3[%add3A_13] : memref<655360xi32, #tpu.memory_space<hbm>> -> memref<10240xi32, #tpu.memory_space<hbm>>
      tpu.enqueue_dma source(%dma_start3A_154 : memref<10240xi32, #tpu.memory_space<hbm>>) target(%arg10 : memref<10240xi32, #tpu.memory_space<vmem>>) target_semaphore(%run_scoped3A : memref<!tpu.dma_semaphore, #tpu.memory_space<semaphore_mem>>)
      %dma_wait3A = tpu.memref_slice %arg3[%add3A_13] : memref<655360xi32, #tpu.memory_space<hbm>> -> memref<10240xi32, #tpu.memory_space<hbm>>
      %dma_wait3A_155 = tpu.memref_slice %arg3[%add3A_13] : memref<655360xi32, #tpu.memory_space<hbm>> -> memref<10240xi32, #tpu.memory_space<hbm>>
      tpu.wait_dma2 semaphore(%run_scoped3A : memref<!tpu.dma_semaphore, #tpu.memory_space<semaphore_mem>>) src(%dma_wait3A_155 : memref<10240xi32, #tpu.memory_space<hbm>>) dst(%arg10 : memref<10240xi32, #tpu.memory_space<vmem>>)
      tpu.yield
    }) : () -> ()
    %add3A_14 = arith.constant 0 : i32
    %add3A_15 = arith.addi %mul3A_0, %add3A_14 : i32
    "tpu.region"() ({
      %run_scoped3A = tpu.sem_alloc : memref<!tpu.dma_semaphore, #tpu.memory_space<semaphore_mem>>
      %dma_start3A_153 = arith.constant 0 : i32
      %dma_start3A_154 = tpu.memref_slice %arg20[%add3A_15, %dma_start3A_153] : memref<10240x64xf32, #tpu.memory_space<vmem_shared>> -> memref<128x64xf32, #tpu.memory_space<vmem_shared>>
      %dma_start3A_155 = arith.constant 0 : i32
      %dma_start3A_156 = tpu.memref_slice %arg20[%add3A_15, %dma_start3A_155] : memref<10240x64xf32, #tpu.memory_space<vmem_shared>> -> memref<128x64xf32, #tpu.memory_space<vmem_shared>>
      tpu.enqueue_dma source(%arg18 : memref<128x64xf32, #tpu.memory_space<vmem>>) target(%dma_start3A_156 : memref<128x64xf32, #tpu.memory_space<vmem_shared>>) target_semaphore(%run_scoped3A : memref<!tpu.dma_semaphore, #tpu.memory_space<semaphore_mem>>)
      %dma_wait3A = arith.constant 0 : i32
      %dma_wait3A_157 = tpu.memref_slice %arg20[%add3A_15, %dma_wait3A] : memref<10240x64xf32, #tpu.memory_space<vmem_shared>> -> memref<128x64xf32, #tpu.memory_space<vmem_shared>>
      %dma_wait3A_158 = arith.constant 0 : i32
      %dma_wait3A_159 = tpu.memref_slice %arg20[%add3A_15, %dma_wait3A_158] : memref<10240x64xf32, #tpu.memory_space<vmem_shared>> -> memref<128x64xf32, #tpu.memory_space<vmem_shared>>
      tpu.wait_dma2 semaphore(%run_scoped3A : memref<!tpu.dma_semaphore, #tpu.memory_space<semaphore_mem>>) src(%arg18 : memref<128x64xf32, #tpu.memory_space<vmem>>) dst(%dma_wait3A_159 : memref<128x64xf32, #tpu.memory_space<vmem_shared>>)
      tpu.yield
    }) : () -> ()
    %add3A_16 = arith.constant 0 : i32
    %add3A_17 = arith.addi %mul3A_0, %add3A_16 : i32
    "tpu.region"() ({
      %run_scoped3A = tpu.sem_alloc : memref<!tpu.dma_semaphore, #tpu.memory_space<semaphore_mem>>
      %dma_start3A_153 = arith.constant 0 : i32
      %dma_start3A_154 = tpu.memref_slice %arg21[%add3A_17, %dma_start3A_153] : memref<10240x8xf32, #tpu.memory_space<vmem_shared>> -> memref<128x8xf32, #tpu.memory_space<vmem_shared>>
      %dma_start3A_155 = arith.constant 0 : i32
      %dma_start3A_156 = tpu.memref_slice %arg21[%add3A_17, %dma_start3A_155] : memref<10240x8xf32, #tpu.memory_space<vmem_shared>> -> memref<128x8xf32, #tpu.memory_space<vmem_shared>>
      tpu.enqueue_dma source(%arg19 : memref<128x8xf32, #tpu.memory_space<vmem>>) target(%dma_start3A_156 : memref<128x8xf32, #tpu.memory_space<vmem_shared>>) target_semaphore(%run_scoped3A : memref<!tpu.dma_semaphore, #tpu.memory_space<semaphore_mem>>)
      %dma_wait3A = arith.constant 0 : i32
      %dma_wait3A_157 = tpu.memref_slice %arg21[%add3A_17, %dma_wait3A] : memref<10240x8xf32, #tpu.memory_space<vmem_shared>> -> memref<128x8xf32, #tpu.memory_space<vmem_shared>>
      %dma_wait3A_158 = arith.constant 0 : i32
      %dma_wait3A_159 = tpu.memref_slice %arg21[%add3A_17, %dma_wait3A_158] : memref<10240x8xf32, #tpu.memory_space<vmem_shared>> -> memref<128x8xf32, #tpu.memory_space<vmem_shared>>
      tpu.wait_dma2 semaphore(%run_scoped3A : memref<!tpu.dma_semaphore, #tpu.memory_space<semaphore_mem>>) src(%arg19 : memref<128x8xf32, #tpu.memory_space<vmem>>) dst(%dma_wait3A_159 : memref<128x8xf32, #tpu.memory_space<vmem_shared>>)
      tpu.yield
    }) : () -> ()
    %add3A_18 = arith.constant 128 : i32
    %add3A_19 = arith.addi %mul3A_0, %add3A_18 : i32
    "tpu.region"() ({
      %run_scoped3A = tpu.sem_alloc : memref<!tpu.dma_semaphore, #tpu.memory_space<semaphore_mem>>
      %dma_start3A_153 = arith.constant 0 : i32
      %dma_start3A_154 = tpu.memref_slice %arg20[%add3A_19, %dma_start3A_153] : memref<10240x64xf32, #tpu.memory_space<vmem_shared>> -> memref<128x64xf32, #tpu.memory_space<vmem_shared>>
      %dma_start3A_155 = arith.constant 0 : i32
      %dma_start3A_156 = tpu.memref_slice %arg20[%add3A_19, %dma_start3A_155] : memref<10240x64xf32, #tpu.memory_space<vmem_shared>> -> memref<128x64xf32, #tpu.memory_space<vmem_shared>>
      tpu.enqueue_dma source(%arg18 : memref<128x64xf32, #tpu.memory_space<vmem>>) target(%dma_start3A_156 : memref<128x64xf32, #tpu.memory_space<vmem_shared>>) target_semaphore(%run_scoped3A : memref<!tpu.dma_semaphore, #tpu.memory_space<semaphore_mem>>)
      %dma_wait3A = arith.constant 0 : i32
      %dma_wait3A_157 = tpu.memref_slice %arg20[%add3A_19, %dma_wait3A] : memref<10240x64xf32, #tpu.memory_space<vmem_shared>> -> memref<128x64xf32, #tpu.memory_space<vmem_shared>>
      %dma_wait3A_158 = arith.constant 0 : i32
      %dma_wait3A_159 = tpu.memref_slice %arg20[%add3A_19, %dma_wait3A_158] : memref<10240x64xf32, #tpu.memory_space<vmem_shared>> -> memref<128x64xf32, #tpu.memory_space<vmem_shared>>
      tpu.wait_dma2 semaphore(%run_scoped3A : memref<!tpu.dma_semaphore, #tpu.memory_space<semaphore_mem>>) src(%arg18 : memref<128x64xf32, #tpu.memory_space<vmem>>) dst(%dma_wait3A_159 : memref<128x64xf32, #tpu.memory_space<vmem_shared>>)
      tpu.yield
    }) : () -> ()
    %add3A_20 = arith.constant 128 : i32
    %add3A_21 = arith.addi %mul3A_0, %add3A_20 : i32
    "tpu.region"() ({
      %run_scoped3A = tpu.sem_alloc : memref<!tpu.dma_semaphore, #tpu.memory_space<semaphore_mem>>
      %dma_start3A_153 = arith.constant 0 : i32
      %dma_start3A_154 = tpu.memref_slice %arg21[%add3A_21, %dma_start3A_153] : memref<10240x8xf32, #tpu.memory_space<vmem_shared>> -> memref<128x8xf32, #tpu.memory_space<vmem_shared>>
      %dma_start3A_155 = arith.constant 0 : i32
      %dma_start3A_156 = tpu.memref_slice %arg21[%add3A_21, %dma_start3A_155] : memref<10240x8xf32, #tpu.memory_space<vmem_shared>> -> memref<128x8xf32, #tpu.memory_space<vmem_shared>>
      tpu.enqueue_dma source(%arg19 : memref<128x8xf32, #tpu.memory_space<vmem>>) target(%dma_start3A_156 : memref<128x8xf32, #tpu.memory_space<vmem_shared>>) target_semaphore(%run_scoped3A : memref<!tpu.dma_semaphore, #tpu.memory_space<semaphore_mem>>)
      %dma_wait3A = arith.constant 0 : i32
      %dma_wait3A_157 = tpu.memref_slice %arg21[%add3A_21, %dma_wait3A] : memref<10240x8xf32, #tpu.memory_space<vmem_shared>> -> memref<128x8xf32, #tpu.memory_space<vmem_shared>>
      %dma_wait3A_158 = arith.constant 0 : i32
      %dma_wait3A_159 = tpu.memref_slice %arg21[%add3A_21, %dma_wait3A_158] : memref<10240x8xf32, #tpu.memory_space<vmem_shared>> -> memref<128x8xf32, #tpu.memory_space<vmem_shared>>
      tpu.wait_dma2 semaphore(%run_scoped3A : memref<!tpu.dma_semaphore, #tpu.memory_space<semaphore_mem>>) src(%arg19 : memref<128x8xf32, #tpu.memory_space<vmem>>) dst(%dma_wait3A_159 : memref<128x8xf32, #tpu.memory_space<vmem_shared>>)
      tpu.yield
    }) : () -> ()
    %add3A_22 = arith.constant 256 : i32
    %add3A_23 = arith.addi %mul3A_0, %add3A_22 : i32
    "tpu.region"() ({
      %run_scoped3A = tpu.sem_alloc : memref<!tpu.dma_semaphore, #tpu.memory_space<semaphore_mem>>
      %dma_start3A_153 = arith.constant 0 : i32
      %dma_start3A_154 = tpu.memref_slice %arg20[%add3A_23, %dma_start3A_153] : memref<10240x64xf32, #tpu.memory_space<vmem_shared>> -> memref<128x64xf32, #tpu.memory_space<vmem_shared>>
      %dma_start3A_155 = arith.constant 0 : i32
      %dma_start3A_156 = tpu.memref_slice %arg20[%add3A_23, %dma_start3A_155] : memref<10240x64xf32, #tpu.memory_space<vmem_shared>> -> memref<128x64xf32, #tpu.memory_space<vmem_shared>>
      tpu.enqueue_dma source(%arg18 : memref<128x64xf32, #tpu.memory_space<vmem>>) target(%dma_start3A_156 : memref<128x64xf32, #tpu.memory_space<vmem_shared>>) target_semaphore(%run_scoped3A : memref<!tpu.dma_semaphore, #tpu.memory_space<semaphore_mem>>)
      %dma_wait3A = arith.constant 0 : i32
      %dma_wait3A_157 = tpu.memref_slice %arg20[%add3A_23, %dma_wait3A] : memref<10240x64xf32, #tpu.memory_space<vmem_shared>> -> memref<128x64xf32, #tpu.memory_space<vmem_shared>>
      %dma_wait3A_158 = arith.constant 0 : i32
      %dma_wait3A_159 = tpu.memref_slice %arg20[%add3A_23, %dma_wait3A_158] : memref<10240x64xf32, #tpu.memory_space<vmem_shared>> -> memref<128x64xf32, #tpu.memory_space<vmem_shared>>
      tpu.wait_dma2 semaphore(%run_scoped3A : memref<!tpu.dma_semaphore, #tpu.memory_space<semaphore_mem>>) src(%arg18 : memref<128x64xf32, #tpu.memory_space<vmem>>) dst(%dma_wait3A_159 : memref<128x64xf32, #tpu.memory_space<vmem_shared>>)
      tpu.yield
    }) : () -> ()
    %add3A_24 = arith.constant 256 : i32
    %add3A_25 = arith.addi %mul3A_0, %add3A_24 : i32
    "tpu.region"() ({
      %run_scoped3A = tpu.sem_alloc : memref<!tpu.dma_semaphore, #tpu.memory_space<semaphore_mem>>
      %dma_start3A_153 = arith.constant 0 : i32
      %dma_start3A_154 = tpu.memref_slice %arg21[%add3A_25, %dma_start3A_153] : memref<10240x8xf32, #tpu.memory_space<vmem_shared>> -> memref<128x8xf32, #tpu.memory_space<vmem_shared>>
      %dma_start3A_155 = arith.constant 0 : i32
      %dma_start3A_156 = tpu.memref_slice %arg21[%add3A_25, %dma_start3A_155] : memref<10240x8xf32, #tpu.memory_space<vmem_shared>> -> memref<128x8xf32, #tpu.memory_space<vmem_shared>>
      tpu.enqueue_dma source(%arg19 : memref<128x8xf32, #tpu.memory_space<vmem>>) target(%dma_start3A_156 : memref<128x8xf32, #tpu.memory_space<vmem_shared>>) target_semaphore(%run_scoped3A : memref<!tpu.dma_semaphore, #tpu.memory_space<semaphore_mem>>)
      %dma_wait3A = arith.constant 0 : i32
      %dma_wait3A_157 = tpu.memref_slice %arg21[%add3A_25, %dma_wait3A] : memref<10240x8xf32, #tpu.memory_space<vmem_shared>> -> memref<128x8xf32, #tpu.memory_space<vmem_shared>>
      %dma_wait3A_158 = arith.constant 0 : i32
      %dma_wait3A_159 = tpu.memref_slice %arg21[%add3A_25, %dma_wait3A_158] : memref<10240x8xf32, #tpu.memory_space<vmem_shared>> -> memref<128x8xf32, #tpu.memory_space<vmem_shared>>
      tpu.wait_dma2 semaphore(%run_scoped3A : memref<!tpu.dma_semaphore, #tpu.memory_space<semaphore_mem>>) src(%arg19 : memref<128x8xf32, #tpu.memory_space<vmem>>) dst(%dma_wait3A_159 : memref<128x8xf32, #tpu.memory_space<vmem_shared>>)
      tpu.yield
    }) : () -> ()
    %add3A_26 = arith.constant 384 : i32
    %add3A_27 = arith.addi %mul3A_0, %add3A_26 : i32
    "tpu.region"() ({
      %run_scoped3A = tpu.sem_alloc : memref<!tpu.dma_semaphore, #tpu.memory_space<semaphore_mem>>
      %dma_start3A_153 = arith.constant 0 : i32
      %dma_start3A_154 = tpu.memref_slice %arg20[%add3A_27, %dma_start3A_153] : memref<10240x64xf32, #tpu.memory_space<vmem_shared>> -> memref<128x64xf32, #tpu.memory_space<vmem_shared>>
      %dma_start3A_155 = arith.constant 0 : i32
      %dma_start3A_156 = tpu.memref_slice %arg20[%add3A_27, %dma_start3A_155] : memref<10240x64xf32, #tpu.memory_space<vmem_shared>> -> memref<128x64xf32, #tpu.memory_space<vmem_shared>>
      tpu.enqueue_dma source(%arg18 : memref<128x64xf32, #tpu.memory_space<vmem>>) target(%dma_start3A_156 : memref<128x64xf32, #tpu.memory_space<vmem_shared>>) target_semaphore(%run_scoped3A : memref<!tpu.dma_semaphore, #tpu.memory_space<semaphore_mem>>)
      %dma_wait3A = arith.constant 0 : i32
      %dma_wait3A_157 = tpu.memref_slice %arg20[%add3A_27, %dma_wait3A] : memref<10240x64xf32, #tpu.memory_space<vmem_shared>> -> memref<128x64xf32, #tpu.memory_space<vmem_shared>>
      %dma_wait3A_158 = arith.constant 0 : i32
      %dma_wait3A_159 = tpu.memref_slice %arg20[%add3A_27, %dma_wait3A_158] : memref<10240x64xf32, #tpu.memory_space<vmem_shared>> -> memref<128x64xf32, #tpu.memory_space<vmem_shared>>
      tpu.wait_dma2 semaphore(%run_scoped3A : memref<!tpu.dma_semaphore, #tpu.memory_space<semaphore_mem>>) src(%arg18 : memref<128x64xf32, #tpu.memory_space<vmem>>) dst(%dma_wait3A_159 : memref<128x64xf32, #tpu.memory_space<vmem_shared>>)
      tpu.yield
    }) : () -> ()
    %add3A_28 = arith.constant 384 : i32
    %add3A_29 = arith.addi %mul3A_0, %add3A_28 : i32
    "tpu.region"() ({
      %run_scoped3A = tpu.sem_alloc : memref<!tpu.dma_semaphore, #tpu.memory_space<semaphore_mem>>
      %dma_start3A_153 = arith.constant 0 : i32
      %dma_start3A_154 = tpu.memref_slice %arg21[%add3A_29, %dma_start3A_153] : memref<10240x8xf32, #tpu.memory_space<vmem_shared>> -> memref<128x8xf32, #tpu.memory_space<vmem_shared>>
      %dma_start3A_155 = arith.constant 0 : i32
      %dma_start3A_156 = tpu.memref_slice %arg21[%add3A_29, %dma_start3A_155] : memref<10240x8xf32, #tpu.memory_space<vmem_shared>> -> memref<128x8xf32, #tpu.memory_space<vmem_shared>>
      tpu.enqueue_dma source(%arg19 : memref<128x8xf32, #tpu.memory_space<vmem>>) target(%dma_start3A_156 : memref<128x8xf32, #tpu.memory_space<vmem_shared>>) target_semaphore(%run_scoped3A : memref<!tpu.dma_semaphore, #tpu.memory_space<semaphore_mem>>)
      %dma_wait3A = arith.constant 0 : i32
      %dma_wait3A_157 = tpu.memref_slice %arg21[%add3A_29, %dma_wait3A] : memref<10240x8xf32, #tpu.memory_space<vmem_shared>> -> memref<128x8xf32, #tpu.memory_space<vmem_shared>>
      %dma_wait3A_158 = arith.constant 0 : i32
      %dma_wait3A_159 = tpu.memref_slice %arg21[%add3A_29, %dma_wait3A_158] : memref<10240x8xf32, #tpu.memory_space<vmem_shared>> -> memref<128x8xf32, #tpu.memory_space<vmem_shared>>
      tpu.wait_dma2 semaphore(%run_scoped3A : memref<!tpu.dma_semaphore, #tpu.memory_space<semaphore_mem>>) src(%arg19 : memref<128x8xf32, #tpu.memory_space<vmem>>) dst(%dma_wait3A_159 : memref<128x8xf32, #tpu.memory_space<vmem_shared>>)
      tpu.yield
    }) : () -> ()
    %add3A_30 = arith.constant 512 : i32
    %add3A_31 = arith.addi %mul3A_0, %add3A_30 : i32
    "tpu.region"() ({
      %run_scoped3A = tpu.sem_alloc : memref<!tpu.dma_semaphore, #tpu.memory_space<semaphore_mem>>
      %dma_start3A_153 = arith.constant 0 : i32
      %dma_start3A_154 = tpu.memref_slice %arg20[%add3A_31, %dma_start3A_153] : memref<10240x64xf32, #tpu.memory_space<vmem_shared>> -> memref<128x64xf32, #tpu.memory_space<vmem_shared>>
      %dma_start3A_155 = arith.constant 0 : i32
      %dma_start3A_156 = tpu.memref_slice %arg20[%add3A_31, %dma_start3A_155] : memref<10240x64xf32, #tpu.memory_space<vmem_shared>> -> memref<128x64xf32, #tpu.memory_space<vmem_shared>>
      tpu.enqueue_dma source(%arg18 : memref<128x64xf32, #tpu.memory_space<vmem>>) target(%dma_start3A_156 : memref<128x64xf32, #tpu.memory_space<vmem_shared>>) target_semaphore(%run_scoped3A : memref<!tpu.dma_semaphore, #tpu.memory_space<semaphore_mem>>)
      %dma_wait3A = arith.constant 0 : i32
      %dma_wait3A_157 = tpu.memref_slice %arg20[%add3A_31, %dma_wait3A] : memref<10240x64xf32, #tpu.memory_space<vmem_shared>> -> memref<128x64xf32, #tpu.memory_space<vmem_shared>>
      %dma_wait3A_158 = arith.constant 0 : i32
      %dma_wait3A_159 = tpu.memref_slice %arg20[%add3A_31, %dma_wait3A_158] : memref<10240x64xf32, #tpu.memory_space<vmem_shared>> -> memref<128x64xf32, #tpu.memory_space<vmem_shared>>
      tpu.wait_dma2 semaphore(%run_scoped3A : memref<!tpu.dma_semaphore, #tpu.memory_space<semaphore_mem>>) src(%arg18 : memref<128x64xf32, #tpu.memory_space<vmem>>) dst(%dma_wait3A_159 : memref<128x64xf32, #tpu.memory_space<vmem_shared>>)
      tpu.yield
    }) : () -> ()
    %add3A_32 = arith.constant 512 : i32
    %add3A_33 = arith.addi %mul3A_0, %add3A_32 : i32
    "tpu.region"() ({
      %run_scoped3A = tpu.sem_alloc : memref<!tpu.dma_semaphore, #tpu.memory_space<semaphore_mem>>
      %dma_start3A_153 = arith.constant 0 : i32
      %dma_start3A_154 = tpu.memref_slice %arg21[%add3A_33, %dma_start3A_153] : memref<10240x8xf32, #tpu.memory_space<vmem_shared>> -> memref<128x8xf32, #tpu.memory_space<vmem_shared>>
      %dma_start3A_155 = arith.constant 0 : i32
      %dma_start3A_156 = tpu.memref_slice %arg21[%add3A_33, %dma_start3A_155] : memref<10240x8xf32, #tpu.memory_space<vmem_shared>> -> memref<128x8xf32, #tpu.memory_space<vmem_shared>>
      tpu.enqueue_dma source(%arg19 : memref<128x8xf32, #tpu.memory_space<vmem>>) target(%dma_start3A_156 : memref<128x8xf32, #tpu.memory_space<vmem_shared>>) target_semaphore(%run_scoped3A : memref<!tpu.dma_semaphore, #tpu.memory_space<semaphore_mem>>)
      %dma_wait3A = arith.constant 0 : i32
      %dma_wait3A_157 = tpu.memref_slice %arg21[%add3A_33, %dma_wait3A] : memref<10240x8xf32, #tpu.memory_space<vmem_shared>> -> memref<128x8xf32, #tpu.memory_space<vmem_shared>>
      %dma_wait3A_158 = arith.constant 0 : i32
      %dma_wait3A_159 = tpu.memref_slice %arg21[%add3A_33, %dma_wait3A_158] : memref<10240x8xf32, #tpu.memory_space<vmem_shared>> -> memref<128x8xf32, #tpu.memory_space<vmem_shared>>
      tpu.wait_dma2 semaphore(%run_scoped3A : memref<!tpu.dma_semaphore, #tpu.memory_space<semaphore_mem>>) src(%arg19 : memref<128x8xf32, #tpu.memory_space<vmem>>) dst(%dma_wait3A_159 : memref<128x8xf32, #tpu.memory_space<vmem_shared>>)
      tpu.yield
    }) : () -> ()
    %barrier3A = arith.constant 0 : index
    tpu.barrier barrier_id(%barrier3A)
    %dma_start3A = arith.constant 0 : i32
    %dma_start3A_34 = arith.constant 0 : i32
    %dma_start3A_35 = tpu.memref_slice %arg10[%dma_start3A_34] : memref<10240xi32, #tpu.memory_space<vmem>> -> memref<128xi32, #tpu.memory_space<vmem>>
    %dma_start3A_36 = arith.constant 0 : i32
    %dma_start3A_37 = arith.constant 0 : i32
    %dma_start3A_38 = tpu.memref_slice %arg2[%dma_start3A_36, %dma_start3A_37] : memref<40000x64xf32, #tpu.memory_space<hbm>> -> memref<40000x64xf32, #tpu.memory_space<hbm>>
    %dma_start3A_39 = tpu.memref_slice %arg22[%dma_start3A] : memref<5x!tpu.dma_semaphore, #tpu.memory_space<semaphore_mem>> -> memref<1x!tpu.dma_semaphore, #tpu.memory_space<semaphore_mem>>
    %dma_start3A_40 = tpu.memref_squeeze %dma_start3A_39 : memref<1x!tpu.dma_semaphore, #tpu.memory_space<semaphore_mem>> -> memref<!tpu.dma_semaphore, #tpu.memory_space<semaphore_mem>>
    tpu.enqueue_indirect_dma source(%dma_start3A_38 : memref<40000x64xf32, #tpu.memory_space<hbm>>) target(%arg12 : memref<128x64xf32, #tpu.memory_space<vmem>>) offsets(%dma_start3A_35 : memref<128xi32, #tpu.memory_space<vmem>>) semaphore(%dma_start3A_40 : memref<!tpu.dma_semaphore, #tpu.memory_space<semaphore_mem>>)
    %dma_start3A_41 = arith.constant 1 : i32
    %dma_start3A_42 = arith.constant 128 : i32
    %dma_start3A_43 = tpu.memref_slice %arg10[%dma_start3A_42] : memref<10240xi32, #tpu.memory_space<vmem>> -> memref<128xi32, #tpu.memory_space<vmem>>
    %dma_start3A_44 = arith.constant 0 : i32
    %dma_start3A_45 = arith.constant 0 : i32
    %dma_start3A_46 = tpu.memref_slice %arg2[%dma_start3A_44, %dma_start3A_45] : memref<40000x64xf32, #tpu.memory_space<hbm>> -> memref<40000x64xf32, #tpu.memory_space<hbm>>
    %dma_start3A_47 = tpu.memref_slice %arg22[%dma_start3A_41] : memref<5x!tpu.dma_semaphore, #tpu.memory_space<semaphore_mem>> -> memref<1x!tpu.dma_semaphore, #tpu.memory_space<semaphore_mem>>
    %dma_start3A_48 = tpu.memref_squeeze %dma_start3A_47 : memref<1x!tpu.dma_semaphore, #tpu.memory_space<semaphore_mem>> -> memref<!tpu.dma_semaphore, #tpu.memory_space<semaphore_mem>>
    tpu.enqueue_indirect_dma source(%dma_start3A_46 : memref<40000x64xf32, #tpu.memory_space<hbm>>) target(%arg13 : memref<128x64xf32, #tpu.memory_space<vmem>>) offsets(%dma_start3A_43 : memref<128xi32, #tpu.memory_space<vmem>>) semaphore(%dma_start3A_48 : memref<!tpu.dma_semaphore, #tpu.memory_space<semaphore_mem>>)
    %dma_start3A_49 = arith.constant 2 : i32
    %dma_start3A_50 = arith.constant 256 : i32
    %dma_start3A_51 = tpu.memref_slice %arg10[%dma_start3A_50] : memref<10240xi32, #tpu.memory_space<vmem>> -> memref<128xi32, #tpu.memory_space<vmem>>
    %dma_start3A_52 = arith.constant 0 : i32
    %dma_start3A_53 = arith.constant 0 : i32
    %dma_start3A_54 = tpu.memref_slice %arg2[%dma_start3A_52, %dma_start3A_53] : memref<40000x64xf32, #tpu.memory_space<hbm>> -> memref<40000x64xf32, #tpu.memory_space<hbm>>
    %dma_start3A_55 = tpu.memref_slice %arg22[%dma_start3A_49] : memref<5x!tpu.dma_semaphore, #tpu.memory_space<semaphore_mem>> -> memref<1x!tpu.dma_semaphore, #tpu.memory_space<semaphore_mem>>
    %dma_start3A_56 = tpu.memref_squeeze %dma_start3A_55 : memref<1x!tpu.dma_semaphore, #tpu.memory_space<semaphore_mem>> -> memref<!tpu.dma_semaphore, #tpu.memory_space<semaphore_mem>>
    tpu.enqueue_indirect_dma source(%dma_start3A_54 : memref<40000x64xf32, #tpu.memory_space<hbm>>) target(%arg14 : memref<128x64xf32, #tpu.memory_space<vmem>>) offsets(%dma_start3A_51 : memref<128xi32, #tpu.memory_space<vmem>>) semaphore(%dma_start3A_56 : memref<!tpu.dma_semaphore, #tpu.memory_space<semaphore_mem>>)
    %dma_start3A_57 = arith.constant 3 : i32
    %dma_start3A_58 = arith.constant 384 : i32
    %dma_start3A_59 = tpu.memref_slice %arg10[%dma_start3A_58] : memref<10240xi32, #tpu.memory_space<vmem>> -> memref<128xi32, #tpu.memory_space<vmem>>
    %dma_start3A_60 = arith.constant 0 : i32
    %dma_start3A_61 = arith.constant 0 : i32
    %dma_start3A_62 = tpu.memref_slice %arg2[%dma_start3A_60, %dma_start3A_61] : memref<40000x64xf32, #tpu.memory_space<hbm>> -> memref<40000x64xf32, #tpu.memory_space<hbm>>
    %dma_start3A_63 = tpu.memref_slice %arg22[%dma_start3A_57] : memref<5x!tpu.dma_semaphore, #tpu.memory_space<semaphore_mem>> -> memref<1x!tpu.dma_semaphore, #tpu.memory_space<semaphore_mem>>
    %dma_start3A_64 = tpu.memref_squeeze %dma_start3A_63 : memref<1x!tpu.dma_semaphore, #tpu.memory_space<semaphore_mem>> -> memref<!tpu.dma_semaphore, #tpu.memory_space<semaphore_mem>>
    tpu.enqueue_indirect_dma source(%dma_start3A_62 : memref<40000x64xf32, #tpu.memory_space<hbm>>) target(%arg15 : memref<128x64xf32, #tpu.memory_space<vmem>>) offsets(%dma_start3A_59 : memref<128xi32, #tpu.memory_space<vmem>>) semaphore(%dma_start3A_64 : memref<!tpu.dma_semaphore, #tpu.memory_space<semaphore_mem>>)
    %dma_start3A_65 = arith.constant 4 : i32
    %dma_start3A_66 = arith.constant 512 : i32
    %dma_start3A_67 = tpu.memref_slice %arg10[%dma_start3A_66] : memref<10240xi32, #tpu.memory_space<vmem>> -> memref<128xi32, #tpu.memory_space<vmem>>
    %dma_start3A_68 = arith.constant 0 : i32
    %dma_start3A_69 = arith.constant 0 : i32
    %dma_start3A_70 = tpu.memref_slice %arg2[%dma_start3A_68, %dma_start3A_69] : memref<40000x64xf32, #tpu.memory_space<hbm>> -> memref<40000x64xf32, #tpu.memory_space<hbm>>
    %dma_start3A_71 = tpu.memref_slice %arg22[%dma_start3A_65] : memref<5x!tpu.dma_semaphore, #tpu.memory_space<semaphore_mem>> -> memref<1x!tpu.dma_semaphore, #tpu.memory_space<semaphore_mem>>
    %dma_start3A_72 = tpu.memref_squeeze %dma_start3A_71 : memref<1x!tpu.dma_semaphore, #tpu.memory_space<semaphore_mem>> -> memref<!tpu.dma_semaphore, #tpu.memory_space<semaphore_mem>>
    tpu.enqueue_indirect_dma source(%dma_start3A_70 : memref<40000x64xf32, #tpu.memory_space<hbm>>) target(%arg16 : memref<128x64xf32, #tpu.memory_space<vmem>>) offsets(%dma_start3A_67 : memref<128xi32, #tpu.memory_space<vmem>>) semaphore(%dma_start3A_72 : memref<!tpu.dma_semaphore, #tpu.memory_space<semaphore_mem>>)
    %scan3A_73 = arith.constant 0 : i32
    %scan3A_74 = arith.constant 0 : i32
    %scan3A_75 = arith.constant 16 : i32
    %scan3A_76 = arith.addi %scan3A_74, %scan3A_75 : i32
    %scan3A_77 = arith.constant 1 : i32
    scf.for %scan3A_153 = %scan3A_74 to %scan3A_76 step %scan3A_77  : i32 {
      %mul3A_154 = arith.constant 5 : i32
      %mul3A_155 = arith.muli %scan3A_153, %mul3A_154 : i32
      %add3A_156 = arith.constant 0 : i32
      %add3A_157 = arith.addi %mul3A_155, %add3A_156 : i32
      %mul3A_158 = arith.constant 128 : i32
      %mul3A_159 = arith.muli %add3A_157, %mul3A_158 : i32
      %dma_wait3A = arith.constant 0 : i32
      %dma_wait3A_160 = tpu.memref_slice %arg10[%mul3A_159] : memref<10240xi32, #tpu.memory_space<vmem>> -> memref<128xi32, #tpu.memory_space<vmem>>
      %dma_wait3A_161 = arith.constant 0 : i32
      %dma_wait3A_162 = arith.constant 0 : i32
      %dma_wait3A_163 = tpu.memref_slice %arg2[%dma_wait3A_161, %dma_wait3A_162] : memref<40000x64xf32, #tpu.memory_space<hbm>> -> memref<40000x64xf32, #tpu.memory_space<hbm>>
      %dma_wait3A_164 = tpu.memref_slice %arg22[%dma_wait3A] : memref<5x!tpu.dma_semaphore, #tpu.memory_space<semaphore_mem>> -> memref<1x!tpu.dma_semaphore, #tpu.memory_space<semaphore_mem>>
      %dma_wait3A_165 = tpu.memref_squeeze %dma_wait3A_164 : memref<1x!tpu.dma_semaphore, #tpu.memory_space<semaphore_mem>> -> memref<!tpu.dma_semaphore, #tpu.memory_space<semaphore_mem>>
      tpu.wait_indirect_dma semaphore(%dma_wait3A_165 : memref<!tpu.dma_semaphore, #tpu.memory_space<semaphore_mem>>) src(%dma_wait3A_163 : memref<40000x64xf32, #tpu.memory_space<hbm>>) dst(%arg12 : memref<128x64xf32, #tpu.memory_space<vmem>>)
      %dma_start3A_166 = arith.constant 0 : i32
      %dma_start3A_167 = arith.constant 0 : i32
      %dma_start3A_168 = tpu.memref_slice %arg11[%add3A_157, %dma_start3A_167] : memref<80x128xi32, #tpu.memory_space<vmem>> -> memref<1x128xi32, #tpu.memory_space<vmem>>
      %dma_start3A_169 = tpu.memref_squeeze %dma_start3A_168 : memref<1x128xi32, #tpu.memory_space<vmem>> -> memref<128xi32, #tpu.memory_space<vmem>>
      %dma_start3A_170 = arith.constant 0 : i32
      %dma_start3A_171 = arith.constant 0 : i32
      %dma_start3A_172 = tpu.memref_slice %arg20[%dma_start3A_170, %dma_start3A_171] : memref<10240x64xf32, #tpu.memory_space<vmem_shared>> -> memref<10240x64xf32, #tpu.memory_space<vmem_shared>>
      %dma_start3A_173 = tpu.memref_slice %arg23[%dma_start3A_166] : memref<5x!tpu.dma_semaphore, #tpu.memory_space<semaphore_mem>> -> memref<1x!tpu.dma_semaphore, #tpu.memory_space<semaphore_mem>>
      %dma_start3A_174 = tpu.memref_squeeze %dma_start3A_173 : memref<1x!tpu.dma_semaphore, #tpu.memory_space<semaphore_mem>> -> memref<!tpu.dma_semaphore, #tpu.memory_space<semaphore_mem>>
      tpu.enqueue_indirect_dma source(%arg12 : memref<128x64xf32, #tpu.memory_space<vmem>>) target(%dma_start3A_172 : memref<10240x64xf32, #tpu.memory_space<vmem_shared>>) offsets(%dma_start3A_169 : memref<128xi32, #tpu.memory_space<vmem>>) semaphore(%dma_start3A_174 : memref<!tpu.dma_semaphore, #tpu.memory_space<semaphore_mem>>) {add = true}
      %dma_start3A_175 = arith.constant 0 : i32
      %dma_start3A_176 = tpu.memref_slice %arg11[%add3A_157, %dma_start3A_175] : memref<80x128xi32, #tpu.memory_space<vmem>> -> memref<1x128xi32, #tpu.memory_space<vmem>>
      %dma_start3A_177 = tpu.memref_squeeze %dma_start3A_176 : memref<1x128xi32, #tpu.memory_space<vmem>> -> memref<128xi32, #tpu.memory_space<vmem>>
      %dma_start3A_178 = arith.constant 0 : i32
      %dma_start3A_179 = arith.constant 0 : i32
      %dma_start3A_180 = tpu.memref_slice %arg21[%dma_start3A_178, %dma_start3A_179] : memref<10240x8xf32, #tpu.memory_space<vmem_shared>> -> memref<10240x8xf32, #tpu.memory_space<vmem_shared>>
      tpu.enqueue_indirect_dma source(%arg17 : memref<128x8xf32, #tpu.memory_space<vmem>>) target(%dma_start3A_180 : memref<10240x8xf32, #tpu.memory_space<vmem_shared>>) offsets(%dma_start3A_177 : memref<128xi32, #tpu.memory_space<vmem>>) semaphore(%arg24 : memref<!tpu.dma_semaphore, #tpu.memory_space<semaphore_mem>>) {add = true}
      %mul3A_181 = arith.constant 5 : i32
      %mul3A_182 = arith.muli %scan3A_153, %mul3A_181 : i32
      %add3A_183 = arith.constant 1 : i32
      %add3A_184 = arith.addi %mul3A_182, %add3A_183 : i32
      %mul3A_185 = arith.constant 128 : i32
      %mul3A_186 = arith.muli %add3A_184, %mul3A_185 : i32
      %dma_wait3A_187 = arith.constant 1 : i32
      %dma_wait3A_188 = tpu.memref_slice %arg10[%mul3A_186] : memref<10240xi32, #tpu.memory_space<vmem>> -> memref<128xi32, #tpu.memory_space<vmem>>
      %dma_wait3A_189 = arith.constant 0 : i32
      %dma_wait3A_190 = arith.constant 0 : i32
      %dma_wait3A_191 = tpu.memref_slice %arg2[%dma_wait3A_189, %dma_wait3A_190] : memref<40000x64xf32, #tpu.memory_space<hbm>> -> memref<40000x64xf32, #tpu.memory_space<hbm>>
      %dma_wait3A_192 = tpu.memref_slice %arg22[%dma_wait3A_187] : memref<5x!tpu.dma_semaphore, #tpu.memory_space<semaphore_mem>> -> memref<1x!tpu.dma_semaphore, #tpu.memory_space<semaphore_mem>>
      %dma_wait3A_193 = tpu.memref_squeeze %dma_wait3A_192 : memref<1x!tpu.dma_semaphore, #tpu.memory_space<semaphore_mem>> -> memref<!tpu.dma_semaphore, #tpu.memory_space<semaphore_mem>>
      tpu.wait_indirect_dma semaphore(%dma_wait3A_193 : memref<!tpu.dma_semaphore, #tpu.memory_space<semaphore_mem>>) src(%dma_wait3A_191 : memref<40000x64xf32, #tpu.memory_space<hbm>>) dst(%arg13 : memref<128x64xf32, #tpu.memory_space<vmem>>)
      %dma_start3A_194 = arith.constant 1 : i32
      %dma_start3A_195 = arith.constant 0 : i32
      %dma_start3A_196 = tpu.memref_slice %arg11[%add3A_184, %dma_start3A_195] : memref<80x128xi32, #tpu.memory_space<vmem>> -> memref<1x128xi32, #tpu.memory_space<vmem>>
      %dma_start3A_197 = tpu.memref_squeeze %dma_start3A_196 : memref<1x128xi32, #tpu.memory_space<vmem>> -> memref<128xi32, #tpu.memory_space<vmem>>
      %dma_start3A_198 = arith.constant 0 : i32
      %dma_start3A_199 = arith.constant 0 : i32
      %dma_start3A_200 = tpu.memref_slice %arg20[%dma_start3A_198, %dma_start3A_199] : memref<10240x64xf32, #tpu.memory_space<vmem_shared>> -> memref<10240x64xf32, #tpu.memory_space<vmem_shared>>
      %dma_start3A_201 = tpu.memref_slice %arg23[%dma_start3A_194] : memref<5x!tpu.dma_semaphore, #tpu.memory_space<semaphore_mem>> -> memref<1x!tpu.dma_semaphore, #tpu.memory_space<semaphore_mem>>
      %dma_start3A_202 = tpu.memref_squeeze %dma_start3A_201 : memref<1x!tpu.dma_semaphore, #tpu.memory_space<semaphore_mem>> -> memref<!tpu.dma_semaphore, #tpu.memory_space<semaphore_mem>>
      tpu.enqueue_indirect_dma source(%arg13 : memref<128x64xf32, #tpu.memory_space<vmem>>) target(%dma_start3A_200 : memref<10240x64xf32, #tpu.memory_space<vmem_shared>>) offsets(%dma_start3A_197 : memref<128xi32, #tpu.memory_space<vmem>>) semaphore(%dma_start3A_202 : memref<!tpu.dma_semaphore, #tpu.memory_space<semaphore_mem>>) {add = true}
      %dma_start3A_203 = arith.constant 0 : i32
      %dma_start3A_204 = tpu.memref_slice %arg11[%add3A_184, %dma_start3A_203] : memref<80x128xi32, #tpu.memory_space<vmem>> -> memref<1x128xi32, #tpu.memory_space<vmem>>
      %dma_start3A_205 = tpu.memref_squeeze %dma_start3A_204 : memref<1x128xi32, #tpu.memory_space<vmem>> -> memref<128xi32, #tpu.memory_space<vmem>>
      %dma_start3A_206 = arith.constant 0 : i32
      %dma_start3A_207 = arith.constant 0 : i32
      %dma_start3A_208 = tpu.memref_slice %arg21[%dma_start3A_206, %dma_start3A_207] : memref<10240x8xf32, #tpu.memory_space<vmem_shared>> -> memref<10240x8xf32, #tpu.memory_space<vmem_shared>>
      tpu.enqueue_indirect_dma source(%arg17 : memref<128x8xf32, #tpu.memory_space<vmem>>) target(%dma_start3A_208 : memref<10240x8xf32, #tpu.memory_space<vmem_shared>>) offsets(%dma_start3A_205 : memref<128xi32, #tpu.memory_space<vmem>>) semaphore(%arg24 : memref<!tpu.dma_semaphore, #tpu.memory_space<semaphore_mem>>) {add = true}
      %mul3A_209 = arith.constant 5 : i32
      %mul3A_210 = arith.muli %scan3A_153, %mul3A_209 : i32
      %add3A_211 = arith.constant 2 : i32
      %add3A_212 = arith.addi %mul3A_210, %add3A_211 : i32
      %mul3A_213 = arith.constant 128 : i32
      %mul3A_214 = arith.muli %add3A_212, %mul3A_213 : i32
      %dma_wait3A_215 = arith.constant 2 : i32
      %dma_wait3A_216 = tpu.memref_slice %arg10[%mul3A_214] : memref<10240xi32, #tpu.memory_space<vmem>> -> memref<128xi32, #tpu.memory_space<vmem>>
      %dma_wait3A_217 = arith.constant 0 : i32
      %dma_wait3A_218 = arith.constant 0 : i32
      %dma_wait3A_219 = tpu.memref_slice %arg2[%dma_wait3A_217, %dma_wait3A_218] : memref<40000x64xf32, #tpu.memory_space<hbm>> -> memref<40000x64xf32, #tpu.memory_space<hbm>>
      %dma_wait3A_220 = tpu.memref_slice %arg22[%dma_wait3A_215] : memref<5x!tpu.dma_semaphore, #tpu.memory_space<semaphore_mem>> -> memref<1x!tpu.dma_semaphore, #tpu.memory_space<semaphore_mem>>
      %dma_wait3A_221 = tpu.memref_squeeze %dma_wait3A_220 : memref<1x!tpu.dma_semaphore, #tpu.memory_space<semaphore_mem>> -> memref<!tpu.dma_semaphore, #tpu.memory_space<semaphore_mem>>
      tpu.wait_indirect_dma semaphore(%dma_wait3A_221 : memref<!tpu.dma_semaphore, #tpu.memory_space<semaphore_mem>>) src(%dma_wait3A_219 : memref<40000x64xf32, #tpu.memory_space<hbm>>) dst(%arg14 : memref<128x64xf32, #tpu.memory_space<vmem>>)
      %dma_start3A_222 = arith.constant 2 : i32
      %dma_start3A_223 = arith.constant 0 : i32
      %dma_start3A_224 = tpu.memref_slice %arg11[%add3A_212, %dma_start3A_223] : memref<80x128xi32, #tpu.memory_space<vmem>> -> memref<1x128xi32, #tpu.memory_space<vmem>>
      %dma_start3A_225 = tpu.memref_squeeze %dma_start3A_224 : memref<1x128xi32, #tpu.memory_space<vmem>> -> memref<128xi32, #tpu.memory_space<vmem>>
      %dma_start3A_226 = arith.constant 0 : i32
      %dma_start3A_227 = arith.constant 0 : i32
      %dma_start3A_228 = tpu.memref_slice %arg20[%dma_start3A_226, %dma_start3A_227] : memref<10240x64xf32, #tpu.memory_space<vmem_shared>> -> memref<10240x64xf32, #tpu.memory_space<vmem_shared>>
      %dma_start3A_229 = tpu.memref_slice %arg23[%dma_start3A_222] : memref<5x!tpu.dma_semaphore, #tpu.memory_space<semaphore_mem>> -> memref<1x!tpu.dma_semaphore, #tpu.memory_space<semaphore_mem>>
      %dma_start3A_230 = tpu.memref_squeeze %dma_start3A_229 : memref<1x!tpu.dma_semaphore, #tpu.memory_space<semaphore_mem>> -> memref<!tpu.dma_semaphore, #tpu.memory_space<semaphore_mem>>
      tpu.enqueue_indirect_dma source(%arg14 : memref<128x64xf32, #tpu.memory_space<vmem>>) target(%dma_start3A_228 : memref<10240x64xf32, #tpu.memory_space<vmem_shared>>) offsets(%dma_start3A_225 : memref<128xi32, #tpu.memory_space<vmem>>) semaphore(%dma_start3A_230 : memref<!tpu.dma_semaphore, #tpu.memory_space<semaphore_mem>>) {add = true}
      %dma_start3A_231 = arith.constant 0 : i32
      %dma_start3A_232 = tpu.memref_slice %arg11[%add3A_212, %dma_start3A_231] : memref<80x128xi32, #tpu.memory_space<vmem>> -> memref<1x128xi32, #tpu.memory_space<vmem>>
      %dma_start3A_233 = tpu.memref_squeeze %dma_start3A_232 : memref<1x128xi32, #tpu.memory_space<vmem>> -> memref<128xi32, #tpu.memory_space<vmem>>
      %dma_start3A_234 = arith.constant 0 : i32
      %dma_start3A_235 = arith.constant 0 : i32
      %dma_start3A_236 = tpu.memref_slice %arg21[%dma_start3A_234, %dma_start3A_235] : memref<10240x8xf32, #tpu.memory_space<vmem_shared>> -> memref<10240x8xf32, #tpu.memory_space<vmem_shared>>
      tpu.enqueue_indirect_dma source(%arg17 : memref<128x8xf32, #tpu.memory_space<vmem>>) target(%dma_start3A_236 : memref<10240x8xf32, #tpu.memory_space<vmem_shared>>) offsets(%dma_start3A_233 : memref<128xi32, #tpu.memory_space<vmem>>) semaphore(%arg24 : memref<!tpu.dma_semaphore, #tpu.memory_space<semaphore_mem>>) {add = true}
      %mul3A_237 = arith.constant 5 : i32
      %mul3A_238 = arith.muli %scan3A_153, %mul3A_237 : i32
      %add3A_239 = arith.constant 3 : i32
      %add3A_240 = arith.addi %mul3A_238, %add3A_239 : i32
      %mul3A_241 = arith.constant 128 : i32
      %mul3A_242 = arith.muli %add3A_240, %mul3A_241 : i32
      %dma_wait3A_243 = arith.constant 3 : i32
      %dma_wait3A_244 = tpu.memref_slice %arg10[%mul3A_242] : memref<10240xi32, #tpu.memory_space<vmem>> -> memref<128xi32, #tpu.memory_space<vmem>>
      %dma_wait3A_245 = arith.constant 0 : i32
      %dma_wait3A_246 = arith.constant 0 : i32
      %dma_wait3A_247 = tpu.memref_slice %arg2[%dma_wait3A_245, %dma_wait3A_246] : memref<40000x64xf32, #tpu.memory_space<hbm>> -> memref<40000x64xf32, #tpu.memory_space<hbm>>
      %dma_wait3A_248 = tpu.memref_slice %arg22[%dma_wait3A_243] : memref<5x!tpu.dma_semaphore, #tpu.memory_space<semaphore_mem>> -> memref<1x!tpu.dma_semaphore, #tpu.memory_space<semaphore_mem>>
      %dma_wait3A_249 = tpu.memref_squeeze %dma_wait3A_248 : memref<1x!tpu.dma_semaphore, #tpu.memory_space<semaphore_mem>> -> memref<!tpu.dma_semaphore, #tpu.memory_space<semaphore_mem>>
      tpu.wait_indirect_dma semaphore(%dma_wait3A_249 : memref<!tpu.dma_semaphore, #tpu.memory_space<semaphore_mem>>) src(%dma_wait3A_247 : memref<40000x64xf32, #tpu.memory_space<hbm>>) dst(%arg15 : memref<128x64xf32, #tpu.memory_space<vmem>>)
      %dma_start3A_250 = arith.constant 3 : i32
      %dma_start3A_251 = arith.constant 0 : i32
      %dma_start3A_252 = tpu.memref_slice %arg11[%add3A_240, %dma_start3A_251] : memref<80x128xi32, #tpu.memory_space<vmem>> -> memref<1x128xi32, #tpu.memory_space<vmem>>
      %dma_start3A_253 = tpu.memref_squeeze %dma_start3A_252 : memref<1x128xi32, #tpu.memory_space<vmem>> -> memref<128xi32, #tpu.memory_space<vmem>>
      %dma_start3A_254 = arith.constant 0 : i32
      %dma_start3A_255 = arith.constant 0 : i32
      %dma_start3A_256 = tpu.memref_slice %arg20[%dma_start3A_254, %dma_start3A_255] : memref<10240x64xf32, #tpu.memory_space<vmem_shared>> -> memref<10240x64xf32, #tpu.memory_space<vmem_shared>>
      %dma_start3A_257 = tpu.memref_slice %arg23[%dma_start3A_250] : memref<5x!tpu.dma_semaphore, #tpu.memory_space<semaphore_mem>> -> memref<1x!tpu.dma_semaphore, #tpu.memory_space<semaphore_mem>>
      %dma_start3A_258 = tpu.memref_squeeze %dma_start3A_257 : memref<1x!tpu.dma_semaphore, #tpu.memory_space<semaphore_mem>> -> memref<!tpu.dma_semaphore, #tpu.memory_space<semaphore_mem>>
      tpu.enqueue_indirect_dma source(%arg15 : memref<128x64xf32, #tpu.memory_space<vmem>>) target(%dma_start3A_256 : memref<10240x64xf32, #tpu.memory_space<vmem_shared>>) offsets(%dma_start3A_253 : memref<128xi32, #tpu.memory_space<vmem>>) semaphore(%dma_start3A_258 : memref<!tpu.dma_semaphore, #tpu.memory_space<semaphore_mem>>) {add = true}
      %dma_start3A_259 = arith.constant 0 : i32
      %dma_start3A_260 = tpu.memref_slice %arg11[%add3A_240, %dma_start3A_259] : memref<80x128xi32, #tpu.memory_space<vmem>> -> memref<1x128xi32, #tpu.memory_space<vmem>>
      %dma_start3A_261 = tpu.memref_squeeze %dma_start3A_260 : memref<1x128xi32, #tpu.memory_space<vmem>> -> memref<128xi32, #tpu.memory_space<vmem>>
      %dma_start3A_262 = arith.constant 0 : i32
      %dma_start3A_263 = arith.constant 0 : i32
      %dma_start3A_264 = tpu.memref_slice %arg21[%dma_start3A_262, %dma_start3A_263] : memref<10240x8xf32, #tpu.memory_space<vmem_shared>> -> memref<10240x8xf32, #tpu.memory_space<vmem_shared>>
      tpu.enqueue_indirect_dma source(%arg17 : memref<128x8xf32, #tpu.memory_space<vmem>>) target(%dma_start3A_264 : memref<10240x8xf32, #tpu.memory_space<vmem_shared>>) offsets(%dma_start3A_261 : memref<128xi32, #tpu.memory_space<vmem>>) semaphore(%arg24 : memref<!tpu.dma_semaphore, #tpu.memory_space<semaphore_mem>>) {add = true}
      %mul3A_265 = arith.constant 5 : i32
      %mul3A_266 = arith.muli %scan3A_153, %mul3A_265 : i32
      %add3A_267 = arith.constant 4 : i32
      %add3A_268 = arith.addi %mul3A_266, %add3A_267 : i32
      %mul3A_269 = arith.constant 128 : i32
      %mul3A_270 = arith.muli %add3A_268, %mul3A_269 : i32
      %dma_wait3A_271 = arith.constant 4 : i32
      %dma_wait3A_272 = tpu.memref_slice %arg10[%mul3A_270] : memref<10240xi32, #tpu.memory_space<vmem>> -> memref<128xi32, #tpu.memory_space<vmem>>
      %dma_wait3A_273 = arith.constant 0 : i32
      %dma_wait3A_274 = arith.constant 0 : i32
      %dma_wait3A_275 = tpu.memref_slice %arg2[%dma_wait3A_273, %dma_wait3A_274] : memref<40000x64xf32, #tpu.memory_space<hbm>> -> memref<40000x64xf32, #tpu.memory_space<hbm>>
      %dma_wait3A_276 = tpu.memref_slice %arg22[%dma_wait3A_271] : memref<5x!tpu.dma_semaphore, #tpu.memory_space<semaphore_mem>> -> memref<1x!tpu.dma_semaphore, #tpu.memory_space<semaphore_mem>>
      %dma_wait3A_277 = tpu.memref_squeeze %dma_wait3A_276 : memref<1x!tpu.dma_semaphore, #tpu.memory_space<semaphore_mem>> -> memref<!tpu.dma_semaphore, #tpu.memory_space<semaphore_mem>>
      tpu.wait_indirect_dma semaphore(%dma_wait3A_277 : memref<!tpu.dma_semaphore, #tpu.memory_space<semaphore_mem>>) src(%dma_wait3A_275 : memref<40000x64xf32, #tpu.memory_space<hbm>>) dst(%arg16 : memref<128x64xf32, #tpu.memory_space<vmem>>)
      %dma_start3A_278 = arith.constant 4 : i32
      %dma_start3A_279 = arith.constant 0 : i32
      %dma_start3A_280 = tpu.memref_slice %arg11[%add3A_268, %dma_start3A_279] : memref<80x128xi32, #tpu.memory_space<vmem>> -> memref<1x128xi32, #tpu.memory_space<vmem>>
      %dma_start3A_281 = tpu.memref_squeeze %dma_start3A_280 : memref<1x128xi32, #tpu.memory_space<vmem>> -> memref<128xi32, #tpu.memory_space<vmem>>
      %dma_start3A_282 = arith.constant 0 : i32
      %dma_start3A_283 = arith.constant 0 : i32
      %dma_start3A_284 = tpu.memref_slice %arg20[%dma_start3A_282, %dma_start3A_283] : memref<10240x64xf32, #tpu.memory_space<vmem_shared>> -> memref<10240x64xf32, #tpu.memory_space<vmem_shared>>
      %dma_start3A_285 = tpu.memref_slice %arg23[%dma_start3A_278] : memref<5x!tpu.dma_semaphore, #tpu.memory_space<semaphore_mem>> -> memref<1x!tpu.dma_semaphore, #tpu.memory_space<semaphore_mem>>
      %dma_start3A_286 = tpu.memref_squeeze %dma_start3A_285 : memref<1x!tpu.dma_semaphore, #tpu.memory_space<semaphore_mem>> -> memref<!tpu.dma_semaphore, #tpu.memory_space<semaphore_mem>>
      tpu.enqueue_indirect_dma source(%arg16 : memref<128x64xf32, #tpu.memory_space<vmem>>) target(%dma_start3A_284 : memref<10240x64xf32, #tpu.memory_space<vmem_shared>>) offsets(%dma_start3A_281 : memref<128xi32, #tpu.memory_space<vmem>>) semaphore(%dma_start3A_286 : memref<!tpu.dma_semaphore, #tpu.memory_space<semaphore_mem>>) {add = true}
      %dma_start3A_287 = arith.constant 0 : i32
      %dma_start3A_288 = tpu.memref_slice %arg11[%add3A_268, %dma_start3A_287] : memref<80x128xi32, #tpu.memory_space<vmem>> -> memref<1x128xi32, #tpu.memory_space<vmem>>
      %dma_start3A_289 = tpu.memref_squeeze %dma_start3A_288 : memref<1x128xi32, #tpu.memory_space<vmem>> -> memref<128xi32, #tpu.memory_space<vmem>>
      %dma_start3A_290 = arith.constant 0 : i32
      %dma_start3A_291 = arith.constant 0 : i32
      %dma_start3A_292 = tpu.memref_slice %arg21[%dma_start3A_290, %dma_start3A_291] : memref<10240x8xf32, #tpu.memory_space<vmem_shared>> -> memref<10240x8xf32, #tpu.memory_space<vmem_shared>>
      tpu.enqueue_indirect_dma source(%arg17 : memref<128x8xf32, #tpu.memory_space<vmem>>) target(%dma_start3A_292 : memref<10240x8xf32, #tpu.memory_space<vmem_shared>>) offsets(%dma_start3A_289 : memref<128xi32, #tpu.memory_space<vmem>>) semaphore(%arg24 : memref<!tpu.dma_semaphore, #tpu.memory_space<semaphore_mem>>) {add = true}
      %mul3A_293 = arith.constant 5 : i32
      %mul3A_294 = arith.muli %scan3A_153, %mul3A_293 : i32
      %add3A_295 = arith.constant 0 : i32
      %add3A_296 = arith.addi %mul3A_294, %add3A_295 : i32
      %dma_wait3A_297 = arith.constant 0 : i32
      %dma_wait3A_298 = arith.constant 0 : i32
      %dma_wait3A_299 = tpu.memref_slice %arg11[%add3A_296, %dma_wait3A_298] : memref<80x128xi32, #tpu.memory_space<vmem>> -> memref<1x128xi32, #tpu.memory_space<vmem>>
      %dma_wait3A_300 = tpu.memref_squeeze %dma_wait3A_299 : memref<1x128xi32, #tpu.memory_space<vmem>> -> memref<128xi32, #tpu.memory_space<vmem>>
      %dma_wait3A_301 = arith.constant 0 : i32
      %dma_wait3A_302 = arith.constant 0 : i32
      %dma_wait3A_303 = tpu.memref_slice %arg20[%dma_wait3A_301, %dma_wait3A_302] : memref<10240x64xf32, #tpu.memory_space<vmem_shared>> -> memref<10240x64xf32, #tpu.memory_space<vmem_shared>>
      %dma_wait3A_304 = tpu.memref_slice %arg23[%dma_wait3A_297] : memref<5x!tpu.dma_semaphore, #tpu.memory_space<semaphore_mem>> -> memref<1x!tpu.dma_semaphore, #tpu.memory_space<semaphore_mem>>
      %dma_wait3A_305 = tpu.memref_squeeze %dma_wait3A_304 : memref<1x!tpu.dma_semaphore, #tpu.memory_space<semaphore_mem>> -> memref<!tpu.dma_semaphore, #tpu.memory_space<semaphore_mem>>
      tpu.wait_indirect_dma semaphore(%dma_wait3A_305 : memref<!tpu.dma_semaphore, #tpu.memory_space<semaphore_mem>>) src(%arg12 : memref<128x64xf32, #tpu.memory_space<vmem>>) dst(%dma_wait3A_303 : memref<10240x64xf32, #tpu.memory_space<vmem_shared>>)
      %lt3A = arith.constant 15 : i32
      %lt3A_306 = arith.cmpi slt, %scan3A_153, %lt3A : i32
      %convert_element_type3A = arith.extui %lt3A_306 : i1 to i32
      %cond3A = arith.constant 0 : i32
      %cond3A_307 = arith.cmpi ne, %convert_element_type3A, %cond3A : i32
      scf.if %cond3A_307 {
        %add3A_380 = arith.constant 5 : i32
        %add3A_381 = arith.addi %add3A_296, %add3A_380 : i32
        %mul3A_382 = arith.constant 128 : i32
        %mul3A_383 = arith.muli %add3A_381, %mul3A_382 : i32
        %dma_start3A_384 = arith.constant 0 : i32
        %dma_start3A_385 = tpu.memref_slice %arg10[%mul3A_383] : memref<10240xi32, #tpu.memory_space<vmem>> -> memref<128xi32, #tpu.memory_space<vmem>>
        %dma_start3A_386 = arith.constant 0 : i32
        %dma_start3A_387 = arith.constant 0 : i32
        %dma_start3A_388 = tpu.memref_slice %arg2[%dma_start3A_386, %dma_start3A_387] : memref<40000x64xf32, #tpu.memory_space<hbm>> -> memref<40000x64xf32, #tpu.memory_space<hbm>>
        %dma_start3A_389 = tpu.memref_slice %arg22[%dma_start3A_384] : memref<5x!tpu.dma_semaphore, #tpu.memory_space<semaphore_mem>> -> memref<1x!tpu.dma_semaphore, #tpu.memory_space<semaphore_mem>>
        %dma_start3A_390 = tpu.memref_squeeze %dma_start3A_389 : memref<1x!tpu.dma_semaphore, #tpu.memory_space<semaphore_mem>> -> memref<!tpu.dma_semaphore, #tpu.memory_space<semaphore_mem>>
        tpu.enqueue_indirect_dma source(%dma_start3A_388 : memref<40000x64xf32, #tpu.memory_space<hbm>>) target(%arg12 : memref<128x64xf32, #tpu.memory_space<vmem>>) offsets(%dma_start3A_385 : memref<128xi32, #tpu.memory_space<vmem>>) semaphore(%dma_start3A_390 : memref<!tpu.dma_semaphore, #tpu.memory_space<semaphore_mem>>)
      } else {
      }
      %mul3A_308 = arith.constant 5 : i32
      %mul3A_309 = arith.muli %scan3A_153, %mul3A_308 : i32
      %add3A_310 = arith.constant 1 : i32
      %add3A_311 = arith.addi %mul3A_309, %add3A_310 : i32
      %dma_wait3A_312 = arith.constant 1 : i32
      %dma_wait3A_313 = arith.constant 0 : i32
      %dma_wait3A_314 = tpu.memref_slice %arg11[%add3A_311, %dma_wait3A_313] : memref<80x128xi32, #tpu.memory_space<vmem>> -> memref<1x128xi32, #tpu.memory_space<vmem>>
      %dma_wait3A_315 = tpu.memref_squeeze %dma_wait3A_314 : memref<1x128xi32, #tpu.memory_space<vmem>> -> memref<128xi32, #tpu.memory_space<vmem>>
      %dma_wait3A_316 = arith.constant 0 : i32
      %dma_wait3A_317 = arith.constant 0 : i32
      %dma_wait3A_318 = tpu.memref_slice %arg20[%dma_wait3A_316, %dma_wait3A_317] : memref<10240x64xf32, #tpu.memory_space<vmem_shared>> -> memref<10240x64xf32, #tpu.memory_space<vmem_shared>>
      %dma_wait3A_319 = tpu.memref_slice %arg23[%dma_wait3A_312] : memref<5x!tpu.dma_semaphore, #tpu.memory_space<semaphore_mem>> -> memref<1x!tpu.dma_semaphore, #tpu.memory_space<semaphore_mem>>
      %dma_wait3A_320 = tpu.memref_squeeze %dma_wait3A_319 : memref<1x!tpu.dma_semaphore, #tpu.memory_space<semaphore_mem>> -> memref<!tpu.dma_semaphore, #tpu.memory_space<semaphore_mem>>
      tpu.wait_indirect_dma semaphore(%dma_wait3A_320 : memref<!tpu.dma_semaphore, #tpu.memory_space<semaphore_mem>>) src(%arg13 : memref<128x64xf32, #tpu.memory_space<vmem>>) dst(%dma_wait3A_318 : memref<10240x64xf32, #tpu.memory_space<vmem_shared>>)
      %lt3A_321 = arith.constant 15 : i32
      %lt3A_322 = arith.cmpi slt, %scan3A_153, %lt3A_321 : i32
      %convert_element_type3A_323 = arith.extui %lt3A_322 : i1 to i32
      %cond3A_324 = arith.constant 0 : i32
      %cond3A_325 = arith.cmpi ne, %convert_element_type3A_323, %cond3A_324 : i32
      scf.if %cond3A_325 {
        %add3A_380 = arith.constant 5 : i32
        %add3A_381 = arith.addi %add3A_311, %add3A_380 : i32
        %mul3A_382 = arith.constant 128 : i32
        %mul3A_383 = arith.muli %add3A_381, %mul3A_382 : i32
        %dma_start3A_384 = arith.constant 1 : i32
        %dma_start3A_385 = tpu.memref_slice %arg10[%mul3A_383] : memref<10240xi32, #tpu.memory_space<vmem>> -> memref<128xi32, #tpu.memory_space<vmem>>
        %dma_start3A_386 = arith.constant 0 : i32
        %dma_start3A_387 = arith.constant 0 : i32
        %dma_start3A_388 = tpu.memref_slice %arg2[%dma_start3A_386, %dma_start3A_387] : memref<40000x64xf32, #tpu.memory_space<hbm>> -> memref<40000x64xf32, #tpu.memory_space<hbm>>
        %dma_start3A_389 = tpu.memref_slice %arg22[%dma_start3A_384] : memref<5x!tpu.dma_semaphore, #tpu.memory_space<semaphore_mem>> -> memref<1x!tpu.dma_semaphore, #tpu.memory_space<semaphore_mem>>
        %dma_start3A_390 = tpu.memref_squeeze %dma_start3A_389 : memref<1x!tpu.dma_semaphore, #tpu.memory_space<semaphore_mem>> -> memref<!tpu.dma_semaphore, #tpu.memory_space<semaphore_mem>>
        tpu.enqueue_indirect_dma source(%dma_start3A_388 : memref<40000x64xf32, #tpu.memory_space<hbm>>) target(%arg13 : memref<128x64xf32, #tpu.memory_space<vmem>>) offsets(%dma_start3A_385 : memref<128xi32, #tpu.memory_space<vmem>>) semaphore(%dma_start3A_390 : memref<!tpu.dma_semaphore, #tpu.memory_space<semaphore_mem>>)
      } else {
      }
      %mul3A_326 = arith.constant 5 : i32
      %mul3A_327 = arith.muli %scan3A_153, %mul3A_326 : i32
      %add3A_328 = arith.constant 2 : i32
      %add3A_329 = arith.addi %mul3A_327, %add3A_328 : i32
      %dma_wait3A_330 = arith.constant 2 : i32
      %dma_wait3A_331 = arith.constant 0 : i32
      %dma_wait3A_332 = tpu.memref_slice %arg11[%add3A_329, %dma_wait3A_331] : memref<80x128xi32, #tpu.memory_space<vmem>> -> memref<1x128xi32, #tpu.memory_space<vmem>>
      %dma_wait3A_333 = tpu.memref_squeeze %dma_wait3A_332 : memref<1x128xi32, #tpu.memory_space<vmem>> -> memref<128xi32, #tpu.memory_space<vmem>>
      %dma_wait3A_334 = arith.constant 0 : i32
      %dma_wait3A_335 = arith.constant 0 : i32
      %dma_wait3A_336 = tpu.memref_slice %arg20[%dma_wait3A_334, %dma_wait3A_335] : memref<10240x64xf32, #tpu.memory_space<vmem_shared>> -> memref<10240x64xf32, #tpu.memory_space<vmem_shared>>
      %dma_wait3A_337 = tpu.memref_slice %arg23[%dma_wait3A_330] : memref<5x!tpu.dma_semaphore, #tpu.memory_space<semaphore_mem>> -> memref<1x!tpu.dma_semaphore, #tpu.memory_space<semaphore_mem>>
      %dma_wait3A_338 = tpu.memref_squeeze %dma_wait3A_337 : memref<1x!tpu.dma_semaphore, #tpu.memory_space<semaphore_mem>> -> memref<!tpu.dma_semaphore, #tpu.memory_space<semaphore_mem>>
      tpu.wait_indirect_dma semaphore(%dma_wait3A_338 : memref<!tpu.dma_semaphore, #tpu.memory_space<semaphore_mem>>) src(%arg14 : memref<128x64xf32, #tpu.memory_space<vmem>>) dst(%dma_wait3A_336 : memref<10240x64xf32, #tpu.memory_space<vmem_shared>>)
      %lt3A_339 = arith.constant 15 : i32
      %lt3A_340 = arith.cmpi slt, %scan3A_153, %lt3A_339 : i32
      %convert_element_type3A_341 = arith.extui %lt3A_340 : i1 to i32
      %cond3A_342 = arith.constant 0 : i32
      %cond3A_343 = arith.cmpi ne, %convert_element_type3A_341, %cond3A_342 : i32
      scf.if %cond3A_343 {
        %add3A_380 = arith.constant 5 : i32
        %add3A_381 = arith.addi %add3A_329, %add3A_380 : i32
        %mul3A_382 = arith.constant 128 : i32
        %mul3A_383 = arith.muli %add3A_381, %mul3A_382 : i32
        %dma_start3A_384 = arith.constant 2 : i32
        %dma_start3A_385 = tpu.memref_slice %arg10[%mul3A_383] : memref<10240xi32, #tpu.memory_space<vmem>> -> memref<128xi32, #tpu.memory_space<vmem>>
        %dma_start3A_386 = arith.constant 0 : i32
        %dma_start3A_387 = arith.constant 0 : i32
        %dma_start3A_388 = tpu.memref_slice %arg2[%dma_start3A_386, %dma_start3A_387] : memref<40000x64xf32, #tpu.memory_space<hbm>> -> memref<40000x64xf32, #tpu.memory_space<hbm>>
        %dma_start3A_389 = tpu.memref_slice %arg22[%dma_start3A_384] : memref<5x!tpu.dma_semaphore, #tpu.memory_space<semaphore_mem>> -> memref<1x!tpu.dma_semaphore, #tpu.memory_space<semaphore_mem>>
        %dma_start3A_390 = tpu.memref_squeeze %dma_start3A_389 : memref<1x!tpu.dma_semaphore, #tpu.memory_space<semaphore_mem>> -> memref<!tpu.dma_semaphore, #tpu.memory_space<semaphore_mem>>
        tpu.enqueue_indirect_dma source(%dma_start3A_388 : memref<40000x64xf32, #tpu.memory_space<hbm>>) target(%arg14 : memref<128x64xf32, #tpu.memory_space<vmem>>) offsets(%dma_start3A_385 : memref<128xi32, #tpu.memory_space<vmem>>) semaphore(%dma_start3A_390 : memref<!tpu.dma_semaphore, #tpu.memory_space<semaphore_mem>>)
      } else {
      }
      %mul3A_344 = arith.constant 5 : i32
      %mul3A_345 = arith.muli %scan3A_153, %mul3A_344 : i32
      %add3A_346 = arith.constant 3 : i32
      %add3A_347 = arith.addi %mul3A_345, %add3A_346 : i32
      %dma_wait3A_348 = arith.constant 3 : i32
      %dma_wait3A_349 = arith.constant 0 : i32
      %dma_wait3A_350 = tpu.memref_slice %arg11[%add3A_347, %dma_wait3A_349] : memref<80x128xi32, #tpu.memory_space<vmem>> -> memref<1x128xi32, #tpu.memory_space<vmem>>
      %dma_wait3A_351 = tpu.memref_squeeze %dma_wait3A_350 : memref<1x128xi32, #tpu.memory_space<vmem>> -> memref<128xi32, #tpu.memory_space<vmem>>
      %dma_wait3A_352 = arith.constant 0 : i32
      %dma_wait3A_353 = arith.constant 0 : i32
      %dma_wait3A_354 = tpu.memref_slice %arg20[%dma_wait3A_352, %dma_wait3A_353] : memref<10240x64xf32, #tpu.memory_space<vmem_shared>> -> memref<10240x64xf32, #tpu.memory_space<vmem_shared>>
      %dma_wait3A_355 = tpu.memref_slice %arg23[%dma_wait3A_348] : memref<5x!tpu.dma_semaphore, #tpu.memory_space<semaphore_mem>> -> memref<1x!tpu.dma_semaphore, #tpu.memory_space<semaphore_mem>>
      %dma_wait3A_356 = tpu.memref_squeeze %dma_wait3A_355 : memref<1x!tpu.dma_semaphore, #tpu.memory_space<semaphore_mem>> -> memref<!tpu.dma_semaphore, #tpu.memory_space<semaphore_mem>>
      tpu.wait_indirect_dma semaphore(%dma_wait3A_356 : memref<!tpu.dma_semaphore, #tpu.memory_space<semaphore_mem>>) src(%arg15 : memref<128x64xf32, #tpu.memory_space<vmem>>) dst(%dma_wait3A_354 : memref<10240x64xf32, #tpu.memory_space<vmem_shared>>)
      %lt3A_357 = arith.constant 15 : i32
      %lt3A_358 = arith.cmpi slt, %scan3A_153, %lt3A_357 : i32
      %convert_element_type3A_359 = arith.extui %lt3A_358 : i1 to i32
      %cond3A_360 = arith.constant 0 : i32
      %cond3A_361 = arith.cmpi ne, %convert_element_type3A_359, %cond3A_360 : i32
      scf.if %cond3A_361 {
        %add3A_380 = arith.constant 5 : i32
        %add3A_381 = arith.addi %add3A_347, %add3A_380 : i32
        %mul3A_382 = arith.constant 128 : i32
        %mul3A_383 = arith.muli %add3A_381, %mul3A_382 : i32
        %dma_start3A_384 = arith.constant 3 : i32
        %dma_start3A_385 = tpu.memref_slice %arg10[%mul3A_383] : memref<10240xi32, #tpu.memory_space<vmem>> -> memref<128xi32, #tpu.memory_space<vmem>>
        %dma_start3A_386 = arith.constant 0 : i32
        %dma_start3A_387 = arith.constant 0 : i32
        %dma_start3A_388 = tpu.memref_slice %arg2[%dma_start3A_386, %dma_start3A_387] : memref<40000x64xf32, #tpu.memory_space<hbm>> -> memref<40000x64xf32, #tpu.memory_space<hbm>>
        %dma_start3A_389 = tpu.memref_slice %arg22[%dma_start3A_384] : memref<5x!tpu.dma_semaphore, #tpu.memory_space<semaphore_mem>> -> memref<1x!tpu.dma_semaphore, #tpu.memory_space<semaphore_mem>>
        %dma_start3A_390 = tpu.memref_squeeze %dma_start3A_389 : memref<1x!tpu.dma_semaphore, #tpu.memory_space<semaphore_mem>> -> memref<!tpu.dma_semaphore, #tpu.memory_space<semaphore_mem>>
        tpu.enqueue_indirect_dma source(%dma_start3A_388 : memref<40000x64xf32, #tpu.memory_space<hbm>>) target(%arg15 : memref<128x64xf32, #tpu.memory_space<vmem>>) offsets(%dma_start3A_385 : memref<128xi32, #tpu.memory_space<vmem>>) semaphore(%dma_start3A_390 : memref<!tpu.dma_semaphore, #tpu.memory_space<semaphore_mem>>)
      } else {
      }
      %mul3A_362 = arith.constant 5 : i32
      %mul3A_363 = arith.muli %scan3A_153, %mul3A_362 : i32
      %add3A_364 = arith.constant 4 : i32
      %add3A_365 = arith.addi %mul3A_363, %add3A_364 : i32
      %dma_wait3A_366 = arith.constant 4 : i32
      %dma_wait3A_367 = arith.constant 0 : i32
      %dma_wait3A_368 = tpu.memref_slice %arg11[%add3A_365, %dma_wait3A_367] : memref<80x128xi32, #tpu.memory_space<vmem>> -> memref<1x128xi32, #tpu.memory_space<vmem>>
      %dma_wait3A_369 = tpu.memref_squeeze %dma_wait3A_368 : memref<1x128xi32, #tpu.memory_space<vmem>> -> memref<128xi32, #tpu.memory_space<vmem>>
      %dma_wait3A_370 = arith.constant 0 : i32
      %dma_wait3A_371 = arith.constant 0 : i32
      %dma_wait3A_372 = tpu.memref_slice %arg20[%dma_wait3A_370, %dma_wait3A_371] : memref<10240x64xf32, #tpu.memory_space<vmem_shared>> -> memref<10240x64xf32, #tpu.memory_space<vmem_shared>>
      %dma_wait3A_373 = tpu.memref_slice %arg23[%dma_wait3A_366] : memref<5x!tpu.dma_semaphore, #tpu.memory_space<semaphore_mem>> -> memref<1x!tpu.dma_semaphore, #tpu.memory_space<semaphore_mem>>
      %dma_wait3A_374 = tpu.memref_squeeze %dma_wait3A_373 : memref<1x!tpu.dma_semaphore, #tpu.memory_space<semaphore_mem>> -> memref<!tpu.dma_semaphore, #tpu.memory_space<semaphore_mem>>
      tpu.wait_indirect_dma semaphore(%dma_wait3A_374 : memref<!tpu.dma_semaphore, #tpu.memory_space<semaphore_mem>>) src(%arg16 : memref<128x64xf32, #tpu.memory_space<vmem>>) dst(%dma_wait3A_372 : memref<10240x64xf32, #tpu.memory_space<vmem_shared>>)
      %lt3A_375 = arith.constant 15 : i32
      %lt3A_376 = arith.cmpi slt, %scan3A_153, %lt3A_375 : i32
      %convert_element_type3A_377 = arith.extui %lt3A_376 : i1 to i32
      %cond3A_378 = arith.constant 0 : i32
      %cond3A_379 = arith.cmpi ne, %convert_element_type3A_377, %cond3A_378 : i32
      scf.if %cond3A_379 {
        %add3A_380 = arith.constant 5 : i32
        %add3A_381 = arith.addi %add3A_365, %add3A_380 : i32
        %mul3A_382 = arith.constant 128 : i32
        %mul3A_383 = arith.muli %add3A_381, %mul3A_382 : i32
        %dma_start3A_384 = arith.constant 4 : i32
        %dma_start3A_385 = tpu.memref_slice %arg10[%mul3A_383] : memref<10240xi32, #tpu.memory_space<vmem>> -> memref<128xi32, #tpu.memory_space<vmem>>
        %dma_start3A_386 = arith.constant 0 : i32
        %dma_start3A_387 = arith.constant 0 : i32
        %dma_start3A_388 = tpu.memref_slice %arg2[%dma_start3A_386, %dma_start3A_387] : memref<40000x64xf32, #tpu.memory_space<hbm>> -> memref<40000x64xf32, #tpu.memory_space<hbm>>
        %dma_start3A_389 = tpu.memref_slice %arg22[%dma_start3A_384] : memref<5x!tpu.dma_semaphore, #tpu.memory_space<semaphore_mem>> -> memref<1x!tpu.dma_semaphore, #tpu.memory_space<semaphore_mem>>
        %dma_start3A_390 = tpu.memref_squeeze %dma_start3A_389 : memref<1x!tpu.dma_semaphore, #tpu.memory_space<semaphore_mem>> -> memref<!tpu.dma_semaphore, #tpu.memory_space<semaphore_mem>>
        tpu.enqueue_indirect_dma source(%dma_start3A_388 : memref<40000x64xf32, #tpu.memory_space<hbm>>) target(%arg16 : memref<128x64xf32, #tpu.memory_space<vmem>>) offsets(%dma_start3A_385 : memref<128xi32, #tpu.memory_space<vmem>>) semaphore(%dma_start3A_390 : memref<!tpu.dma_semaphore, #tpu.memory_space<semaphore_mem>>)
      } else {
      }
    }
    %scan3A_78 = arith.constant 16 : i32
    %scan3A_79 = arith.constant 0 : i32
    %scan3A_80 = arith.constant 0 : i32
    %scan3A_81 = arith.constant 80 : i32
    %scan3A_82 = arith.addi %scan3A_80, %scan3A_81 : i32
    %scan3A_83 = arith.constant 1 : i32
    scf.for %scan3A_153 = %scan3A_80 to %scan3A_82 step %scan3A_83  : i32 {
      %dma_wait3A = arith.constant 0 : i32
      %dma_wait3A_154 = tpu.memref_slice %arg11[%scan3A_153, %dma_wait3A] : memref<80x128xi32, #tpu.memory_space<vmem>> -> memref<1x128xi32, #tpu.memory_space<vmem>>
      %dma_wait3A_155 = tpu.memref_squeeze %dma_wait3A_154 : memref<1x128xi32, #tpu.memory_space<vmem>> -> memref<128xi32, #tpu.memory_space<vmem>>
      %dma_wait3A_156 = arith.constant 0 : i32
      %dma_wait3A_157 = arith.constant 0 : i32
      %dma_wait3A_158 = tpu.memref_slice %arg21[%dma_wait3A_156, %dma_wait3A_157] : memref<10240x8xf32, #tpu.memory_space<vmem_shared>> -> memref<10240x8xf32, #tpu.memory_space<vmem_shared>>
      tpu.wait_indirect_dma semaphore(%arg24 : memref<!tpu.dma_semaphore, #tpu.memory_space<semaphore_mem>>) src(%arg17 : memref<128x8xf32, #tpu.memory_space<vmem>>) dst(%dma_wait3A_158 : memref<10240x8xf32, #tpu.memory_space<vmem_shared>>)
    }
    %scan3A_84 = arith.constant 80 : i32
    %barrier3A_85 = arith.constant 0 : index
    tpu.barrier barrier_id(%barrier3A_85)
    "tpu.region"() ({
      %run_scoped3A = tpu.sem_alloc : memref<!tpu.dma_semaphore, #tpu.memory_space<semaphore_mem>>
      %dma_start3A_153 = arith.constant 0 : i32
      %dma_start3A_154 = tpu.memref_slice %arg8[%add3A_8, %mul3A_0, %dma_start3A_153] : memref<4x10240x64xf32, #tpu.memory_space<hbm>> -> memref<1x640x64xf32, #tpu.memory_space<hbm>>
      %dma_start3A_155 = tpu.memref_squeeze %dma_start3A_154 : memref<1x640x64xf32, #tpu.memory_space<hbm>> -> memref<640x64xf32, #tpu.memory_space<hbm>>
      %dma_start3A_156 = arith.constant 0 : i32
      %dma_start3A_157 = tpu.memref_slice %arg20[%mul3A_0, %dma_start3A_156] : memref<10240x64xf32, #tpu.memory_space<vmem_shared>> -> memref<640x64xf32, #tpu.memory_space<vmem_shared>>
      tpu.enqueue_dma source(%dma_start3A_157 : memref<640x64xf32, #tpu.memory_space<vmem_shared>>) target(%dma_start3A_155 : memref<640x64xf32, #tpu.memory_space<hbm>>) target_semaphore(%run_scoped3A : memref<!tpu.dma_semaphore, #tpu.memory_space<semaphore_mem>>)
      %dma_wait3A = arith.constant 0 : i32
      %dma_wait3A_158 = tpu.memref_slice %arg8[%add3A_8, %mul3A_0, %dma_wait3A] : memref<4x10240x64xf32, #tpu.memory_space<hbm>> -> memref<1x640x64xf32, #tpu.memory_space<hbm>>
      %dma_wait3A_159 = tpu.memref_squeeze %dma_wait3A_158 : memref<1x640x64xf32, #tpu.memory_space<hbm>> -> memref<640x64xf32, #tpu.memory_space<hbm>>
      %dma_wait3A_160 = arith.constant 0 : i32
      %dma_wait3A_161 = tpu.memref_slice %arg20[%mul3A_0, %dma_wait3A_160] : memref<10240x64xf32, #tpu.memory_space<vmem_shared>> -> memref<640x64xf32, #tpu.memory_space<vmem_shared>>
      tpu.wait_dma2 semaphore(%run_scoped3A : memref<!tpu.dma_semaphore, #tpu.memory_space<semaphore_mem>>) src(%dma_wait3A_161 : memref<640x64xf32, #tpu.memory_space<vmem_shared>>) dst(%dma_wait3A_159 : memref<640x64xf32, #tpu.memory_space<hbm>>)
      tpu.yield
    }) : () -> ()
    "tpu.region"() ({
      %run_scoped3A = tpu.sem_alloc : memref<!tpu.dma_semaphore, #tpu.memory_space<semaphore_mem>>
      %dma_start3A_153 = arith.constant 0 : i32
      %dma_start3A_154 = tpu.memref_slice %arg9[%mul3A_0, %dma_start3A_153] : memref<10240x8xf32, #tpu.memory_space<hbm>> -> memref<640x8xf32, #tpu.memory_space<hbm>>
      %dma_start3A_155 = arith.constant 0 : i32
      %dma_start3A_156 = tpu.memref_slice %arg21[%mul3A_0, %dma_start3A_155] : memref<10240x8xf32, #tpu.memory_space<vmem_shared>> -> memref<640x8xf32, #tpu.memory_space<vmem_shared>>
      tpu.enqueue_dma source(%dma_start3A_156 : memref<640x8xf32, #tpu.memory_space<vmem_shared>>) target(%dma_start3A_154 : memref<640x8xf32, #tpu.memory_space<hbm>>) target_semaphore(%run_scoped3A : memref<!tpu.dma_semaphore, #tpu.memory_space<semaphore_mem>>)
      %dma_wait3A = arith.constant 0 : i32
      %dma_wait3A_157 = tpu.memref_slice %arg9[%mul3A_0, %dma_wait3A] : memref<10240x8xf32, #tpu.memory_space<hbm>> -> memref<640x8xf32, #tpu.memory_space<hbm>>
      %dma_wait3A_158 = arith.constant 0 : i32
      %dma_wait3A_159 = tpu.memref_slice %arg21[%mul3A_0, %dma_wait3A_158] : memref<10240x8xf32, #tpu.memory_space<vmem_shared>> -> memref<640x8xf32, #tpu.memory_space<vmem_shared>>
      tpu.wait_dma2 semaphore(%run_scoped3A : memref<!tpu.dma_semaphore, #tpu.memory_space<semaphore_mem>>) src(%dma_wait3A_159 : memref<640x8xf32, #tpu.memory_space<vmem_shared>>) dst(%dma_wait3A_157 : memref<640x8xf32, #tpu.memory_space<hbm>>)
      tpu.yield
    }) : () -> ()
    %mul3A_86 = arith.constant 2 : i32
    %mul3A_87 = arith.muli %arg0, %mul3A_86 : i32
    %add3A_88 = arith.constant 1 : i32
    %add3A_89 = arith.addi %mul3A_87, %add3A_88 : i32
    %mul3A_90 = arith.constant 163840 : i32
    %mul3A_91 = arith.muli %add3A_89, %mul3A_90 : i32
    %mul3A_92 = arith.constant 10240 : i32
    %mul3A_93 = arith.muli %arg1, %mul3A_92 : i32
    %add3A_94 = arith.addi %mul3A_91, %mul3A_93 : i32
    "tpu.region"() ({
      %run_scoped3A = tpu.sem_alloc : memref<!tpu.dma_semaphore, #tpu.memory_space<semaphore_mem>>
      %dma_start3A_153 = tpu.memref_slice %arg3[%add3A_94] : memref<655360xi32, #tpu.memory_space<hbm>> -> memref<10240xi32, #tpu.memory_space<hbm>>
      %dma_start3A_154 = tpu.memref_slice %arg3[%add3A_94] : memref<655360xi32, #tpu.memory_space<hbm>> -> memref<10240xi32, #tpu.memory_space<hbm>>
      tpu.enqueue_dma source(%dma_start3A_154 : memref<10240xi32, #tpu.memory_space<hbm>>) target(%arg10 : memref<10240xi32, #tpu.memory_space<vmem>>) target_semaphore(%run_scoped3A : memref<!tpu.dma_semaphore, #tpu.memory_space<semaphore_mem>>)
      %dma_wait3A = tpu.memref_slice %arg3[%add3A_94] : memref<655360xi32, #tpu.memory_space<hbm>> -> memref<10240xi32, #tpu.memory_space<hbm>>
      %dma_wait3A_155 = tpu.memref_slice %arg3[%add3A_94] : memref<655360xi32, #tpu.memory_space<hbm>> -> memref<10240xi32, #tpu.memory_space<hbm>>
      tpu.wait_dma2 semaphore(%run_scoped3A : memref<!tpu.dma_semaphore, #tpu.memory_space<semaphore_mem>>) src(%dma_wait3A_155 : memref<10240xi32, #tpu.memory_space<hbm>>) dst(%arg10 : memref<10240xi32, #tpu.memory_space<vmem>>)
      tpu.yield
    }) : () -> ()
    %add3A_95 = arith.constant 0 : i32
    %add3A_96 = arith.addi %mul3A_0, %add3A_95 : i32
    "tpu.region"() ({
      %run_scoped3A = tpu.sem_alloc : memref<!tpu.dma_semaphore, #tpu.memory_space<semaphore_mem>>
      %dma_start3A_153 = arith.constant 0 : i32
      %dma_start3A_154 = tpu.memref_slice %arg20[%add3A_96, %dma_start3A_153] : memref<10240x64xf32, #tpu.memory_space<vmem_shared>> -> memref<128x64xf32, #tpu.memory_space<vmem_shared>>
      %dma_start3A_155 = arith.constant 0 : i32
      %dma_start3A_156 = tpu.memref_slice %arg20[%add3A_96, %dma_start3A_155] : memref<10240x64xf32, #tpu.memory_space<vmem_shared>> -> memref<128x64xf32, #tpu.memory_space<vmem_shared>>
      tpu.enqueue_dma source(%arg18 : memref<128x64xf32, #tpu.memory_space<vmem>>) target(%dma_start3A_156 : memref<128x64xf32, #tpu.memory_space<vmem_shared>>) target_semaphore(%run_scoped3A : memref<!tpu.dma_semaphore, #tpu.memory_space<semaphore_mem>>)
      %dma_wait3A = arith.constant 0 : i32
      %dma_wait3A_157 = tpu.memref_slice %arg20[%add3A_96, %dma_wait3A] : memref<10240x64xf32, #tpu.memory_space<vmem_shared>> -> memref<128x64xf32, #tpu.memory_space<vmem_shared>>
      %dma_wait3A_158 = arith.constant 0 : i32
      %dma_wait3A_159 = tpu.memref_slice %arg20[%add3A_96, %dma_wait3A_158] : memref<10240x64xf32, #tpu.memory_space<vmem_shared>> -> memref<128x64xf32, #tpu.memory_space<vmem_shared>>
      tpu.wait_dma2 semaphore(%run_scoped3A : memref<!tpu.dma_semaphore, #tpu.memory_space<semaphore_mem>>) src(%arg18 : memref<128x64xf32, #tpu.memory_space<vmem>>) dst(%dma_wait3A_159 : memref<128x64xf32, #tpu.memory_space<vmem_shared>>)
      tpu.yield
    }) : () -> ()
    %add3A_97 = arith.constant 128 : i32
    %add3A_98 = arith.addi %mul3A_0, %add3A_97 : i32
    "tpu.region"() ({
      %run_scoped3A = tpu.sem_alloc : memref<!tpu.dma_semaphore, #tpu.memory_space<semaphore_mem>>
      %dma_start3A_153 = arith.constant 0 : i32
      %dma_start3A_154 = tpu.memref_slice %arg20[%add3A_98, %dma_start3A_153] : memref<10240x64xf32, #tpu.memory_space<vmem_shared>> -> memref<128x64xf32, #tpu.memory_space<vmem_shared>>
      %dma_start3A_155 = arith.constant 0 : i32
      %dma_start3A_156 = tpu.memref_slice %arg20[%add3A_98, %dma_start3A_155] : memref<10240x64xf32, #tpu.memory_space<vmem_shared>> -> memref<128x64xf32, #tpu.memory_space<vmem_shared>>
      tpu.enqueue_dma source(%arg18 : memref<128x64xf32, #tpu.memory_space<vmem>>) target(%dma_start3A_156 : memref<128x64xf32, #tpu.memory_space<vmem_shared>>) target_semaphore(%run_scoped3A : memref<!tpu.dma_semaphore, #tpu.memory_space<semaphore_mem>>)
      %dma_wait3A = arith.constant 0 : i32
      %dma_wait3A_157 = tpu.memref_slice %arg20[%add3A_98, %dma_wait3A] : memref<10240x64xf32, #tpu.memory_space<vmem_shared>> -> memref<128x64xf32, #tpu.memory_space<vmem_shared>>
      %dma_wait3A_158 = arith.constant 0 : i32
      %dma_wait3A_159 = tpu.memref_slice %arg20[%add3A_98, %dma_wait3A_158] : memref<10240x64xf32, #tpu.memory_space<vmem_shared>> -> memref<128x64xf32, #tpu.memory_space<vmem_shared>>
      tpu.wait_dma2 semaphore(%run_scoped3A : memref<!tpu.dma_semaphore, #tpu.memory_space<semaphore_mem>>) src(%arg18 : memref<128x64xf32, #tpu.memory_space<vmem>>) dst(%dma_wait3A_159 : memref<128x64xf32, #tpu.memory_space<vmem_shared>>)
      tpu.yield
    }) : () -> ()
    %add3A_99 = arith.constant 256 : i32
    %add3A_100 = arith.addi %mul3A_0, %add3A_99 : i32
    "tpu.region"() ({
      %run_scoped3A = tpu.sem_alloc : memref<!tpu.dma_semaphore, #tpu.memory_space<semaphore_mem>>
      %dma_start3A_153 = arith.constant 0 : i32
      %dma_start3A_154 = tpu.memref_slice %arg20[%add3A_100, %dma_start3A_153] : memref<10240x64xf32, #tpu.memory_space<vmem_shared>> -> memref<128x64xf32, #tpu.memory_space<vmem_shared>>
      %dma_start3A_155 = arith.constant 0 : i32
      %dma_start3A_156 = tpu.memref_slice %arg20[%add3A_100, %dma_start3A_155] : memref<10240x64xf32, #tpu.memory_space<vmem_shared>> -> memref<128x64xf32, #tpu.memory_space<vmem_shared>>
      tpu.enqueue_dma source(%arg18 : memref<128x64xf32, #tpu.memory_space<vmem>>) target(%dma_start3A_156 : memref<128x64xf32, #tpu.memory_space<vmem_shared>>) target_semaphore(%run_scoped3A : memref<!tpu.dma_semaphore, #tpu.memory_space<semaphore_mem>>)
      %dma_wait3A = arith.constant 0 : i32
      %dma_wait3A_157 = tpu.memref_slice %arg20[%add3A_100, %dma_wait3A] : memref<10240x64xf32, #tpu.memory_space<vmem_shared>> -> memref<128x64xf32, #tpu.memory_space<vmem_shared>>
      %dma_wait3A_158 = arith.constant 0 : i32
      %dma_wait3A_159 = tpu.memref_slice %arg20[%add3A_100, %dma_wait3A_158] : memref<10240x64xf32, #tpu.memory_space<vmem_shared>> -> memref<128x64xf32, #tpu.memory_space<vmem_shared>>
      tpu.wait_dma2 semaphore(%run_scoped3A : memref<!tpu.dma_semaphore, #tpu.memory_space<semaphore_mem>>) src(%arg18 : memref<128x64xf32, #tpu.memory_space<vmem>>) dst(%dma_wait3A_159 : memref<128x64xf32, #tpu.memory_space<vmem_shared>>)
      tpu.yield
    }) : () -> ()
    %add3A_101 = arith.constant 384 : i32
    %add3A_102 = arith.addi %mul3A_0, %add3A_101 : i32
    "tpu.region"() ({
      %run_scoped3A = tpu.sem_alloc : memref<!tpu.dma_semaphore, #tpu.memory_space<semaphore_mem>>
      %dma_start3A_153 = arith.constant 0 : i32
      %dma_start3A_154 = tpu.memref_slice %arg20[%add3A_102, %dma_start3A_153] : memref<10240x64xf32, #tpu.memory_space<vmem_shared>> -> memref<128x64xf32, #tpu.memory_space<vmem_shared>>
      %dma_start3A_155 = arith.constant 0 : i32
      %dma_start3A_156 = tpu.memref_slice %arg20[%add3A_102, %dma_start3A_155] : memref<10240x64xf32, #tpu.memory_space<vmem_shared>> -> memref<128x64xf32, #tpu.memory_space<vmem_shared>>
      tpu.enqueue_dma source(%arg18 : memref<128x64xf32, #tpu.memory_space<vmem>>) target(%dma_start3A_156 : memref<128x64xf32, #tpu.memory_space<vmem_shared>>) target_semaphore(%run_scoped3A : memref<!tpu.dma_semaphore, #tpu.memory_space<semaphore_mem>>)
      %dma_wait3A = arith.constant 0 : i32
      %dma_wait3A_157 = tpu.memref_slice %arg20[%add3A_102, %dma_wait3A] : memref<10240x64xf32, #tpu.memory_space<vmem_shared>> -> memref<128x64xf32, #tpu.memory_space<vmem_shared>>
      %dma_wait3A_158 = arith.constant 0 : i32
      %dma_wait3A_159 = tpu.memref_slice %arg20[%add3A_102, %dma_wait3A_158] : memref<10240x64xf32, #tpu.memory_space<vmem_shared>> -> memref<128x64xf32, #tpu.memory_space<vmem_shared>>
      tpu.wait_dma2 semaphore(%run_scoped3A : memref<!tpu.dma_semaphore, #tpu.memory_space<semaphore_mem>>) src(%arg18 : memref<128x64xf32, #tpu.memory_space<vmem>>) dst(%dma_wait3A_159 : memref<128x64xf32, #tpu.memory_space<vmem_shared>>)
      tpu.yield
    }) : () -> ()
    %add3A_103 = arith.constant 512 : i32
    %add3A_104 = arith.addi %mul3A_0, %add3A_103 : i32
    "tpu.region"() ({
      %run_scoped3A = tpu.sem_alloc : memref<!tpu.dma_semaphore, #tpu.memory_space<semaphore_mem>>
      %dma_start3A_153 = arith.constant 0 : i32
      %dma_start3A_154 = tpu.memref_slice %arg20[%add3A_104, %dma_start3A_153] : memref<10240x64xf32, #tpu.memory_space<vmem_shared>> -> memref<128x64xf32, #tpu.memory_space<vmem_shared>>
      %dma_start3A_155 = arith.constant 0 : i32
      %dma_start3A_156 = tpu.memref_slice %arg20[%add3A_104, %dma_start3A_155] : memref<10240x64xf32, #tpu.memory_space<vmem_shared>> -> memref<128x64xf32, #tpu.memory_space<vmem_shared>>
      tpu.enqueue_dma source(%arg18 : memref<128x64xf32, #tpu.memory_space<vmem>>) target(%dma_start3A_156 : memref<128x64xf32, #tpu.memory_space<vmem_shared>>) target_semaphore(%run_scoped3A : memref<!tpu.dma_semaphore, #tpu.memory_space<semaphore_mem>>)
      %dma_wait3A = arith.constant 0 : i32
      %dma_wait3A_157 = tpu.memref_slice %arg20[%add3A_104, %dma_wait3A] : memref<10240x64xf32, #tpu.memory_space<vmem_shared>> -> memref<128x64xf32, #tpu.memory_space<vmem_shared>>
      %dma_wait3A_158 = arith.constant 0 : i32
      %dma_wait3A_159 = tpu.memref_slice %arg20[%add3A_104, %dma_wait3A_158] : memref<10240x64xf32, #tpu.memory_space<vmem_shared>> -> memref<128x64xf32, #tpu.memory_space<vmem_shared>>
      tpu.wait_dma2 semaphore(%run_scoped3A : memref<!tpu.dma_semaphore, #tpu.memory_space<semaphore_mem>>) src(%arg18 : memref<128x64xf32, #tpu.memory_space<vmem>>) dst(%dma_wait3A_159 : memref<128x64xf32, #tpu.memory_space<vmem_shared>>)
      tpu.yield
    }) : () -> ()
    %barrier3A_105 = arith.constant 0 : index
    tpu.barrier barrier_id(%barrier3A_105)
    %dma_start3A_106 = arith.constant 0 : i32
    %dma_start3A_107 = arith.constant 0 : i32
    %dma_start3A_108 = tpu.memref_slice %arg10[%dma_start3A_107] : memref<10240xi32, #tpu.memory_space<vmem>> -> memref<128xi32, #tpu.memory_space<vmem>>
    %dma_start3A_109 = arith.constant 0 : i32
    %dma_start3A_110 = arith.constant 0 : i32
    %dma_start3A_111 = tpu.memref_slice %arg2[%dma_start3A_109, %dma_start3A_110] : memref<40000x64xf32, #tpu.memory_space<hbm>> -> memref<40000x64xf32, #tpu.memory_space<hbm>>
    %dma_start3A_112 = tpu.memref_slice %arg22[%dma_start3A_106] : memref<5x!tpu.dma_semaphore, #tpu.memory_space<semaphore_mem>> -> memref<1x!tpu.dma_semaphore, #tpu.memory_space<semaphore_mem>>
    %dma_start3A_113 = tpu.memref_squeeze %dma_start3A_112 : memref<1x!tpu.dma_semaphore, #tpu.memory_space<semaphore_mem>> -> memref<!tpu.dma_semaphore, #tpu.memory_space<semaphore_mem>>
    tpu.enqueue_indirect_dma source(%dma_start3A_111 : memref<40000x64xf32, #tpu.memory_space<hbm>>) target(%arg12 : memref<128x64xf32, #tpu.memory_space<vmem>>) offsets(%dma_start3A_108 : memref<128xi32, #tpu.memory_space<vmem>>) semaphore(%dma_start3A_113 : memref<!tpu.dma_semaphore, #tpu.memory_space<semaphore_mem>>)
    %dma_start3A_114 = arith.constant 1 : i32
    %dma_start3A_115 = arith.constant 128 : i32
    %dma_start3A_116 = tpu.memref_slice %arg10[%dma_start3A_115] : memref<10240xi32, #tpu.memory_space<vmem>> -> memref<128xi32, #tpu.memory_space<vmem>>
    %dma_start3A_117 = arith.constant 0 : i32
    %dma_start3A_118 = arith.constant 0 : i32
    %dma_start3A_119 = tpu.memref_slice %arg2[%dma_start3A_117, %dma_start3A_118] : memref<40000x64xf32, #tpu.memory_space<hbm>> -> memref<40000x64xf32, #tpu.memory_space<hbm>>
    %dma_start3A_120 = tpu.memref_slice %arg22[%dma_start3A_114] : memref<5x!tpu.dma_semaphore, #tpu.memory_space<semaphore_mem>> -> memref<1x!tpu.dma_semaphore, #tpu.memory_space<semaphore_mem>>
    %dma_start3A_121 = tpu.memref_squeeze %dma_start3A_120 : memref<1x!tpu.dma_semaphore, #tpu.memory_space<semaphore_mem>> -> memref<!tpu.dma_semaphore, #tpu.memory_space<semaphore_mem>>
    tpu.enqueue_indirect_dma source(%dma_start3A_119 : memref<40000x64xf32, #tpu.memory_space<hbm>>) target(%arg13 : memref<128x64xf32, #tpu.memory_space<vmem>>) offsets(%dma_start3A_116 : memref<128xi32, #tpu.memory_space<vmem>>) semaphore(%dma_start3A_121 : memref<!tpu.dma_semaphore, #tpu.memory_space<semaphore_mem>>)
    %dma_start3A_122 = arith.constant 2 : i32
    %dma_start3A_123 = arith.constant 256 : i32
    %dma_start3A_124 = tpu.memref_slice %arg10[%dma_start3A_123] : memref<10240xi32, #tpu.memory_space<vmem>> -> memref<128xi32, #tpu.memory_space<vmem>>
    %dma_start3A_125 = arith.constant 0 : i32
    %dma_start3A_126 = arith.constant 0 : i32
    %dma_start3A_127 = tpu.memref_slice %arg2[%dma_start3A_125, %dma_start3A_126] : memref<40000x64xf32, #tpu.memory_space<hbm>> -> memref<40000x64xf32, #tpu.memory_space<hbm>>
    %dma_start3A_128 = tpu.memref_slice %arg22[%dma_start3A_122] : memref<5x!tpu.dma_semaphore, #tpu.memory_space<semaphore_mem>> -> memref<1x!tpu.dma_semaphore, #tpu.memory_space<semaphore_mem>>
    %dma_start3A_129 = tpu.memref_squeeze %dma_start3A_128 : memref<1x!tpu.dma_semaphore, #tpu.memory_space<semaphore_mem>> -> memref<!tpu.dma_semaphore, #tpu.memory_space<semaphore_mem>>
    tpu.enqueue_indirect_dma source(%dma_start3A_127 : memref<40000x64xf32, #tpu.memory_space<hbm>>) target(%arg14 : memref<128x64xf32, #tpu.memory_space<vmem>>) offsets(%dma_start3A_124 : memref<128xi32, #tpu.memory_space<vmem>>) semaphore(%dma_start3A_129 : memref<!tpu.dma_semaphore, #tpu.memory_space<semaphore_mem>>)
    %dma_start3A_130 = arith.constant 3 : i32
    %dma_start3A_131 = arith.constant 384 : i32
    %dma_start3A_132 = tpu.memref_slice %arg10[%dma_start3A_131] : memref<10240xi32, #tpu.memory_space<vmem>> -> memref<128xi32, #tpu.memory_space<vmem>>
    %dma_start3A_133 = arith.constant 0 : i32
    %dma_start3A_134 = arith.constant 0 : i32
    %dma_start3A_135 = tpu.memref_slice %arg2[%dma_start3A_133, %dma_start3A_134] : memref<40000x64xf32, #tpu.memory_space<hbm>> -> memref<40000x64xf32, #tpu.memory_space<hbm>>
    %dma_start3A_136 = tpu.memref_slice %arg22[%dma_start3A_130] : memref<5x!tpu.dma_semaphore, #tpu.memory_space<semaphore_mem>> -> memref<1x!tpu.dma_semaphore, #tpu.memory_space<semaphore_mem>>
    %dma_start3A_137 = tpu.memref_squeeze %dma_start3A_136 : memref<1x!tpu.dma_semaphore, #tpu.memory_space<semaphore_mem>> -> memref<!tpu.dma_semaphore, #tpu.memory_space<semaphore_mem>>
    tpu.enqueue_indirect_dma source(%dma_start3A_135 : memref<40000x64xf32, #tpu.memory_space<hbm>>) target(%arg15 : memref<128x64xf32, #tpu.memory_space<vmem>>) offsets(%dma_start3A_132 : memref<128xi32, #tpu.memory_space<vmem>>) semaphore(%dma_start3A_137 : memref<!tpu.dma_semaphore, #tpu.memory_space<semaphore_mem>>)
    %dma_start3A_138 = arith.constant 4 : i32
    %dma_start3A_139 = arith.constant 512 : i32
    %dma_start3A_140 = tpu.memref_slice %arg10[%dma_start3A_139] : memref<10240xi32, #tpu.memory_space<vmem>> -> memref<128xi32, #tpu.memory_space<vmem>>
    %dma_start3A_141 = arith.constant 0 : i32
    %dma_start3A_142 = arith.constant 0 : i32
    %dma_start3A_143 = tpu.memref_slice %arg2[%dma_start3A_141, %dma_start3A_142] : memref<40000x64xf32, #tpu.memory_space<hbm>> -> memref<40000x64xf32, #tpu.memory_space<hbm>>
    %dma_start3A_144 = tpu.memref_slice %arg22[%dma_start3A_138] : memref<5x!tpu.dma_semaphore, #tpu.memory_space<semaphore_mem>> -> memref<1x!tpu.dma_semaphore, #tpu.memory_space<semaphore_mem>>
    %dma_start3A_145 = tpu.memref_squeeze %dma_start3A_144 : memref<1x!tpu.dma_semaphore, #tpu.memory_space<semaphore_mem>> -> memref<!tpu.dma_semaphore, #tpu.memory_space<semaphore_mem>>
    tpu.enqueue_indirect_dma source(%dma_start3A_143 : memref<40000x64xf32, #tpu.memory_space<hbm>>) target(%arg16 : memref<128x64xf32, #tpu.memory_space<vmem>>) offsets(%dma_start3A_140 : memref<128xi32, #tpu.memory_space<vmem>>) semaphore(%dma_start3A_145 : memref<!tpu.dma_semaphore, #tpu.memory_space<semaphore_mem>>)
    %scan3A_146 = arith.constant 0 : i32
    %scan3A_147 = arith.constant 0 : i32
    %scan3A_148 = arith.constant 16 : i32
    %scan3A_149 = arith.addi %scan3A_147, %scan3A_148 : i32
    %scan3A_150 = arith.constant 1 : i32
    scf.for %scan3A_153 = %scan3A_147 to %scan3A_149 step %scan3A_150  : i32 {
      %mul3A_154 = arith.constant 5 : i32
      %mul3A_155 = arith.muli %scan3A_153, %mul3A_154 : i32
      %add3A_156 = arith.constant 0 : i32
      %add3A_157 = arith.addi %mul3A_155, %add3A_156 : i32
      %mul3A_158 = arith.constant 128 : i32
      %mul3A_159 = arith.muli %add3A_157, %mul3A_158 : i32
      %dma_wait3A = arith.constant 0 : i32
      %dma_wait3A_160 = tpu.memref_slice %arg10[%mul3A_159] : memref<10240xi32, #tpu.memory_space<vmem>> -> memref<128xi32, #tpu.memory_space<vmem>>
      %dma_wait3A_161 = arith.constant 0 : i32
      %dma_wait3A_162 = arith.constant 0 : i32
      %dma_wait3A_163 = tpu.memref_slice %arg2[%dma_wait3A_161, %dma_wait3A_162] : memref<40000x64xf32, #tpu.memory_space<hbm>> -> memref<40000x64xf32, #tpu.memory_space<hbm>>
      %dma_wait3A_164 = tpu.memref_slice %arg22[%dma_wait3A] : memref<5x!tpu.dma_semaphore, #tpu.memory_space<semaphore_mem>> -> memref<1x!tpu.dma_semaphore, #tpu.memory_space<semaphore_mem>>
      %dma_wait3A_165 = tpu.memref_squeeze %dma_wait3A_164 : memref<1x!tpu.dma_semaphore, #tpu.memory_space<semaphore_mem>> -> memref<!tpu.dma_semaphore, #tpu.memory_space<semaphore_mem>>
      tpu.wait_indirect_dma semaphore(%dma_wait3A_165 : memref<!tpu.dma_semaphore, #tpu.memory_space<semaphore_mem>>) src(%dma_wait3A_163 : memref<40000x64xf32, #tpu.memory_space<hbm>>) dst(%arg12 : memref<128x64xf32, #tpu.memory_space<vmem>>)
      %dma_start3A_166 = arith.constant 0 : i32
      %dma_start3A_167 = arith.constant 0 : i32
      %dma_start3A_168 = tpu.memref_slice %arg11[%add3A_157, %dma_start3A_167] : memref<80x128xi32, #tpu.memory_space<vmem>> -> memref<1x128xi32, #tpu.memory_space<vmem>>
      %dma_start3A_169 = tpu.memref_squeeze %dma_start3A_168 : memref<1x128xi32, #tpu.memory_space<vmem>> -> memref<128xi32, #tpu.memory_space<vmem>>
      %dma_start3A_170 = arith.constant 0 : i32
      %dma_start3A_171 = arith.constant 0 : i32
      %dma_start3A_172 = tpu.memref_slice %arg20[%dma_start3A_170, %dma_start3A_171] : memref<10240x64xf32, #tpu.memory_space<vmem_shared>> -> memref<10240x64xf32, #tpu.memory_space<vmem_shared>>
      %dma_start3A_173 = tpu.memref_slice %arg23[%dma_start3A_166] : memref<5x!tpu.dma_semaphore, #tpu.memory_space<semaphore_mem>> -> memref<1x!tpu.dma_semaphore, #tpu.memory_space<semaphore_mem>>
      %dma_start3A_174 = tpu.memref_squeeze %dma_start3A_173 : memref<1x!tpu.dma_semaphore, #tpu.memory_space<semaphore_mem>> -> memref<!tpu.dma_semaphore, #tpu.memory_space<semaphore_mem>>
      tpu.enqueue_indirect_dma source(%arg12 : memref<128x64xf32, #tpu.memory_space<vmem>>) target(%dma_start3A_172 : memref<10240x64xf32, #tpu.memory_space<vmem_shared>>) offsets(%dma_start3A_169 : memref<128xi32, #tpu.memory_space<vmem>>) semaphore(%dma_start3A_174 : memref<!tpu.dma_semaphore, #tpu.memory_space<semaphore_mem>>) {add = true}
      %mul3A_175 = arith.constant 5 : i32
      %mul3A_176 = arith.muli %scan3A_153, %mul3A_175 : i32
      %add3A_177 = arith.constant 1 : i32
      %add3A_178 = arith.addi %mul3A_176, %add3A_177 : i32
      %mul3A_179 = arith.constant 128 : i32
      %mul3A_180 = arith.muli %add3A_178, %mul3A_179 : i32
      %dma_wait3A_181 = arith.constant 1 : i32
      %dma_wait3A_182 = tpu.memref_slice %arg10[%mul3A_180] : memref<10240xi32, #tpu.memory_space<vmem>> -> memref<128xi32, #tpu.memory_space<vmem>>
      %dma_wait3A_183 = arith.constant 0 : i32
      %dma_wait3A_184 = arith.constant 0 : i32
      %dma_wait3A_185 = tpu.memref_slice %arg2[%dma_wait3A_183, %dma_wait3A_184] : memref<40000x64xf32, #tpu.memory_space<hbm>> -> memref<40000x64xf32, #tpu.memory_space<hbm>>
      %dma_wait3A_186 = tpu.memref_slice %arg22[%dma_wait3A_181] : memref<5x!tpu.dma_semaphore, #tpu.memory_space<semaphore_mem>> -> memref<1x!tpu.dma_semaphore, #tpu.memory_space<semaphore_mem>>
      %dma_wait3A_187 = tpu.memref_squeeze %dma_wait3A_186 : memref<1x!tpu.dma_semaphore, #tpu.memory_space<semaphore_mem>> -> memref<!tpu.dma_semaphore, #tpu.memory_space<semaphore_mem>>
      tpu.wait_indirect_dma semaphore(%dma_wait3A_187 : memref<!tpu.dma_semaphore, #tpu.memory_space<semaphore_mem>>) src(%dma_wait3A_185 : memref<40000x64xf32, #tpu.memory_space<hbm>>) dst(%arg13 : memref<128x64xf32, #tpu.memory_space<vmem>>)
      %dma_start3A_188 = arith.constant 1 : i32
      %dma_start3A_189 = arith.constant 0 : i32
      %dma_start3A_190 = tpu.memref_slice %arg11[%add3A_178, %dma_start3A_189] : memref<80x128xi32, #tpu.memory_space<vmem>> -> memref<1x128xi32, #tpu.memory_space<vmem>>
      %dma_start3A_191 = tpu.memref_squeeze %dma_start3A_190 : memref<1x128xi32, #tpu.memory_space<vmem>> -> memref<128xi32, #tpu.memory_space<vmem>>
      %dma_start3A_192 = arith.constant 0 : i32
      %dma_start3A_193 = arith.constant 0 : i32
      %dma_start3A_194 = tpu.memref_slice %arg20[%dma_start3A_192, %dma_start3A_193] : memref<10240x64xf32, #tpu.memory_space<vmem_shared>> -> memref<10240x64xf32, #tpu.memory_space<vmem_shared>>
      %dma_start3A_195 = tpu.memref_slice %arg23[%dma_start3A_188] : memref<5x!tpu.dma_semaphore, #tpu.memory_space<semaphore_mem>> -> memref<1x!tpu.dma_semaphore, #tpu.memory_space<semaphore_mem>>
      %dma_start3A_196 = tpu.memref_squeeze %dma_start3A_195 : memref<1x!tpu.dma_semaphore, #tpu.memory_space<semaphore_mem>> -> memref<!tpu.dma_semaphore, #tpu.memory_space<semaphore_mem>>
      tpu.enqueue_indirect_dma source(%arg13 : memref<128x64xf32, #tpu.memory_space<vmem>>) target(%dma_start3A_194 : memref<10240x64xf32, #tpu.memory_space<vmem_shared>>) offsets(%dma_start3A_191 : memref<128xi32, #tpu.memory_space<vmem>>) semaphore(%dma_start3A_196 : memref<!tpu.dma_semaphore, #tpu.memory_space<semaphore_mem>>) {add = true}
      %mul3A_197 = arith.constant 5 : i32
      %mul3A_198 = arith.muli %scan3A_153, %mul3A_197 : i32
      %add3A_199 = arith.constant 2 : i32
      %add3A_200 = arith.addi %mul3A_198, %add3A_199 : i32
      %mul3A_201 = arith.constant 128 : i32
      %mul3A_202 = arith.muli %add3A_200, %mul3A_201 : i32
      %dma_wait3A_203 = arith.constant 2 : i32
      %dma_wait3A_204 = tpu.memref_slice %arg10[%mul3A_202] : memref<10240xi32, #tpu.memory_space<vmem>> -> memref<128xi32, #tpu.memory_space<vmem>>
      %dma_wait3A_205 = arith.constant 0 : i32
      %dma_wait3A_206 = arith.constant 0 : i32
      %dma_wait3A_207 = tpu.memref_slice %arg2[%dma_wait3A_205, %dma_wait3A_206] : memref<40000x64xf32, #tpu.memory_space<hbm>> -> memref<40000x64xf32, #tpu.memory_space<hbm>>
      %dma_wait3A_208 = tpu.memref_slice %arg22[%dma_wait3A_203] : memref<5x!tpu.dma_semaphore, #tpu.memory_space<semaphore_mem>> -> memref<1x!tpu.dma_semaphore, #tpu.memory_space<semaphore_mem>>
      %dma_wait3A_209 = tpu.memref_squeeze %dma_wait3A_208 : memref<1x!tpu.dma_semaphore, #tpu.memory_space<semaphore_mem>> -> memref<!tpu.dma_semaphore, #tpu.memory_space<semaphore_mem>>
      tpu.wait_indirect_dma semaphore(%dma_wait3A_209 : memref<!tpu.dma_semaphore, #tpu.memory_space<semaphore_mem>>) src(%dma_wait3A_207 : memref<40000x64xf32, #tpu.memory_space<hbm>>) dst(%arg14 : memref<128x64xf32, #tpu.memory_space<vmem>>)
      %dma_start3A_210 = arith.constant 2 : i32
      %dma_start3A_211 = arith.constant 0 : i32
      %dma_start3A_212 = tpu.memref_slice %arg11[%add3A_200, %dma_start3A_211] : memref<80x128xi32, #tpu.memory_space<vmem>> -> memref<1x128xi32, #tpu.memory_space<vmem>>
      %dma_start3A_213 = tpu.memref_squeeze %dma_start3A_212 : memref<1x128xi32, #tpu.memory_space<vmem>> -> memref<128xi32, #tpu.memory_space<vmem>>
      %dma_start3A_214 = arith.constant 0 : i32
      %dma_start3A_215 = arith.constant 0 : i32
      %dma_start3A_216 = tpu.memref_slice %arg20[%dma_start3A_214, %dma_start3A_215] : memref<10240x64xf32, #tpu.memory_space<vmem_shared>> -> memref<10240x64xf32, #tpu.memory_space<vmem_shared>>
      %dma_start3A_217 = tpu.memref_slice %arg23[%dma_start3A_210] : memref<5x!tpu.dma_semaphore, #tpu.memory_space<semaphore_mem>> -> memref<1x!tpu.dma_semaphore, #tpu.memory_space<semaphore_mem>>
      %dma_start3A_218 = tpu.memref_squeeze %dma_start3A_217 : memref<1x!tpu.dma_semaphore, #tpu.memory_space<semaphore_mem>> -> memref<!tpu.dma_semaphore, #tpu.memory_space<semaphore_mem>>
      tpu.enqueue_indirect_dma source(%arg14 : memref<128x64xf32, #tpu.memory_space<vmem>>) target(%dma_start3A_216 : memref<10240x64xf32, #tpu.memory_space<vmem_shared>>) offsets(%dma_start3A_213 : memref<128xi32, #tpu.memory_space<vmem>>) semaphore(%dma_start3A_218 : memref<!tpu.dma_semaphore, #tpu.memory_space<semaphore_mem>>) {add = true}
      %mul3A_219 = arith.constant 5 : i32
      %mul3A_220 = arith.muli %scan3A_153, %mul3A_219 : i32
      %add3A_221 = arith.constant 3 : i32
      %add3A_222 = arith.addi %mul3A_220, %add3A_221 : i32
      %mul3A_223 = arith.constant 128 : i32
      %mul3A_224 = arith.muli %add3A_222, %mul3A_223 : i32
      %dma_wait3A_225 = arith.constant 3 : i32
      %dma_wait3A_226 = tpu.memref_slice %arg10[%mul3A_224] : memref<10240xi32, #tpu.memory_space<vmem>> -> memref<128xi32, #tpu.memory_space<vmem>>
      %dma_wait3A_227 = arith.constant 0 : i32
      %dma_wait3A_228 = arith.constant 0 : i32
      %dma_wait3A_229 = tpu.memref_slice %arg2[%dma_wait3A_227, %dma_wait3A_228] : memref<40000x64xf32, #tpu.memory_space<hbm>> -> memref<40000x64xf32, #tpu.memory_space<hbm>>
      %dma_wait3A_230 = tpu.memref_slice %arg22[%dma_wait3A_225] : memref<5x!tpu.dma_semaphore, #tpu.memory_space<semaphore_mem>> -> memref<1x!tpu.dma_semaphore, #tpu.memory_space<semaphore_mem>>
      %dma_wait3A_231 = tpu.memref_squeeze %dma_wait3A_230 : memref<1x!tpu.dma_semaphore, #tpu.memory_space<semaphore_mem>> -> memref<!tpu.dma_semaphore, #tpu.memory_space<semaphore_mem>>
      tpu.wait_indirect_dma semaphore(%dma_wait3A_231 : memref<!tpu.dma_semaphore, #tpu.memory_space<semaphore_mem>>) src(%dma_wait3A_229 : memref<40000x64xf32, #tpu.memory_space<hbm>>) dst(%arg15 : memref<128x64xf32, #tpu.memory_space<vmem>>)
      %dma_start3A_232 = arith.constant 3 : i32
      %dma_start3A_233 = arith.constant 0 : i32
      %dma_start3A_234 = tpu.memref_slice %arg11[%add3A_222, %dma_start3A_233] : memref<80x128xi32, #tpu.memory_space<vmem>> -> memref<1x128xi32, #tpu.memory_space<vmem>>
      %dma_start3A_235 = tpu.memref_squeeze %dma_start3A_234 : memref<1x128xi32, #tpu.memory_space<vmem>> -> memref<128xi32, #tpu.memory_space<vmem>>
      %dma_start3A_236 = arith.constant 0 : i32
      %dma_start3A_237 = arith.constant 0 : i32
      %dma_start3A_238 = tpu.memref_slice %arg20[%dma_start3A_236, %dma_start3A_237] : memref<10240x64xf32, #tpu.memory_space<vmem_shared>> -> memref<10240x64xf32, #tpu.memory_space<vmem_shared>>
      %dma_start3A_239 = tpu.memref_slice %arg23[%dma_start3A_232] : memref<5x!tpu.dma_semaphore, #tpu.memory_space<semaphore_mem>> -> memref<1x!tpu.dma_semaphore, #tpu.memory_space<semaphore_mem>>
      %dma_start3A_240 = tpu.memref_squeeze %dma_start3A_239 : memref<1x!tpu.dma_semaphore, #tpu.memory_space<semaphore_mem>> -> memref<!tpu.dma_semaphore, #tpu.memory_space<semaphore_mem>>
      tpu.enqueue_indirect_dma source(%arg15 : memref<128x64xf32, #tpu.memory_space<vmem>>) target(%dma_start3A_238 : memref<10240x64xf32, #tpu.memory_space<vmem_shared>>) offsets(%dma_start3A_235 : memref<128xi32, #tpu.memory_space<vmem>>) semaphore(%dma_start3A_240 : memref<!tpu.dma_semaphore, #tpu.memory_space<semaphore_mem>>) {add = true}
      %mul3A_241 = arith.constant 5 : i32
      %mul3A_242 = arith.muli %scan3A_153, %mul3A_241 : i32
      %add3A_243 = arith.constant 4 : i32
      %add3A_244 = arith.addi %mul3A_242, %add3A_243 : i32
      %mul3A_245 = arith.constant 128 : i32
      %mul3A_246 = arith.muli %add3A_244, %mul3A_245 : i32
      %dma_wait3A_247 = arith.constant 4 : i32
      %dma_wait3A_248 = tpu.memref_slice %arg10[%mul3A_246] : memref<10240xi32, #tpu.memory_space<vmem>> -> memref<128xi32, #tpu.memory_space<vmem>>
      %dma_wait3A_249 = arith.constant 0 : i32
      %dma_wait3A_250 = arith.constant 0 : i32
      %dma_wait3A_251 = tpu.memref_slice %arg2[%dma_wait3A_249, %dma_wait3A_250] : memref<40000x64xf32, #tpu.memory_space<hbm>> -> memref<40000x64xf32, #tpu.memory_space<hbm>>
      %dma_wait3A_252 = tpu.memref_slice %arg22[%dma_wait3A_247] : memref<5x!tpu.dma_semaphore, #tpu.memory_space<semaphore_mem>> -> memref<1x!tpu.dma_semaphore, #tpu.memory_space<semaphore_mem>>
      %dma_wait3A_253 = tpu.memref_squeeze %dma_wait3A_252 : memref<1x!tpu.dma_semaphore, #tpu.memory_space<semaphore_mem>> -> memref<!tpu.dma_semaphore, #tpu.memory_space<semaphore_mem>>
      tpu.wait_indirect_dma semaphore(%dma_wait3A_253 : memref<!tpu.dma_semaphore, #tpu.memory_space<semaphore_mem>>) src(%dma_wait3A_251 : memref<40000x64xf32, #tpu.memory_space<hbm>>) dst(%arg16 : memref<128x64xf32, #tpu.memory_space<vmem>>)
      %dma_start3A_254 = arith.constant 4 : i32
      %dma_start3A_255 = arith.constant 0 : i32
      %dma_start3A_256 = tpu.memref_slice %arg11[%add3A_244, %dma_start3A_255] : memref<80x128xi32, #tpu.memory_space<vmem>> -> memref<1x128xi32, #tpu.memory_space<vmem>>
      %dma_start3A_257 = tpu.memref_squeeze %dma_start3A_256 : memref<1x128xi32, #tpu.memory_space<vmem>> -> memref<128xi32, #tpu.memory_space<vmem>>
      %dma_start3A_258 = arith.constant 0 : i32
      %dma_start3A_259 = arith.constant 0 : i32
      %dma_start3A_260 = tpu.memref_slice %arg20[%dma_start3A_258, %dma_start3A_259] : memref<10240x64xf32, #tpu.memory_space<vmem_shared>> -> memref<10240x64xf32, #tpu.memory_space<vmem_shared>>
      %dma_start3A_261 = tpu.memref_slice %arg23[%dma_start3A_254] : memref<5x!tpu.dma_semaphore, #tpu.memory_space<semaphore_mem>> -> memref<1x!tpu.dma_semaphore, #tpu.memory_space<semaphore_mem>>
      %dma_start3A_262 = tpu.memref_squeeze %dma_start3A_261 : memref<1x!tpu.dma_semaphore, #tpu.memory_space<semaphore_mem>> -> memref<!tpu.dma_semaphore, #tpu.memory_space<semaphore_mem>>
      tpu.enqueue_indirect_dma source(%arg16 : memref<128x64xf32, #tpu.memory_space<vmem>>) target(%dma_start3A_260 : memref<10240x64xf32, #tpu.memory_space<vmem_shared>>) offsets(%dma_start3A_257 : memref<128xi32, #tpu.memory_space<vmem>>) semaphore(%dma_start3A_262 : memref<!tpu.dma_semaphore, #tpu.memory_space<semaphore_mem>>) {add = true}
      %mul3A_263 = arith.constant 5 : i32
      %mul3A_264 = arith.muli %scan3A_153, %mul3A_263 : i32
      %add3A_265 = arith.constant 0 : i32
      %add3A_266 = arith.addi %mul3A_264, %add3A_265 : i32
      %dma_wait3A_267 = arith.constant 0 : i32
      %dma_wait3A_268 = arith.constant 0 : i32
      %dma_wait3A_269 = tpu.memref_slice %arg11[%add3A_266, %dma_wait3A_268] : memref<80x128xi32, #tpu.memory_space<vmem>> -> memref<1x128xi32, #tpu.memory_space<vmem>>
      %dma_wait3A_270 = tpu.memref_squeeze %dma_wait3A_269 : memref<1x128xi32, #tpu.memory_space<vmem>> -> memref<128xi32, #tpu.memory_space<vmem>>
      %dma_wait3A_271 = arith.constant 0 : i32
      %dma_wait3A_272 = arith.constant 0 : i32
      %dma_wait3A_273 = tpu.memref_slice %arg20[%dma_wait3A_271, %dma_wait3A_272] : memref<10240x64xf32, #tpu.memory_space<vmem_shared>> -> memref<10240x64xf32, #tpu.memory_space<vmem_shared>>
      %dma_wait3A_274 = tpu.memref_slice %arg23[%dma_wait3A_267] : memref<5x!tpu.dma_semaphore, #tpu.memory_space<semaphore_mem>> -> memref<1x!tpu.dma_semaphore, #tpu.memory_space<semaphore_mem>>
      %dma_wait3A_275 = tpu.memref_squeeze %dma_wait3A_274 : memref<1x!tpu.dma_semaphore, #tpu.memory_space<semaphore_mem>> -> memref<!tpu.dma_semaphore, #tpu.memory_space<semaphore_mem>>
      tpu.wait_indirect_dma semaphore(%dma_wait3A_275 : memref<!tpu.dma_semaphore, #tpu.memory_space<semaphore_mem>>) src(%arg12 : memref<128x64xf32, #tpu.memory_space<vmem>>) dst(%dma_wait3A_273 : memref<10240x64xf32, #tpu.memory_space<vmem_shared>>)
      %lt3A = arith.constant 15 : i32
      %lt3A_276 = arith.cmpi slt, %scan3A_153, %lt3A : i32
      %convert_element_type3A = arith.extui %lt3A_276 : i1 to i32
      %cond3A = arith.constant 0 : i32
      %cond3A_277 = arith.cmpi ne, %convert_element_type3A, %cond3A : i32
      scf.if %cond3A_277 {
        %add3A_350 = arith.constant 5 : i32
        %add3A_351 = arith.addi %add3A_266, %add3A_350 : i32
        %mul3A_352 = arith.constant 128 : i32
        %mul3A_353 = arith.muli %add3A_351, %mul3A_352 : i32
        %dma_start3A_354 = arith.constant 0 : i32
        %dma_start3A_355 = tpu.memref_slice %arg10[%mul3A_353] : memref<10240xi32, #tpu.memory_space<vmem>> -> memref<128xi32, #tpu.memory_space<vmem>>
        %dma_start3A_356 = arith.constant 0 : i32
        %dma_start3A_357 = arith.constant 0 : i32
        %dma_start3A_358 = tpu.memref_slice %arg2[%dma_start3A_356, %dma_start3A_357] : memref<40000x64xf32, #tpu.memory_space<hbm>> -> memref<40000x64xf32, #tpu.memory_space<hbm>>
        %dma_start3A_359 = tpu.memref_slice %arg22[%dma_start3A_354] : memref<5x!tpu.dma_semaphore, #tpu.memory_space<semaphore_mem>> -> memref<1x!tpu.dma_semaphore, #tpu.memory_space<semaphore_mem>>
        %dma_start3A_360 = tpu.memref_squeeze %dma_start3A_359 : memref<1x!tpu.dma_semaphore, #tpu.memory_space<semaphore_mem>> -> memref<!tpu.dma_semaphore, #tpu.memory_space<semaphore_mem>>
        tpu.enqueue_indirect_dma source(%dma_start3A_358 : memref<40000x64xf32, #tpu.memory_space<hbm>>) target(%arg12 : memref<128x64xf32, #tpu.memory_space<vmem>>) offsets(%dma_start3A_355 : memref<128xi32, #tpu.memory_space<vmem>>) semaphore(%dma_start3A_360 : memref<!tpu.dma_semaphore, #tpu.memory_space<semaphore_mem>>)
      } else {
      }
      %mul3A_278 = arith.constant 5 : i32
      %mul3A_279 = arith.muli %scan3A_153, %mul3A_278 : i32
      %add3A_280 = arith.constant 1 : i32
      %add3A_281 = arith.addi %mul3A_279, %add3A_280 : i32
      %dma_wait3A_282 = arith.constant 1 : i32
      %dma_wait3A_283 = arith.constant 0 : i32
      %dma_wait3A_284 = tpu.memref_slice %arg11[%add3A_281, %dma_wait3A_283] : memref<80x128xi32, #tpu.memory_space<vmem>> -> memref<1x128xi32, #tpu.memory_space<vmem>>
      %dma_wait3A_285 = tpu.memref_squeeze %dma_wait3A_284 : memref<1x128xi32, #tpu.memory_space<vmem>> -> memref<128xi32, #tpu.memory_space<vmem>>
      %dma_wait3A_286 = arith.constant 0 : i32
      %dma_wait3A_287 = arith.constant 0 : i32
      %dma_wait3A_288 = tpu.memref_slice %arg20[%dma_wait3A_286, %dma_wait3A_287] : memref<10240x64xf32, #tpu.memory_space<vmem_shared>> -> memref<10240x64xf32, #tpu.memory_space<vmem_shared>>
      %dma_wait3A_289 = tpu.memref_slice %arg23[%dma_wait3A_282] : memref<5x!tpu.dma_semaphore, #tpu.memory_space<semaphore_mem>> -> memref<1x!tpu.dma_semaphore, #tpu.memory_space<semaphore_mem>>
      %dma_wait3A_290 = tpu.memref_squeeze %dma_wait3A_289 : memref<1x!tpu.dma_semaphore, #tpu.memory_space<semaphore_mem>> -> memref<!tpu.dma_semaphore, #tpu.memory_space<semaphore_mem>>
      tpu.wait_indirect_dma semaphore(%dma_wait3A_290 : memref<!tpu.dma_semaphore, #tpu.memory_space<semaphore_mem>>) src(%arg13 : memref<128x64xf32, #tpu.memory_space<vmem>>) dst(%dma_wait3A_288 : memref<10240x64xf32, #tpu.memory_space<vmem_shared>>)
      %lt3A_291 = arith.constant 15 : i32
      %lt3A_292 = arith.cmpi slt, %scan3A_153, %lt3A_291 : i32
      %convert_element_type3A_293 = arith.extui %lt3A_292 : i1 to i32
      %cond3A_294 = arith.constant 0 : i32
      %cond3A_295 = arith.cmpi ne, %convert_element_type3A_293, %cond3A_294 : i32
      scf.if %cond3A_295 {
        %add3A_350 = arith.constant 5 : i32
        %add3A_351 = arith.addi %add3A_281, %add3A_350 : i32
        %mul3A_352 = arith.constant 128 : i32
        %mul3A_353 = arith.muli %add3A_351, %mul3A_352 : i32
        %dma_start3A_354 = arith.constant 1 : i32
        %dma_start3A_355 = tpu.memref_slice %arg10[%mul3A_353] : memref<10240xi32, #tpu.memory_space<vmem>> -> memref<128xi32, #tpu.memory_space<vmem>>
        %dma_start3A_356 = arith.constant 0 : i32
        %dma_start3A_357 = arith.constant 0 : i32
        %dma_start3A_358 = tpu.memref_slice %arg2[%dma_start3A_356, %dma_start3A_357] : memref<40000x64xf32, #tpu.memory_space<hbm>> -> memref<40000x64xf32, #tpu.memory_space<hbm>>
        %dma_start3A_359 = tpu.memref_slice %arg22[%dma_start3A_354] : memref<5x!tpu.dma_semaphore, #tpu.memory_space<semaphore_mem>> -> memref<1x!tpu.dma_semaphore, #tpu.memory_space<semaphore_mem>>
        %dma_start3A_360 = tpu.memref_squeeze %dma_start3A_359 : memref<1x!tpu.dma_semaphore, #tpu.memory_space<semaphore_mem>> -> memref<!tpu.dma_semaphore, #tpu.memory_space<semaphore_mem>>
        tpu.enqueue_indirect_dma source(%dma_start3A_358 : memref<40000x64xf32, #tpu.memory_space<hbm>>) target(%arg13 : memref<128x64xf32, #tpu.memory_space<vmem>>) offsets(%dma_start3A_355 : memref<128xi32, #tpu.memory_space<vmem>>) semaphore(%dma_start3A_360 : memref<!tpu.dma_semaphore, #tpu.memory_space<semaphore_mem>>)
      } else {
      }
      %mul3A_296 = arith.constant 5 : i32
      %mul3A_297 = arith.muli %scan3A_153, %mul3A_296 : i32
      %add3A_298 = arith.constant 2 : i32
      %add3A_299 = arith.addi %mul3A_297, %add3A_298 : i32
      %dma_wait3A_300 = arith.constant 2 : i32
      %dma_wait3A_301 = arith.constant 0 : i32
      %dma_wait3A_302 = tpu.memref_slice %arg11[%add3A_299, %dma_wait3A_301] : memref<80x128xi32, #tpu.memory_space<vmem>> -> memref<1x128xi32, #tpu.memory_space<vmem>>
      %dma_wait3A_303 = tpu.memref_squeeze %dma_wait3A_302 : memref<1x128xi32, #tpu.memory_space<vmem>> -> memref<128xi32, #tpu.memory_space<vmem>>
      %dma_wait3A_304 = arith.constant 0 : i32
      %dma_wait3A_305 = arith.constant 0 : i32
      %dma_wait3A_306 = tpu.memref_slice %arg20[%dma_wait3A_304, %dma_wait3A_305] : memref<10240x64xf32, #tpu.memory_space<vmem_shared>> -> memref<10240x64xf32, #tpu.memory_space<vmem_shared>>
      %dma_wait3A_307 = tpu.memref_slice %arg23[%dma_wait3A_300] : memref<5x!tpu.dma_semaphore, #tpu.memory_space<semaphore_mem>> -> memref<1x!tpu.dma_semaphore, #tpu.memory_space<semaphore_mem>>
      %dma_wait3A_308 = tpu.memref_squeeze %dma_wait3A_307 : memref<1x!tpu.dma_semaphore, #tpu.memory_space<semaphore_mem>> -> memref<!tpu.dma_semaphore, #tpu.memory_space<semaphore_mem>>
      tpu.wait_indirect_dma semaphore(%dma_wait3A_308 : memref<!tpu.dma_semaphore, #tpu.memory_space<semaphore_mem>>) src(%arg14 : memref<128x64xf32, #tpu.memory_space<vmem>>) dst(%dma_wait3A_306 : memref<10240x64xf32, #tpu.memory_space<vmem_shared>>)
      %lt3A_309 = arith.constant 15 : i32
      %lt3A_310 = arith.cmpi slt, %scan3A_153, %lt3A_309 : i32
      %convert_element_type3A_311 = arith.extui %lt3A_310 : i1 to i32
      %cond3A_312 = arith.constant 0 : i32
      %cond3A_313 = arith.cmpi ne, %convert_element_type3A_311, %cond3A_312 : i32
      scf.if %cond3A_313 {
        %add3A_350 = arith.constant 5 : i32
        %add3A_351 = arith.addi %add3A_299, %add3A_350 : i32
        %mul3A_352 = arith.constant 128 : i32
        %mul3A_353 = arith.muli %add3A_351, %mul3A_352 : i32
        %dma_start3A_354 = arith.constant 2 : i32
        %dma_start3A_355 = tpu.memref_slice %arg10[%mul3A_353] : memref<10240xi32, #tpu.memory_space<vmem>> -> memref<128xi32, #tpu.memory_space<vmem>>
        %dma_start3A_356 = arith.constant 0 : i32
        %dma_start3A_357 = arith.constant 0 : i32
        %dma_start3A_358 = tpu.memref_slice %arg2[%dma_start3A_356, %dma_start3A_357] : memref<40000x64xf32, #tpu.memory_space<hbm>> -> memref<40000x64xf32, #tpu.memory_space<hbm>>
        %dma_start3A_359 = tpu.memref_slice %arg22[%dma_start3A_354] : memref<5x!tpu.dma_semaphore, #tpu.memory_space<semaphore_mem>> -> memref<1x!tpu.dma_semaphore, #tpu.memory_space<semaphore_mem>>
        %dma_start3A_360 = tpu.memref_squeeze %dma_start3A_359 : memref<1x!tpu.dma_semaphore, #tpu.memory_space<semaphore_mem>> -> memref<!tpu.dma_semaphore, #tpu.memory_space<semaphore_mem>>
        tpu.enqueue_indirect_dma source(%dma_start3A_358 : memref<40000x64xf32, #tpu.memory_space<hbm>>) target(%arg14 : memref<128x64xf32, #tpu.memory_space<vmem>>) offsets(%dma_start3A_355 : memref<128xi32, #tpu.memory_space<vmem>>) semaphore(%dma_start3A_360 : memref<!tpu.dma_semaphore, #tpu.memory_space<semaphore_mem>>)
      } else {
      }
      %mul3A_314 = arith.constant 5 : i32
      %mul3A_315 = arith.muli %scan3A_153, %mul3A_314 : i32
      %add3A_316 = arith.constant 3 : i32
      %add3A_317 = arith.addi %mul3A_315, %add3A_316 : i32
      %dma_wait3A_318 = arith.constant 3 : i32
      %dma_wait3A_319 = arith.constant 0 : i32
      %dma_wait3A_320 = tpu.memref_slice %arg11[%add3A_317, %dma_wait3A_319] : memref<80x128xi32, #tpu.memory_space<vmem>> -> memref<1x128xi32, #tpu.memory_space<vmem>>
      %dma_wait3A_321 = tpu.memref_squeeze %dma_wait3A_320 : memref<1x128xi32, #tpu.memory_space<vmem>> -> memref<128xi32, #tpu.memory_space<vmem>>
      %dma_wait3A_322 = arith.constant 0 : i32
      %dma_wait3A_323 = arith.constant 0 : i32
      %dma_wait3A_324 = tpu.memref_slice %arg20[%dma_wait3A_322, %dma_wait3A_323] : memref<10240x64xf32, #tpu.memory_space<vmem_shared>> -> memref<10240x64xf32, #tpu.memory_space<vmem_shared>>
      %dma_wait3A_325 = tpu.memref_slice %arg23[%dma_wait3A_318] : memref<5x!tpu.dma_semaphore, #tpu.memory_space<semaphore_mem>> -> memref<1x!tpu.dma_semaphore, #tpu.memory_space<semaphore_mem>>
      %dma_wait3A_326 = tpu.memref_squeeze %dma_wait3A_325 : memref<1x!tpu.dma_semaphore, #tpu.memory_space<semaphore_mem>> -> memref<!tpu.dma_semaphore, #tpu.memory_space<semaphore_mem>>
      tpu.wait_indirect_dma semaphore(%dma_wait3A_326 : memref<!tpu.dma_semaphore, #tpu.memory_space<semaphore_mem>>) src(%arg15 : memref<128x64xf32, #tpu.memory_space<vmem>>) dst(%dma_wait3A_324 : memref<10240x64xf32, #tpu.memory_space<vmem_shared>>)
      %lt3A_327 = arith.constant 15 : i32
      %lt3A_328 = arith.cmpi slt, %scan3A_153, %lt3A_327 : i32
      %convert_element_type3A_329 = arith.extui %lt3A_328 : i1 to i32
      %cond3A_330 = arith.constant 0 : i32
      %cond3A_331 = arith.cmpi ne, %convert_element_type3A_329, %cond3A_330 : i32
      scf.if %cond3A_331 {
        %add3A_350 = arith.constant 5 : i32
        %add3A_351 = arith.addi %add3A_317, %add3A_350 : i32
        %mul3A_352 = arith.constant 128 : i32
        %mul3A_353 = arith.muli %add3A_351, %mul3A_352 : i32
        %dma_start3A_354 = arith.constant 3 : i32
        %dma_start3A_355 = tpu.memref_slice %arg10[%mul3A_353] : memref<10240xi32, #tpu.memory_space<vmem>> -> memref<128xi32, #tpu.memory_space<vmem>>
        %dma_start3A_356 = arith.constant 0 : i32
        %dma_start3A_357 = arith.constant 0 : i32
        %dma_start3A_358 = tpu.memref_slice %arg2[%dma_start3A_356, %dma_start3A_357] : memref<40000x64xf32, #tpu.memory_space<hbm>> -> memref<40000x64xf32, #tpu.memory_space<hbm>>
        %dma_start3A_359 = tpu.memref_slice %arg22[%dma_start3A_354] : memref<5x!tpu.dma_semaphore, #tpu.memory_space<semaphore_mem>> -> memref<1x!tpu.dma_semaphore, #tpu.memory_space<semaphore_mem>>
        %dma_start3A_360 = tpu.memref_squeeze %dma_start3A_359 : memref<1x!tpu.dma_semaphore, #tpu.memory_space<semaphore_mem>> -> memref<!tpu.dma_semaphore, #tpu.memory_space<semaphore_mem>>
        tpu.enqueue_indirect_dma source(%dma_start3A_358 : memref<40000x64xf32, #tpu.memory_space<hbm>>) target(%arg15 : memref<128x64xf32, #tpu.memory_space<vmem>>) offsets(%dma_start3A_355 : memref<128xi32, #tpu.memory_space<vmem>>) semaphore(%dma_start3A_360 : memref<!tpu.dma_semaphore, #tpu.memory_space<semaphore_mem>>)
      } else {
      }
      %mul3A_332 = arith.constant 5 : i32
      %mul3A_333 = arith.muli %scan3A_153, %mul3A_332 : i32
      %add3A_334 = arith.constant 4 : i32
      %add3A_335 = arith.addi %mul3A_333, %add3A_334 : i32
      %dma_wait3A_336 = arith.constant 4 : i32
      %dma_wait3A_337 = arith.constant 0 : i32
      %dma_wait3A_338 = tpu.memref_slice %arg11[%add3A_335, %dma_wait3A_337] : memref<80x128xi32, #tpu.memory_space<vmem>> -> memref<1x128xi32, #tpu.memory_space<vmem>>
      %dma_wait3A_339 = tpu.memref_squeeze %dma_wait3A_338 : memref<1x128xi32, #tpu.memory_space<vmem>> -> memref<128xi32, #tpu.memory_space<vmem>>
      %dma_wait3A_340 = arith.constant 0 : i32
      %dma_wait3A_341 = arith.constant 0 : i32
      %dma_wait3A_342 = tpu.memref_slice %arg20[%dma_wait3A_340, %dma_wait3A_341] : memref<10240x64xf32, #tpu.memory_space<vmem_shared>> -> memref<10240x64xf32, #tpu.memory_space<vmem_shared>>
      %dma_wait3A_343 = tpu.memref_slice %arg23[%dma_wait3A_336] : memref<5x!tpu.dma_semaphore, #tpu.memory_space<semaphore_mem>> -> memref<1x!tpu.dma_semaphore, #tpu.memory_space<semaphore_mem>>
      %dma_wait3A_344 = tpu.memref_squeeze %dma_wait3A_343 : memref<1x!tpu.dma_semaphore, #tpu.memory_space<semaphore_mem>> -> memref<!tpu.dma_semaphore, #tpu.memory_space<semaphore_mem>>
      tpu.wait_indirect_dma semaphore(%dma_wait3A_344 : memref<!tpu.dma_semaphore, #tpu.memory_space<semaphore_mem>>) src(%arg16 : memref<128x64xf32, #tpu.memory_space<vmem>>) dst(%dma_wait3A_342 : memref<10240x64xf32, #tpu.memory_space<vmem_shared>>)
      %lt3A_345 = arith.constant 15 : i32
      %lt3A_346 = arith.cmpi slt, %scan3A_153, %lt3A_345 : i32
      %convert_element_type3A_347 = arith.extui %lt3A_346 : i1 to i32
      %cond3A_348 = arith.constant 0 : i32
      %cond3A_349 = arith.cmpi ne, %convert_element_type3A_347, %cond3A_348 : i32
      scf.if %cond3A_349 {
        %add3A_350 = arith.constant 5 : i32
        %add3A_351 = arith.addi %add3A_335, %add3A_350 : i32
        %mul3A_352 = arith.constant 128 : i32
        %mul3A_353 = arith.muli %add3A_351, %mul3A_352 : i32
        %dma_start3A_354 = arith.constant 4 : i32
        %dma_start3A_355 = tpu.memref_slice %arg10[%mul3A_353] : memref<10240xi32, #tpu.memory_space<vmem>> -> memref<128xi32, #tpu.memory_space<vmem>>
        %dma_start3A_356 = arith.constant 0 : i32
        %dma_start3A_357 = arith.constant 0 : i32
        %dma_start3A_358 = tpu.memref_slice %arg2[%dma_start3A_356, %dma_start3A_357] : memref<40000x64xf32, #tpu.memory_space<hbm>> -> memref<40000x64xf32, #tpu.memory_space<hbm>>
        %dma_start3A_359 = tpu.memref_slice %arg22[%dma_start3A_354] : memref<5x!tpu.dma_semaphore, #tpu.memory_space<semaphore_mem>> -> memref<1x!tpu.dma_semaphore, #tpu.memory_space<semaphore_mem>>
        %dma_start3A_360 = tpu.memref_squeeze %dma_start3A_359 : memref<1x!tpu.dma_semaphore, #tpu.memory_space<semaphore_mem>> -> memref<!tpu.dma_semaphore, #tpu.memory_space<semaphore_mem>>
        tpu.enqueue_indirect_dma source(%dma_start3A_358 : memref<40000x64xf32, #tpu.memory_space<hbm>>) target(%arg16 : memref<128x64xf32, #tpu.memory_space<vmem>>) offsets(%dma_start3A_355 : memref<128xi32, #tpu.memory_space<vmem>>) semaphore(%dma_start3A_360 : memref<!tpu.dma_semaphore, #tpu.memory_space<semaphore_mem>>)
      } else {
      }
    }
    %scan3A_151 = arith.constant 16 : i32
    %barrier3A_152 = arith.constant 0 : index
    tpu.barrier barrier_id(%barrier3A_152)
    "tpu.region"() ({
      %run_scoped3A = tpu.sem_alloc : memref<!tpu.dma_semaphore, #tpu.memory_space<semaphore_mem>>
      %dma_start3A_153 = arith.constant 0 : i32
      %dma_start3A_154 = tpu.memref_slice %arg8[%add3A_89, %mul3A_0, %dma_start3A_153] : memref<4x10240x64xf32, #tpu.memory_space<hbm>> -> memref<1x640x64xf32, #tpu.memory_space<hbm>>
      %dma_start3A_155 = tpu.memref_squeeze %dma_start3A_154 : memref<1x640x64xf32, #tpu.memory_space<hbm>> -> memref<640x64xf32, #tpu.memory_space<hbm>>
      %dma_start3A_156 = arith.constant 0 : i32
      %dma_start3A_157 = tpu.memref_slice %arg20[%mul3A_0, %dma_start3A_156] : memref<10240x64xf32, #tpu.memory_space<vmem_shared>> -> memref<640x64xf32, #tpu.memory_space<vmem_shared>>
      tpu.enqueue_dma source(%dma_start3A_157 : memref<640x64xf32, #tpu.memory_space<vmem_shared>>) target(%dma_start3A_155 : memref<640x64xf32, #tpu.memory_space<hbm>>) target_semaphore(%run_scoped3A : memref<!tpu.dma_semaphore, #tpu.memory_space<semaphore_mem>>)
      %dma_wait3A = arith.constant 0 : i32
      %dma_wait3A_158 = tpu.memref_slice %arg8[%add3A_89, %mul3A_0, %dma_wait3A] : memref<4x10240x64xf32, #tpu.memory_space<hbm>> -> memref<1x640x64xf32, #tpu.memory_space<hbm>>
      %dma_wait3A_159 = tpu.memref_squeeze %dma_wait3A_158 : memref<1x640x64xf32, #tpu.memory_space<hbm>> -> memref<640x64xf32, #tpu.memory_space<hbm>>
      %dma_wait3A_160 = arith.constant 0 : i32
      %dma_wait3A_161 = tpu.memref_slice %arg20[%mul3A_0, %dma_wait3A_160] : memref<10240x64xf32, #tpu.memory_space<vmem_shared>> -> memref<640x64xf32, #tpu.memory_space<vmem_shared>>
      tpu.wait_dma2 semaphore(%run_scoped3A : memref<!tpu.dma_semaphore, #tpu.memory_space<semaphore_mem>>) src(%dma_wait3A_161 : memref<640x64xf32, #tpu.memory_space<vmem_shared>>) dst(%dma_wait3A_159 : memref<640x64xf32, #tpu.memory_space<hbm>>)
      tpu.yield
    }) : () -> ()
    return
  }
}

#map = affine_map<(d0, d1) -> (0, 0)>
#map1 = affine_map<(d0, d1) -> (0)>
#map2 = affine_map<(d0, d1) -> (0, 0, 0)>
module attributes {stable_mosaic.version = 14 : i64} {
  func.func @_sc_body(%arg0: i32, %arg1: i32, %arg2: memref<40000x64xf32, #tpu.memory_space<hbm>>, %arg3: memref<655360xi32, #tpu.memory_space<hbm>>, %arg4: memref<163840xi32, #tpu.memory_space<hbm>>, %arg5: memref<128x8xf32, #tpu.memory_space<hbm>>, %arg6: memref<128x64xf32, #tpu.memory_space<hbm>>, %arg7: memref<128x8xf32, #tpu.memory_space<hbm>>, %arg8: memref<4x10240x64xf32, #tpu.memory_space<hbm>>, %arg9: memref<10240x8xf32, #tpu.memory_space<hbm>>, %arg10: memref<10240xi32, #tpu.memory_space<vmem>>, %arg11: memref<80x128xi32, #tpu.memory_space<vmem>>, %arg12: memref<128x64xf32, #tpu.memory_space<vmem>>, %arg13: memref<128x64xf32, #tpu.memory_space<vmem>>, %arg14: memref<128x64xf32, #tpu.memory_space<vmem>>, %arg15: memref<128x64xf32, #tpu.memory_space<vmem>>, %arg16: memref<128x64xf32, #tpu.memory_space<vmem>>, %arg17: memref<128x8xf32, #tpu.memory_space<vmem>>, %arg18: memref<128x64xf32, #tpu.memory_space<vmem>>, %arg19: memref<128x8xf32, #tpu.memory_space<vmem>>, %arg20: memref<10240x64xf32, #tpu.memory_space<vmem_shared>>, %arg21: memref<10240x8xf32, #tpu.memory_space<vmem_shared>>, %arg22: memref<5x!tpu.dma_semaphore, #tpu.memory_space<semaphore_mem>>, %arg23: memref<5x!tpu.dma_semaphore, #tpu.memory_space<semaphore_mem>>, %arg24: memref<!tpu.dma_semaphore, #tpu.memory_space<semaphore_mem>>, %arg25: memref<!tpu.dma_semaphore, #tpu.memory_space<semaphore_mem>>) attributes {dimension_semantics = [#tpu.dimension_semantics<core_parallel>, #tpu.dimension_semantics<subcore_parallel>], iteration_bounds = array<i64: 2, 16>, scalar_prefetch = 0 : i64, scratch_operands = 16 : i64, tpu.core_type = #tpu.core_type<sc_vector_subcore>, window_params = [{transform_indices = #map}, {transform_indices = #map1}, {transform_indices = #map1}, {transform_indices = #map}, {transform_indices = #map}, {transform_indices = #map}, {transform_indices = #map2}, {transform_indices = #map}]} {
    %mul3A = arith.constant 640 : i32
    %mul3A_0 = arith.muli %arg1, %mul3A : i32
    "tpu.region"() ({
      %run_scoped3A = tpu.sem_alloc : memref<!tpu.dma_semaphore, #tpu.memory_space<semaphore_mem>>
      tpu.enqueue_dma source(%arg5 : memref<128x8xf32, #tpu.memory_space<hbm>>) target(%arg17 : memref<128x8xf32, #tpu.memory_space<vmem>>) target_semaphore(%run_scoped3A : memref<!tpu.dma_semaphore, #tpu.memory_space<semaphore_mem>>)
      tpu.wait_dma2 semaphore(%run_scoped3A : memref<!tpu.dma_semaphore, #tpu.memory_space<semaphore_mem>>) src(%arg5 : memref<128x8xf32, #tpu.memory_space<hbm>>) dst(%arg17 : memref<128x8xf32, #tpu.memory_space<vmem>>)
      tpu.yield
    }) : () -> ()
    "tpu.region"() ({
      %run_scoped3A = tpu.sem_alloc : memref<!tpu.dma_semaphore, #tpu.memory_space<semaphore_mem>>
      tpu.enqueue_dma source(%arg6 : memref<128x64xf32, #tpu.memory_space<hbm>>) target(%arg18 : memref<128x64xf32, #tpu.memory_space<vmem>>) target_semaphore(%run_scoped3A : memref<!tpu.dma_semaphore, #tpu.memory_space<semaphore_mem>>)
      tpu.wait_dma2 semaphore(%run_scoped3A : memref<!tpu.dma_semaphore, #tpu.memory_space<semaphore_mem>>) src(%arg6 : memref<128x64xf32, #tpu.memory_space<hbm>>) dst(%arg18 : memref<128x64xf32, #tpu.memory_space<vmem>>)
      tpu.yield
    }) : () -> ()
    "tpu.region"() ({
      %run_scoped3A = tpu.sem_alloc : memref<!tpu.dma_semaphore, #tpu.memory_space<semaphore_mem>>
      tpu.enqueue_dma source(%arg7 : memref<128x8xf32, #tpu.memory_space<hbm>>) target(%arg19 : memref<128x8xf32, #tpu.memory_space<vmem>>) target_semaphore(%run_scoped3A : memref<!tpu.dma_semaphore, #tpu.memory_space<semaphore_mem>>)
      tpu.wait_dma2 semaphore(%run_scoped3A : memref<!tpu.dma_semaphore, #tpu.memory_space<semaphore_mem>>) src(%arg7 : memref<128x8xf32, #tpu.memory_space<hbm>>) dst(%arg19 : memref<128x8xf32, #tpu.memory_space<vmem>>)
      tpu.yield
    }) : () -> ()
    %scan3A = arith.constant 0 : i32
    %scan3A_1 = arith.constant 0 : i32
    %scan3A_2 = arith.constant 5 : i32
    %scan3A_3 = arith.addi %scan3A_1, %scan3A_2 : i32
    %scan3A_4 = arith.constant 1 : i32
    scf.for %scan3A_153 = %scan3A_1 to %scan3A_3 step %scan3A_4  : i32 {
      %mul3A_154 = arith.constant 16 : i32
      %mul3A_155 = arith.muli %scan3A_153, %mul3A_154 : i32
      %add3A_156 = arith.constant 0 : i32
      %add3A_157 = arith.addi %mul3A_155, %add3A_156 : i32
      %mul3A_158 = arith.constant 10240 : i32
      %mul3A_159 = arith.muli %arg1, %mul3A_158 : i32
      %mul3A_160 = arith.constant 128 : i32
      %mul3A_161 = arith.muli %add3A_157, %mul3A_160 : i32
      %add3A_162 = arith.addi %mul3A_159, %mul3A_161 : i32
      %dma_start3A_163 = arith.constant 0 : i32
      %dma_start3A_164 = tpu.memref_slice %arg11[%add3A_157, %dma_start3A_163] : memref<80x128xi32, #tpu.memory_space<vmem>> -> memref<1x128xi32, #tpu.memory_space<vmem>>
      %dma_start3A_165 = tpu.memref_squeeze %dma_start3A_164 : memref<1x128xi32, #tpu.memory_space<vmem>> -> memref<128xi32, #tpu.memory_space<vmem>>
      %dma_start3A_166 = tpu.memref_slice %arg4[%add3A_162] : memref<163840xi32, #tpu.memory_space<hbm>> -> memref<128xi32, #tpu.memory_space<hbm>>
      %dma_start3A_167 = arith.constant 0 : i32
      %dma_start3A_168 = tpu.memref_slice %arg11[%add3A_157, %dma_start3A_167] : memref<80x128xi32, #tpu.memory_space<vmem>> -> memref<1x128xi32, #tpu.memory_space<vmem>>
      %dma_start3A_169 = tpu.memref_squeeze %dma_start3A_168 : memref<1x128xi32, #tpu.memory_space<vmem>> -> memref<128xi32, #tpu.memory_space<vmem>>
      %dma_start3A_170 = tpu.memref_slice %arg4[%add3A_162] : memref<163840xi32, #tpu.memory_space<hbm>> -> memref<128xi32, #tpu.memory_space<hbm>>
      tpu.enqueue_dma source(%dma_start3A_170 : memref<128xi32, #tpu.memory_space<hbm>>) target(%dma_start3A_169 : memref<128xi32, #tpu.memory_space<vmem>>) target_semaphore(%arg25 : memref<!tpu.dma_semaphore, #tpu.memory_space<semaphore_mem>>)
      %mul3A_171 = arith.constant 16 : i32
      %mul3A_172 = arith.muli %scan3A_153, %mul3A_171 : i32
      %add3A_173 = arith.constant 1 : i32
      %add3A_174 = arith.addi %mul3A_172, %add3A_173 : i32
      %mul3A_175 = arith.constant 10240 : i32
      %mul3A_176 = arith.muli %arg1, %mul3A_175 : i32
      %mul3A_177 = arith.constant 128 : i32
      %mul3A_178 = arith.muli %add3A_174, %mul3A_177 : i32
      %add3A_179 = arith.addi %mul3A_176, %mul3A_178 : i32
      %dma_start3A_180 = arith.constant 0 : i32
      %dma_start3A_181 = tpu.memref_slice %arg11[%add3A_174, %dma_start3A_180] : memref<80x128xi32, #tpu.memory_space<vmem>> -> memref<1x128xi32, #tpu.memory_space<vmem>>
      %dma_start3A_182 = tpu.memref_squeeze %dma_start3A_181 : memref<1x128xi32, #tpu.memory_space<vmem>> -> memref<128xi32, #tpu.memory_space<vmem>>
      %dma_start3A_183 = tpu.memref_slice %arg4[%add3A_179] : memref<163840xi32, #tpu.memory_space<hbm>> -> memref<128xi32, #tpu.memory_space<hbm>>
      %dma_start3A_184 = arith.constant 0 : i32
      %dma_start3A_185 = tpu.memref_slice %arg11[%add3A_174, %dma_start3A_184] : memref<80x128xi32, #tpu.memory_space<vmem>> -> memref<1x128xi32, #tpu.memory_space<vmem>>
      %dma_start3A_186 = tpu.memref_squeeze %dma_start3A_185 : memref<1x128xi32, #tpu.memory_space<vmem>> -> memref<128xi32, #tpu.memory_space<vmem>>
      %dma_start3A_187 = tpu.memref_slice %arg4[%add3A_179] : memref<163840xi32, #tpu.memory_space<hbm>> -> memref<128xi32, #tpu.memory_space<hbm>>
      tpu.enqueue_dma source(%dma_start3A_187 : memref<128xi32, #tpu.memory_space<hbm>>) target(%dma_start3A_186 : memref<128xi32, #tpu.memory_space<vmem>>) target_semaphore(%arg25 : memref<!tpu.dma_semaphore, #tpu.memory_space<semaphore_mem>>)
      %mul3A_188 = arith.constant 16 : i32
      %mul3A_189 = arith.muli %scan3A_153, %mul3A_188 : i32
      %add3A_190 = arith.constant 2 : i32
      %add3A_191 = arith.addi %mul3A_189, %add3A_190 : i32
      %mul3A_192 = arith.constant 10240 : i32
      %mul3A_193 = arith.muli %arg1, %mul3A_192 : i32
      %mul3A_194 = arith.constant 128 : i32
      %mul3A_195 = arith.muli %add3A_191, %mul3A_194 : i32
      %add3A_196 = arith.addi %mul3A_193, %mul3A_195 : i32
      %dma_start3A_197 = arith.constant 0 : i32
      %dma_start3A_198 = tpu.memref_slice %arg11[%add3A_191, %dma_start3A_197] : memref<80x128xi32, #tpu.memory_space<vmem>> -> memref<1x128xi32, #tpu.memory_space<vmem>>
      %dma_start3A_199 = tpu.memref_squeeze %dma_start3A_198 : memref<1x128xi32, #tpu.memory_space<vmem>> -> memref<128xi32, #tpu.memory_space<vmem>>
      %dma_start3A_200 = tpu.memref_slice %arg4[%add3A_196] : memref<163840xi32, #tpu.memory_space<hbm>> -> memref<128xi32, #tpu.memory_space<hbm>>
      %dma_start3A_201 = arith.constant 0 : i32
      %dma_start3A_202 = tpu.memref_slice %arg11[%add3A_191, %dma_start3A_201] : memref<80x128xi32, #tpu.memory_space<vmem>> -> memref<1x128xi32, #tpu.memory_space<vmem>>
      %dma_start3A_203 = tpu.memref_squeeze %dma_start3A_202 : memref<1x128xi32, #tpu.memory_space<vmem>> -> memref<128xi32, #tpu.memory_space<vmem>>
      %dma_start3A_204 = tpu.memref_slice %arg4[%add3A_196] : memref<163840xi32, #tpu.memory_space<hbm>> -> memref<128xi32, #tpu.memory_space<hbm>>
      tpu.enqueue_dma source(%dma_start3A_204 : memref<128xi32, #tpu.memory_space<hbm>>) target(%dma_start3A_203 : memref<128xi32, #tpu.memory_space<vmem>>) target_semaphore(%arg25 : memref<!tpu.dma_semaphore, #tpu.memory_space<semaphore_mem>>)
      %mul3A_205 = arith.constant 16 : i32
      %mul3A_206 = arith.muli %scan3A_153, %mul3A_205 : i32
      %add3A_207 = arith.constant 3 : i32
      %add3A_208 = arith.addi %mul3A_206, %add3A_207 : i32
      %mul3A_209 = arith.constant 10240 : i32
      %mul3A_210 = arith.muli %arg1, %mul3A_209 : i32
      %mul3A_211 = arith.constant 128 : i32
      %mul3A_212 = arith.muli %add3A_208, %mul3A_211 : i32
      %add3A_213 = arith.addi %mul3A_210, %mul3A_212 : i32
      %dma_start3A_214 = arith.constant 0 : i32
      %dma_start3A_215 = tpu.memref_slice %arg11[%add3A_208, %dma_start3A_214] : memref<80x128xi32, #tpu.memory_space<vmem>> -> memref<1x128xi32, #tpu.memory_space<vmem>>
      %dma_start3A_216 = tpu.memref_squeeze %dma_start3A_215 : memref<1x128xi32, #tpu.memory_space<vmem>> -> memref<128xi32, #tpu.memory_space<vmem>>
      %dma_start3A_217 = tpu.memref_slice %arg4[%add3A_213] : memref<163840xi32, #tpu.memory_space<hbm>> -> memref<128xi32, #tpu.memory_space<hbm>>
      %dma_start3A_218 = arith.constant 0 : i32
      %dma_start3A_219 = tpu.memref_slice %arg11[%add3A_208, %dma_start3A_218] : memref<80x128xi32, #tpu.memory_space<vmem>> -> memref<1x128xi32, #tpu.memory_space<vmem>>
      %dma_start3A_220 = tpu.memref_squeeze %dma_start3A_219 : memref<1x128xi32, #tpu.memory_space<vmem>> -> memref<128xi32, #tpu.memory_space<vmem>>
      %dma_start3A_221 = tpu.memref_slice %arg4[%add3A_213] : memref<163840xi32, #tpu.memory_space<hbm>> -> memref<128xi32, #tpu.memory_space<hbm>>
      tpu.enqueue_dma source(%dma_start3A_221 : memref<128xi32, #tpu.memory_space<hbm>>) target(%dma_start3A_220 : memref<128xi32, #tpu.memory_space<vmem>>) target_semaphore(%arg25 : memref<!tpu.dma_semaphore, #tpu.memory_space<semaphore_mem>>)
      %mul3A_222 = arith.constant 16 : i32
      %mul3A_223 = arith.muli %scan3A_153, %mul3A_222 : i32
      %add3A_224 = arith.constant 4 : i32
      %add3A_225 = arith.addi %mul3A_223, %add3A_224 : i32
      %mul3A_226 = arith.constant 10240 : i32
      %mul3A_227 = arith.muli %arg1, %mul3A_226 : i32
      %mul3A_228 = arith.constant 128 : i32
      %mul3A_229 = arith.muli %add3A_225, %mul3A_228 : i32
      %add3A_230 = arith.addi %mul3A_227, %mul3A_229 : i32
      %dma_start3A_231 = arith.constant 0 : i32
      %dma_start3A_232 = tpu.memref_slice %arg11[%add3A_225, %dma_start3A_231] : memref<80x128xi32, #tpu.memory_space<vmem>> -> memref<1x128xi32, #tpu.memory_space<vmem>>
      %dma_start3A_233 = tpu.memref_squeeze %dma_start3A_232 : memref<1x128xi32, #tpu.memory_space<vmem>> -> memref<128xi32, #tpu.memory_space<vmem>>
      %dma_start3A_234 = tpu.memref_slice %arg4[%add3A_230] : memref<163840xi32, #tpu.memory_space<hbm>> -> memref<128xi32, #tpu.memory_space<hbm>>
      %dma_start3A_235 = arith.constant 0 : i32
      %dma_start3A_236 = tpu.memref_slice %arg11[%add3A_225, %dma_start3A_235] : memref<80x128xi32, #tpu.memory_space<vmem>> -> memref<1x128xi32, #tpu.memory_space<vmem>>
      %dma_start3A_237 = tpu.memref_squeeze %dma_start3A_236 : memref<1x128xi32, #tpu.memory_space<vmem>> -> memref<128xi32, #tpu.memory_space<vmem>>
      %dma_start3A_238 = tpu.memref_slice %arg4[%add3A_230] : memref<163840xi32, #tpu.memory_space<hbm>> -> memref<128xi32, #tpu.memory_space<hbm>>
      tpu.enqueue_dma source(%dma_start3A_238 : memref<128xi32, #tpu.memory_space<hbm>>) target(%dma_start3A_237 : memref<128xi32, #tpu.memory_space<vmem>>) target_semaphore(%arg25 : memref<!tpu.dma_semaphore, #tpu.memory_space<semaphore_mem>>)
      %mul3A_239 = arith.constant 16 : i32
      %mul3A_240 = arith.muli %scan3A_153, %mul3A_239 : i32
      %add3A_241 = arith.constant 5 : i32
      %add3A_242 = arith.addi %mul3A_240, %add3A_241 : i32
      %mul3A_243 = arith.constant 10240 : i32
      %mul3A_244 = arith.muli %arg1, %mul3A_243 : i32
      %mul3A_245 = arith.constant 128 : i32
      %mul3A_246 = arith.muli %add3A_242, %mul3A_245 : i32
      %add3A_247 = arith.addi %mul3A_244, %mul3A_246 : i32
      %dma_start3A_248 = arith.constant 0 : i32
      %dma_start3A_249 = tpu.memref_slice %arg11[%add3A_242, %dma_start3A_248] : memref<80x128xi32, #tpu.memory_space<vmem>> -> memref<1x128xi32, #tpu.memory_space<vmem>>
      %dma_start3A_250 = tpu.memref_squeeze %dma_start3A_249 : memref<1x128xi32, #tpu.memory_space<vmem>> -> memref<128xi32, #tpu.memory_space<vmem>>
      %dma_start3A_251 = tpu.memref_slice %arg4[%add3A_247] : memref<163840xi32, #tpu.memory_space<hbm>> -> memref<128xi32, #tpu.memory_space<hbm>>
      %dma_start3A_252 = arith.constant 0 : i32
      %dma_start3A_253 = tpu.memref_slice %arg11[%add3A_242, %dma_start3A_252] : memref<80x128xi32, #tpu.memory_space<vmem>> -> memref<1x128xi32, #tpu.memory_space<vmem>>
      %dma_start3A_254 = tpu.memref_squeeze %dma_start3A_253 : memref<1x128xi32, #tpu.memory_space<vmem>> -> memref<128xi32, #tpu.memory_space<vmem>>
      %dma_start3A_255 = tpu.memref_slice %arg4[%add3A_247] : memref<163840xi32, #tpu.memory_space<hbm>> -> memref<128xi32, #tpu.memory_space<hbm>>
      tpu.enqueue_dma source(%dma_start3A_255 : memref<128xi32, #tpu.memory_space<hbm>>) target(%dma_start3A_254 : memref<128xi32, #tpu.memory_space<vmem>>) target_semaphore(%arg25 : memref<!tpu.dma_semaphore, #tpu.memory_space<semaphore_mem>>)
      %mul3A_256 = arith.constant 16 : i32
      %mul3A_257 = arith.muli %scan3A_153, %mul3A_256 : i32
      %add3A_258 = arith.constant 6 : i32
      %add3A_259 = arith.addi %mul3A_257, %add3A_258 : i32
      %mul3A_260 = arith.constant 10240 : i32
      %mul3A_261 = arith.muli %arg1, %mul3A_260 : i32
      %mul3A_262 = arith.constant 128 : i32
      %mul3A_263 = arith.muli %add3A_259, %mul3A_262 : i32
      %add3A_264 = arith.addi %mul3A_261, %mul3A_263 : i32
      %dma_start3A_265 = arith.constant 0 : i32
      %dma_start3A_266 = tpu.memref_slice %arg11[%add3A_259, %dma_start3A_265] : memref<80x128xi32, #tpu.memory_space<vmem>> -> memref<1x128xi32, #tpu.memory_space<vmem>>
      %dma_start3A_267 = tpu.memref_squeeze %dma_start3A_266 : memref<1x128xi32, #tpu.memory_space<vmem>> -> memref<128xi32, #tpu.memory_space<vmem>>
      %dma_start3A_268 = tpu.memref_slice %arg4[%add3A_264] : memref<163840xi32, #tpu.memory_space<hbm>> -> memref<128xi32, #tpu.memory_space<hbm>>
      %dma_start3A_269 = arith.constant 0 : i32
      %dma_start3A_270 = tpu.memref_slice %arg11[%add3A_259, %dma_start3A_269] : memref<80x128xi32, #tpu.memory_space<vmem>> -> memref<1x128xi32, #tpu.memory_space<vmem>>
      %dma_start3A_271 = tpu.memref_squeeze %dma_start3A_270 : memref<1x128xi32, #tpu.memory_space<vmem>> -> memref<128xi32, #tpu.memory_space<vmem>>
      %dma_start3A_272 = tpu.memref_slice %arg4[%add3A_264] : memref<163840xi32, #tpu.memory_space<hbm>> -> memref<128xi32, #tpu.memory_space<hbm>>
      tpu.enqueue_dma source(%dma_start3A_272 : memref<128xi32, #tpu.memory_space<hbm>>) target(%dma_start3A_271 : memref<128xi32, #tpu.memory_space<vmem>>) target_semaphore(%arg25 : memref<!tpu.dma_semaphore, #tpu.memory_space<semaphore_mem>>)
      %mul3A_273 = arith.constant 16 : i32
      %mul3A_274 = arith.muli %scan3A_153, %mul3A_273 : i32
      %add3A_275 = arith.constant 7 : i32
      %add3A_276 = arith.addi %mul3A_274, %add3A_275 : i32
      %mul3A_277 = arith.constant 10240 : i32
      %mul3A_278 = arith.muli %arg1, %mul3A_277 : i32
      %mul3A_279 = arith.constant 128 : i32
      %mul3A_280 = arith.muli %add3A_276, %mul3A_279 : i32
      %add3A_281 = arith.addi %mul3A_278, %mul3A_280 : i32
      %dma_start3A_282 = arith.constant 0 : i32
      %dma_start3A_283 = tpu.memref_slice %arg11[%add3A_276, %dma_start3A_282] : memref<80x128xi32, #tpu.memory_space<vmem>> -> memref<1x128xi32, #tpu.memory_space<vmem>>
      %dma_start3A_284 = tpu.memref_squeeze %dma_start3A_283 : memref<1x128xi32, #tpu.memory_space<vmem>> -> memref<128xi32, #tpu.memory_space<vmem>>
      %dma_start3A_285 = tpu.memref_slice %arg4[%add3A_281] : memref<163840xi32, #tpu.memory_space<hbm>> -> memref<128xi32, #tpu.memory_space<hbm>>
      %dma_start3A_286 = arith.constant 0 : i32
      %dma_start3A_287 = tpu.memref_slice %arg11[%add3A_276, %dma_start3A_286] : memref<80x128xi32, #tpu.memory_space<vmem>> -> memref<1x128xi32, #tpu.memory_space<vmem>>
      %dma_start3A_288 = tpu.memref_squeeze %dma_start3A_287 : memref<1x128xi32, #tpu.memory_space<vmem>> -> memref<128xi32, #tpu.memory_space<vmem>>
      %dma_start3A_289 = tpu.memref_slice %arg4[%add3A_281] : memref<163840xi32, #tpu.memory_space<hbm>> -> memref<128xi32, #tpu.memory_space<hbm>>
      tpu.enqueue_dma source(%dma_start3A_289 : memref<128xi32, #tpu.memory_space<hbm>>) target(%dma_start3A_288 : memref<128xi32, #tpu.memory_space<vmem>>) target_semaphore(%arg25 : memref<!tpu.dma_semaphore, #tpu.memory_space<semaphore_mem>>)
      %mul3A_290 = arith.constant 16 : i32
      %mul3A_291 = arith.muli %scan3A_153, %mul3A_290 : i32
      %add3A_292 = arith.constant 8 : i32
      %add3A_293 = arith.addi %mul3A_291, %add3A_292 : i32
      %mul3A_294 = arith.constant 10240 : i32
      %mul3A_295 = arith.muli %arg1, %mul3A_294 : i32
      %mul3A_296 = arith.constant 128 : i32
      %mul3A_297 = arith.muli %add3A_293, %mul3A_296 : i32
      %add3A_298 = arith.addi %mul3A_295, %mul3A_297 : i32
      %dma_start3A_299 = arith.constant 0 : i32
      %dma_start3A_300 = tpu.memref_slice %arg11[%add3A_293, %dma_start3A_299] : memref<80x128xi32, #tpu.memory_space<vmem>> -> memref<1x128xi32, #tpu.memory_space<vmem>>
      %dma_start3A_301 = tpu.memref_squeeze %dma_start3A_300 : memref<1x128xi32, #tpu.memory_space<vmem>> -> memref<128xi32, #tpu.memory_space<vmem>>
      %dma_start3A_302 = tpu.memref_slice %arg4[%add3A_298] : memref<163840xi32, #tpu.memory_space<hbm>> -> memref<128xi32, #tpu.memory_space<hbm>>
      %dma_start3A_303 = arith.constant 0 : i32
      %dma_start3A_304 = tpu.memref_slice %arg11[%add3A_293, %dma_start3A_303] : memref<80x128xi32, #tpu.memory_space<vmem>> -> memref<1x128xi32, #tpu.memory_space<vmem>>
      %dma_start3A_305 = tpu.memref_squeeze %dma_start3A_304 : memref<1x128xi32, #tpu.memory_space<vmem>> -> memref<128xi32, #tpu.memory_space<vmem>>
      %dma_start3A_306 = tpu.memref_slice %arg4[%add3A_298] : memref<163840xi32, #tpu.memory_space<hbm>> -> memref<128xi32, #tpu.memory_space<hbm>>
      tpu.enqueue_dma source(%dma_start3A_306 : memref<128xi32, #tpu.memory_space<hbm>>) target(%dma_start3A_305 : memref<128xi32, #tpu.memory_space<vmem>>) target_semaphore(%arg25 : memref<!tpu.dma_semaphore, #tpu.memory_space<semaphore_mem>>)
      %mul3A_307 = arith.constant 16 : i32
      %mul3A_308 = arith.muli %scan3A_153, %mul3A_307 : i32
      %add3A_309 = arith.constant 9 : i32
      %add3A_310 = arith.addi %mul3A_308, %add3A_309 : i32
      %mul3A_311 = arith.constant 10240 : i32
      %mul3A_312 = arith.muli %arg1, %mul3A_311 : i32
      %mul3A_313 = arith.constant 128 : i32
      %mul3A_314 = arith.muli %add3A_310, %mul3A_313 : i32
      %add3A_315 = arith.addi %mul3A_312, %mul3A_314 : i32
      %dma_start3A_316 = arith.constant 0 : i32
      %dma_start3A_317 = tpu.memref_slice %arg11[%add3A_310, %dma_start3A_316] : memref<80x128xi32, #tpu.memory_space<vmem>> -> memref<1x128xi32, #tpu.memory_space<vmem>>
      %dma_start3A_318 = tpu.memref_squeeze %dma_start3A_317 : memref<1x128xi32, #tpu.memory_space<vmem>> -> memref<128xi32, #tpu.memory_space<vmem>>
      %dma_start3A_319 = tpu.memref_slice %arg4[%add3A_315] : memref<163840xi32, #tpu.memory_space<hbm>> -> memref<128xi32, #tpu.memory_space<hbm>>
      %dma_start3A_320 = arith.constant 0 : i32
      %dma_start3A_321 = tpu.memref_slice %arg11[%add3A_310, %dma_start3A_320] : memref<80x128xi32, #tpu.memory_space<vmem>> -> memref<1x128xi32, #tpu.memory_space<vmem>>
      %dma_start3A_322 = tpu.memref_squeeze %dma_start3A_321 : memref<1x128xi32, #tpu.memory_space<vmem>> -> memref<128xi32, #tpu.memory_space<vmem>>
      %dma_start3A_323 = tpu.memref_slice %arg4[%add3A_315] : memref<163840xi32, #tpu.memory_space<hbm>> -> memref<128xi32, #tpu.memory_space<hbm>>
      tpu.enqueue_dma source(%dma_start3A_323 : memref<128xi32, #tpu.memory_space<hbm>>) target(%dma_start3A_322 : memref<128xi32, #tpu.memory_space<vmem>>) target_semaphore(%arg25 : memref<!tpu.dma_semaphore, #tpu.memory_space<semaphore_mem>>)
      %mul3A_324 = arith.constant 16 : i32
      %mul3A_325 = arith.muli %scan3A_153, %mul3A_324 : i32
      %add3A_326 = arith.constant 10 : i32
      %add3A_327 = arith.addi %mul3A_325, %add3A_326 : i32
      %mul3A_328 = arith.constant 10240 : i32
      %mul3A_329 = arith.muli %arg1, %mul3A_328 : i32
      %mul3A_330 = arith.constant 128 : i32
      %mul3A_331 = arith.muli %add3A_327, %mul3A_330 : i32
      %add3A_332 = arith.addi %mul3A_329, %mul3A_331 : i32
      %dma_start3A_333 = arith.constant 0 : i32
      %dma_start3A_334 = tpu.memref_slice %arg11[%add3A_327, %dma_start3A_333] : memref<80x128xi32, #tpu.memory_space<vmem>> -> memref<1x128xi32, #tpu.memory_space<vmem>>
      %dma_start3A_335 = tpu.memref_squeeze %dma_start3A_334 : memref<1x128xi32, #tpu.memory_space<vmem>> -> memref<128xi32, #tpu.memory_space<vmem>>
      %dma_start3A_336 = tpu.memref_slice %arg4[%add3A_332] : memref<163840xi32, #tpu.memory_space<hbm>> -> memref<128xi32, #tpu.memory_space<hbm>>
      %dma_start3A_337 = arith.constant 0 : i32
      %dma_start3A_338 = tpu.memref_slice %arg11[%add3A_327, %dma_start3A_337] : memref<80x128xi32, #tpu.memory_space<vmem>> -> memref<1x128xi32, #tpu.memory_space<vmem>>
      %dma_start3A_339 = tpu.memref_squeeze %dma_start3A_338 : memref<1x128xi32, #tpu.memory_space<vmem>> -> memref<128xi32, #tpu.memory_space<vmem>>
      %dma_start3A_340 = tpu.memref_slice %arg4[%add3A_332] : memref<163840xi32, #tpu.memory_space<hbm>> -> memref<128xi32, #tpu.memory_space<hbm>>
      tpu.enqueue_dma source(%dma_start3A_340 : memref<128xi32, #tpu.memory_space<hbm>>) target(%dma_start3A_339 : memref<128xi32, #tpu.memory_space<vmem>>) target_semaphore(%arg25 : memref<!tpu.dma_semaphore, #tpu.memory_space<semaphore_mem>>)
      %mul3A_341 = arith.constant 16 : i32
      %mul3A_342 = arith.muli %scan3A_153, %mul3A_341 : i32
      %add3A_343 = arith.constant 11 : i32
      %add3A_344 = arith.addi %mul3A_342, %add3A_343 : i32
      %mul3A_345 = arith.constant 10240 : i32
      %mul3A_346 = arith.muli %arg1, %mul3A_345 : i32
      %mul3A_347 = arith.constant 128 : i32
      %mul3A_348 = arith.muli %add3A_344, %mul3A_347 : i32
      %add3A_349 = arith.addi %mul3A_346, %mul3A_348 : i32
      %dma_start3A_350 = arith.constant 0 : i32
      %dma_start3A_351 = tpu.memref_slice %arg11[%add3A_344, %dma_start3A_350] : memref<80x128xi32, #tpu.memory_space<vmem>> -> memref<1x128xi32, #tpu.memory_space<vmem>>
      %dma_start3A_352 = tpu.memref_squeeze %dma_start3A_351 : memref<1x128xi32, #tpu.memory_space<vmem>> -> memref<128xi32, #tpu.memory_space<vmem>>
      %dma_start3A_353 = tpu.memref_slice %arg4[%add3A_349] : memref<163840xi32, #tpu.memory_space<hbm>> -> memref<128xi32, #tpu.memory_space<hbm>>
      %dma_start3A_354 = arith.constant 0 : i32
      %dma_start3A_355 = tpu.memref_slice %arg11[%add3A_344, %dma_start3A_354] : memref<80x128xi32, #tpu.memory_space<vmem>> -> memref<1x128xi32, #tpu.memory_space<vmem>>
      %dma_start3A_356 = tpu.memref_squeeze %dma_start3A_355 : memref<1x128xi32, #tpu.memory_space<vmem>> -> memref<128xi32, #tpu.memory_space<vmem>>
      %dma_start3A_357 = tpu.memref_slice %arg4[%add3A_349] : memref<163840xi32, #tpu.memory_space<hbm>> -> memref<128xi32, #tpu.memory_space<hbm>>
      tpu.enqueue_dma source(%dma_start3A_357 : memref<128xi32, #tpu.memory_space<hbm>>) target(%dma_start3A_356 : memref<128xi32, #tpu.memory_space<vmem>>) target_semaphore(%arg25 : memref<!tpu.dma_semaphore, #tpu.memory_space<semaphore_mem>>)
      %mul3A_358 = arith.constant 16 : i32
      %mul3A_359 = arith.muli %scan3A_153, %mul3A_358 : i32
      %add3A_360 = arith.constant 12 : i32
      %add3A_361 = arith.addi %mul3A_359, %add3A_360 : i32
      %mul3A_362 = arith.constant 10240 : i32
      %mul3A_363 = arith.muli %arg1, %mul3A_362 : i32
      %mul3A_364 = arith.constant 128 : i32
      %mul3A_365 = arith.muli %add3A_361, %mul3A_364 : i32
      %add3A_366 = arith.addi %mul3A_363, %mul3A_365 : i32
      %dma_start3A_367 = arith.constant 0 : i32
      %dma_start3A_368 = tpu.memref_slice %arg11[%add3A_361, %dma_start3A_367] : memref<80x128xi32, #tpu.memory_space<vmem>> -> memref<1x128xi32, #tpu.memory_space<vmem>>
      %dma_start3A_369 = tpu.memref_squeeze %dma_start3A_368 : memref<1x128xi32, #tpu.memory_space<vmem>> -> memref<128xi32, #tpu.memory_space<vmem>>
      %dma_start3A_370 = tpu.memref_slice %arg4[%add3A_366] : memref<163840xi32, #tpu.memory_space<hbm>> -> memref<128xi32, #tpu.memory_space<hbm>>
      %dma_start3A_371 = arith.constant 0 : i32
      %dma_start3A_372 = tpu.memref_slice %arg11[%add3A_361, %dma_start3A_371] : memref<80x128xi32, #tpu.memory_space<vmem>> -> memref<1x128xi32, #tpu.memory_space<vmem>>
      %dma_start3A_373 = tpu.memref_squeeze %dma_start3A_372 : memref<1x128xi32, #tpu.memory_space<vmem>> -> memref<128xi32, #tpu.memory_space<vmem>>
      %dma_start3A_374 = tpu.memref_slice %arg4[%add3A_366] : memref<163840xi32, #tpu.memory_space<hbm>> -> memref<128xi32, #tpu.memory_space<hbm>>
      tpu.enqueue_dma source(%dma_start3A_374 : memref<128xi32, #tpu.memory_space<hbm>>) target(%dma_start3A_373 : memref<128xi32, #tpu.memory_space<vmem>>) target_semaphore(%arg25 : memref<!tpu.dma_semaphore, #tpu.memory_space<semaphore_mem>>)
      %mul3A_375 = arith.constant 16 : i32
      %mul3A_376 = arith.muli %scan3A_153, %mul3A_375 : i32
      %add3A_377 = arith.constant 13 : i32
      %add3A_378 = arith.addi %mul3A_376, %add3A_377 : i32
      %mul3A_379 = arith.constant 10240 : i32
      %mul3A_380 = arith.muli %arg1, %mul3A_379 : i32
      %mul3A_381 = arith.constant 128 : i32
      %mul3A_382 = arith.muli %add3A_378, %mul3A_381 : i32
      %add3A_383 = arith.addi %mul3A_380, %mul3A_382 : i32
      %dma_start3A_384 = arith.constant 0 : i32
      %dma_start3A_385 = tpu.memref_slice %arg11[%add3A_378, %dma_start3A_384] : memref<80x128xi32, #tpu.memory_space<vmem>> -> memref<1x128xi32, #tpu.memory_space<vmem>>
      %dma_start3A_386 = tpu.memref_squeeze %dma_start3A_385 : memref<1x128xi32, #tpu.memory_space<vmem>> -> memref<128xi32, #tpu.memory_space<vmem>>
      %dma_start3A_387 = tpu.memref_slice %arg4[%add3A_383] : memref<163840xi32, #tpu.memory_space<hbm>> -> memref<128xi32, #tpu.memory_space<hbm>>
      %dma_start3A_388 = arith.constant 0 : i32
      %dma_start3A_389 = tpu.memref_slice %arg11[%add3A_378, %dma_start3A_388] : memref<80x128xi32, #tpu.memory_space<vmem>> -> memref<1x128xi32, #tpu.memory_space<vmem>>
      %dma_start3A_390 = tpu.memref_squeeze %dma_start3A_389 : memref<1x128xi32, #tpu.memory_space<vmem>> -> memref<128xi32, #tpu.memory_space<vmem>>
      %dma_start3A_391 = tpu.memref_slice %arg4[%add3A_383] : memref<163840xi32, #tpu.memory_space<hbm>> -> memref<128xi32, #tpu.memory_space<hbm>>
      tpu.enqueue_dma source(%dma_start3A_391 : memref<128xi32, #tpu.memory_space<hbm>>) target(%dma_start3A_390 : memref<128xi32, #tpu.memory_space<vmem>>) target_semaphore(%arg25 : memref<!tpu.dma_semaphore, #tpu.memory_space<semaphore_mem>>)
      %mul3A_392 = arith.constant 16 : i32
      %mul3A_393 = arith.muli %scan3A_153, %mul3A_392 : i32
      %add3A_394 = arith.constant 14 : i32
      %add3A_395 = arith.addi %mul3A_393, %add3A_394 : i32
      %mul3A_396 = arith.constant 10240 : i32
      %mul3A_397 = arith.muli %arg1, %mul3A_396 : i32
      %mul3A_398 = arith.constant 128 : i32
      %mul3A_399 = arith.muli %add3A_395, %mul3A_398 : i32
      %add3A_400 = arith.addi %mul3A_397, %mul3A_399 : i32
      %dma_start3A_401 = arith.constant 0 : i32
      %dma_start3A_402 = tpu.memref_slice %arg11[%add3A_395, %dma_start3A_401] : memref<80x128xi32, #tpu.memory_space<vmem>> -> memref<1x128xi32, #tpu.memory_space<vmem>>
      %dma_start3A_403 = tpu.memref_squeeze %dma_start3A_402 : memref<1x128xi32, #tpu.memory_space<vmem>> -> memref<128xi32, #tpu.memory_space<vmem>>
      %dma_start3A_404 = tpu.memref_slice %arg4[%add3A_400] : memref<163840xi32, #tpu.memory_space<hbm>> -> memref<128xi32, #tpu.memory_space<hbm>>
      %dma_start3A_405 = arith.constant 0 : i32
      %dma_start3A_406 = tpu.memref_slice %arg11[%add3A_395, %dma_start3A_405] : memref<80x128xi32, #tpu.memory_space<vmem>> -> memref<1x128xi32, #tpu.memory_space<vmem>>
      %dma_start3A_407 = tpu.memref_squeeze %dma_start3A_406 : memref<1x128xi32, #tpu.memory_space<vmem>> -> memref<128xi32, #tpu.memory_space<vmem>>
      %dma_start3A_408 = tpu.memref_slice %arg4[%add3A_400] : memref<163840xi32, #tpu.memory_space<hbm>> -> memref<128xi32, #tpu.memory_space<hbm>>
      tpu.enqueue_dma source(%dma_start3A_408 : memref<128xi32, #tpu.memory_space<hbm>>) target(%dma_start3A_407 : memref<128xi32, #tpu.memory_space<vmem>>) target_semaphore(%arg25 : memref<!tpu.dma_semaphore, #tpu.memory_space<semaphore_mem>>)
      %mul3A_409 = arith.constant 16 : i32
      %mul3A_410 = arith.muli %scan3A_153, %mul3A_409 : i32
      %add3A_411 = arith.constant 15 : i32
      %add3A_412 = arith.addi %mul3A_410, %add3A_411 : i32
      %mul3A_413 = arith.constant 10240 : i32
      %mul3A_414 = arith.muli %arg1, %mul3A_413 : i32
      %mul3A_415 = arith.constant 128 : i32
      %mul3A_416 = arith.muli %add3A_412, %mul3A_415 : i32
      %add3A_417 = arith.addi %mul3A_414, %mul3A_416 : i32
      %dma_start3A_418 = arith.constant 0 : i32
      %dma_start3A_419 = tpu.memref_slice %arg11[%add3A_412, %dma_start3A_418] : memref<80x128xi32, #tpu.memory_space<vmem>> -> memref<1x128xi32, #tpu.memory_space<vmem>>
      %dma_start3A_420 = tpu.memref_squeeze %dma_start3A_419 : memref<1x128xi32, #tpu.memory_space<vmem>> -> memref<128xi32, #tpu.memory_space<vmem>>
      %dma_start3A_421 = tpu.memref_slice %arg4[%add3A_417] : memref<163840xi32, #tpu.memory_space<hbm>> -> memref<128xi32, #tpu.memory_space<hbm>>
      %dma_start3A_422 = arith.constant 0 : i32
      %dma_start3A_423 = tpu.memref_slice %arg11[%add3A_412, %dma_start3A_422] : memref<80x128xi32, #tpu.memory_space<vmem>> -> memref<1x128xi32, #tpu.memory_space<vmem>>
      %dma_start3A_424 = tpu.memref_squeeze %dma_start3A_423 : memref<1x128xi32, #tpu.memory_space<vmem>> -> memref<128xi32, #tpu.memory_space<vmem>>
      %dma_start3A_425 = tpu.memref_slice %arg4[%add3A_417] : memref<163840xi32, #tpu.memory_space<hbm>> -> memref<128xi32, #tpu.memory_space<hbm>>
      tpu.enqueue_dma source(%dma_start3A_425 : memref<128xi32, #tpu.memory_space<hbm>>) target(%dma_start3A_424 : memref<128xi32, #tpu.memory_space<vmem>>) target_semaphore(%arg25 : memref<!tpu.dma_semaphore, #tpu.memory_space<semaphore_mem>>)
      %mul3A_426 = arith.constant 16 : i32
      %mul3A_427 = arith.muli %scan3A_153, %mul3A_426 : i32
      %add3A_428 = arith.constant 0 : i32
      %add3A_429 = arith.addi %mul3A_427, %add3A_428 : i32
      %mul3A_430 = arith.constant 10240 : i32
      %mul3A_431 = arith.muli %arg1, %mul3A_430 : i32
      %mul3A_432 = arith.constant 128 : i32
      %mul3A_433 = arith.muli %add3A_429, %mul3A_432 : i32
      %add3A_434 = arith.addi %mul3A_431, %mul3A_433 : i32
      %dma_wait3A = arith.constant 0 : i32
      %dma_wait3A_435 = tpu.memref_slice %arg11[%add3A_429, %dma_wait3A] : memref<80x128xi32, #tpu.memory_space<vmem>> -> memref<1x128xi32, #tpu.memory_space<vmem>>
      %dma_wait3A_436 = tpu.memref_squeeze %dma_wait3A_435 : memref<1x128xi32, #tpu.memory_space<vmem>> -> memref<128xi32, #tpu.memory_space<vmem>>
      %dma_wait3A_437 = tpu.memref_slice %arg4[%add3A_434] : memref<163840xi32, #tpu.memory_space<hbm>> -> memref<128xi32, #tpu.memory_space<hbm>>
      %dma_wait3A_438 = arith.constant 0 : i32
      %dma_wait3A_439 = tpu.memref_slice %arg11[%add3A_429, %dma_wait3A_438] : memref<80x128xi32, #tpu.memory_space<vmem>> -> memref<1x128xi32, #tpu.memory_space<vmem>>
      %dma_wait3A_440 = tpu.memref_squeeze %dma_wait3A_439 : memref<1x128xi32, #tpu.memory_space<vmem>> -> memref<128xi32, #tpu.memory_space<vmem>>
      %dma_wait3A_441 = tpu.memref_slice %arg4[%add3A_434] : memref<163840xi32, #tpu.memory_space<hbm>> -> memref<128xi32, #tpu.memory_space<hbm>>
      tpu.wait_dma2 semaphore(%arg25 : memref<!tpu.dma_semaphore, #tpu.memory_space<semaphore_mem>>) src(%dma_wait3A_441 : memref<128xi32, #tpu.memory_space<hbm>>) dst(%dma_wait3A_440 : memref<128xi32, #tpu.memory_space<vmem>>)
      %mul3A_442 = arith.constant 16 : i32
      %mul3A_443 = arith.muli %scan3A_153, %mul3A_442 : i32
      %add3A_444 = arith.constant 1 : i32
      %add3A_445 = arith.addi %mul3A_443, %add3A_444 : i32
      %mul3A_446 = arith.constant 10240 : i32
      %mul3A_447 = arith.muli %arg1, %mul3A_446 : i32
      %mul3A_448 = arith.constant 128 : i32
      %mul3A_449 = arith.muli %add3A_445, %mul3A_448 : i32
      %add3A_450 = arith.addi %mul3A_447, %mul3A_449 : i32
      %dma_wait3A_451 = arith.constant 0 : i32
      %dma_wait3A_452 = tpu.memref_slice %arg11[%add3A_445, %dma_wait3A_451] : memref<80x128xi32, #tpu.memory_space<vmem>> -> memref<1x128xi32, #tpu.memory_space<vmem>>
      %dma_wait3A_453 = tpu.memref_squeeze %dma_wait3A_452 : memref<1x128xi32, #tpu.memory_space<vmem>> -> memref<128xi32, #tpu.memory_space<vmem>>
      %dma_wait3A_454 = tpu.memref_slice %arg4[%add3A_450] : memref<163840xi32, #tpu.memory_space<hbm>> -> memref<128xi32, #tpu.memory_space<hbm>>
      %dma_wait3A_455 = arith.constant 0 : i32
      %dma_wait3A_456 = tpu.memref_slice %arg11[%add3A_445, %dma_wait3A_455] : memref<80x128xi32, #tpu.memory_space<vmem>> -> memref<1x128xi32, #tpu.memory_space<vmem>>
      %dma_wait3A_457 = tpu.memref_squeeze %dma_wait3A_456 : memref<1x128xi32, #tpu.memory_space<vmem>> -> memref<128xi32, #tpu.memory_space<vmem>>
      %dma_wait3A_458 = tpu.memref_slice %arg4[%add3A_450] : memref<163840xi32, #tpu.memory_space<hbm>> -> memref<128xi32, #tpu.memory_space<hbm>>
      tpu.wait_dma2 semaphore(%arg25 : memref<!tpu.dma_semaphore, #tpu.memory_space<semaphore_mem>>) src(%dma_wait3A_458 : memref<128xi32, #tpu.memory_space<hbm>>) dst(%dma_wait3A_457 : memref<128xi32, #tpu.memory_space<vmem>>)
      %mul3A_459 = arith.constant 16 : i32
      %mul3A_460 = arith.muli %scan3A_153, %mul3A_459 : i32
      %add3A_461 = arith.constant 2 : i32
      %add3A_462 = arith.addi %mul3A_460, %add3A_461 : i32
      %mul3A_463 = arith.constant 10240 : i32
      %mul3A_464 = arith.muli %arg1, %mul3A_463 : i32
      %mul3A_465 = arith.constant 128 : i32
      %mul3A_466 = arith.muli %add3A_462, %mul3A_465 : i32
      %add3A_467 = arith.addi %mul3A_464, %mul3A_466 : i32
      %dma_wait3A_468 = arith.constant 0 : i32
      %dma_wait3A_469 = tpu.memref_slice %arg11[%add3A_462, %dma_wait3A_468] : memref<80x128xi32, #tpu.memory_space<vmem>> -> memref<1x128xi32, #tpu.memory_space<vmem>>
      %dma_wait3A_470 = tpu.memref_squeeze %dma_wait3A_469 : memref<1x128xi32, #tpu.memory_space<vmem>> -> memref<128xi32, #tpu.memory_space<vmem>>
      %dma_wait3A_471 = tpu.memref_slice %arg4[%add3A_467] : memref<163840xi32, #tpu.memory_space<hbm>> -> memref<128xi32, #tpu.memory_space<hbm>>
      %dma_wait3A_472 = arith.constant 0 : i32
      %dma_wait3A_473 = tpu.memref_slice %arg11[%add3A_462, %dma_wait3A_472] : memref<80x128xi32, #tpu.memory_space<vmem>> -> memref<1x128xi32, #tpu.memory_space<vmem>>
      %dma_wait3A_474 = tpu.memref_squeeze %dma_wait3A_473 : memref<1x128xi32, #tpu.memory_space<vmem>> -> memref<128xi32, #tpu.memory_space<vmem>>
      %dma_wait3A_475 = tpu.memref_slice %arg4[%add3A_467] : memref<163840xi32, #tpu.memory_space<hbm>> -> memref<128xi32, #tpu.memory_space<hbm>>
      tpu.wait_dma2 semaphore(%arg25 : memref<!tpu.dma_semaphore, #tpu.memory_space<semaphore_mem>>) src(%dma_wait3A_475 : memref<128xi32, #tpu.memory_space<hbm>>) dst(%dma_wait3A_474 : memref<128xi32, #tpu.memory_space<vmem>>)
      %mul3A_476 = arith.constant 16 : i32
      %mul3A_477 = arith.muli %scan3A_153, %mul3A_476 : i32
      %add3A_478 = arith.constant 3 : i32
      %add3A_479 = arith.addi %mul3A_477, %add3A_478 : i32
      %mul3A_480 = arith.constant 10240 : i32
      %mul3A_481 = arith.muli %arg1, %mul3A_480 : i32
      %mul3A_482 = arith.constant 128 : i32
      %mul3A_483 = arith.muli %add3A_479, %mul3A_482 : i32
      %add3A_484 = arith.addi %mul3A_481, %mul3A_483 : i32
      %dma_wait3A_485 = arith.constant 0 : i32
      %dma_wait3A_486 = tpu.memref_slice %arg11[%add3A_479, %dma_wait3A_485] : memref<80x128xi32, #tpu.memory_space<vmem>> -> memref<1x128xi32, #tpu.memory_space<vmem>>
      %dma_wait3A_487 = tpu.memref_squeeze %dma_wait3A_486 : memref<1x128xi32, #tpu.memory_space<vmem>> -> memref<128xi32, #tpu.memory_space<vmem>>
      %dma_wait3A_488 = tpu.memref_slice %arg4[%add3A_484] : memref<163840xi32, #tpu.memory_space<hbm>> -> memref<128xi32, #tpu.memory_space<hbm>>
      %dma_wait3A_489 = arith.constant 0 : i32
      %dma_wait3A_490 = tpu.memref_slice %arg11[%add3A_479, %dma_wait3A_489] : memref<80x128xi32, #tpu.memory_space<vmem>> -> memref<1x128xi32, #tpu.memory_space<vmem>>
      %dma_wait3A_491 = tpu.memref_squeeze %dma_wait3A_490 : memref<1x128xi32, #tpu.memory_space<vmem>> -> memref<128xi32, #tpu.memory_space<vmem>>
      %dma_wait3A_492 = tpu.memref_slice %arg4[%add3A_484] : memref<163840xi32, #tpu.memory_space<hbm>> -> memref<128xi32, #tpu.memory_space<hbm>>
      tpu.wait_dma2 semaphore(%arg25 : memref<!tpu.dma_semaphore, #tpu.memory_space<semaphore_mem>>) src(%dma_wait3A_492 : memref<128xi32, #tpu.memory_space<hbm>>) dst(%dma_wait3A_491 : memref<128xi32, #tpu.memory_space<vmem>>)
      %mul3A_493 = arith.constant 16 : i32
      %mul3A_494 = arith.muli %scan3A_153, %mul3A_493 : i32
      %add3A_495 = arith.constant 4 : i32
      %add3A_496 = arith.addi %mul3A_494, %add3A_495 : i32
      %mul3A_497 = arith.constant 10240 : i32
      %mul3A_498 = arith.muli %arg1, %mul3A_497 : i32
      %mul3A_499 = arith.constant 128 : i32
      %mul3A_500 = arith.muli %add3A_496, %mul3A_499 : i32
      %add3A_501 = arith.addi %mul3A_498, %mul3A_500 : i32
      %dma_wait3A_502 = arith.constant 0 : i32
      %dma_wait3A_503 = tpu.memref_slice %arg11[%add3A_496, %dma_wait3A_502] : memref<80x128xi32, #tpu.memory_space<vmem>> -> memref<1x128xi32, #tpu.memory_space<vmem>>
      %dma_wait3A_504 = tpu.memref_squeeze %dma_wait3A_503 : memref<1x128xi32, #tpu.memory_space<vmem>> -> memref<128xi32, #tpu.memory_space<vmem>>
      %dma_wait3A_505 = tpu.memref_slice %arg4[%add3A_501] : memref<163840xi32, #tpu.memory_space<hbm>> -> memref<128xi32, #tpu.memory_space<hbm>>
      %dma_wait3A_506 = arith.constant 0 : i32
      %dma_wait3A_507 = tpu.memref_slice %arg11[%add3A_496, %dma_wait3A_506] : memref<80x128xi32, #tpu.memory_space<vmem>> -> memref<1x128xi32, #tpu.memory_space<vmem>>
      %dma_wait3A_508 = tpu.memref_squeeze %dma_wait3A_507 : memref<1x128xi32, #tpu.memory_space<vmem>> -> memref<128xi32, #tpu.memory_space<vmem>>
      %dma_wait3A_509 = tpu.memref_slice %arg4[%add3A_501] : memref<163840xi32, #tpu.memory_space<hbm>> -> memref<128xi32, #tpu.memory_space<hbm>>
      tpu.wait_dma2 semaphore(%arg25 : memref<!tpu.dma_semaphore, #tpu.memory_space<semaphore_mem>>) src(%dma_wait3A_509 : memref<128xi32, #tpu.memory_space<hbm>>) dst(%dma_wait3A_508 : memref<128xi32, #tpu.memory_space<vmem>>)
      %mul3A_510 = arith.constant 16 : i32
      %mul3A_511 = arith.muli %scan3A_153, %mul3A_510 : i32
      %add3A_512 = arith.constant 5 : i32
      %add3A_513 = arith.addi %mul3A_511, %add3A_512 : i32
      %mul3A_514 = arith.constant 10240 : i32
      %mul3A_515 = arith.muli %arg1, %mul3A_514 : i32
      %mul3A_516 = arith.constant 128 : i32
      %mul3A_517 = arith.muli %add3A_513, %mul3A_516 : i32
      %add3A_518 = arith.addi %mul3A_515, %mul3A_517 : i32
      %dma_wait3A_519 = arith.constant 0 : i32
      %dma_wait3A_520 = tpu.memref_slice %arg11[%add3A_513, %dma_wait3A_519] : memref<80x128xi32, #tpu.memory_space<vmem>> -> memref<1x128xi32, #tpu.memory_space<vmem>>
      %dma_wait3A_521 = tpu.memref_squeeze %dma_wait3A_520 : memref<1x128xi32, #tpu.memory_space<vmem>> -> memref<128xi32, #tpu.memory_space<vmem>>
      %dma_wait3A_522 = tpu.memref_slice %arg4[%add3A_518] : memref<163840xi32, #tpu.memory_space<hbm>> -> memref<128xi32, #tpu.memory_space<hbm>>
      %dma_wait3A_523 = arith.constant 0 : i32
      %dma_wait3A_524 = tpu.memref_slice %arg11[%add3A_513, %dma_wait3A_523] : memref<80x128xi32, #tpu.memory_space<vmem>> -> memref<1x128xi32, #tpu.memory_space<vmem>>
      %dma_wait3A_525 = tpu.memref_squeeze %dma_wait3A_524 : memref<1x128xi32, #tpu.memory_space<vmem>> -> memref<128xi32, #tpu.memory_space<vmem>>
      %dma_wait3A_526 = tpu.memref_slice %arg4[%add3A_518] : memref<163840xi32, #tpu.memory_space<hbm>> -> memref<128xi32, #tpu.memory_space<hbm>>
      tpu.wait_dma2 semaphore(%arg25 : memref<!tpu.dma_semaphore, #tpu.memory_space<semaphore_mem>>) src(%dma_wait3A_526 : memref<128xi32, #tpu.memory_space<hbm>>) dst(%dma_wait3A_525 : memref<128xi32, #tpu.memory_space<vmem>>)
      %mul3A_527 = arith.constant 16 : i32
      %mul3A_528 = arith.muli %scan3A_153, %mul3A_527 : i32
      %add3A_529 = arith.constant 6 : i32
      %add3A_530 = arith.addi %mul3A_528, %add3A_529 : i32
      %mul3A_531 = arith.constant 10240 : i32
      %mul3A_532 = arith.muli %arg1, %mul3A_531 : i32
      %mul3A_533 = arith.constant 128 : i32
      %mul3A_534 = arith.muli %add3A_530, %mul3A_533 : i32
      %add3A_535 = arith.addi %mul3A_532, %mul3A_534 : i32
      %dma_wait3A_536 = arith.constant 0 : i32
      %dma_wait3A_537 = tpu.memref_slice %arg11[%add3A_530, %dma_wait3A_536] : memref<80x128xi32, #tpu.memory_space<vmem>> -> memref<1x128xi32, #tpu.memory_space<vmem>>
      %dma_wait3A_538 = tpu.memref_squeeze %dma_wait3A_537 : memref<1x128xi32, #tpu.memory_space<vmem>> -> memref<128xi32, #tpu.memory_space<vmem>>
      %dma_wait3A_539 = tpu.memref_slice %arg4[%add3A_535] : memref<163840xi32, #tpu.memory_space<hbm>> -> memref<128xi32, #tpu.memory_space<hbm>>
      %dma_wait3A_540 = arith.constant 0 : i32
      %dma_wait3A_541 = tpu.memref_slice %arg11[%add3A_530, %dma_wait3A_540] : memref<80x128xi32, #tpu.memory_space<vmem>> -> memref<1x128xi32, #tpu.memory_space<vmem>>
      %dma_wait3A_542 = tpu.memref_squeeze %dma_wait3A_541 : memref<1x128xi32, #tpu.memory_space<vmem>> -> memref<128xi32, #tpu.memory_space<vmem>>
      %dma_wait3A_543 = tpu.memref_slice %arg4[%add3A_535] : memref<163840xi32, #tpu.memory_space<hbm>> -> memref<128xi32, #tpu.memory_space<hbm>>
      tpu.wait_dma2 semaphore(%arg25 : memref<!tpu.dma_semaphore, #tpu.memory_space<semaphore_mem>>) src(%dma_wait3A_543 : memref<128xi32, #tpu.memory_space<hbm>>) dst(%dma_wait3A_542 : memref<128xi32, #tpu.memory_space<vmem>>)
      %mul3A_544 = arith.constant 16 : i32
      %mul3A_545 = arith.muli %scan3A_153, %mul3A_544 : i32
      %add3A_546 = arith.constant 7 : i32
      %add3A_547 = arith.addi %mul3A_545, %add3A_546 : i32
      %mul3A_548 = arith.constant 10240 : i32
      %mul3A_549 = arith.muli %arg1, %mul3A_548 : i32
      %mul3A_550 = arith.constant 128 : i32
      %mul3A_551 = arith.muli %add3A_547, %mul3A_550 : i32
      %add3A_552 = arith.addi %mul3A_549, %mul3A_551 : i32
      %dma_wait3A_553 = arith.constant 0 : i32
      %dma_wait3A_554 = tpu.memref_slice %arg11[%add3A_547, %dma_wait3A_553] : memref<80x128xi32, #tpu.memory_space<vmem>> -> memref<1x128xi32, #tpu.memory_space<vmem>>
      %dma_wait3A_555 = tpu.memref_squeeze %dma_wait3A_554 : memref<1x128xi32, #tpu.memory_space<vmem>> -> memref<128xi32, #tpu.memory_space<vmem>>
      %dma_wait3A_556 = tpu.memref_slice %arg4[%add3A_552] : memref<163840xi32, #tpu.memory_space<hbm>> -> memref<128xi32, #tpu.memory_space<hbm>>
      %dma_wait3A_557 = arith.constant 0 : i32
      %dma_wait3A_558 = tpu.memref_slice %arg11[%add3A_547, %dma_wait3A_557] : memref<80x128xi32, #tpu.memory_space<vmem>> -> memref<1x128xi32, #tpu.memory_space<vmem>>
      %dma_wait3A_559 = tpu.memref_squeeze %dma_wait3A_558 : memref<1x128xi32, #tpu.memory_space<vmem>> -> memref<128xi32, #tpu.memory_space<vmem>>
      %dma_wait3A_560 = tpu.memref_slice %arg4[%add3A_552] : memref<163840xi32, #tpu.memory_space<hbm>> -> memref<128xi32, #tpu.memory_space<hbm>>
      tpu.wait_dma2 semaphore(%arg25 : memref<!tpu.dma_semaphore, #tpu.memory_space<semaphore_mem>>) src(%dma_wait3A_560 : memref<128xi32, #tpu.memory_space<hbm>>) dst(%dma_wait3A_559 : memref<128xi32, #tpu.memory_space<vmem>>)
      %mul3A_561 = arith.constant 16 : i32
      %mul3A_562 = arith.muli %scan3A_153, %mul3A_561 : i32
      %add3A_563 = arith.constant 8 : i32
      %add3A_564 = arith.addi %mul3A_562, %add3A_563 : i32
      %mul3A_565 = arith.constant 10240 : i32
      %mul3A_566 = arith.muli %arg1, %mul3A_565 : i32
      %mul3A_567 = arith.constant 128 : i32
      %mul3A_568 = arith.muli %add3A_564, %mul3A_567 : i32
      %add3A_569 = arith.addi %mul3A_566, %mul3A_568 : i32
      %dma_wait3A_570 = arith.constant 0 : i32
      %dma_wait3A_571 = tpu.memref_slice %arg11[%add3A_564, %dma_wait3A_570] : memref<80x128xi32, #tpu.memory_space<vmem>> -> memref<1x128xi32, #tpu.memory_space<vmem>>
      %dma_wait3A_572 = tpu.memref_squeeze %dma_wait3A_571 : memref<1x128xi32, #tpu.memory_space<vmem>> -> memref<128xi32, #tpu.memory_space<vmem>>
      %dma_wait3A_573 = tpu.memref_slice %arg4[%add3A_569] : memref<163840xi32, #tpu.memory_space<hbm>> -> memref<128xi32, #tpu.memory_space<hbm>>
      %dma_wait3A_574 = arith.constant 0 : i32
      %dma_wait3A_575 = tpu.memref_slice %arg11[%add3A_564, %dma_wait3A_574] : memref<80x128xi32, #tpu.memory_space<vmem>> -> memref<1x128xi32, #tpu.memory_space<vmem>>
      %dma_wait3A_576 = tpu.memref_squeeze %dma_wait3A_575 : memref<1x128xi32, #tpu.memory_space<vmem>> -> memref<128xi32, #tpu.memory_space<vmem>>
      %dma_wait3A_577 = tpu.memref_slice %arg4[%add3A_569] : memref<163840xi32, #tpu.memory_space<hbm>> -> memref<128xi32, #tpu.memory_space<hbm>>
      tpu.wait_dma2 semaphore(%arg25 : memref<!tpu.dma_semaphore, #tpu.memory_space<semaphore_mem>>) src(%dma_wait3A_577 : memref<128xi32, #tpu.memory_space<hbm>>) dst(%dma_wait3A_576 : memref<128xi32, #tpu.memory_space<vmem>>)
      %mul3A_578 = arith.constant 16 : i32
      %mul3A_579 = arith.muli %scan3A_153, %mul3A_578 : i32
      %add3A_580 = arith.constant 9 : i32
      %add3A_581 = arith.addi %mul3A_579, %add3A_580 : i32
      %mul3A_582 = arith.constant 10240 : i32
      %mul3A_583 = arith.muli %arg1, %mul3A_582 : i32
      %mul3A_584 = arith.constant 128 : i32
      %mul3A_585 = arith.muli %add3A_581, %mul3A_584 : i32
      %add3A_586 = arith.addi %mul3A_583, %mul3A_585 : i32
      %dma_wait3A_587 = arith.constant 0 : i32
      %dma_wait3A_588 = tpu.memref_slice %arg11[%add3A_581, %dma_wait3A_587] : memref<80x128xi32, #tpu.memory_space<vmem>> -> memref<1x128xi32, #tpu.memory_space<vmem>>
      %dma_wait3A_589 = tpu.memref_squeeze %dma_wait3A_588 : memref<1x128xi32, #tpu.memory_space<vmem>> -> memref<128xi32, #tpu.memory_space<vmem>>
      %dma_wait3A_590 = tpu.memref_slice %arg4[%add3A_586] : memref<163840xi32, #tpu.memory_space<hbm>> -> memref<128xi32, #tpu.memory_space<hbm>>
      %dma_wait3A_591 = arith.constant 0 : i32
      %dma_wait3A_592 = tpu.memref_slice %arg11[%add3A_581, %dma_wait3A_591] : memref<80x128xi32, #tpu.memory_space<vmem>> -> memref<1x128xi32, #tpu.memory_space<vmem>>
      %dma_wait3A_593 = tpu.memref_squeeze %dma_wait3A_592 : memref<1x128xi32, #tpu.memory_space<vmem>> -> memref<128xi32, #tpu.memory_space<vmem>>
      %dma_wait3A_594 = tpu.memref_slice %arg4[%add3A_586] : memref<163840xi32, #tpu.memory_space<hbm>> -> memref<128xi32, #tpu.memory_space<hbm>>
      tpu.wait_dma2 semaphore(%arg25 : memref<!tpu.dma_semaphore, #tpu.memory_space<semaphore_mem>>) src(%dma_wait3A_594 : memref<128xi32, #tpu.memory_space<hbm>>) dst(%dma_wait3A_593 : memref<128xi32, #tpu.memory_space<vmem>>)
      %mul3A_595 = arith.constant 16 : i32
      %mul3A_596 = arith.muli %scan3A_153, %mul3A_595 : i32
      %add3A_597 = arith.constant 10 : i32
      %add3A_598 = arith.addi %mul3A_596, %add3A_597 : i32
      %mul3A_599 = arith.constant 10240 : i32
      %mul3A_600 = arith.muli %arg1, %mul3A_599 : i32
      %mul3A_601 = arith.constant 128 : i32
      %mul3A_602 = arith.muli %add3A_598, %mul3A_601 : i32
      %add3A_603 = arith.addi %mul3A_600, %mul3A_602 : i32
      %dma_wait3A_604 = arith.constant 0 : i32
      %dma_wait3A_605 = tpu.memref_slice %arg11[%add3A_598, %dma_wait3A_604] : memref<80x128xi32, #tpu.memory_space<vmem>> -> memref<1x128xi32, #tpu.memory_space<vmem>>
      %dma_wait3A_606 = tpu.memref_squeeze %dma_wait3A_605 : memref<1x128xi32, #tpu.memory_space<vmem>> -> memref<128xi32, #tpu.memory_space<vmem>>
      %dma_wait3A_607 = tpu.memref_slice %arg4[%add3A_603] : memref<163840xi32, #tpu.memory_space<hbm>> -> memref<128xi32, #tpu.memory_space<hbm>>
      %dma_wait3A_608 = arith.constant 0 : i32
      %dma_wait3A_609 = tpu.memref_slice %arg11[%add3A_598, %dma_wait3A_608] : memref<80x128xi32, #tpu.memory_space<vmem>> -> memref<1x128xi32, #tpu.memory_space<vmem>>
      %dma_wait3A_610 = tpu.memref_squeeze %dma_wait3A_609 : memref<1x128xi32, #tpu.memory_space<vmem>> -> memref<128xi32, #tpu.memory_space<vmem>>
      %dma_wait3A_611 = tpu.memref_slice %arg4[%add3A_603] : memref<163840xi32, #tpu.memory_space<hbm>> -> memref<128xi32, #tpu.memory_space<hbm>>
      tpu.wait_dma2 semaphore(%arg25 : memref<!tpu.dma_semaphore, #tpu.memory_space<semaphore_mem>>) src(%dma_wait3A_611 : memref<128xi32, #tpu.memory_space<hbm>>) dst(%dma_wait3A_610 : memref<128xi32, #tpu.memory_space<vmem>>)
      %mul3A_612 = arith.constant 16 : i32
      %mul3A_613 = arith.muli %scan3A_153, %mul3A_612 : i32
      %add3A_614 = arith.constant 11 : i32
      %add3A_615 = arith.addi %mul3A_613, %add3A_614 : i32
      %mul3A_616 = arith.constant 10240 : i32
      %mul3A_617 = arith.muli %arg1, %mul3A_616 : i32
      %mul3A_618 = arith.constant 128 : i32
      %mul3A_619 = arith.muli %add3A_615, %mul3A_618 : i32
      %add3A_620 = arith.addi %mul3A_617, %mul3A_619 : i32
      %dma_wait3A_621 = arith.constant 0 : i32
      %dma_wait3A_622 = tpu.memref_slice %arg11[%add3A_615, %dma_wait3A_621] : memref<80x128xi32, #tpu.memory_space<vmem>> -> memref<1x128xi32, #tpu.memory_space<vmem>>
      %dma_wait3A_623 = tpu.memref_squeeze %dma_wait3A_622 : memref<1x128xi32, #tpu.memory_space<vmem>> -> memref<128xi32, #tpu.memory_space<vmem>>
      %dma_wait3A_624 = tpu.memref_slice %arg4[%add3A_620] : memref<163840xi32, #tpu.memory_space<hbm>> -> memref<128xi32, #tpu.memory_space<hbm>>
      %dma_wait3A_625 = arith.constant 0 : i32
      %dma_wait3A_626 = tpu.memref_slice %arg11[%add3A_615, %dma_wait3A_625] : memref<80x128xi32, #tpu.memory_space<vmem>> -> memref<1x128xi32, #tpu.memory_space<vmem>>
      %dma_wait3A_627 = tpu.memref_squeeze %dma_wait3A_626 : memref<1x128xi32, #tpu.memory_space<vmem>> -> memref<128xi32, #tpu.memory_space<vmem>>
      %dma_wait3A_628 = tpu.memref_slice %arg4[%add3A_620] : memref<163840xi32, #tpu.memory_space<hbm>> -> memref<128xi32, #tpu.memory_space<hbm>>
      tpu.wait_dma2 semaphore(%arg25 : memref<!tpu.dma_semaphore, #tpu.memory_space<semaphore_mem>>) src(%dma_wait3A_628 : memref<128xi32, #tpu.memory_space<hbm>>) dst(%dma_wait3A_627 : memref<128xi32, #tpu.memory_space<vmem>>)
      %mul3A_629 = arith.constant 16 : i32
      %mul3A_630 = arith.muli %scan3A_153, %mul3A_629 : i32
      %add3A_631 = arith.constant 12 : i32
      %add3A_632 = arith.addi %mul3A_630, %add3A_631 : i32
      %mul3A_633 = arith.constant 10240 : i32
      %mul3A_634 = arith.muli %arg1, %mul3A_633 : i32
      %mul3A_635 = arith.constant 128 : i32
      %mul3A_636 = arith.muli %add3A_632, %mul3A_635 : i32
      %add3A_637 = arith.addi %mul3A_634, %mul3A_636 : i32
      %dma_wait3A_638 = arith.constant 0 : i32
      %dma_wait3A_639 = tpu.memref_slice %arg11[%add3A_632, %dma_wait3A_638] : memref<80x128xi32, #tpu.memory_space<vmem>> -> memref<1x128xi32, #tpu.memory_space<vmem>>
      %dma_wait3A_640 = tpu.memref_squeeze %dma_wait3A_639 : memref<1x128xi32, #tpu.memory_space<vmem>> -> memref<128xi32, #tpu.memory_space<vmem>>
      %dma_wait3A_641 = tpu.memref_slice %arg4[%add3A_637] : memref<163840xi32, #tpu.memory_space<hbm>> -> memref<128xi32, #tpu.memory_space<hbm>>
      %dma_wait3A_642 = arith.constant 0 : i32
      %dma_wait3A_643 = tpu.memref_slice %arg11[%add3A_632, %dma_wait3A_642] : memref<80x128xi32, #tpu.memory_space<vmem>> -> memref<1x128xi32, #tpu.memory_space<vmem>>
      %dma_wait3A_644 = tpu.memref_squeeze %dma_wait3A_643 : memref<1x128xi32, #tpu.memory_space<vmem>> -> memref<128xi32, #tpu.memory_space<vmem>>
      %dma_wait3A_645 = tpu.memref_slice %arg4[%add3A_637] : memref<163840xi32, #tpu.memory_space<hbm>> -> memref<128xi32, #tpu.memory_space<hbm>>
      tpu.wait_dma2 semaphore(%arg25 : memref<!tpu.dma_semaphore, #tpu.memory_space<semaphore_mem>>) src(%dma_wait3A_645 : memref<128xi32, #tpu.memory_space<hbm>>) dst(%dma_wait3A_644 : memref<128xi32, #tpu.memory_space<vmem>>)
      %mul3A_646 = arith.constant 16 : i32
      %mul3A_647 = arith.muli %scan3A_153, %mul3A_646 : i32
      %add3A_648 = arith.constant 13 : i32
      %add3A_649 = arith.addi %mul3A_647, %add3A_648 : i32
      %mul3A_650 = arith.constant 10240 : i32
      %mul3A_651 = arith.muli %arg1, %mul3A_650 : i32
      %mul3A_652 = arith.constant 128 : i32
      %mul3A_653 = arith.muli %add3A_649, %mul3A_652 : i32
      %add3A_654 = arith.addi %mul3A_651, %mul3A_653 : i32
      %dma_wait3A_655 = arith.constant 0 : i32
      %dma_wait3A_656 = tpu.memref_slice %arg11[%add3A_649, %dma_wait3A_655] : memref<80x128xi32, #tpu.memory_space<vmem>> -> memref<1x128xi32, #tpu.memory_space<vmem>>
      %dma_wait3A_657 = tpu.memref_squeeze %dma_wait3A_656 : memref<1x128xi32, #tpu.memory_space<vmem>> -> memref<128xi32, #tpu.memory_space<vmem>>
      %dma_wait3A_658 = tpu.memref_slice %arg4[%add3A_654] : memref<163840xi32, #tpu.memory_space<hbm>> -> memref<128xi32, #tpu.memory_space<hbm>>
      %dma_wait3A_659 = arith.constant 0 : i32
      %dma_wait3A_660 = tpu.memref_slice %arg11[%add3A_649, %dma_wait3A_659] : memref<80x128xi32, #tpu.memory_space<vmem>> -> memref<1x128xi32, #tpu.memory_space<vmem>>
      %dma_wait3A_661 = tpu.memref_squeeze %dma_wait3A_660 : memref<1x128xi32, #tpu.memory_space<vmem>> -> memref<128xi32, #tpu.memory_space<vmem>>
      %dma_wait3A_662 = tpu.memref_slice %arg4[%add3A_654] : memref<163840xi32, #tpu.memory_space<hbm>> -> memref<128xi32, #tpu.memory_space<hbm>>
      tpu.wait_dma2 semaphore(%arg25 : memref<!tpu.dma_semaphore, #tpu.memory_space<semaphore_mem>>) src(%dma_wait3A_662 : memref<128xi32, #tpu.memory_space<hbm>>) dst(%dma_wait3A_661 : memref<128xi32, #tpu.memory_space<vmem>>)
      %mul3A_663 = arith.constant 16 : i32
      %mul3A_664 = arith.muli %scan3A_153, %mul3A_663 : i32
      %add3A_665 = arith.constant 14 : i32
      %add3A_666 = arith.addi %mul3A_664, %add3A_665 : i32
      %mul3A_667 = arith.constant 10240 : i32
      %mul3A_668 = arith.muli %arg1, %mul3A_667 : i32
      %mul3A_669 = arith.constant 128 : i32
      %mul3A_670 = arith.muli %add3A_666, %mul3A_669 : i32
      %add3A_671 = arith.addi %mul3A_668, %mul3A_670 : i32
      %dma_wait3A_672 = arith.constant 0 : i32
      %dma_wait3A_673 = tpu.memref_slice %arg11[%add3A_666, %dma_wait3A_672] : memref<80x128xi32, #tpu.memory_space<vmem>> -> memref<1x128xi32, #tpu.memory_space<vmem>>
      %dma_wait3A_674 = tpu.memref_squeeze %dma_wait3A_673 : memref<1x128xi32, #tpu.memory_space<vmem>> -> memref<128xi32, #tpu.memory_space<vmem>>
      %dma_wait3A_675 = tpu.memref_slice %arg4[%add3A_671] : memref<163840xi32, #tpu.memory_space<hbm>> -> memref<128xi32, #tpu.memory_space<hbm>>
      %dma_wait3A_676 = arith.constant 0 : i32
      %dma_wait3A_677 = tpu.memref_slice %arg11[%add3A_666, %dma_wait3A_676] : memref<80x128xi32, #tpu.memory_space<vmem>> -> memref<1x128xi32, #tpu.memory_space<vmem>>
      %dma_wait3A_678 = tpu.memref_squeeze %dma_wait3A_677 : memref<1x128xi32, #tpu.memory_space<vmem>> -> memref<128xi32, #tpu.memory_space<vmem>>
      %dma_wait3A_679 = tpu.memref_slice %arg4[%add3A_671] : memref<163840xi32, #tpu.memory_space<hbm>> -> memref<128xi32, #tpu.memory_space<hbm>>
      tpu.wait_dma2 semaphore(%arg25 : memref<!tpu.dma_semaphore, #tpu.memory_space<semaphore_mem>>) src(%dma_wait3A_679 : memref<128xi32, #tpu.memory_space<hbm>>) dst(%dma_wait3A_678 : memref<128xi32, #tpu.memory_space<vmem>>)
      %mul3A_680 = arith.constant 16 : i32
      %mul3A_681 = arith.muli %scan3A_153, %mul3A_680 : i32
      %add3A_682 = arith.constant 15 : i32
      %add3A_683 = arith.addi %mul3A_681, %add3A_682 : i32
      %mul3A_684 = arith.constant 10240 : i32
      %mul3A_685 = arith.muli %arg1, %mul3A_684 : i32
      %mul3A_686 = arith.constant 128 : i32
      %mul3A_687 = arith.muli %add3A_683, %mul3A_686 : i32
      %add3A_688 = arith.addi %mul3A_685, %mul3A_687 : i32
      %dma_wait3A_689 = arith.constant 0 : i32
      %dma_wait3A_690 = tpu.memref_slice %arg11[%add3A_683, %dma_wait3A_689] : memref<80x128xi32, #tpu.memory_space<vmem>> -> memref<1x128xi32, #tpu.memory_space<vmem>>
      %dma_wait3A_691 = tpu.memref_squeeze %dma_wait3A_690 : memref<1x128xi32, #tpu.memory_space<vmem>> -> memref<128xi32, #tpu.memory_space<vmem>>
      %dma_wait3A_692 = tpu.memref_slice %arg4[%add3A_688] : memref<163840xi32, #tpu.memory_space<hbm>> -> memref<128xi32, #tpu.memory_space<hbm>>
      %dma_wait3A_693 = arith.constant 0 : i32
      %dma_wait3A_694 = tpu.memref_slice %arg11[%add3A_683, %dma_wait3A_693] : memref<80x128xi32, #tpu.memory_space<vmem>> -> memref<1x128xi32, #tpu.memory_space<vmem>>
      %dma_wait3A_695 = tpu.memref_squeeze %dma_wait3A_694 : memref<1x128xi32, #tpu.memory_space<vmem>> -> memref<128xi32, #tpu.memory_space<vmem>>
      %dma_wait3A_696 = tpu.memref_slice %arg4[%add3A_688] : memref<163840xi32, #tpu.memory_space<hbm>> -> memref<128xi32, #tpu.memory_space<hbm>>
      tpu.wait_dma2 semaphore(%arg25 : memref<!tpu.dma_semaphore, #tpu.memory_space<semaphore_mem>>) src(%dma_wait3A_696 : memref<128xi32, #tpu.memory_space<hbm>>) dst(%dma_wait3A_695 : memref<128xi32, #tpu.memory_space<vmem>>)
    }
    %scan3A_5 = arith.constant 5 : i32
    %mul3A_6 = arith.constant 2 : i32
    %mul3A_7 = arith.muli %arg0, %mul3A_6 : i32
    %add3A = arith.constant 0 : i32
    %add3A_8 = arith.addi %mul3A_7, %add3A : i32
    %mul3A_9 = arith.constant 163840 : i32
    %mul3A_10 = arith.muli %add3A_8, %mul3A_9 : i32
    %mul3A_11 = arith.constant 10240 : i32
    %mul3A_12 = arith.muli %arg1, %mul3A_11 : i32
    %add3A_13 = arith.addi %mul3A_10, %mul3A_12 : i32
    "tpu.region"() ({
      %run_scoped3A = tpu.sem_alloc : memref<!tpu.dma_semaphore, #tpu.memory_space<semaphore_mem>>
      %dma_start3A_153 = tpu.memref_slice %arg3[%add3A_13] : memref<655360xi32, #tpu.memory_space<hbm>> -> memref<10240xi32, #tpu.memory_space<hbm>>
      %dma_start3A_154 = tpu.memref_slice %arg3[%add3A_13] : memref<655360xi32, #tpu.memory_space<hbm>> -> memref<10240xi32, #tpu.memory_space<hbm>>
      tpu.enqueue_dma source(%dma_start3A_154 : memref<10240xi32, #tpu.memory_space<hbm>>) target(%arg10 : memref<10240xi32, #tpu.memory_space<vmem>>) target_semaphore(%run_scoped3A : memref<!tpu.dma_semaphore, #tpu.memory_space<semaphore_mem>>)
      %dma_wait3A = tpu.memref_slice %arg3[%add3A_13] : memref<655360xi32, #tpu.memory_space<hbm>> -> memref<10240xi32, #tpu.memory_space<hbm>>
      %dma_wait3A_155 = tpu.memref_slice %arg3[%add3A_13] : memref<655360xi32, #tpu.memory_space<hbm>> -> memref<10240xi32, #tpu.memory_space<hbm>>
      tpu.wait_dma2 semaphore(%run_scoped3A : memref<!tpu.dma_semaphore, #tpu.memory_space<semaphore_mem>>) src(%dma_wait3A_155 : memref<10240xi32, #tpu.memory_space<hbm>>) dst(%arg10 : memref<10240xi32, #tpu.memory_space<vmem>>)
      tpu.yield
    }) : () -> ()
    %add3A_14 = arith.constant 0 : i32
    %add3A_15 = arith.addi %mul3A_0, %add3A_14 : i32
    "tpu.region"() ({
      %run_scoped3A = tpu.sem_alloc : memref<!tpu.dma_semaphore, #tpu.memory_space<semaphore_mem>>
      %dma_start3A_153 = arith.constant 0 : i32
      %dma_start3A_154 = tpu.memref_slice %arg20[%add3A_15, %dma_start3A_153] : memref<10240x64xf32, #tpu.memory_space<vmem_shared>> -> memref<128x64xf32, #tpu.memory_space<vmem_shared>>
      %dma_start3A_155 = arith.constant 0 : i32
      %dma_start3A_156 = tpu.memref_slice %arg20[%add3A_15, %dma_start3A_155] : memref<10240x64xf32, #tpu.memory_space<vmem_shared>> -> memref<128x64xf32, #tpu.memory_space<vmem_shared>>
      tpu.enqueue_dma source(%arg18 : memref<128x64xf32, #tpu.memory_space<vmem>>) target(%dma_start3A_156 : memref<128x64xf32, #tpu.memory_space<vmem_shared>>) target_semaphore(%run_scoped3A : memref<!tpu.dma_semaphore, #tpu.memory_space<semaphore_mem>>)
      %dma_wait3A = arith.constant 0 : i32
      %dma_wait3A_157 = tpu.memref_slice %arg20[%add3A_15, %dma_wait3A] : memref<10240x64xf32, #tpu.memory_space<vmem_shared>> -> memref<128x64xf32, #tpu.memory_space<vmem_shared>>
      %dma_wait3A_158 = arith.constant 0 : i32
      %dma_wait3A_159 = tpu.memref_slice %arg20[%add3A_15, %dma_wait3A_158] : memref<10240x64xf32, #tpu.memory_space<vmem_shared>> -> memref<128x64xf32, #tpu.memory_space<vmem_shared>>
      tpu.wait_dma2 semaphore(%run_scoped3A : memref<!tpu.dma_semaphore, #tpu.memory_space<semaphore_mem>>) src(%arg18 : memref<128x64xf32, #tpu.memory_space<vmem>>) dst(%dma_wait3A_159 : memref<128x64xf32, #tpu.memory_space<vmem_shared>>)
      tpu.yield
    }) : () -> ()
    %add3A_16 = arith.constant 0 : i32
    %add3A_17 = arith.addi %mul3A_0, %add3A_16 : i32
    "tpu.region"() ({
      %run_scoped3A = tpu.sem_alloc : memref<!tpu.dma_semaphore, #tpu.memory_space<semaphore_mem>>
      %dma_start3A_153 = arith.constant 0 : i32
      %dma_start3A_154 = tpu.memref_slice %arg21[%add3A_17, %dma_start3A_153] : memref<10240x8xf32, #tpu.memory_space<vmem_shared>> -> memref<128x8xf32, #tpu.memory_space<vmem_shared>>
      %dma_start3A_155 = arith.constant 0 : i32
      %dma_start3A_156 = tpu.memref_slice %arg21[%add3A_17, %dma_start3A_155] : memref<10240x8xf32, #tpu.memory_space<vmem_shared>> -> memref<128x8xf32, #tpu.memory_space<vmem_shared>>
      tpu.enqueue_dma source(%arg19 : memref<128x8xf32, #tpu.memory_space<vmem>>) target(%dma_start3A_156 : memref<128x8xf32, #tpu.memory_space<vmem_shared>>) target_semaphore(%run_scoped3A : memref<!tpu.dma_semaphore, #tpu.memory_space<semaphore_mem>>)
      %dma_wait3A = arith.constant 0 : i32
      %dma_wait3A_157 = tpu.memref_slice %arg21[%add3A_17, %dma_wait3A] : memref<10240x8xf32, #tpu.memory_space<vmem_shared>> -> memref<128x8xf32, #tpu.memory_space<vmem_shared>>
      %dma_wait3A_158 = arith.constant 0 : i32
      %dma_wait3A_159 = tpu.memref_slice %arg21[%add3A_17, %dma_wait3A_158] : memref<10240x8xf32, #tpu.memory_space<vmem_shared>> -> memref<128x8xf32, #tpu.memory_space<vmem_shared>>
      tpu.wait_dma2 semaphore(%run_scoped3A : memref<!tpu.dma_semaphore, #tpu.memory_space<semaphore_mem>>) src(%arg19 : memref<128x8xf32, #tpu.memory_space<vmem>>) dst(%dma_wait3A_159 : memref<128x8xf32, #tpu.memory_space<vmem_shared>>)
      tpu.yield
    }) : () -> ()
    %add3A_18 = arith.constant 128 : i32
    %add3A_19 = arith.addi %mul3A_0, %add3A_18 : i32
    "tpu.region"() ({
      %run_scoped3A = tpu.sem_alloc : memref<!tpu.dma_semaphore, #tpu.memory_space<semaphore_mem>>
      %dma_start3A_153 = arith.constant 0 : i32
      %dma_start3A_154 = tpu.memref_slice %arg20[%add3A_19, %dma_start3A_153] : memref<10240x64xf32, #tpu.memory_space<vmem_shared>> -> memref<128x64xf32, #tpu.memory_space<vmem_shared>>
      %dma_start3A_155 = arith.constant 0 : i32
      %dma_start3A_156 = tpu.memref_slice %arg20[%add3A_19, %dma_start3A_155] : memref<10240x64xf32, #tpu.memory_space<vmem_shared>> -> memref<128x64xf32, #tpu.memory_space<vmem_shared>>
      tpu.enqueue_dma source(%arg18 : memref<128x64xf32, #tpu.memory_space<vmem>>) target(%dma_start3A_156 : memref<128x64xf32, #tpu.memory_space<vmem_shared>>) target_semaphore(%run_scoped3A : memref<!tpu.dma_semaphore, #tpu.memory_space<semaphore_mem>>)
      %dma_wait3A = arith.constant 0 : i32
      %dma_wait3A_157 = tpu.memref_slice %arg20[%add3A_19, %dma_wait3A] : memref<10240x64xf32, #tpu.memory_space<vmem_shared>> -> memref<128x64xf32, #tpu.memory_space<vmem_shared>>
      %dma_wait3A_158 = arith.constant 0 : i32
      %dma_wait3A_159 = tpu.memref_slice %arg20[%add3A_19, %dma_wait3A_158] : memref<10240x64xf32, #tpu.memory_space<vmem_shared>> -> memref<128x64xf32, #tpu.memory_space<vmem_shared>>
      tpu.wait_dma2 semaphore(%run_scoped3A : memref<!tpu.dma_semaphore, #tpu.memory_space<semaphore_mem>>) src(%arg18 : memref<128x64xf32, #tpu.memory_space<vmem>>) dst(%dma_wait3A_159 : memref<128x64xf32, #tpu.memory_space<vmem_shared>>)
      tpu.yield
    }) : () -> ()
    %add3A_20 = arith.constant 128 : i32
    %add3A_21 = arith.addi %mul3A_0, %add3A_20 : i32
    "tpu.region"() ({
      %run_scoped3A = tpu.sem_alloc : memref<!tpu.dma_semaphore, #tpu.memory_space<semaphore_mem>>
      %dma_start3A_153 = arith.constant 0 : i32
      %dma_start3A_154 = tpu.memref_slice %arg21[%add3A_21, %dma_start3A_153] : memref<10240x8xf32, #tpu.memory_space<vmem_shared>> -> memref<128x8xf32, #tpu.memory_space<vmem_shared>>
      %dma_start3A_155 = arith.constant 0 : i32
      %dma_start3A_156 = tpu.memref_slice %arg21[%add3A_21, %dma_start3A_155] : memref<10240x8xf32, #tpu.memory_space<vmem_shared>> -> memref<128x8xf32, #tpu.memory_space<vmem_shared>>
      tpu.enqueue_dma source(%arg19 : memref<128x8xf32, #tpu.memory_space<vmem>>) target(%dma_start3A_156 : memref<128x8xf32, #tpu.memory_space<vmem_shared>>) target_semaphore(%run_scoped3A : memref<!tpu.dma_semaphore, #tpu.memory_space<semaphore_mem>>)
      %dma_wait3A = arith.constant 0 : i32
      %dma_wait3A_157 = tpu.memref_slice %arg21[%add3A_21, %dma_wait3A] : memref<10240x8xf32, #tpu.memory_space<vmem_shared>> -> memref<128x8xf32, #tpu.memory_space<vmem_shared>>
      %dma_wait3A_158 = arith.constant 0 : i32
      %dma_wait3A_159 = tpu.memref_slice %arg21[%add3A_21, %dma_wait3A_158] : memref<10240x8xf32, #tpu.memory_space<vmem_shared>> -> memref<128x8xf32, #tpu.memory_space<vmem_shared>>
      tpu.wait_dma2 semaphore(%run_scoped3A : memref<!tpu.dma_semaphore, #tpu.memory_space<semaphore_mem>>) src(%arg19 : memref<128x8xf32, #tpu.memory_space<vmem>>) dst(%dma_wait3A_159 : memref<128x8xf32, #tpu.memory_space<vmem_shared>>)
      tpu.yield
    }) : () -> ()
    %add3A_22 = arith.constant 256 : i32
    %add3A_23 = arith.addi %mul3A_0, %add3A_22 : i32
    "tpu.region"() ({
      %run_scoped3A = tpu.sem_alloc : memref<!tpu.dma_semaphore, #tpu.memory_space<semaphore_mem>>
      %dma_start3A_153 = arith.constant 0 : i32
      %dma_start3A_154 = tpu.memref_slice %arg20[%add3A_23, %dma_start3A_153] : memref<10240x64xf32, #tpu.memory_space<vmem_shared>> -> memref<128x64xf32, #tpu.memory_space<vmem_shared>>
      %dma_start3A_155 = arith.constant 0 : i32
      %dma_start3A_156 = tpu.memref_slice %arg20[%add3A_23, %dma_start3A_155] : memref<10240x64xf32, #tpu.memory_space<vmem_shared>> -> memref<128x64xf32, #tpu.memory_space<vmem_shared>>
      tpu.enqueue_dma source(%arg18 : memref<128x64xf32, #tpu.memory_space<vmem>>) target(%dma_start3A_156 : memref<128x64xf32, #tpu.memory_space<vmem_shared>>) target_semaphore(%run_scoped3A : memref<!tpu.dma_semaphore, #tpu.memory_space<semaphore_mem>>)
      %dma_wait3A = arith.constant 0 : i32
      %dma_wait3A_157 = tpu.memref_slice %arg20[%add3A_23, %dma_wait3A] : memref<10240x64xf32, #tpu.memory_space<vmem_shared>> -> memref<128x64xf32, #tpu.memory_space<vmem_shared>>
      %dma_wait3A_158 = arith.constant 0 : i32
      %dma_wait3A_159 = tpu.memref_slice %arg20[%add3A_23, %dma_wait3A_158] : memref<10240x64xf32, #tpu.memory_space<vmem_shared>> -> memref<128x64xf32, #tpu.memory_space<vmem_shared>>
      tpu.wait_dma2 semaphore(%run_scoped3A : memref<!tpu.dma_semaphore, #tpu.memory_space<semaphore_mem>>) src(%arg18 : memref<128x64xf32, #tpu.memory_space<vmem>>) dst(%dma_wait3A_159 : memref<128x64xf32, #tpu.memory_space<vmem_shared>>)
      tpu.yield
    }) : () -> ()
    %add3A_24 = arith.constant 256 : i32
    %add3A_25 = arith.addi %mul3A_0, %add3A_24 : i32
    "tpu.region"() ({
      %run_scoped3A = tpu.sem_alloc : memref<!tpu.dma_semaphore, #tpu.memory_space<semaphore_mem>>
      %dma_start3A_153 = arith.constant 0 : i32
      %dma_start3A_154 = tpu.memref_slice %arg21[%add3A_25, %dma_start3A_153] : memref<10240x8xf32, #tpu.memory_space<vmem_shared>> -> memref<128x8xf32, #tpu.memory_space<vmem_shared>>
      %dma_start3A_155 = arith.constant 0 : i32
      %dma_start3A_156 = tpu.memref_slice %arg21[%add3A_25, %dma_start3A_155] : memref<10240x8xf32, #tpu.memory_space<vmem_shared>> -> memref<128x8xf32, #tpu.memory_space<vmem_shared>>
      tpu.enqueue_dma source(%arg19 : memref<128x8xf32, #tpu.memory_space<vmem>>) target(%dma_start3A_156 : memref<128x8xf32, #tpu.memory_space<vmem_shared>>) target_semaphore(%run_scoped3A : memref<!tpu.dma_semaphore, #tpu.memory_space<semaphore_mem>>)
      %dma_wait3A = arith.constant 0 : i32
      %dma_wait3A_157 = tpu.memref_slice %arg21[%add3A_25, %dma_wait3A] : memref<10240x8xf32, #tpu.memory_space<vmem_shared>> -> memref<128x8xf32, #tpu.memory_space<vmem_shared>>
      %dma_wait3A_158 = arith.constant 0 : i32
      %dma_wait3A_159 = tpu.memref_slice %arg21[%add3A_25, %dma_wait3A_158] : memref<10240x8xf32, #tpu.memory_space<vmem_shared>> -> memref<128x8xf32, #tpu.memory_space<vmem_shared>>
      tpu.wait_dma2 semaphore(%run_scoped3A : memref<!tpu.dma_semaphore, #tpu.memory_space<semaphore_mem>>) src(%arg19 : memref<128x8xf32, #tpu.memory_space<vmem>>) dst(%dma_wait3A_159 : memref<128x8xf32, #tpu.memory_space<vmem_shared>>)
      tpu.yield
    }) : () -> ()
    %add3A_26 = arith.constant 384 : i32
    %add3A_27 = arith.addi %mul3A_0, %add3A_26 : i32
    "tpu.region"() ({
      %run_scoped3A = tpu.sem_alloc : memref<!tpu.dma_semaphore, #tpu.memory_space<semaphore_mem>>
      %dma_start3A_153 = arith.constant 0 : i32
      %dma_start3A_154 = tpu.memref_slice %arg20[%add3A_27, %dma_start3A_153] : memref<10240x64xf32, #tpu.memory_space<vmem_shared>> -> memref<128x64xf32, #tpu.memory_space<vmem_shared>>
      %dma_start3A_155 = arith.constant 0 : i32
      %dma_start3A_156 = tpu.memref_slice %arg20[%add3A_27, %dma_start3A_155] : memref<10240x64xf32, #tpu.memory_space<vmem_shared>> -> memref<128x64xf32, #tpu.memory_space<vmem_shared>>
      tpu.enqueue_dma source(%arg18 : memref<128x64xf32, #tpu.memory_space<vmem>>) target(%dma_start3A_156 : memref<128x64xf32, #tpu.memory_space<vmem_shared>>) target_semaphore(%run_scoped3A : memref<!tpu.dma_semaphore, #tpu.memory_space<semaphore_mem>>)
      %dma_wait3A = arith.constant 0 : i32
      %dma_wait3A_157 = tpu.memref_slice %arg20[%add3A_27, %dma_wait3A] : memref<10240x64xf32, #tpu.memory_space<vmem_shared>> -> memref<128x64xf32, #tpu.memory_space<vmem_shared>>
      %dma_wait3A_158 = arith.constant 0 : i32
      %dma_wait3A_159 = tpu.memref_slice %arg20[%add3A_27, %dma_wait3A_158] : memref<10240x64xf32, #tpu.memory_space<vmem_shared>> -> memref<128x64xf32, #tpu.memory_space<vmem_shared>>
      tpu.wait_dma2 semaphore(%run_scoped3A : memref<!tpu.dma_semaphore, #tpu.memory_space<semaphore_mem>>) src(%arg18 : memref<128x64xf32, #tpu.memory_space<vmem>>) dst(%dma_wait3A_159 : memref<128x64xf32, #tpu.memory_space<vmem_shared>>)
      tpu.yield
    }) : () -> ()
    %add3A_28 = arith.constant 384 : i32
    %add3A_29 = arith.addi %mul3A_0, %add3A_28 : i32
    "tpu.region"() ({
      %run_scoped3A = tpu.sem_alloc : memref<!tpu.dma_semaphore, #tpu.memory_space<semaphore_mem>>
      %dma_start3A_153 = arith.constant 0 : i32
      %dma_start3A_154 = tpu.memref_slice %arg21[%add3A_29, %dma_start3A_153] : memref<10240x8xf32, #tpu.memory_space<vmem_shared>> -> memref<128x8xf32, #tpu.memory_space<vmem_shared>>
      %dma_start3A_155 = arith.constant 0 : i32
      %dma_start3A_156 = tpu.memref_slice %arg21[%add3A_29, %dma_start3A_155] : memref<10240x8xf32, #tpu.memory_space<vmem_shared>> -> memref<128x8xf32, #tpu.memory_space<vmem_shared>>
      tpu.enqueue_dma source(%arg19 : memref<128x8xf32, #tpu.memory_space<vmem>>) target(%dma_start3A_156 : memref<128x8xf32, #tpu.memory_space<vmem_shared>>) target_semaphore(%run_scoped3A : memref<!tpu.dma_semaphore, #tpu.memory_space<semaphore_mem>>)
      %dma_wait3A = arith.constant 0 : i32
      %dma_wait3A_157 = tpu.memref_slice %arg21[%add3A_29, %dma_wait3A] : memref<10240x8xf32, #tpu.memory_space<vmem_shared>> -> memref<128x8xf32, #tpu.memory_space<vmem_shared>>
      %dma_wait3A_158 = arith.constant 0 : i32
      %dma_wait3A_159 = tpu.memref_slice %arg21[%add3A_29, %dma_wait3A_158] : memref<10240x8xf32, #tpu.memory_space<vmem_shared>> -> memref<128x8xf32, #tpu.memory_space<vmem_shared>>
      tpu.wait_dma2 semaphore(%run_scoped3A : memref<!tpu.dma_semaphore, #tpu.memory_space<semaphore_mem>>) src(%arg19 : memref<128x8xf32, #tpu.memory_space<vmem>>) dst(%dma_wait3A_159 : memref<128x8xf32, #tpu.memory_space<vmem_shared>>)
      tpu.yield
    }) : () -> ()
    %add3A_30 = arith.constant 512 : i32
    %add3A_31 = arith.addi %mul3A_0, %add3A_30 : i32
    "tpu.region"() ({
      %run_scoped3A = tpu.sem_alloc : memref<!tpu.dma_semaphore, #tpu.memory_space<semaphore_mem>>
      %dma_start3A_153 = arith.constant 0 : i32
      %dma_start3A_154 = tpu.memref_slice %arg20[%add3A_31, %dma_start3A_153] : memref<10240x64xf32, #tpu.memory_space<vmem_shared>> -> memref<128x64xf32, #tpu.memory_space<vmem_shared>>
      %dma_start3A_155 = arith.constant 0 : i32
      %dma_start3A_156 = tpu.memref_slice %arg20[%add3A_31, %dma_start3A_155] : memref<10240x64xf32, #tpu.memory_space<vmem_shared>> -> memref<128x64xf32, #tpu.memory_space<vmem_shared>>
      tpu.enqueue_dma source(%arg18 : memref<128x64xf32, #tpu.memory_space<vmem>>) target(%dma_start3A_156 : memref<128x64xf32, #tpu.memory_space<vmem_shared>>) target_semaphore(%run_scoped3A : memref<!tpu.dma_semaphore, #tpu.memory_space<semaphore_mem>>)
      %dma_wait3A = arith.constant 0 : i32
      %dma_wait3A_157 = tpu.memref_slice %arg20[%add3A_31, %dma_wait3A] : memref<10240x64xf32, #tpu.memory_space<vmem_shared>> -> memref<128x64xf32, #tpu.memory_space<vmem_shared>>
      %dma_wait3A_158 = arith.constant 0 : i32
      %dma_wait3A_159 = tpu.memref_slice %arg20[%add3A_31, %dma_wait3A_158] : memref<10240x64xf32, #tpu.memory_space<vmem_shared>> -> memref<128x64xf32, #tpu.memory_space<vmem_shared>>
      tpu.wait_dma2 semaphore(%run_scoped3A : memref<!tpu.dma_semaphore, #tpu.memory_space<semaphore_mem>>) src(%arg18 : memref<128x64xf32, #tpu.memory_space<vmem>>) dst(%dma_wait3A_159 : memref<128x64xf32, #tpu.memory_space<vmem_shared>>)
      tpu.yield
    }) : () -> ()
    %add3A_32 = arith.constant 512 : i32
    %add3A_33 = arith.addi %mul3A_0, %add3A_32 : i32
    "tpu.region"() ({
      %run_scoped3A = tpu.sem_alloc : memref<!tpu.dma_semaphore, #tpu.memory_space<semaphore_mem>>
      %dma_start3A_153 = arith.constant 0 : i32
      %dma_start3A_154 = tpu.memref_slice %arg21[%add3A_33, %dma_start3A_153] : memref<10240x8xf32, #tpu.memory_space<vmem_shared>> -> memref<128x8xf32, #tpu.memory_space<vmem_shared>>
      %dma_start3A_155 = arith.constant 0 : i32
      %dma_start3A_156 = tpu.memref_slice %arg21[%add3A_33, %dma_start3A_155] : memref<10240x8xf32, #tpu.memory_space<vmem_shared>> -> memref<128x8xf32, #tpu.memory_space<vmem_shared>>
      tpu.enqueue_dma source(%arg19 : memref<128x8xf32, #tpu.memory_space<vmem>>) target(%dma_start3A_156 : memref<128x8xf32, #tpu.memory_space<vmem_shared>>) target_semaphore(%run_scoped3A : memref<!tpu.dma_semaphore, #tpu.memory_space<semaphore_mem>>)
      %dma_wait3A = arith.constant 0 : i32
      %dma_wait3A_157 = tpu.memref_slice %arg21[%add3A_33, %dma_wait3A] : memref<10240x8xf32, #tpu.memory_space<vmem_shared>> -> memref<128x8xf32, #tpu.memory_space<vmem_shared>>
      %dma_wait3A_158 = arith.constant 0 : i32
      %dma_wait3A_159 = tpu.memref_slice %arg21[%add3A_33, %dma_wait3A_158] : memref<10240x8xf32, #tpu.memory_space<vmem_shared>> -> memref<128x8xf32, #tpu.memory_space<vmem_shared>>
      tpu.wait_dma2 semaphore(%run_scoped3A : memref<!tpu.dma_semaphore, #tpu.memory_space<semaphore_mem>>) src(%arg19 : memref<128x8xf32, #tpu.memory_space<vmem>>) dst(%dma_wait3A_159 : memref<128x8xf32, #tpu.memory_space<vmem_shared>>)
      tpu.yield
    }) : () -> ()
    %barrier3A = arith.constant 0 : index
    tpu.barrier barrier_id(%barrier3A)
    %dma_start3A = arith.constant 0 : i32
    %dma_start3A_34 = arith.constant 0 : i32
    %dma_start3A_35 = tpu.memref_slice %arg10[%dma_start3A_34] : memref<10240xi32, #tpu.memory_space<vmem>> -> memref<128xi32, #tpu.memory_space<vmem>>
    %dma_start3A_36 = arith.constant 0 : i32
    %dma_start3A_37 = arith.constant 0 : i32
    %dma_start3A_38 = tpu.memref_slice %arg2[%dma_start3A_36, %dma_start3A_37] : memref<40000x64xf32, #tpu.memory_space<hbm>> -> memref<40000x64xf32, #tpu.memory_space<hbm>>
    %dma_start3A_39 = tpu.memref_slice %arg22[%dma_start3A] : memref<5x!tpu.dma_semaphore, #tpu.memory_space<semaphore_mem>> -> memref<1x!tpu.dma_semaphore, #tpu.memory_space<semaphore_mem>>
    %dma_start3A_40 = tpu.memref_squeeze %dma_start3A_39 : memref<1x!tpu.dma_semaphore, #tpu.memory_space<semaphore_mem>> -> memref<!tpu.dma_semaphore, #tpu.memory_space<semaphore_mem>>
    tpu.enqueue_indirect_dma source(%dma_start3A_38 : memref<40000x64xf32, #tpu.memory_space<hbm>>) target(%arg12 : memref<128x64xf32, #tpu.memory_space<vmem>>) offsets(%dma_start3A_35 : memref<128xi32, #tpu.memory_space<vmem>>) semaphore(%dma_start3A_40 : memref<!tpu.dma_semaphore, #tpu.memory_space<semaphore_mem>>)
    %dma_start3A_41 = arith.constant 1 : i32
    %dma_start3A_42 = arith.constant 128 : i32
    %dma_start3A_43 = tpu.memref_slice %arg10[%dma_start3A_42] : memref<10240xi32, #tpu.memory_space<vmem>> -> memref<128xi32, #tpu.memory_space<vmem>>
    %dma_start3A_44 = arith.constant 0 : i32
    %dma_start3A_45 = arith.constant 0 : i32
    %dma_start3A_46 = tpu.memref_slice %arg2[%dma_start3A_44, %dma_start3A_45] : memref<40000x64xf32, #tpu.memory_space<hbm>> -> memref<40000x64xf32, #tpu.memory_space<hbm>>
    %dma_start3A_47 = tpu.memref_slice %arg22[%dma_start3A_41] : memref<5x!tpu.dma_semaphore, #tpu.memory_space<semaphore_mem>> -> memref<1x!tpu.dma_semaphore, #tpu.memory_space<semaphore_mem>>
    %dma_start3A_48 = tpu.memref_squeeze %dma_start3A_47 : memref<1x!tpu.dma_semaphore, #tpu.memory_space<semaphore_mem>> -> memref<!tpu.dma_semaphore, #tpu.memory_space<semaphore_mem>>
    tpu.enqueue_indirect_dma source(%dma_start3A_46 : memref<40000x64xf32, #tpu.memory_space<hbm>>) target(%arg13 : memref<128x64xf32, #tpu.memory_space<vmem>>) offsets(%dma_start3A_43 : memref<128xi32, #tpu.memory_space<vmem>>) semaphore(%dma_start3A_48 : memref<!tpu.dma_semaphore, #tpu.memory_space<semaphore_mem>>)
    %dma_start3A_49 = arith.constant 2 : i32
    %dma_start3A_50 = arith.constant 256 : i32
    %dma_start3A_51 = tpu.memref_slice %arg10[%dma_start3A_50] : memref<10240xi32, #tpu.memory_space<vmem>> -> memref<128xi32, #tpu.memory_space<vmem>>
    %dma_start3A_52 = arith.constant 0 : i32
    %dma_start3A_53 = arith.constant 0 : i32
    %dma_start3A_54 = tpu.memref_slice %arg2[%dma_start3A_52, %dma_start3A_53] : memref<40000x64xf32, #tpu.memory_space<hbm>> -> memref<40000x64xf32, #tpu.memory_space<hbm>>
    %dma_start3A_55 = tpu.memref_slice %arg22[%dma_start3A_49] : memref<5x!tpu.dma_semaphore, #tpu.memory_space<semaphore_mem>> -> memref<1x!tpu.dma_semaphore, #tpu.memory_space<semaphore_mem>>
    %dma_start3A_56 = tpu.memref_squeeze %dma_start3A_55 : memref<1x!tpu.dma_semaphore, #tpu.memory_space<semaphore_mem>> -> memref<!tpu.dma_semaphore, #tpu.memory_space<semaphore_mem>>
    tpu.enqueue_indirect_dma source(%dma_start3A_54 : memref<40000x64xf32, #tpu.memory_space<hbm>>) target(%arg14 : memref<128x64xf32, #tpu.memory_space<vmem>>) offsets(%dma_start3A_51 : memref<128xi32, #tpu.memory_space<vmem>>) semaphore(%dma_start3A_56 : memref<!tpu.dma_semaphore, #tpu.memory_space<semaphore_mem>>)
    %dma_start3A_57 = arith.constant 3 : i32
    %dma_start3A_58 = arith.constant 384 : i32
    %dma_start3A_59 = tpu.memref_slice %arg10[%dma_start3A_58] : memref<10240xi32, #tpu.memory_space<vmem>> -> memref<128xi32, #tpu.memory_space<vmem>>
    %dma_start3A_60 = arith.constant 0 : i32
    %dma_start3A_61 = arith.constant 0 : i32
    %dma_start3A_62 = tpu.memref_slice %arg2[%dma_start3A_60, %dma_start3A_61] : memref<40000x64xf32, #tpu.memory_space<hbm>> -> memref<40000x64xf32, #tpu.memory_space<hbm>>
    %dma_start3A_63 = tpu.memref_slice %arg22[%dma_start3A_57] : memref<5x!tpu.dma_semaphore, #tpu.memory_space<semaphore_mem>> -> memref<1x!tpu.dma_semaphore, #tpu.memory_space<semaphore_mem>>
    %dma_start3A_64 = tpu.memref_squeeze %dma_start3A_63 : memref<1x!tpu.dma_semaphore, #tpu.memory_space<semaphore_mem>> -> memref<!tpu.dma_semaphore, #tpu.memory_space<semaphore_mem>>
    tpu.enqueue_indirect_dma source(%dma_start3A_62 : memref<40000x64xf32, #tpu.memory_space<hbm>>) target(%arg15 : memref<128x64xf32, #tpu.memory_space<vmem>>) offsets(%dma_start3A_59 : memref<128xi32, #tpu.memory_space<vmem>>) semaphore(%dma_start3A_64 : memref<!tpu.dma_semaphore, #tpu.memory_space<semaphore_mem>>)
    %dma_start3A_65 = arith.constant 4 : i32
    %dma_start3A_66 = arith.constant 512 : i32
    %dma_start3A_67 = tpu.memref_slice %arg10[%dma_start3A_66] : memref<10240xi32, #tpu.memory_space<vmem>> -> memref<128xi32, #tpu.memory_space<vmem>>
    %dma_start3A_68 = arith.constant 0 : i32
    %dma_start3A_69 = arith.constant 0 : i32
    %dma_start3A_70 = tpu.memref_slice %arg2[%dma_start3A_68, %dma_start3A_69] : memref<40000x64xf32, #tpu.memory_space<hbm>> -> memref<40000x64xf32, #tpu.memory_space<hbm>>
    %dma_start3A_71 = tpu.memref_slice %arg22[%dma_start3A_65] : memref<5x!tpu.dma_semaphore, #tpu.memory_space<semaphore_mem>> -> memref<1x!tpu.dma_semaphore, #tpu.memory_space<semaphore_mem>>
    %dma_start3A_72 = tpu.memref_squeeze %dma_start3A_71 : memref<1x!tpu.dma_semaphore, #tpu.memory_space<semaphore_mem>> -> memref<!tpu.dma_semaphore, #tpu.memory_space<semaphore_mem>>
    tpu.enqueue_indirect_dma source(%dma_start3A_70 : memref<40000x64xf32, #tpu.memory_space<hbm>>) target(%arg16 : memref<128x64xf32, #tpu.memory_space<vmem>>) offsets(%dma_start3A_67 : memref<128xi32, #tpu.memory_space<vmem>>) semaphore(%dma_start3A_72 : memref<!tpu.dma_semaphore, #tpu.memory_space<semaphore_mem>>)
    %scan3A_73 = arith.constant 0 : i32
    %scan3A_74 = arith.constant 0 : i32
    %scan3A_75 = arith.constant 16 : i32
    %scan3A_76 = arith.addi %scan3A_74, %scan3A_75 : i32
    %scan3A_77 = arith.constant 1 : i32
    scf.for %scan3A_153 = %scan3A_74 to %scan3A_76 step %scan3A_77  : i32 {
      %mul3A_154 = arith.constant 5 : i32
      %mul3A_155 = arith.muli %scan3A_153, %mul3A_154 : i32
      %add3A_156 = arith.constant 0 : i32
      %add3A_157 = arith.addi %mul3A_155, %add3A_156 : i32
      %mul3A_158 = arith.constant 128 : i32
      %mul3A_159 = arith.muli %add3A_157, %mul3A_158 : i32
      %dma_wait3A = arith.constant 0 : i32
      %dma_wait3A_160 = tpu.memref_slice %arg10[%mul3A_159] : memref<10240xi32, #tpu.memory_space<vmem>> -> memref<128xi32, #tpu.memory_space<vmem>>
      %dma_wait3A_161 = arith.constant 0 : i32
      %dma_wait3A_162 = arith.constant 0 : i32
      %dma_wait3A_163 = tpu.memref_slice %arg2[%dma_wait3A_161, %dma_wait3A_162] : memref<40000x64xf32, #tpu.memory_space<hbm>> -> memref<40000x64xf32, #tpu.memory_space<hbm>>
      %dma_wait3A_164 = tpu.memref_slice %arg22[%dma_wait3A] : memref<5x!tpu.dma_semaphore, #tpu.memory_space<semaphore_mem>> -> memref<1x!tpu.dma_semaphore, #tpu.memory_space<semaphore_mem>>
      %dma_wait3A_165 = tpu.memref_squeeze %dma_wait3A_164 : memref<1x!tpu.dma_semaphore, #tpu.memory_space<semaphore_mem>> -> memref<!tpu.dma_semaphore, #tpu.memory_space<semaphore_mem>>
      tpu.wait_indirect_dma semaphore(%dma_wait3A_165 : memref<!tpu.dma_semaphore, #tpu.memory_space<semaphore_mem>>) src(%dma_wait3A_163 : memref<40000x64xf32, #tpu.memory_space<hbm>>) dst(%arg12 : memref<128x64xf32, #tpu.memory_space<vmem>>)
      %dma_start3A_166 = arith.constant 0 : i32
      %dma_start3A_167 = arith.constant 0 : i32
      %dma_start3A_168 = tpu.memref_slice %arg11[%add3A_157, %dma_start3A_167] : memref<80x128xi32, #tpu.memory_space<vmem>> -> memref<1x128xi32, #tpu.memory_space<vmem>>
      %dma_start3A_169 = tpu.memref_squeeze %dma_start3A_168 : memref<1x128xi32, #tpu.memory_space<vmem>> -> memref<128xi32, #tpu.memory_space<vmem>>
      %dma_start3A_170 = arith.constant 0 : i32
      %dma_start3A_171 = arith.constant 0 : i32
      %dma_start3A_172 = tpu.memref_slice %arg20[%dma_start3A_170, %dma_start3A_171] : memref<10240x64xf32, #tpu.memory_space<vmem_shared>> -> memref<10240x64xf32, #tpu.memory_space<vmem_shared>>
      %dma_start3A_173 = tpu.memref_slice %arg23[%dma_start3A_166] : memref<5x!tpu.dma_semaphore, #tpu.memory_space<semaphore_mem>> -> memref<1x!tpu.dma_semaphore, #tpu.memory_space<semaphore_mem>>
      %dma_start3A_174 = tpu.memref_squeeze %dma_start3A_173 : memref<1x!tpu.dma_semaphore, #tpu.memory_space<semaphore_mem>> -> memref<!tpu.dma_semaphore, #tpu.memory_space<semaphore_mem>>
      tpu.enqueue_indirect_dma source(%arg12 : memref<128x64xf32, #tpu.memory_space<vmem>>) target(%dma_start3A_172 : memref<10240x64xf32, #tpu.memory_space<vmem_shared>>) offsets(%dma_start3A_169 : memref<128xi32, #tpu.memory_space<vmem>>) semaphore(%dma_start3A_174 : memref<!tpu.dma_semaphore, #tpu.memory_space<semaphore_mem>>) {add = true}
      %dma_start3A_175 = arith.constant 0 : i32
      %dma_start3A_176 = tpu.memref_slice %arg11[%add3A_157, %dma_start3A_175] : memref<80x128xi32, #tpu.memory_space<vmem>> -> memref<1x128xi32, #tpu.memory_space<vmem>>
      %dma_start3A_177 = tpu.memref_squeeze %dma_start3A_176 : memref<1x128xi32, #tpu.memory_space<vmem>> -> memref<128xi32, #tpu.memory_space<vmem>>
      %dma_start3A_178 = arith.constant 0 : i32
      %dma_start3A_179 = arith.constant 0 : i32
      %dma_start3A_180 = tpu.memref_slice %arg21[%dma_start3A_178, %dma_start3A_179] : memref<10240x8xf32, #tpu.memory_space<vmem_shared>> -> memref<10240x8xf32, #tpu.memory_space<vmem_shared>>
      tpu.enqueue_indirect_dma source(%arg17 : memref<128x8xf32, #tpu.memory_space<vmem>>) target(%dma_start3A_180 : memref<10240x8xf32, #tpu.memory_space<vmem_shared>>) offsets(%dma_start3A_177 : memref<128xi32, #tpu.memory_space<vmem>>) semaphore(%arg24 : memref<!tpu.dma_semaphore, #tpu.memory_space<semaphore_mem>>) {add = true}
      %mul3A_181 = arith.constant 5 : i32
      %mul3A_182 = arith.muli %scan3A_153, %mul3A_181 : i32
      %add3A_183 = arith.constant 1 : i32
      %add3A_184 = arith.addi %mul3A_182, %add3A_183 : i32
      %mul3A_185 = arith.constant 128 : i32
      %mul3A_186 = arith.muli %add3A_184, %mul3A_185 : i32
      %dma_wait3A_187 = arith.constant 1 : i32
      %dma_wait3A_188 = tpu.memref_slice %arg10[%mul3A_186] : memref<10240xi32, #tpu.memory_space<vmem>> -> memref<128xi32, #tpu.memory_space<vmem>>
      %dma_wait3A_189 = arith.constant 0 : i32
      %dma_wait3A_190 = arith.constant 0 : i32
      %dma_wait3A_191 = tpu.memref_slice %arg2[%dma_wait3A_189, %dma_wait3A_190] : memref<40000x64xf32, #tpu.memory_space<hbm>> -> memref<40000x64xf32, #tpu.memory_space<hbm>>
      %dma_wait3A_192 = tpu.memref_slice %arg22[%dma_wait3A_187] : memref<5x!tpu.dma_semaphore, #tpu.memory_space<semaphore_mem>> -> memref<1x!tpu.dma_semaphore, #tpu.memory_space<semaphore_mem>>
      %dma_wait3A_193 = tpu.memref_squeeze %dma_wait3A_192 : memref<1x!tpu.dma_semaphore, #tpu.memory_space<semaphore_mem>> -> memref<!tpu.dma_semaphore, #tpu.memory_space<semaphore_mem>>
      tpu.wait_indirect_dma semaphore(%dma_wait3A_193 : memref<!tpu.dma_semaphore, #tpu.memory_space<semaphore_mem>>) src(%dma_wait3A_191 : memref<40000x64xf32, #tpu.memory_space<hbm>>) dst(%arg13 : memref<128x64xf32, #tpu.memory_space<vmem>>)
      %dma_start3A_194 = arith.constant 1 : i32
      %dma_start3A_195 = arith.constant 0 : i32
      %dma_start3A_196 = tpu.memref_slice %arg11[%add3A_184, %dma_start3A_195] : memref<80x128xi32, #tpu.memory_space<vmem>> -> memref<1x128xi32, #tpu.memory_space<vmem>>
      %dma_start3A_197 = tpu.memref_squeeze %dma_start3A_196 : memref<1x128xi32, #tpu.memory_space<vmem>> -> memref<128xi32, #tpu.memory_space<vmem>>
      %dma_start3A_198 = arith.constant 0 : i32
      %dma_start3A_199 = arith.constant 0 : i32
      %dma_start3A_200 = tpu.memref_slice %arg20[%dma_start3A_198, %dma_start3A_199] : memref<10240x64xf32, #tpu.memory_space<vmem_shared>> -> memref<10240x64xf32, #tpu.memory_space<vmem_shared>>
      %dma_start3A_201 = tpu.memref_slice %arg23[%dma_start3A_194] : memref<5x!tpu.dma_semaphore, #tpu.memory_space<semaphore_mem>> -> memref<1x!tpu.dma_semaphore, #tpu.memory_space<semaphore_mem>>
      %dma_start3A_202 = tpu.memref_squeeze %dma_start3A_201 : memref<1x!tpu.dma_semaphore, #tpu.memory_space<semaphore_mem>> -> memref<!tpu.dma_semaphore, #tpu.memory_space<semaphore_mem>>
      tpu.enqueue_indirect_dma source(%arg13 : memref<128x64xf32, #tpu.memory_space<vmem>>) target(%dma_start3A_200 : memref<10240x64xf32, #tpu.memory_space<vmem_shared>>) offsets(%dma_start3A_197 : memref<128xi32, #tpu.memory_space<vmem>>) semaphore(%dma_start3A_202 : memref<!tpu.dma_semaphore, #tpu.memory_space<semaphore_mem>>) {add = true}
      %dma_start3A_203 = arith.constant 0 : i32
      %dma_start3A_204 = tpu.memref_slice %arg11[%add3A_184, %dma_start3A_203] : memref<80x128xi32, #tpu.memory_space<vmem>> -> memref<1x128xi32, #tpu.memory_space<vmem>>
      %dma_start3A_205 = tpu.memref_squeeze %dma_start3A_204 : memref<1x128xi32, #tpu.memory_space<vmem>> -> memref<128xi32, #tpu.memory_space<vmem>>
      %dma_start3A_206 = arith.constant 0 : i32
      %dma_start3A_207 = arith.constant 0 : i32
      %dma_start3A_208 = tpu.memref_slice %arg21[%dma_start3A_206, %dma_start3A_207] : memref<10240x8xf32, #tpu.memory_space<vmem_shared>> -> memref<10240x8xf32, #tpu.memory_space<vmem_shared>>
      tpu.enqueue_indirect_dma source(%arg17 : memref<128x8xf32, #tpu.memory_space<vmem>>) target(%dma_start3A_208 : memref<10240x8xf32, #tpu.memory_space<vmem_shared>>) offsets(%dma_start3A_205 : memref<128xi32, #tpu.memory_space<vmem>>) semaphore(%arg24 : memref<!tpu.dma_semaphore, #tpu.memory_space<semaphore_mem>>) {add = true}
      %mul3A_209 = arith.constant 5 : i32
      %mul3A_210 = arith.muli %scan3A_153, %mul3A_209 : i32
      %add3A_211 = arith.constant 2 : i32
      %add3A_212 = arith.addi %mul3A_210, %add3A_211 : i32
      %mul3A_213 = arith.constant 128 : i32
      %mul3A_214 = arith.muli %add3A_212, %mul3A_213 : i32
      %dma_wait3A_215 = arith.constant 2 : i32
      %dma_wait3A_216 = tpu.memref_slice %arg10[%mul3A_214] : memref<10240xi32, #tpu.memory_space<vmem>> -> memref<128xi32, #tpu.memory_space<vmem>>
      %dma_wait3A_217 = arith.constant 0 : i32
      %dma_wait3A_218 = arith.constant 0 : i32
      %dma_wait3A_219 = tpu.memref_slice %arg2[%dma_wait3A_217, %dma_wait3A_218] : memref<40000x64xf32, #tpu.memory_space<hbm>> -> memref<40000x64xf32, #tpu.memory_space<hbm>>
      %dma_wait3A_220 = tpu.memref_slice %arg22[%dma_wait3A_215] : memref<5x!tpu.dma_semaphore, #tpu.memory_space<semaphore_mem>> -> memref<1x!tpu.dma_semaphore, #tpu.memory_space<semaphore_mem>>
      %dma_wait3A_221 = tpu.memref_squeeze %dma_wait3A_220 : memref<1x!tpu.dma_semaphore, #tpu.memory_space<semaphore_mem>> -> memref<!tpu.dma_semaphore, #tpu.memory_space<semaphore_mem>>
      tpu.wait_indirect_dma semaphore(%dma_wait3A_221 : memref<!tpu.dma_semaphore, #tpu.memory_space<semaphore_mem>>) src(%dma_wait3A_219 : memref<40000x64xf32, #tpu.memory_space<hbm>>) dst(%arg14 : memref<128x64xf32, #tpu.memory_space<vmem>>)
      %dma_start3A_222 = arith.constant 2 : i32
      %dma_start3A_223 = arith.constant 0 : i32
      %dma_start3A_224 = tpu.memref_slice %arg11[%add3A_212, %dma_start3A_223] : memref<80x128xi32, #tpu.memory_space<vmem>> -> memref<1x128xi32, #tpu.memory_space<vmem>>
      %dma_start3A_225 = tpu.memref_squeeze %dma_start3A_224 : memref<1x128xi32, #tpu.memory_space<vmem>> -> memref<128xi32, #tpu.memory_space<vmem>>
      %dma_start3A_226 = arith.constant 0 : i32
      %dma_start3A_227 = arith.constant 0 : i32
      %dma_start3A_228 = tpu.memref_slice %arg20[%dma_start3A_226, %dma_start3A_227] : memref<10240x64xf32, #tpu.memory_space<vmem_shared>> -> memref<10240x64xf32, #tpu.memory_space<vmem_shared>>
      %dma_start3A_229 = tpu.memref_slice %arg23[%dma_start3A_222] : memref<5x!tpu.dma_semaphore, #tpu.memory_space<semaphore_mem>> -> memref<1x!tpu.dma_semaphore, #tpu.memory_space<semaphore_mem>>
      %dma_start3A_230 = tpu.memref_squeeze %dma_start3A_229 : memref<1x!tpu.dma_semaphore, #tpu.memory_space<semaphore_mem>> -> memref<!tpu.dma_semaphore, #tpu.memory_space<semaphore_mem>>
      tpu.enqueue_indirect_dma source(%arg14 : memref<128x64xf32, #tpu.memory_space<vmem>>) target(%dma_start3A_228 : memref<10240x64xf32, #tpu.memory_space<vmem_shared>>) offsets(%dma_start3A_225 : memref<128xi32, #tpu.memory_space<vmem>>) semaphore(%dma_start3A_230 : memref<!tpu.dma_semaphore, #tpu.memory_space<semaphore_mem>>) {add = true}
      %dma_start3A_231 = arith.constant 0 : i32
      %dma_start3A_232 = tpu.memref_slice %arg11[%add3A_212, %dma_start3A_231] : memref<80x128xi32, #tpu.memory_space<vmem>> -> memref<1x128xi32, #tpu.memory_space<vmem>>
      %dma_start3A_233 = tpu.memref_squeeze %dma_start3A_232 : memref<1x128xi32, #tpu.memory_space<vmem>> -> memref<128xi32, #tpu.memory_space<vmem>>
      %dma_start3A_234 = arith.constant 0 : i32
      %dma_start3A_235 = arith.constant 0 : i32
      %dma_start3A_236 = tpu.memref_slice %arg21[%dma_start3A_234, %dma_start3A_235] : memref<10240x8xf32, #tpu.memory_space<vmem_shared>> -> memref<10240x8xf32, #tpu.memory_space<vmem_shared>>
      tpu.enqueue_indirect_dma source(%arg17 : memref<128x8xf32, #tpu.memory_space<vmem>>) target(%dma_start3A_236 : memref<10240x8xf32, #tpu.memory_space<vmem_shared>>) offsets(%dma_start3A_233 : memref<128xi32, #tpu.memory_space<vmem>>) semaphore(%arg24 : memref<!tpu.dma_semaphore, #tpu.memory_space<semaphore_mem>>) {add = true}
      %mul3A_237 = arith.constant 5 : i32
      %mul3A_238 = arith.muli %scan3A_153, %mul3A_237 : i32
      %add3A_239 = arith.constant 3 : i32
      %add3A_240 = arith.addi %mul3A_238, %add3A_239 : i32
      %mul3A_241 = arith.constant 128 : i32
      %mul3A_242 = arith.muli %add3A_240, %mul3A_241 : i32
      %dma_wait3A_243 = arith.constant 3 : i32
      %dma_wait3A_244 = tpu.memref_slice %arg10[%mul3A_242] : memref<10240xi32, #tpu.memory_space<vmem>> -> memref<128xi32, #tpu.memory_space<vmem>>
      %dma_wait3A_245 = arith.constant 0 : i32
      %dma_wait3A_246 = arith.constant 0 : i32
      %dma_wait3A_247 = tpu.memref_slice %arg2[%dma_wait3A_245, %dma_wait3A_246] : memref<40000x64xf32, #tpu.memory_space<hbm>> -> memref<40000x64xf32, #tpu.memory_space<hbm>>
      %dma_wait3A_248 = tpu.memref_slice %arg22[%dma_wait3A_243] : memref<5x!tpu.dma_semaphore, #tpu.memory_space<semaphore_mem>> -> memref<1x!tpu.dma_semaphore, #tpu.memory_space<semaphore_mem>>
      %dma_wait3A_249 = tpu.memref_squeeze %dma_wait3A_248 : memref<1x!tpu.dma_semaphore, #tpu.memory_space<semaphore_mem>> -> memref<!tpu.dma_semaphore, #tpu.memory_space<semaphore_mem>>
      tpu.wait_indirect_dma semaphore(%dma_wait3A_249 : memref<!tpu.dma_semaphore, #tpu.memory_space<semaphore_mem>>) src(%dma_wait3A_247 : memref<40000x64xf32, #tpu.memory_space<hbm>>) dst(%arg15 : memref<128x64xf32, #tpu.memory_space<vmem>>)
      %dma_start3A_250 = arith.constant 3 : i32
      %dma_start3A_251 = arith.constant 0 : i32
      %dma_start3A_252 = tpu.memref_slice %arg11[%add3A_240, %dma_start3A_251] : memref<80x128xi32, #tpu.memory_space<vmem>> -> memref<1x128xi32, #tpu.memory_space<vmem>>
      %dma_start3A_253 = tpu.memref_squeeze %dma_start3A_252 : memref<1x128xi32, #tpu.memory_space<vmem>> -> memref<128xi32, #tpu.memory_space<vmem>>
      %dma_start3A_254 = arith.constant 0 : i32
      %dma_start3A_255 = arith.constant 0 : i32
      %dma_start3A_256 = tpu.memref_slice %arg20[%dma_start3A_254, %dma_start3A_255] : memref<10240x64xf32, #tpu.memory_space<vmem_shared>> -> memref<10240x64xf32, #tpu.memory_space<vmem_shared>>
      %dma_start3A_257 = tpu.memref_slice %arg23[%dma_start3A_250] : memref<5x!tpu.dma_semaphore, #tpu.memory_space<semaphore_mem>> -> memref<1x!tpu.dma_semaphore, #tpu.memory_space<semaphore_mem>>
      %dma_start3A_258 = tpu.memref_squeeze %dma_start3A_257 : memref<1x!tpu.dma_semaphore, #tpu.memory_space<semaphore_mem>> -> memref<!tpu.dma_semaphore, #tpu.memory_space<semaphore_mem>>
      tpu.enqueue_indirect_dma source(%arg15 : memref<128x64xf32, #tpu.memory_space<vmem>>) target(%dma_start3A_256 : memref<10240x64xf32, #tpu.memory_space<vmem_shared>>) offsets(%dma_start3A_253 : memref<128xi32, #tpu.memory_space<vmem>>) semaphore(%dma_start3A_258 : memref<!tpu.dma_semaphore, #tpu.memory_space<semaphore_mem>>) {add = true}
      %dma_start3A_259 = arith.constant 0 : i32
      %dma_start3A_260 = tpu.memref_slice %arg11[%add3A_240, %dma_start3A_259] : memref<80x128xi32, #tpu.memory_space<vmem>> -> memref<1x128xi32, #tpu.memory_space<vmem>>
      %dma_start3A_261 = tpu.memref_squeeze %dma_start3A_260 : memref<1x128xi32, #tpu.memory_space<vmem>> -> memref<128xi32, #tpu.memory_space<vmem>>
      %dma_start3A_262 = arith.constant 0 : i32
      %dma_start3A_263 = arith.constant 0 : i32
      %dma_start3A_264 = tpu.memref_slice %arg21[%dma_start3A_262, %dma_start3A_263] : memref<10240x8xf32, #tpu.memory_space<vmem_shared>> -> memref<10240x8xf32, #tpu.memory_space<vmem_shared>>
      tpu.enqueue_indirect_dma source(%arg17 : memref<128x8xf32, #tpu.memory_space<vmem>>) target(%dma_start3A_264 : memref<10240x8xf32, #tpu.memory_space<vmem_shared>>) offsets(%dma_start3A_261 : memref<128xi32, #tpu.memory_space<vmem>>) semaphore(%arg24 : memref<!tpu.dma_semaphore, #tpu.memory_space<semaphore_mem>>) {add = true}
      %mul3A_265 = arith.constant 5 : i32
      %mul3A_266 = arith.muli %scan3A_153, %mul3A_265 : i32
      %add3A_267 = arith.constant 4 : i32
      %add3A_268 = arith.addi %mul3A_266, %add3A_267 : i32
      %mul3A_269 = arith.constant 128 : i32
      %mul3A_270 = arith.muli %add3A_268, %mul3A_269 : i32
      %dma_wait3A_271 = arith.constant 4 : i32
      %dma_wait3A_272 = tpu.memref_slice %arg10[%mul3A_270] : memref<10240xi32, #tpu.memory_space<vmem>> -> memref<128xi32, #tpu.memory_space<vmem>>
      %dma_wait3A_273 = arith.constant 0 : i32
      %dma_wait3A_274 = arith.constant 0 : i32
      %dma_wait3A_275 = tpu.memref_slice %arg2[%dma_wait3A_273, %dma_wait3A_274] : memref<40000x64xf32, #tpu.memory_space<hbm>> -> memref<40000x64xf32, #tpu.memory_space<hbm>>
      %dma_wait3A_276 = tpu.memref_slice %arg22[%dma_wait3A_271] : memref<5x!tpu.dma_semaphore, #tpu.memory_space<semaphore_mem>> -> memref<1x!tpu.dma_semaphore, #tpu.memory_space<semaphore_mem>>
      %dma_wait3A_277 = tpu.memref_squeeze %dma_wait3A_276 : memref<1x!tpu.dma_semaphore, #tpu.memory_space<semaphore_mem>> -> memref<!tpu.dma_semaphore, #tpu.memory_space<semaphore_mem>>
      tpu.wait_indirect_dma semaphore(%dma_wait3A_277 : memref<!tpu.dma_semaphore, #tpu.memory_space<semaphore_mem>>) src(%dma_wait3A_275 : memref<40000x64xf32, #tpu.memory_space<hbm>>) dst(%arg16 : memref<128x64xf32, #tpu.memory_space<vmem>>)
      %dma_start3A_278 = arith.constant 4 : i32
      %dma_start3A_279 = arith.constant 0 : i32
      %dma_start3A_280 = tpu.memref_slice %arg11[%add3A_268, %dma_start3A_279] : memref<80x128xi32, #tpu.memory_space<vmem>> -> memref<1x128xi32, #tpu.memory_space<vmem>>
      %dma_start3A_281 = tpu.memref_squeeze %dma_start3A_280 : memref<1x128xi32, #tpu.memory_space<vmem>> -> memref<128xi32, #tpu.memory_space<vmem>>
      %dma_start3A_282 = arith.constant 0 : i32
      %dma_start3A_283 = arith.constant 0 : i32
      %dma_start3A_284 = tpu.memref_slice %arg20[%dma_start3A_282, %dma_start3A_283] : memref<10240x64xf32, #tpu.memory_space<vmem_shared>> -> memref<10240x64xf32, #tpu.memory_space<vmem_shared>>
      %dma_start3A_285 = tpu.memref_slice %arg23[%dma_start3A_278] : memref<5x!tpu.dma_semaphore, #tpu.memory_space<semaphore_mem>> -> memref<1x!tpu.dma_semaphore, #tpu.memory_space<semaphore_mem>>
      %dma_start3A_286 = tpu.memref_squeeze %dma_start3A_285 : memref<1x!tpu.dma_semaphore, #tpu.memory_space<semaphore_mem>> -> memref<!tpu.dma_semaphore, #tpu.memory_space<semaphore_mem>>
      tpu.enqueue_indirect_dma source(%arg16 : memref<128x64xf32, #tpu.memory_space<vmem>>) target(%dma_start3A_284 : memref<10240x64xf32, #tpu.memory_space<vmem_shared>>) offsets(%dma_start3A_281 : memref<128xi32, #tpu.memory_space<vmem>>) semaphore(%dma_start3A_286 : memref<!tpu.dma_semaphore, #tpu.memory_space<semaphore_mem>>) {add = true}
      %dma_start3A_287 = arith.constant 0 : i32
      %dma_start3A_288 = tpu.memref_slice %arg11[%add3A_268, %dma_start3A_287] : memref<80x128xi32, #tpu.memory_space<vmem>> -> memref<1x128xi32, #tpu.memory_space<vmem>>
      %dma_start3A_289 = tpu.memref_squeeze %dma_start3A_288 : memref<1x128xi32, #tpu.memory_space<vmem>> -> memref<128xi32, #tpu.memory_space<vmem>>
      %dma_start3A_290 = arith.constant 0 : i32
      %dma_start3A_291 = arith.constant 0 : i32
      %dma_start3A_292 = tpu.memref_slice %arg21[%dma_start3A_290, %dma_start3A_291] : memref<10240x8xf32, #tpu.memory_space<vmem_shared>> -> memref<10240x8xf32, #tpu.memory_space<vmem_shared>>
      tpu.enqueue_indirect_dma source(%arg17 : memref<128x8xf32, #tpu.memory_space<vmem>>) target(%dma_start3A_292 : memref<10240x8xf32, #tpu.memory_space<vmem_shared>>) offsets(%dma_start3A_289 : memref<128xi32, #tpu.memory_space<vmem>>) semaphore(%arg24 : memref<!tpu.dma_semaphore, #tpu.memory_space<semaphore_mem>>) {add = true}
      %mul3A_293 = arith.constant 5 : i32
      %mul3A_294 = arith.muli %scan3A_153, %mul3A_293 : i32
      %add3A_295 = arith.constant 0 : i32
      %add3A_296 = arith.addi %mul3A_294, %add3A_295 : i32
      %dma_wait3A_297 = arith.constant 0 : i32
      %dma_wait3A_298 = arith.constant 0 : i32
      %dma_wait3A_299 = tpu.memref_slice %arg11[%add3A_296, %dma_wait3A_298] : memref<80x128xi32, #tpu.memory_space<vmem>> -> memref<1x128xi32, #tpu.memory_space<vmem>>
      %dma_wait3A_300 = tpu.memref_squeeze %dma_wait3A_299 : memref<1x128xi32, #tpu.memory_space<vmem>> -> memref<128xi32, #tpu.memory_space<vmem>>
      %dma_wait3A_301 = arith.constant 0 : i32
      %dma_wait3A_302 = arith.constant 0 : i32
      %dma_wait3A_303 = tpu.memref_slice %arg20[%dma_wait3A_301, %dma_wait3A_302] : memref<10240x64xf32, #tpu.memory_space<vmem_shared>> -> memref<10240x64xf32, #tpu.memory_space<vmem_shared>>
      %dma_wait3A_304 = tpu.memref_slice %arg23[%dma_wait3A_297] : memref<5x!tpu.dma_semaphore, #tpu.memory_space<semaphore_mem>> -> memref<1x!tpu.dma_semaphore, #tpu.memory_space<semaphore_mem>>
      %dma_wait3A_305 = tpu.memref_squeeze %dma_wait3A_304 : memref<1x!tpu.dma_semaphore, #tpu.memory_space<semaphore_mem>> -> memref<!tpu.dma_semaphore, #tpu.memory_space<semaphore_mem>>
      tpu.wait_indirect_dma semaphore(%dma_wait3A_305 : memref<!tpu.dma_semaphore, #tpu.memory_space<semaphore_mem>>) src(%arg12 : memref<128x64xf32, #tpu.memory_space<vmem>>) dst(%dma_wait3A_303 : memref<10240x64xf32, #tpu.memory_space<vmem_shared>>)
      %lt3A = arith.constant 15 : i32
      %lt3A_306 = arith.cmpi slt, %scan3A_153, %lt3A : i32
      %convert_element_type3A = arith.extui %lt3A_306 : i1 to i32
      %cond3A = arith.constant 0 : i32
      %cond3A_307 = arith.cmpi ne, %convert_element_type3A, %cond3A : i32
      scf.if %cond3A_307 {
        %add3A_380 = arith.constant 5 : i32
        %add3A_381 = arith.addi %add3A_296, %add3A_380 : i32
        %mul3A_382 = arith.constant 128 : i32
        %mul3A_383 = arith.muli %add3A_381, %mul3A_382 : i32
        %dma_start3A_384 = arith.constant 0 : i32
        %dma_start3A_385 = tpu.memref_slice %arg10[%mul3A_383] : memref<10240xi32, #tpu.memory_space<vmem>> -> memref<128xi32, #tpu.memory_space<vmem>>
        %dma_start3A_386 = arith.constant 0 : i32
        %dma_start3A_387 = arith.constant 0 : i32
        %dma_start3A_388 = tpu.memref_slice %arg2[%dma_start3A_386, %dma_start3A_387] : memref<40000x64xf32, #tpu.memory_space<hbm>> -> memref<40000x64xf32, #tpu.memory_space<hbm>>
        %dma_start3A_389 = tpu.memref_slice %arg22[%dma_start3A_384] : memref<5x!tpu.dma_semaphore, #tpu.memory_space<semaphore_mem>> -> memref<1x!tpu.dma_semaphore, #tpu.memory_space<semaphore_mem>>
        %dma_start3A_390 = tpu.memref_squeeze %dma_start3A_389 : memref<1x!tpu.dma_semaphore, #tpu.memory_space<semaphore_mem>> -> memref<!tpu.dma_semaphore, #tpu.memory_space<semaphore_mem>>
        tpu.enqueue_indirect_dma source(%dma_start3A_388 : memref<40000x64xf32, #tpu.memory_space<hbm>>) target(%arg12 : memref<128x64xf32, #tpu.memory_space<vmem>>) offsets(%dma_start3A_385 : memref<128xi32, #tpu.memory_space<vmem>>) semaphore(%dma_start3A_390 : memref<!tpu.dma_semaphore, #tpu.memory_space<semaphore_mem>>)
      } else {
      }
      %mul3A_308 = arith.constant 5 : i32
      %mul3A_309 = arith.muli %scan3A_153, %mul3A_308 : i32
      %add3A_310 = arith.constant 1 : i32
      %add3A_311 = arith.addi %mul3A_309, %add3A_310 : i32
      %dma_wait3A_312 = arith.constant 1 : i32
      %dma_wait3A_313 = arith.constant 0 : i32
      %dma_wait3A_314 = tpu.memref_slice %arg11[%add3A_311, %dma_wait3A_313] : memref<80x128xi32, #tpu.memory_space<vmem>> -> memref<1x128xi32, #tpu.memory_space<vmem>>
      %dma_wait3A_315 = tpu.memref_squeeze %dma_wait3A_314 : memref<1x128xi32, #tpu.memory_space<vmem>> -> memref<128xi32, #tpu.memory_space<vmem>>
      %dma_wait3A_316 = arith.constant 0 : i32
      %dma_wait3A_317 = arith.constant 0 : i32
      %dma_wait3A_318 = tpu.memref_slice %arg20[%dma_wait3A_316, %dma_wait3A_317] : memref<10240x64xf32, #tpu.memory_space<vmem_shared>> -> memref<10240x64xf32, #tpu.memory_space<vmem_shared>>
      %dma_wait3A_319 = tpu.memref_slice %arg23[%dma_wait3A_312] : memref<5x!tpu.dma_semaphore, #tpu.memory_space<semaphore_mem>> -> memref<1x!tpu.dma_semaphore, #tpu.memory_space<semaphore_mem>>
      %dma_wait3A_320 = tpu.memref_squeeze %dma_wait3A_319 : memref<1x!tpu.dma_semaphore, #tpu.memory_space<semaphore_mem>> -> memref<!tpu.dma_semaphore, #tpu.memory_space<semaphore_mem>>
      tpu.wait_indirect_dma semaphore(%dma_wait3A_320 : memref<!tpu.dma_semaphore, #tpu.memory_space<semaphore_mem>>) src(%arg13 : memref<128x64xf32, #tpu.memory_space<vmem>>) dst(%dma_wait3A_318 : memref<10240x64xf32, #tpu.memory_space<vmem_shared>>)
      %lt3A_321 = arith.constant 15 : i32
      %lt3A_322 = arith.cmpi slt, %scan3A_153, %lt3A_321 : i32
      %convert_element_type3A_323 = arith.extui %lt3A_322 : i1 to i32
      %cond3A_324 = arith.constant 0 : i32
      %cond3A_325 = arith.cmpi ne, %convert_element_type3A_323, %cond3A_324 : i32
      scf.if %cond3A_325 {
        %add3A_380 = arith.constant 5 : i32
        %add3A_381 = arith.addi %add3A_311, %add3A_380 : i32
        %mul3A_382 = arith.constant 128 : i32
        %mul3A_383 = arith.muli %add3A_381, %mul3A_382 : i32
        %dma_start3A_384 = arith.constant 1 : i32
        %dma_start3A_385 = tpu.memref_slice %arg10[%mul3A_383] : memref<10240xi32, #tpu.memory_space<vmem>> -> memref<128xi32, #tpu.memory_space<vmem>>
        %dma_start3A_386 = arith.constant 0 : i32
        %dma_start3A_387 = arith.constant 0 : i32
        %dma_start3A_388 = tpu.memref_slice %arg2[%dma_start3A_386, %dma_start3A_387] : memref<40000x64xf32, #tpu.memory_space<hbm>> -> memref<40000x64xf32, #tpu.memory_space<hbm>>
        %dma_start3A_389 = tpu.memref_slice %arg22[%dma_start3A_384] : memref<5x!tpu.dma_semaphore, #tpu.memory_space<semaphore_mem>> -> memref<1x!tpu.dma_semaphore, #tpu.memory_space<semaphore_mem>>
        %dma_start3A_390 = tpu.memref_squeeze %dma_start3A_389 : memref<1x!tpu.dma_semaphore, #tpu.memory_space<semaphore_mem>> -> memref<!tpu.dma_semaphore, #tpu.memory_space<semaphore_mem>>
        tpu.enqueue_indirect_dma source(%dma_start3A_388 : memref<40000x64xf32, #tpu.memory_space<hbm>>) target(%arg13 : memref<128x64xf32, #tpu.memory_space<vmem>>) offsets(%dma_start3A_385 : memref<128xi32, #tpu.memory_space<vmem>>) semaphore(%dma_start3A_390 : memref<!tpu.dma_semaphore, #tpu.memory_space<semaphore_mem>>)
      } else {
      }
      %mul3A_326 = arith.constant 5 : i32
      %mul3A_327 = arith.muli %scan3A_153, %mul3A_326 : i32
      %add3A_328 = arith.constant 2 : i32
      %add3A_329 = arith.addi %mul3A_327, %add3A_328 : i32
      %dma_wait3A_330 = arith.constant 2 : i32
      %dma_wait3A_331 = arith.constant 0 : i32
      %dma_wait3A_332 = tpu.memref_slice %arg11[%add3A_329, %dma_wait3A_331] : memref<80x128xi32, #tpu.memory_space<vmem>> -> memref<1x128xi32, #tpu.memory_space<vmem>>
      %dma_wait3A_333 = tpu.memref_squeeze %dma_wait3A_332 : memref<1x128xi32, #tpu.memory_space<vmem>> -> memref<128xi32, #tpu.memory_space<vmem>>
      %dma_wait3A_334 = arith.constant 0 : i32
      %dma_wait3A_335 = arith.constant 0 : i32
      %dma_wait3A_336 = tpu.memref_slice %arg20[%dma_wait3A_334, %dma_wait3A_335] : memref<10240x64xf32, #tpu.memory_space<vmem_shared>> -> memref<10240x64xf32, #tpu.memory_space<vmem_shared>>
      %dma_wait3A_337 = tpu.memref_slice %arg23[%dma_wait3A_330] : memref<5x!tpu.dma_semaphore, #tpu.memory_space<semaphore_mem>> -> memref<1x!tpu.dma_semaphore, #tpu.memory_space<semaphore_mem>>
      %dma_wait3A_338 = tpu.memref_squeeze %dma_wait3A_337 : memref<1x!tpu.dma_semaphore, #tpu.memory_space<semaphore_mem>> -> memref<!tpu.dma_semaphore, #tpu.memory_space<semaphore_mem>>
      tpu.wait_indirect_dma semaphore(%dma_wait3A_338 : memref<!tpu.dma_semaphore, #tpu.memory_space<semaphore_mem>>) src(%arg14 : memref<128x64xf32, #tpu.memory_space<vmem>>) dst(%dma_wait3A_336 : memref<10240x64xf32, #tpu.memory_space<vmem_shared>>)
      %lt3A_339 = arith.constant 15 : i32
      %lt3A_340 = arith.cmpi slt, %scan3A_153, %lt3A_339 : i32
      %convert_element_type3A_341 = arith.extui %lt3A_340 : i1 to i32
      %cond3A_342 = arith.constant 0 : i32
      %cond3A_343 = arith.cmpi ne, %convert_element_type3A_341, %cond3A_342 : i32
      scf.if %cond3A_343 {
        %add3A_380 = arith.constant 5 : i32
        %add3A_381 = arith.addi %add3A_329, %add3A_380 : i32
        %mul3A_382 = arith.constant 128 : i32
        %mul3A_383 = arith.muli %add3A_381, %mul3A_382 : i32
        %dma_start3A_384 = arith.constant 2 : i32
        %dma_start3A_385 = tpu.memref_slice %arg10[%mul3A_383] : memref<10240xi32, #tpu.memory_space<vmem>> -> memref<128xi32, #tpu.memory_space<vmem>>
        %dma_start3A_386 = arith.constant 0 : i32
        %dma_start3A_387 = arith.constant 0 : i32
        %dma_start3A_388 = tpu.memref_slice %arg2[%dma_start3A_386, %dma_start3A_387] : memref<40000x64xf32, #tpu.memory_space<hbm>> -> memref<40000x64xf32, #tpu.memory_space<hbm>>
        %dma_start3A_389 = tpu.memref_slice %arg22[%dma_start3A_384] : memref<5x!tpu.dma_semaphore, #tpu.memory_space<semaphore_mem>> -> memref<1x!tpu.dma_semaphore, #tpu.memory_space<semaphore_mem>>
        %dma_start3A_390 = tpu.memref_squeeze %dma_start3A_389 : memref<1x!tpu.dma_semaphore, #tpu.memory_space<semaphore_mem>> -> memref<!tpu.dma_semaphore, #tpu.memory_space<semaphore_mem>>
        tpu.enqueue_indirect_dma source(%dma_start3A_388 : memref<40000x64xf32, #tpu.memory_space<hbm>>) target(%arg14 : memref<128x64xf32, #tpu.memory_space<vmem>>) offsets(%dma_start3A_385 : memref<128xi32, #tpu.memory_space<vmem>>) semaphore(%dma_start3A_390 : memref<!tpu.dma_semaphore, #tpu.memory_space<semaphore_mem>>)
      } else {
      }
      %mul3A_344 = arith.constant 5 : i32
      %mul3A_345 = arith.muli %scan3A_153, %mul3A_344 : i32
      %add3A_346 = arith.constant 3 : i32
      %add3A_347 = arith.addi %mul3A_345, %add3A_346 : i32
      %dma_wait3A_348 = arith.constant 3 : i32
      %dma_wait3A_349 = arith.constant 0 : i32
      %dma_wait3A_350 = tpu.memref_slice %arg11[%add3A_347, %dma_wait3A_349] : memref<80x128xi32, #tpu.memory_space<vmem>> -> memref<1x128xi32, #tpu.memory_space<vmem>>
      %dma_wait3A_351 = tpu.memref_squeeze %dma_wait3A_350 : memref<1x128xi32, #tpu.memory_space<vmem>> -> memref<128xi32, #tpu.memory_space<vmem>>
      %dma_wait3A_352 = arith.constant 0 : i32
      %dma_wait3A_353 = arith.constant 0 : i32
      %dma_wait3A_354 = tpu.memref_slice %arg20[%dma_wait3A_352, %dma_wait3A_353] : memref<10240x64xf32, #tpu.memory_space<vmem_shared>> -> memref<10240x64xf32, #tpu.memory_space<vmem_shared>>
      %dma_wait3A_355 = tpu.memref_slice %arg23[%dma_wait3A_348] : memref<5x!tpu.dma_semaphore, #tpu.memory_space<semaphore_mem>> -> memref<1x!tpu.dma_semaphore, #tpu.memory_space<semaphore_mem>>
      %dma_wait3A_356 = tpu.memref_squeeze %dma_wait3A_355 : memref<1x!tpu.dma_semaphore, #tpu.memory_space<semaphore_mem>> -> memref<!tpu.dma_semaphore, #tpu.memory_space<semaphore_mem>>
      tpu.wait_indirect_dma semaphore(%dma_wait3A_356 : memref<!tpu.dma_semaphore, #tpu.memory_space<semaphore_mem>>) src(%arg15 : memref<128x64xf32, #tpu.memory_space<vmem>>) dst(%dma_wait3A_354 : memref<10240x64xf32, #tpu.memory_space<vmem_shared>>)
      %lt3A_357 = arith.constant 15 : i32
      %lt3A_358 = arith.cmpi slt, %scan3A_153, %lt3A_357 : i32
      %convert_element_type3A_359 = arith.extui %lt3A_358 : i1 to i32
      %cond3A_360 = arith.constant 0 : i32
      %cond3A_361 = arith.cmpi ne, %convert_element_type3A_359, %cond3A_360 : i32
      scf.if %cond3A_361 {
        %add3A_380 = arith.constant 5 : i32
        %add3A_381 = arith.addi %add3A_347, %add3A_380 : i32
        %mul3A_382 = arith.constant 128 : i32
        %mul3A_383 = arith.muli %add3A_381, %mul3A_382 : i32
        %dma_start3A_384 = arith.constant 3 : i32
        %dma_start3A_385 = tpu.memref_slice %arg10[%mul3A_383] : memref<10240xi32, #tpu.memory_space<vmem>> -> memref<128xi32, #tpu.memory_space<vmem>>
        %dma_start3A_386 = arith.constant 0 : i32
        %dma_start3A_387 = arith.constant 0 : i32
        %dma_start3A_388 = tpu.memref_slice %arg2[%dma_start3A_386, %dma_start3A_387] : memref<40000x64xf32, #tpu.memory_space<hbm>> -> memref<40000x64xf32, #tpu.memory_space<hbm>>
        %dma_start3A_389 = tpu.memref_slice %arg22[%dma_start3A_384] : memref<5x!tpu.dma_semaphore, #tpu.memory_space<semaphore_mem>> -> memref<1x!tpu.dma_semaphore, #tpu.memory_space<semaphore_mem>>
        %dma_start3A_390 = tpu.memref_squeeze %dma_start3A_389 : memref<1x!tpu.dma_semaphore, #tpu.memory_space<semaphore_mem>> -> memref<!tpu.dma_semaphore, #tpu.memory_space<semaphore_mem>>
        tpu.enqueue_indirect_dma source(%dma_start3A_388 : memref<40000x64xf32, #tpu.memory_space<hbm>>) target(%arg15 : memref<128x64xf32, #tpu.memory_space<vmem>>) offsets(%dma_start3A_385 : memref<128xi32, #tpu.memory_space<vmem>>) semaphore(%dma_start3A_390 : memref<!tpu.dma_semaphore, #tpu.memory_space<semaphore_mem>>)
      } else {
      }
      %mul3A_362 = arith.constant 5 : i32
      %mul3A_363 = arith.muli %scan3A_153, %mul3A_362 : i32
      %add3A_364 = arith.constant 4 : i32
      %add3A_365 = arith.addi %mul3A_363, %add3A_364 : i32
      %dma_wait3A_366 = arith.constant 4 : i32
      %dma_wait3A_367 = arith.constant 0 : i32
      %dma_wait3A_368 = tpu.memref_slice %arg11[%add3A_365, %dma_wait3A_367] : memref<80x128xi32, #tpu.memory_space<vmem>> -> memref<1x128xi32, #tpu.memory_space<vmem>>
      %dma_wait3A_369 = tpu.memref_squeeze %dma_wait3A_368 : memref<1x128xi32, #tpu.memory_space<vmem>> -> memref<128xi32, #tpu.memory_space<vmem>>
      %dma_wait3A_370 = arith.constant 0 : i32
      %dma_wait3A_371 = arith.constant 0 : i32
      %dma_wait3A_372 = tpu.memref_slice %arg20[%dma_wait3A_370, %dma_wait3A_371] : memref<10240x64xf32, #tpu.memory_space<vmem_shared>> -> memref<10240x64xf32, #tpu.memory_space<vmem_shared>>
      %dma_wait3A_373 = tpu.memref_slice %arg23[%dma_wait3A_366] : memref<5x!tpu.dma_semaphore, #tpu.memory_space<semaphore_mem>> -> memref<1x!tpu.dma_semaphore, #tpu.memory_space<semaphore_mem>>
      %dma_wait3A_374 = tpu.memref_squeeze %dma_wait3A_373 : memref<1x!tpu.dma_semaphore, #tpu.memory_space<semaphore_mem>> -> memref<!tpu.dma_semaphore, #tpu.memory_space<semaphore_mem>>
      tpu.wait_indirect_dma semaphore(%dma_wait3A_374 : memref<!tpu.dma_semaphore, #tpu.memory_space<semaphore_mem>>) src(%arg16 : memref<128x64xf32, #tpu.memory_space<vmem>>) dst(%dma_wait3A_372 : memref<10240x64xf32, #tpu.memory_space<vmem_shared>>)
      %lt3A_375 = arith.constant 15 : i32
      %lt3A_376 = arith.cmpi slt, %scan3A_153, %lt3A_375 : i32
      %convert_element_type3A_377 = arith.extui %lt3A_376 : i1 to i32
      %cond3A_378 = arith.constant 0 : i32
      %cond3A_379 = arith.cmpi ne, %convert_element_type3A_377, %cond3A_378 : i32
      scf.if %cond3A_379 {
        %add3A_380 = arith.constant 5 : i32
        %add3A_381 = arith.addi %add3A_365, %add3A_380 : i32
        %mul3A_382 = arith.constant 128 : i32
        %mul3A_383 = arith.muli %add3A_381, %mul3A_382 : i32
        %dma_start3A_384 = arith.constant 4 : i32
        %dma_start3A_385 = tpu.memref_slice %arg10[%mul3A_383] : memref<10240xi32, #tpu.memory_space<vmem>> -> memref<128xi32, #tpu.memory_space<vmem>>
        %dma_start3A_386 = arith.constant 0 : i32
        %dma_start3A_387 = arith.constant 0 : i32
        %dma_start3A_388 = tpu.memref_slice %arg2[%dma_start3A_386, %dma_start3A_387] : memref<40000x64xf32, #tpu.memory_space<hbm>> -> memref<40000x64xf32, #tpu.memory_space<hbm>>
        %dma_start3A_389 = tpu.memref_slice %arg22[%dma_start3A_384] : memref<5x!tpu.dma_semaphore, #tpu.memory_space<semaphore_mem>> -> memref<1x!tpu.dma_semaphore, #tpu.memory_space<semaphore_mem>>
        %dma_start3A_390 = tpu.memref_squeeze %dma_start3A_389 : memref<1x!tpu.dma_semaphore, #tpu.memory_space<semaphore_mem>> -> memref<!tpu.dma_semaphore, #tpu.memory_space<semaphore_mem>>
        tpu.enqueue_indirect_dma source(%dma_start3A_388 : memref<40000x64xf32, #tpu.memory_space<hbm>>) target(%arg16 : memref<128x64xf32, #tpu.memory_space<vmem>>) offsets(%dma_start3A_385 : memref<128xi32, #tpu.memory_space<vmem>>) semaphore(%dma_start3A_390 : memref<!tpu.dma_semaphore, #tpu.memory_space<semaphore_mem>>)
      } else {
      }
    }
    %scan3A_78 = arith.constant 16 : i32
    %scan3A_79 = arith.constant 0 : i32
    %scan3A_80 = arith.constant 0 : i32
    %scan3A_81 = arith.constant 80 : i32
    %scan3A_82 = arith.addi %scan3A_80, %scan3A_81 : i32
    %scan3A_83 = arith.constant 1 : i32
    scf.for %scan3A_153 = %scan3A_80 to %scan3A_82 step %scan3A_83  : i32 {
      %dma_wait3A = arith.constant 0 : i32
      %dma_wait3A_154 = tpu.memref_slice %arg11[%scan3A_153, %dma_wait3A] : memref<80x128xi32, #tpu.memory_space<vmem>> -> memref<1x128xi32, #tpu.memory_space<vmem>>
      %dma_wait3A_155 = tpu.memref_squeeze %dma_wait3A_154 : memref<1x128xi32, #tpu.memory_space<vmem>> -> memref<128xi32, #tpu.memory_space<vmem>>
      %dma_wait3A_156 = arith.constant 0 : i32
      %dma_wait3A_157 = arith.constant 0 : i32
      %dma_wait3A_158 = tpu.memref_slice %arg21[%dma_wait3A_156, %dma_wait3A_157] : memref<10240x8xf32, #tpu.memory_space<vmem_shared>> -> memref<10240x8xf32, #tpu.memory_space<vmem_shared>>
      tpu.wait_indirect_dma semaphore(%arg24 : memref<!tpu.dma_semaphore, #tpu.memory_space<semaphore_mem>>) src(%arg17 : memref<128x8xf32, #tpu.memory_space<vmem>>) dst(%dma_wait3A_158 : memref<10240x8xf32, #tpu.memory_space<vmem_shared>>)
    }
    %scan3A_84 = arith.constant 80 : i32
    %barrier3A_85 = arith.constant 0 : index
    tpu.barrier barrier_id(%barrier3A_85)
    "tpu.region"() ({
      %run_scoped3A = tpu.sem_alloc : memref<!tpu.dma_semaphore, #tpu.memory_space<semaphore_mem>>
      %dma_start3A_153 = arith.constant 0 : i32
      %dma_start3A_154 = tpu.memref_slice %arg8[%add3A_8, %mul3A_0, %dma_start3A_153] : memref<4x10240x64xf32, #tpu.memory_space<hbm>> -> memref<1x640x64xf32, #tpu.memory_space<hbm>>
      %dma_start3A_155 = tpu.memref_squeeze %dma_start3A_154 : memref<1x640x64xf32, #tpu.memory_space<hbm>> -> memref<640x64xf32, #tpu.memory_space<hbm>>
      %dma_start3A_156 = arith.constant 0 : i32
      %dma_start3A_157 = tpu.memref_slice %arg20[%mul3A_0, %dma_start3A_156] : memref<10240x64xf32, #tpu.memory_space<vmem_shared>> -> memref<640x64xf32, #tpu.memory_space<vmem_shared>>
      tpu.enqueue_dma source(%dma_start3A_157 : memref<640x64xf32, #tpu.memory_space<vmem_shared>>) target(%dma_start3A_155 : memref<640x64xf32, #tpu.memory_space<hbm>>) target_semaphore(%run_scoped3A : memref<!tpu.dma_semaphore, #tpu.memory_space<semaphore_mem>>)
      %dma_wait3A = arith.constant 0 : i32
      %dma_wait3A_158 = tpu.memref_slice %arg8[%add3A_8, %mul3A_0, %dma_wait3A] : memref<4x10240x64xf32, #tpu.memory_space<hbm>> -> memref<1x640x64xf32, #tpu.memory_space<hbm>>
      %dma_wait3A_159 = tpu.memref_squeeze %dma_wait3A_158 : memref<1x640x64xf32, #tpu.memory_space<hbm>> -> memref<640x64xf32, #tpu.memory_space<hbm>>
      %dma_wait3A_160 = arith.constant 0 : i32
      %dma_wait3A_161 = tpu.memref_slice %arg20[%mul3A_0, %dma_wait3A_160] : memref<10240x64xf32, #tpu.memory_space<vmem_shared>> -> memref<640x64xf32, #tpu.memory_space<vmem_shared>>
      tpu.wait_dma2 semaphore(%run_scoped3A : memref<!tpu.dma_semaphore, #tpu.memory_space<semaphore_mem>>) src(%dma_wait3A_161 : memref<640x64xf32, #tpu.memory_space<vmem_shared>>) dst(%dma_wait3A_159 : memref<640x64xf32, #tpu.memory_space<hbm>>)
      tpu.yield
    }) : () -> ()
    "tpu.region"() ({
      %run_scoped3A = tpu.sem_alloc : memref<!tpu.dma_semaphore, #tpu.memory_space<semaphore_mem>>
      %dma_start3A_153 = arith.constant 0 : i32
      %dma_start3A_154 = tpu.memref_slice %arg9[%mul3A_0, %dma_start3A_153] : memref<10240x8xf32, #tpu.memory_space<hbm>> -> memref<640x8xf32, #tpu.memory_space<hbm>>
      %dma_start3A_155 = arith.constant 0 : i32
      %dma_start3A_156 = tpu.memref_slice %arg21[%mul3A_0, %dma_start3A_155] : memref<10240x8xf32, #tpu.memory_space<vmem_shared>> -> memref<640x8xf32, #tpu.memory_space<vmem_shared>>
      tpu.enqueue_dma source(%dma_start3A_156 : memref<640x8xf32, #tpu.memory_space<vmem_shared>>) target(%dma_start3A_154 : memref<640x8xf32, #tpu.memory_space<hbm>>) target_semaphore(%run_scoped3A : memref<!tpu.dma_semaphore, #tpu.memory_space<semaphore_mem>>)
      %dma_wait3A = arith.constant 0 : i32
      %dma_wait3A_157 = tpu.memref_slice %arg9[%mul3A_0, %dma_wait3A] : memref<10240x8xf32, #tpu.memory_space<hbm>> -> memref<640x8xf32, #tpu.memory_space<hbm>>
      %dma_wait3A_158 = arith.constant 0 : i32
      %dma_wait3A_159 = tpu.memref_slice %arg21[%mul3A_0, %dma_wait3A_158] : memref<10240x8xf32, #tpu.memory_space<vmem_shared>> -> memref<640x8xf32, #tpu.memory_space<vmem_shared>>
      tpu.wait_dma2 semaphore(%run_scoped3A : memref<!tpu.dma_semaphore, #tpu.memory_space<semaphore_mem>>) src(%dma_wait3A_159 : memref<640x8xf32, #tpu.memory_space<vmem_shared>>) dst(%dma_wait3A_157 : memref<640x8xf32, #tpu.memory_space<hbm>>)
      tpu.yield
    }) : () -> ()
    %mul3A_86 = arith.constant 2 : i32
    %mul3A_87 = arith.muli %arg0, %mul3A_86 : i32
    %add3A_88 = arith.constant 1 : i32
    %add3A_89 = arith.addi %mul3A_87, %add3A_88 : i32
    %mul3A_90 = arith.constant 163840 : i32
    %mul3A_91 = arith.muli %add3A_89, %mul3A_90 : i32
    %mul3A_92 = arith.constant 10240 : i32
    %mul3A_93 = arith.muli %arg1, %mul3A_92 : i32
    %add3A_94 = arith.addi %mul3A_91, %mul3A_93 : i32
    "tpu.region"() ({
      %run_scoped3A = tpu.sem_alloc : memref<!tpu.dma_semaphore, #tpu.memory_space<semaphore_mem>>
      %dma_start3A_153 = tpu.memref_slice %arg3[%add3A_94] : memref<655360xi32, #tpu.memory_space<hbm>> -> memref<10240xi32, #tpu.memory_space<hbm>>
      %dma_start3A_154 = tpu.memref_slice %arg3[%add3A_94] : memref<655360xi32, #tpu.memory_space<hbm>> -> memref<10240xi32, #tpu.memory_space<hbm>>
      tpu.enqueue_dma source(%dma_start3A_154 : memref<10240xi32, #tpu.memory_space<hbm>>) target(%arg10 : memref<10240xi32, #tpu.memory_space<vmem>>) target_semaphore(%run_scoped3A : memref<!tpu.dma_semaphore, #tpu.memory_space<semaphore_mem>>)
      %dma_wait3A = tpu.memref_slice %arg3[%add3A_94] : memref<655360xi32, #tpu.memory_space<hbm>> -> memref<10240xi32, #tpu.memory_space<hbm>>
      %dma_wait3A_155 = tpu.memref_slice %arg3[%add3A_94] : memref<655360xi32, #tpu.memory_space<hbm>> -> memref<10240xi32, #tpu.memory_space<hbm>>
      tpu.wait_dma2 semaphore(%run_scoped3A : memref<!tpu.dma_semaphore, #tpu.memory_space<semaphore_mem>>) src(%dma_wait3A_155 : memref<10240xi32, #tpu.memory_space<hbm>>) dst(%arg10 : memref<10240xi32, #tpu.memory_space<vmem>>)
      tpu.yield
    }) : () -> ()
    %add3A_95 = arith.constant 0 : i32
    %add3A_96 = arith.addi %mul3A_0, %add3A_95 : i32
    "tpu.region"() ({
      %run_scoped3A = tpu.sem_alloc : memref<!tpu.dma_semaphore, #tpu.memory_space<semaphore_mem>>
      %dma_start3A_153 = arith.constant 0 : i32
      %dma_start3A_154 = tpu.memref_slice %arg20[%add3A_96, %dma_start3A_153] : memref<10240x64xf32, #tpu.memory_space<vmem_shared>> -> memref<128x64xf32, #tpu.memory_space<vmem_shared>>
      %dma_start3A_155 = arith.constant 0 : i32
      %dma_start3A_156 = tpu.memref_slice %arg20[%add3A_96, %dma_start3A_155] : memref<10240x64xf32, #tpu.memory_space<vmem_shared>> -> memref<128x64xf32, #tpu.memory_space<vmem_shared>>
      tpu.enqueue_dma source(%arg18 : memref<128x64xf32, #tpu.memory_space<vmem>>) target(%dma_start3A_156 : memref<128x64xf32, #tpu.memory_space<vmem_shared>>) target_semaphore(%run_scoped3A : memref<!tpu.dma_semaphore, #tpu.memory_space<semaphore_mem>>)
      %dma_wait3A = arith.constant 0 : i32
      %dma_wait3A_157 = tpu.memref_slice %arg20[%add3A_96, %dma_wait3A] : memref<10240x64xf32, #tpu.memory_space<vmem_shared>> -> memref<128x64xf32, #tpu.memory_space<vmem_shared>>
      %dma_wait3A_158 = arith.constant 0 : i32
      %dma_wait3A_159 = tpu.memref_slice %arg20[%add3A_96, %dma_wait3A_158] : memref<10240x64xf32, #tpu.memory_space<vmem_shared>> -> memref<128x64xf32, #tpu.memory_space<vmem_shared>>
      tpu.wait_dma2 semaphore(%run_scoped3A : memref<!tpu.dma_semaphore, #tpu.memory_space<semaphore_mem>>) src(%arg18 : memref<128x64xf32, #tpu.memory_space<vmem>>) dst(%dma_wait3A_159 : memref<128x64xf32, #tpu.memory_space<vmem_shared>>)
      tpu.yield
    }) : () -> ()
    %add3A_97 = arith.constant 128 : i32
    %add3A_98 = arith.addi %mul3A_0, %add3A_97 : i32
    "tpu.region"() ({
      %run_scoped3A = tpu.sem_alloc : memref<!tpu.dma_semaphore, #tpu.memory_space<semaphore_mem>>
      %dma_start3A_153 = arith.constant 0 : i32
      %dma_start3A_154 = tpu.memref_slice %arg20[%add3A_98, %dma_start3A_153] : memref<10240x64xf32, #tpu.memory_space<vmem_shared>> -> memref<128x64xf32, #tpu.memory_space<vmem_shared>>
      %dma_start3A_155 = arith.constant 0 : i32
      %dma_start3A_156 = tpu.memref_slice %arg20[%add3A_98, %dma_start3A_155] : memref<10240x64xf32, #tpu.memory_space<vmem_shared>> -> memref<128x64xf32, #tpu.memory_space<vmem_shared>>
      tpu.enqueue_dma source(%arg18 : memref<128x64xf32, #tpu.memory_space<vmem>>) target(%dma_start3A_156 : memref<128x64xf32, #tpu.memory_space<vmem_shared>>) target_semaphore(%run_scoped3A : memref<!tpu.dma_semaphore, #tpu.memory_space<semaphore_mem>>)
      %dma_wait3A = arith.constant 0 : i32
      %dma_wait3A_157 = tpu.memref_slice %arg20[%add3A_98, %dma_wait3A] : memref<10240x64xf32, #tpu.memory_space<vmem_shared>> -> memref<128x64xf32, #tpu.memory_space<vmem_shared>>
      %dma_wait3A_158 = arith.constant 0 : i32
      %dma_wait3A_159 = tpu.memref_slice %arg20[%add3A_98, %dma_wait3A_158] : memref<10240x64xf32, #tpu.memory_space<vmem_shared>> -> memref<128x64xf32, #tpu.memory_space<vmem_shared>>
      tpu.wait_dma2 semaphore(%run_scoped3A : memref<!tpu.dma_semaphore, #tpu.memory_space<semaphore_mem>>) src(%arg18 : memref<128x64xf32, #tpu.memory_space<vmem>>) dst(%dma_wait3A_159 : memref<128x64xf32, #tpu.memory_space<vmem_shared>>)
      tpu.yield
    }) : () -> ()
    %add3A_99 = arith.constant 256 : i32
    %add3A_100 = arith.addi %mul3A_0, %add3A_99 : i32
    "tpu.region"() ({
      %run_scoped3A = tpu.sem_alloc : memref<!tpu.dma_semaphore, #tpu.memory_space<semaphore_mem>>
      %dma_start3A_153 = arith.constant 0 : i32
      %dma_start3A_154 = tpu.memref_slice %arg20[%add3A_100, %dma_start3A_153] : memref<10240x64xf32, #tpu.memory_space<vmem_shared>> -> memref<128x64xf32, #tpu.memory_space<vmem_shared>>
      %dma_start3A_155 = arith.constant 0 : i32
      %dma_start3A_156 = tpu.memref_slice %arg20[%add3A_100, %dma_start3A_155] : memref<10240x64xf32, #tpu.memory_space<vmem_shared>> -> memref<128x64xf32, #tpu.memory_space<vmem_shared>>
      tpu.enqueue_dma source(%arg18 : memref<128x64xf32, #tpu.memory_space<vmem>>) target(%dma_start3A_156 : memref<128x64xf32, #tpu.memory_space<vmem_shared>>) target_semaphore(%run_scoped3A : memref<!tpu.dma_semaphore, #tpu.memory_space<semaphore_mem>>)
      %dma_wait3A = arith.constant 0 : i32
      %dma_wait3A_157 = tpu.memref_slice %arg20[%add3A_100, %dma_wait3A] : memref<10240x64xf32, #tpu.memory_space<vmem_shared>> -> memref<128x64xf32, #tpu.memory_space<vmem_shared>>
      %dma_wait3A_158 = arith.constant 0 : i32
      %dma_wait3A_159 = tpu.memref_slice %arg20[%add3A_100, %dma_wait3A_158] : memref<10240x64xf32, #tpu.memory_space<vmem_shared>> -> memref<128x64xf32, #tpu.memory_space<vmem_shared>>
      tpu.wait_dma2 semaphore(%run_scoped3A : memref<!tpu.dma_semaphore, #tpu.memory_space<semaphore_mem>>) src(%arg18 : memref<128x64xf32, #tpu.memory_space<vmem>>) dst(%dma_wait3A_159 : memref<128x64xf32, #tpu.memory_space<vmem_shared>>)
      tpu.yield
    }) : () -> ()
    %add3A_101 = arith.constant 384 : i32
    %add3A_102 = arith.addi %mul3A_0, %add3A_101 : i32
    "tpu.region"() ({
      %run_scoped3A = tpu.sem_alloc : memref<!tpu.dma_semaphore, #tpu.memory_space<semaphore_mem>>
      %dma_start3A_153 = arith.constant 0 : i32
      %dma_start3A_154 = tpu.memref_slice %arg20[%add3A_102, %dma_start3A_153] : memref<10240x64xf32, #tpu.memory_space<vmem_shared>> -> memref<128x64xf32, #tpu.memory_space<vmem_shared>>
      %dma_start3A_155 = arith.constant 0 : i32
      %dma_start3A_156 = tpu.memref_slice %arg20[%add3A_102, %dma_start3A_155] : memref<10240x64xf32, #tpu.memory_space<vmem_shared>> -> memref<128x64xf32, #tpu.memory_space<vmem_shared>>
      tpu.enqueue_dma source(%arg18 : memref<128x64xf32, #tpu.memory_space<vmem>>) target(%dma_start3A_156 : memref<128x64xf32, #tpu.memory_space<vmem_shared>>) target_semaphore(%run_scoped3A : memref<!tpu.dma_semaphore, #tpu.memory_space<semaphore_mem>>)
      %dma_wait3A = arith.constant 0 : i32
      %dma_wait3A_157 = tpu.memref_slice %arg20[%add3A_102, %dma_wait3A] : memref<10240x64xf32, #tpu.memory_space<vmem_shared>> -> memref<128x64xf32, #tpu.memory_space<vmem_shared>>
      %dma_wait3A_158 = arith.constant 0 : i32
      %dma_wait3A_159 = tpu.memref_slice %arg20[%add3A_102, %dma_wait3A_158] : memref<10240x64xf32, #tpu.memory_space<vmem_shared>> -> memref<128x64xf32, #tpu.memory_space<vmem_shared>>
      tpu.wait_dma2 semaphore(%run_scoped3A : memref<!tpu.dma_semaphore, #tpu.memory_space<semaphore_mem>>) src(%arg18 : memref<128x64xf32, #tpu.memory_space<vmem>>) dst(%dma_wait3A_159 : memref<128x64xf32, #tpu.memory_space<vmem_shared>>)
      tpu.yield
    }) : () -> ()
    %add3A_103 = arith.constant 512 : i32
    %add3A_104 = arith.addi %mul3A_0, %add3A_103 : i32
    "tpu.region"() ({
      %run_scoped3A = tpu.sem_alloc : memref<!tpu.dma_semaphore, #tpu.memory_space<semaphore_mem>>
      %dma_start3A_153 = arith.constant 0 : i32
      %dma_start3A_154 = tpu.memref_slice %arg20[%add3A_104, %dma_start3A_153] : memref<10240x64xf32, #tpu.memory_space<vmem_shared>> -> memref<128x64xf32, #tpu.memory_space<vmem_shared>>
      %dma_start3A_155 = arith.constant 0 : i32
      %dma_start3A_156 = tpu.memref_slice %arg20[%add3A_104, %dma_start3A_155] : memref<10240x64xf32, #tpu.memory_space<vmem_shared>> -> memref<128x64xf32, #tpu.memory_space<vmem_shared>>
      tpu.enqueue_dma source(%arg18 : memref<128x64xf32, #tpu.memory_space<vmem>>) target(%dma_start3A_156 : memref<128x64xf32, #tpu.memory_space<vmem_shared>>) target_semaphore(%run_scoped3A : memref<!tpu.dma_semaphore, #tpu.memory_space<semaphore_mem>>)
      %dma_wait3A = arith.constant 0 : i32
      %dma_wait3A_157 = tpu.memref_slice %arg20[%add3A_104, %dma_wait3A] : memref<10240x64xf32, #tpu.memory_space<vmem_shared>> -> memref<128x64xf32, #tpu.memory_space<vmem_shared>>
      %dma_wait3A_158 = arith.constant 0 : i32
      %dma_wait3A_159 = tpu.memref_slice %arg20[%add3A_104, %dma_wait3A_158] : memref<10240x64xf32, #tpu.memory_space<vmem_shared>> -> memref<128x64xf32, #tpu.memory_space<vmem_shared>>
      tpu.wait_dma2 semaphore(%run_scoped3A : memref<!tpu.dma_semaphore, #tpu.memory_space<semaphore_mem>>) src(%arg18 : memref<128x64xf32, #tpu.memory_space<vmem>>) dst(%dma_wait3A_159 : memref<128x64xf32, #tpu.memory_space<vmem_shared>>)
      tpu.yield
    }) : () -> ()
    %barrier3A_105 = arith.constant 0 : index
    tpu.barrier barrier_id(%barrier3A_105)
    %dma_start3A_106 = arith.constant 0 : i32
    %dma_start3A_107 = arith.constant 0 : i32
    %dma_start3A_108 = tpu.memref_slice %arg10[%dma_start3A_107] : memref<10240xi32, #tpu.memory_space<vmem>> -> memref<128xi32, #tpu.memory_space<vmem>>
    %dma_start3A_109 = arith.constant 0 : i32
    %dma_start3A_110 = arith.constant 0 : i32
    %dma_start3A_111 = tpu.memref_slice %arg2[%dma_start3A_109, %dma_start3A_110] : memref<40000x64xf32, #tpu.memory_space<hbm>> -> memref<40000x64xf32, #tpu.memory_space<hbm>>
    %dma_start3A_112 = tpu.memref_slice %arg22[%dma_start3A_106] : memref<5x!tpu.dma_semaphore, #tpu.memory_space<semaphore_mem>> -> memref<1x!tpu.dma_semaphore, #tpu.memory_space<semaphore_mem>>
    %dma_start3A_113 = tpu.memref_squeeze %dma_start3A_112 : memref<1x!tpu.dma_semaphore, #tpu.memory_space<semaphore_mem>> -> memref<!tpu.dma_semaphore, #tpu.memory_space<semaphore_mem>>
    tpu.enqueue_indirect_dma source(%dma_start3A_111 : memref<40000x64xf32, #tpu.memory_space<hbm>>) target(%arg12 : memref<128x64xf32, #tpu.memory_space<vmem>>) offsets(%dma_start3A_108 : memref<128xi32, #tpu.memory_space<vmem>>) semaphore(%dma_start3A_113 : memref<!tpu.dma_semaphore, #tpu.memory_space<semaphore_mem>>)
    %dma_start3A_114 = arith.constant 1 : i32
    %dma_start3A_115 = arith.constant 128 : i32
    %dma_start3A_116 = tpu.memref_slice %arg10[%dma_start3A_115] : memref<10240xi32, #tpu.memory_space<vmem>> -> memref<128xi32, #tpu.memory_space<vmem>>
    %dma_start3A_117 = arith.constant 0 : i32
    %dma_start3A_118 = arith.constant 0 : i32
    %dma_start3A_119 = tpu.memref_slice %arg2[%dma_start3A_117, %dma_start3A_118] : memref<40000x64xf32, #tpu.memory_space<hbm>> -> memref<40000x64xf32, #tpu.memory_space<hbm>>
    %dma_start3A_120 = tpu.memref_slice %arg22[%dma_start3A_114] : memref<5x!tpu.dma_semaphore, #tpu.memory_space<semaphore_mem>> -> memref<1x!tpu.dma_semaphore, #tpu.memory_space<semaphore_mem>>
    %dma_start3A_121 = tpu.memref_squeeze %dma_start3A_120 : memref<1x!tpu.dma_semaphore, #tpu.memory_space<semaphore_mem>> -> memref<!tpu.dma_semaphore, #tpu.memory_space<semaphore_mem>>
    tpu.enqueue_indirect_dma source(%dma_start3A_119 : memref<40000x64xf32, #tpu.memory_space<hbm>>) target(%arg13 : memref<128x64xf32, #tpu.memory_space<vmem>>) offsets(%dma_start3A_116 : memref<128xi32, #tpu.memory_space<vmem>>) semaphore(%dma_start3A_121 : memref<!tpu.dma_semaphore, #tpu.memory_space<semaphore_mem>>)
    %dma_start3A_122 = arith.constant 2 : i32
    %dma_start3A_123 = arith.constant 256 : i32
    %dma_start3A_124 = tpu.memref_slice %arg10[%dma_start3A_123] : memref<10240xi32, #tpu.memory_space<vmem>> -> memref<128xi32, #tpu.memory_space<vmem>>
    %dma_start3A_125 = arith.constant 0 : i32
    %dma_start3A_126 = arith.constant 0 : i32
    %dma_start3A_127 = tpu.memref_slice %arg2[%dma_start3A_125, %dma_start3A_126] : memref<40000x64xf32, #tpu.memory_space<hbm>> -> memref<40000x64xf32, #tpu.memory_space<hbm>>
    %dma_start3A_128 = tpu.memref_slice %arg22[%dma_start3A_122] : memref<5x!tpu.dma_semaphore, #tpu.memory_space<semaphore_mem>> -> memref<1x!tpu.dma_semaphore, #tpu.memory_space<semaphore_mem>>
    %dma_start3A_129 = tpu.memref_squeeze %dma_start3A_128 : memref<1x!tpu.dma_semaphore, #tpu.memory_space<semaphore_mem>> -> memref<!tpu.dma_semaphore, #tpu.memory_space<semaphore_mem>>
    tpu.enqueue_indirect_dma source(%dma_start3A_127 : memref<40000x64xf32, #tpu.memory_space<hbm>>) target(%arg14 : memref<128x64xf32, #tpu.memory_space<vmem>>) offsets(%dma_start3A_124 : memref<128xi32, #tpu.memory_space<vmem>>) semaphore(%dma_start3A_129 : memref<!tpu.dma_semaphore, #tpu.memory_space<semaphore_mem>>)
    %dma_start3A_130 = arith.constant 3 : i32
    %dma_start3A_131 = arith.constant 384 : i32
    %dma_start3A_132 = tpu.memref_slice %arg10[%dma_start3A_131] : memref<10240xi32, #tpu.memory_space<vmem>> -> memref<128xi32, #tpu.memory_space<vmem>>
    %dma_start3A_133 = arith.constant 0 : i32
    %dma_start3A_134 = arith.constant 0 : i32
    %dma_start3A_135 = tpu.memref_slice %arg2[%dma_start3A_133, %dma_start3A_134] : memref<40000x64xf32, #tpu.memory_space<hbm>> -> memref<40000x64xf32, #tpu.memory_space<hbm>>
    %dma_start3A_136 = tpu.memref_slice %arg22[%dma_start3A_130] : memref<5x!tpu.dma_semaphore, #tpu.memory_space<semaphore_mem>> -> memref<1x!tpu.dma_semaphore, #tpu.memory_space<semaphore_mem>>
    %dma_start3A_137 = tpu.memref_squeeze %dma_start3A_136 : memref<1x!tpu.dma_semaphore, #tpu.memory_space<semaphore_mem>> -> memref<!tpu.dma_semaphore, #tpu.memory_space<semaphore_mem>>
    tpu.enqueue_indirect_dma source(%dma_start3A_135 : memref<40000x64xf32, #tpu.memory_space<hbm>>) target(%arg15 : memref<128x64xf32, #tpu.memory_space<vmem>>) offsets(%dma_start3A_132 : memref<128xi32, #tpu.memory_space<vmem>>) semaphore(%dma_start3A_137 : memref<!tpu.dma_semaphore, #tpu.memory_space<semaphore_mem>>)
    %dma_start3A_138 = arith.constant 4 : i32
    %dma_start3A_139 = arith.constant 512 : i32
    %dma_start3A_140 = tpu.memref_slice %arg10[%dma_start3A_139] : memref<10240xi32, #tpu.memory_space<vmem>> -> memref<128xi32, #tpu.memory_space<vmem>>
    %dma_start3A_141 = arith.constant 0 : i32
    %dma_start3A_142 = arith.constant 0 : i32
    %dma_start3A_143 = tpu.memref_slice %arg2[%dma_start3A_141, %dma_start3A_142] : memref<40000x64xf32, #tpu.memory_space<hbm>> -> memref<40000x64xf32, #tpu.memory_space<hbm>>
    %dma_start3A_144 = tpu.memref_slice %arg22[%dma_start3A_138] : memref<5x!tpu.dma_semaphore, #tpu.memory_space<semaphore_mem>> -> memref<1x!tpu.dma_semaphore, #tpu.memory_space<semaphore_mem>>
    %dma_start3A_145 = tpu.memref_squeeze %dma_start3A_144 : memref<1x!tpu.dma_semaphore, #tpu.memory_space<semaphore_mem>> -> memref<!tpu.dma_semaphore, #tpu.memory_space<semaphore_mem>>
    tpu.enqueue_indirect_dma source(%dma_start3A_143 : memref<40000x64xf32, #tpu.memory_space<hbm>>) target(%arg16 : memref<128x64xf32, #tpu.memory_space<vmem>>) offsets(%dma_start3A_140 : memref<128xi32, #tpu.memory_space<vmem>>) semaphore(%dma_start3A_145 : memref<!tpu.dma_semaphore, #tpu.memory_space<semaphore_mem>>)
    %scan3A_146 = arith.constant 0 : i32
    %scan3A_147 = arith.constant 0 : i32
    %scan3A_148 = arith.constant 16 : i32
    %scan3A_149 = arith.addi %scan3A_147, %scan3A_148 : i32
    %scan3A_150 = arith.constant 1 : i32
    scf.for %scan3A_153 = %scan3A_147 to %scan3A_149 step %scan3A_150  : i32 {
      %mul3A_154 = arith.constant 5 : i32
      %mul3A_155 = arith.muli %scan3A_153, %mul3A_154 : i32
      %add3A_156 = arith.constant 0 : i32
      %add3A_157 = arith.addi %mul3A_155, %add3A_156 : i32
      %mul3A_158 = arith.constant 128 : i32
      %mul3A_159 = arith.muli %add3A_157, %mul3A_158 : i32
      %dma_wait3A = arith.constant 0 : i32
      %dma_wait3A_160 = tpu.memref_slice %arg10[%mul3A_159] : memref<10240xi32, #tpu.memory_space<vmem>> -> memref<128xi32, #tpu.memory_space<vmem>>
      %dma_wait3A_161 = arith.constant 0 : i32
      %dma_wait3A_162 = arith.constant 0 : i32
      %dma_wait3A_163 = tpu.memref_slice %arg2[%dma_wait3A_161, %dma_wait3A_162] : memref<40000x64xf32, #tpu.memory_space<hbm>> -> memref<40000x64xf32, #tpu.memory_space<hbm>>
      %dma_wait3A_164 = tpu.memref_slice %arg22[%dma_wait3A] : memref<5x!tpu.dma_semaphore, #tpu.memory_space<semaphore_mem>> -> memref<1x!tpu.dma_semaphore, #tpu.memory_space<semaphore_mem>>
      %dma_wait3A_165 = tpu.memref_squeeze %dma_wait3A_164 : memref<1x!tpu.dma_semaphore, #tpu.memory_space<semaphore_mem>> -> memref<!tpu.dma_semaphore, #tpu.memory_space<semaphore_mem>>
      tpu.wait_indirect_dma semaphore(%dma_wait3A_165 : memref<!tpu.dma_semaphore, #tpu.memory_space<semaphore_mem>>) src(%dma_wait3A_163 : memref<40000x64xf32, #tpu.memory_space<hbm>>) dst(%arg12 : memref<128x64xf32, #tpu.memory_space<vmem>>)
      %dma_start3A_166 = arith.constant 0 : i32
      %dma_start3A_167 = arith.constant 0 : i32
      %dma_start3A_168 = tpu.memref_slice %arg11[%add3A_157, %dma_start3A_167] : memref<80x128xi32, #tpu.memory_space<vmem>> -> memref<1x128xi32, #tpu.memory_space<vmem>>
      %dma_start3A_169 = tpu.memref_squeeze %dma_start3A_168 : memref<1x128xi32, #tpu.memory_space<vmem>> -> memref<128xi32, #tpu.memory_space<vmem>>
      %dma_start3A_170 = arith.constant 0 : i32
      %dma_start3A_171 = arith.constant 0 : i32
      %dma_start3A_172 = tpu.memref_slice %arg20[%dma_start3A_170, %dma_start3A_171] : memref<10240x64xf32, #tpu.memory_space<vmem_shared>> -> memref<10240x64xf32, #tpu.memory_space<vmem_shared>>
      %dma_start3A_173 = tpu.memref_slice %arg23[%dma_start3A_166] : memref<5x!tpu.dma_semaphore, #tpu.memory_space<semaphore_mem>> -> memref<1x!tpu.dma_semaphore, #tpu.memory_space<semaphore_mem>>
      %dma_start3A_174 = tpu.memref_squeeze %dma_start3A_173 : memref<1x!tpu.dma_semaphore, #tpu.memory_space<semaphore_mem>> -> memref<!tpu.dma_semaphore, #tpu.memory_space<semaphore_mem>>
      tpu.enqueue_indirect_dma source(%arg12 : memref<128x64xf32, #tpu.memory_space<vmem>>) target(%dma_start3A_172 : memref<10240x64xf32, #tpu.memory_space<vmem_shared>>) offsets(%dma_start3A_169 : memref<128xi32, #tpu.memory_space<vmem>>) semaphore(%dma_start3A_174 : memref<!tpu.dma_semaphore, #tpu.memory_space<semaphore_mem>>) {add = true}
      %mul3A_175 = arith.constant 5 : i32
      %mul3A_176 = arith.muli %scan3A_153, %mul3A_175 : i32
      %add3A_177 = arith.constant 1 : i32
      %add3A_178 = arith.addi %mul3A_176, %add3A_177 : i32
      %mul3A_179 = arith.constant 128 : i32
      %mul3A_180 = arith.muli %add3A_178, %mul3A_179 : i32
      %dma_wait3A_181 = arith.constant 1 : i32
      %dma_wait3A_182 = tpu.memref_slice %arg10[%mul3A_180] : memref<10240xi32, #tpu.memory_space<vmem>> -> memref<128xi32, #tpu.memory_space<vmem>>
      %dma_wait3A_183 = arith.constant 0 : i32
      %dma_wait3A_184 = arith.constant 0 : i32
      %dma_wait3A_185 = tpu.memref_slice %arg2[%dma_wait3A_183, %dma_wait3A_184] : memref<40000x64xf32, #tpu.memory_space<hbm>> -> memref<40000x64xf32, #tpu.memory_space<hbm>>
      %dma_wait3A_186 = tpu.memref_slice %arg22[%dma_wait3A_181] : memref<5x!tpu.dma_semaphore, #tpu.memory_space<semaphore_mem>> -> memref<1x!tpu.dma_semaphore, #tpu.memory_space<semaphore_mem>>
      %dma_wait3A_187 = tpu.memref_squeeze %dma_wait3A_186 : memref<1x!tpu.dma_semaphore, #tpu.memory_space<semaphore_mem>> -> memref<!tpu.dma_semaphore, #tpu.memory_space<semaphore_mem>>
      tpu.wait_indirect_dma semaphore(%dma_wait3A_187 : memref<!tpu.dma_semaphore, #tpu.memory_space<semaphore_mem>>) src(%dma_wait3A_185 : memref<40000x64xf32, #tpu.memory_space<hbm>>) dst(%arg13 : memref<128x64xf32, #tpu.memory_space<vmem>>)
      %dma_start3A_188 = arith.constant 1 : i32
      %dma_start3A_189 = arith.constant 0 : i32
      %dma_start3A_190 = tpu.memref_slice %arg11[%add3A_178, %dma_start3A_189] : memref<80x128xi32, #tpu.memory_space<vmem>> -> memref<1x128xi32, #tpu.memory_space<vmem>>
      %dma_start3A_191 = tpu.memref_squeeze %dma_start3A_190 : memref<1x128xi32, #tpu.memory_space<vmem>> -> memref<128xi32, #tpu.memory_space<vmem>>
      %dma_start3A_192 = arith.constant 0 : i32
      %dma_start3A_193 = arith.constant 0 : i32
      %dma_start3A_194 = tpu.memref_slice %arg20[%dma_start3A_192, %dma_start3A_193] : memref<10240x64xf32, #tpu.memory_space<vmem_shared>> -> memref<10240x64xf32, #tpu.memory_space<vmem_shared>>
      %dma_start3A_195 = tpu.memref_slice %arg23[%dma_start3A_188] : memref<5x!tpu.dma_semaphore, #tpu.memory_space<semaphore_mem>> -> memref<1x!tpu.dma_semaphore, #tpu.memory_space<semaphore_mem>>
      %dma_start3A_196 = tpu.memref_squeeze %dma_start3A_195 : memref<1x!tpu.dma_semaphore, #tpu.memory_space<semaphore_mem>> -> memref<!tpu.dma_semaphore, #tpu.memory_space<semaphore_mem>>
      tpu.enqueue_indirect_dma source(%arg13 : memref<128x64xf32, #tpu.memory_space<vmem>>) target(%dma_start3A_194 : memref<10240x64xf32, #tpu.memory_space<vmem_shared>>) offsets(%dma_start3A_191 : memref<128xi32, #tpu.memory_space<vmem>>) semaphore(%dma_start3A_196 : memref<!tpu.dma_semaphore, #tpu.memory_space<semaphore_mem>>) {add = true}
      %mul3A_197 = arith.constant 5 : i32
      %mul3A_198 = arith.muli %scan3A_153, %mul3A_197 : i32
      %add3A_199 = arith.constant 2 : i32
      %add3A_200 = arith.addi %mul3A_198, %add3A_199 : i32
      %mul3A_201 = arith.constant 128 : i32
      %mul3A_202 = arith.muli %add3A_200, %mul3A_201 : i32
      %dma_wait3A_203 = arith.constant 2 : i32
      %dma_wait3A_204 = tpu.memref_slice %arg10[%mul3A_202] : memref<10240xi32, #tpu.memory_space<vmem>> -> memref<128xi32, #tpu.memory_space<vmem>>
      %dma_wait3A_205 = arith.constant 0 : i32
      %dma_wait3A_206 = arith.constant 0 : i32
      %dma_wait3A_207 = tpu.memref_slice %arg2[%dma_wait3A_205, %dma_wait3A_206] : memref<40000x64xf32, #tpu.memory_space<hbm>> -> memref<40000x64xf32, #tpu.memory_space<hbm>>
      %dma_wait3A_208 = tpu.memref_slice %arg22[%dma_wait3A_203] : memref<5x!tpu.dma_semaphore, #tpu.memory_space<semaphore_mem>> -> memref<1x!tpu.dma_semaphore, #tpu.memory_space<semaphore_mem>>
      %dma_wait3A_209 = tpu.memref_squeeze %dma_wait3A_208 : memref<1x!tpu.dma_semaphore, #tpu.memory_space<semaphore_mem>> -> memref<!tpu.dma_semaphore, #tpu.memory_space<semaphore_mem>>
      tpu.wait_indirect_dma semaphore(%dma_wait3A_209 : memref<!tpu.dma_semaphore, #tpu.memory_space<semaphore_mem>>) src(%dma_wait3A_207 : memref<40000x64xf32, #tpu.memory_space<hbm>>) dst(%arg14 : memref<128x64xf32, #tpu.memory_space<vmem>>)
      %dma_start3A_210 = arith.constant 2 : i32
      %dma_start3A_211 = arith.constant 0 : i32
      %dma_start3A_212 = tpu.memref_slice %arg11[%add3A_200, %dma_start3A_211] : memref<80x128xi32, #tpu.memory_space<vmem>> -> memref<1x128xi32, #tpu.memory_space<vmem>>
      %dma_start3A_213 = tpu.memref_squeeze %dma_start3A_212 : memref<1x128xi32, #tpu.memory_space<vmem>> -> memref<128xi32, #tpu.memory_space<vmem>>
      %dma_start3A_214 = arith.constant 0 : i32
      %dma_start3A_215 = arith.constant 0 : i32
      %dma_start3A_216 = tpu.memref_slice %arg20[%dma_start3A_214, %dma_start3A_215] : memref<10240x64xf32, #tpu.memory_space<vmem_shared>> -> memref<10240x64xf32, #tpu.memory_space<vmem_shared>>
      %dma_start3A_217 = tpu.memref_slice %arg23[%dma_start3A_210] : memref<5x!tpu.dma_semaphore, #tpu.memory_space<semaphore_mem>> -> memref<1x!tpu.dma_semaphore, #tpu.memory_space<semaphore_mem>>
      %dma_start3A_218 = tpu.memref_squeeze %dma_start3A_217 : memref<1x!tpu.dma_semaphore, #tpu.memory_space<semaphore_mem>> -> memref<!tpu.dma_semaphore, #tpu.memory_space<semaphore_mem>>
      tpu.enqueue_indirect_dma source(%arg14 : memref<128x64xf32, #tpu.memory_space<vmem>>) target(%dma_start3A_216 : memref<10240x64xf32, #tpu.memory_space<vmem_shared>>) offsets(%dma_start3A_213 : memref<128xi32, #tpu.memory_space<vmem>>) semaphore(%dma_start3A_218 : memref<!tpu.dma_semaphore, #tpu.memory_space<semaphore_mem>>) {add = true}
      %mul3A_219 = arith.constant 5 : i32
      %mul3A_220 = arith.muli %scan3A_153, %mul3A_219 : i32
      %add3A_221 = arith.constant 3 : i32
      %add3A_222 = arith.addi %mul3A_220, %add3A_221 : i32
      %mul3A_223 = arith.constant 128 : i32
      %mul3A_224 = arith.muli %add3A_222, %mul3A_223 : i32
      %dma_wait3A_225 = arith.constant 3 : i32
      %dma_wait3A_226 = tpu.memref_slice %arg10[%mul3A_224] : memref<10240xi32, #tpu.memory_space<vmem>> -> memref<128xi32, #tpu.memory_space<vmem>>
      %dma_wait3A_227 = arith.constant 0 : i32
      %dma_wait3A_228 = arith.constant 0 : i32
      %dma_wait3A_229 = tpu.memref_slice %arg2[%dma_wait3A_227, %dma_wait3A_228] : memref<40000x64xf32, #tpu.memory_space<hbm>> -> memref<40000x64xf32, #tpu.memory_space<hbm>>
      %dma_wait3A_230 = tpu.memref_slice %arg22[%dma_wait3A_225] : memref<5x!tpu.dma_semaphore, #tpu.memory_space<semaphore_mem>> -> memref<1x!tpu.dma_semaphore, #tpu.memory_space<semaphore_mem>>
      %dma_wait3A_231 = tpu.memref_squeeze %dma_wait3A_230 : memref<1x!tpu.dma_semaphore, #tpu.memory_space<semaphore_mem>> -> memref<!tpu.dma_semaphore, #tpu.memory_space<semaphore_mem>>
      tpu.wait_indirect_dma semaphore(%dma_wait3A_231 : memref<!tpu.dma_semaphore, #tpu.memory_space<semaphore_mem>>) src(%dma_wait3A_229 : memref<40000x64xf32, #tpu.memory_space<hbm>>) dst(%arg15 : memref<128x64xf32, #tpu.memory_space<vmem>>)
      %dma_start3A_232 = arith.constant 3 : i32
      %dma_start3A_233 = arith.constant 0 : i32
      %dma_start3A_234 = tpu.memref_slice %arg11[%add3A_222, %dma_start3A_233] : memref<80x128xi32, #tpu.memory_space<vmem>> -> memref<1x128xi32, #tpu.memory_space<vmem>>
      %dma_start3A_235 = tpu.memref_squeeze %dma_start3A_234 : memref<1x128xi32, #tpu.memory_space<vmem>> -> memref<128xi32, #tpu.memory_space<vmem>>
      %dma_start3A_236 = arith.constant 0 : i32
      %dma_start3A_237 = arith.constant 0 : i32
      %dma_start3A_238 = tpu.memref_slice %arg20[%dma_start3A_236, %dma_start3A_237] : memref<10240x64xf32, #tpu.memory_space<vmem_shared>> -> memref<10240x64xf32, #tpu.memory_space<vmem_shared>>
      %dma_start3A_239 = tpu.memref_slice %arg23[%dma_start3A_232] : memref<5x!tpu.dma_semaphore, #tpu.memory_space<semaphore_mem>> -> memref<1x!tpu.dma_semaphore, #tpu.memory_space<semaphore_mem>>
      %dma_start3A_240 = tpu.memref_squeeze %dma_start3A_239 : memref<1x!tpu.dma_semaphore, #tpu.memory_space<semaphore_mem>> -> memref<!tpu.dma_semaphore, #tpu.memory_space<semaphore_mem>>
      tpu.enqueue_indirect_dma source(%arg15 : memref<128x64xf32, #tpu.memory_space<vmem>>) target(%dma_start3A_238 : memref<10240x64xf32, #tpu.memory_space<vmem_shared>>) offsets(%dma_start3A_235 : memref<128xi32, #tpu.memory_space<vmem>>) semaphore(%dma_start3A_240 : memref<!tpu.dma_semaphore, #tpu.memory_space<semaphore_mem>>) {add = true}
      %mul3A_241 = arith.constant 5 : i32
      %mul3A_242 = arith.muli %scan3A_153, %mul3A_241 : i32
      %add3A_243 = arith.constant 4 : i32
      %add3A_244 = arith.addi %mul3A_242, %add3A_243 : i32
      %mul3A_245 = arith.constant 128 : i32
      %mul3A_246 = arith.muli %add3A_244, %mul3A_245 : i32
      %dma_wait3A_247 = arith.constant 4 : i32
      %dma_wait3A_248 = tpu.memref_slice %arg10[%mul3A_246] : memref<10240xi32, #tpu.memory_space<vmem>> -> memref<128xi32, #tpu.memory_space<vmem>>
      %dma_wait3A_249 = arith.constant 0 : i32
      %dma_wait3A_250 = arith.constant 0 : i32
      %dma_wait3A_251 = tpu.memref_slice %arg2[%dma_wait3A_249, %dma_wait3A_250] : memref<40000x64xf32, #tpu.memory_space<hbm>> -> memref<40000x64xf32, #tpu.memory_space<hbm>>
      %dma_wait3A_252 = tpu.memref_slice %arg22[%dma_wait3A_247] : memref<5x!tpu.dma_semaphore, #tpu.memory_space<semaphore_mem>> -> memref<1x!tpu.dma_semaphore, #tpu.memory_space<semaphore_mem>>
      %dma_wait3A_253 = tpu.memref_squeeze %dma_wait3A_252 : memref<1x!tpu.dma_semaphore, #tpu.memory_space<semaphore_mem>> -> memref<!tpu.dma_semaphore, #tpu.memory_space<semaphore_mem>>
      tpu.wait_indirect_dma semaphore(%dma_wait3A_253 : memref<!tpu.dma_semaphore, #tpu.memory_space<semaphore_mem>>) src(%dma_wait3A_251 : memref<40000x64xf32, #tpu.memory_space<hbm>>) dst(%arg16 : memref<128x64xf32, #tpu.memory_space<vmem>>)
      %dma_start3A_254 = arith.constant 4 : i32
      %dma_start3A_255 = arith.constant 0 : i32
      %dma_start3A_256 = tpu.memref_slice %arg11[%add3A_244, %dma_start3A_255] : memref<80x128xi32, #tpu.memory_space<vmem>> -> memref<1x128xi32, #tpu.memory_space<vmem>>
      %dma_start3A_257 = tpu.memref_squeeze %dma_start3A_256 : memref<1x128xi32, #tpu.memory_space<vmem>> -> memref<128xi32, #tpu.memory_space<vmem>>
      %dma_start3A_258 = arith.constant 0 : i32
      %dma_start3A_259 = arith.constant 0 : i32
      %dma_start3A_260 = tpu.memref_slice %arg20[%dma_start3A_258, %dma_start3A_259] : memref<10240x64xf32, #tpu.memory_space<vmem_shared>> -> memref<10240x64xf32, #tpu.memory_space<vmem_shared>>
      %dma_start3A_261 = tpu.memref_slice %arg23[%dma_start3A_254] : memref<5x!tpu.dma_semaphore, #tpu.memory_space<semaphore_mem>> -> memref<1x!tpu.dma_semaphore, #tpu.memory_space<semaphore_mem>>
      %dma_start3A_262 = tpu.memref_squeeze %dma_start3A_261 : memref<1x!tpu.dma_semaphore, #tpu.memory_space<semaphore_mem>> -> memref<!tpu.dma_semaphore, #tpu.memory_space<semaphore_mem>>
      tpu.enqueue_indirect_dma source(%arg16 : memref<128x64xf32, #tpu.memory_space<vmem>>) target(%dma_start3A_260 : memref<10240x64xf32, #tpu.memory_space<vmem_shared>>) offsets(%dma_start3A_257 : memref<128xi32, #tpu.memory_space<vmem>>) semaphore(%dma_start3A_262 : memref<!tpu.dma_semaphore, #tpu.memory_space<semaphore_mem>>) {add = true}
      %mul3A_263 = arith.constant 5 : i32
      %mul3A_264 = arith.muli %scan3A_153, %mul3A_263 : i32
      %add3A_265 = arith.constant 0 : i32
      %add3A_266 = arith.addi %mul3A_264, %add3A_265 : i32
      %dma_wait3A_267 = arith.constant 0 : i32
      %dma_wait3A_268 = arith.constant 0 : i32
      %dma_wait3A_269 = tpu.memref_slice %arg11[%add3A_266, %dma_wait3A_268] : memref<80x128xi32, #tpu.memory_space<vmem>> -> memref<1x128xi32, #tpu.memory_space<vmem>>
      %dma_wait3A_270 = tpu.memref_squeeze %dma_wait3A_269 : memref<1x128xi32, #tpu.memory_space<vmem>> -> memref<128xi32, #tpu.memory_space<vmem>>
      %dma_wait3A_271 = arith.constant 0 : i32
      %dma_wait3A_272 = arith.constant 0 : i32
      %dma_wait3A_273 = tpu.memref_slice %arg20[%dma_wait3A_271, %dma_wait3A_272] : memref<10240x64xf32, #tpu.memory_space<vmem_shared>> -> memref<10240x64xf32, #tpu.memory_space<vmem_shared>>
      %dma_wait3A_274 = tpu.memref_slice %arg23[%dma_wait3A_267] : memref<5x!tpu.dma_semaphore, #tpu.memory_space<semaphore_mem>> -> memref<1x!tpu.dma_semaphore, #tpu.memory_space<semaphore_mem>>
      %dma_wait3A_275 = tpu.memref_squeeze %dma_wait3A_274 : memref<1x!tpu.dma_semaphore, #tpu.memory_space<semaphore_mem>> -> memref<!tpu.dma_semaphore, #tpu.memory_space<semaphore_mem>>
      tpu.wait_indirect_dma semaphore(%dma_wait3A_275 : memref<!tpu.dma_semaphore, #tpu.memory_space<semaphore_mem>>) src(%arg12 : memref<128x64xf32, #tpu.memory_space<vmem>>) dst(%dma_wait3A_273 : memref<10240x64xf32, #tpu.memory_space<vmem_shared>>)
      %lt3A = arith.constant 15 : i32
      %lt3A_276 = arith.cmpi slt, %scan3A_153, %lt3A : i32
      %convert_element_type3A = arith.extui %lt3A_276 : i1 to i32
      %cond3A = arith.constant 0 : i32
      %cond3A_277 = arith.cmpi ne, %convert_element_type3A, %cond3A : i32
      scf.if %cond3A_277 {
        %add3A_350 = arith.constant 5 : i32
        %add3A_351 = arith.addi %add3A_266, %add3A_350 : i32
        %mul3A_352 = arith.constant 128 : i32
        %mul3A_353 = arith.muli %add3A_351, %mul3A_352 : i32
        %dma_start3A_354 = arith.constant 0 : i32
        %dma_start3A_355 = tpu.memref_slice %arg10[%mul3A_353] : memref<10240xi32, #tpu.memory_space<vmem>> -> memref<128xi32, #tpu.memory_space<vmem>>
        %dma_start3A_356 = arith.constant 0 : i32
        %dma_start3A_357 = arith.constant 0 : i32
        %dma_start3A_358 = tpu.memref_slice %arg2[%dma_start3A_356, %dma_start3A_357] : memref<40000x64xf32, #tpu.memory_space<hbm>> -> memref<40000x64xf32, #tpu.memory_space<hbm>>
        %dma_start3A_359 = tpu.memref_slice %arg22[%dma_start3A_354] : memref<5x!tpu.dma_semaphore, #tpu.memory_space<semaphore_mem>> -> memref<1x!tpu.dma_semaphore, #tpu.memory_space<semaphore_mem>>
        %dma_start3A_360 = tpu.memref_squeeze %dma_start3A_359 : memref<1x!tpu.dma_semaphore, #tpu.memory_space<semaphore_mem>> -> memref<!tpu.dma_semaphore, #tpu.memory_space<semaphore_mem>>
        tpu.enqueue_indirect_dma source(%dma_start3A_358 : memref<40000x64xf32, #tpu.memory_space<hbm>>) target(%arg12 : memref<128x64xf32, #tpu.memory_space<vmem>>) offsets(%dma_start3A_355 : memref<128xi32, #tpu.memory_space<vmem>>) semaphore(%dma_start3A_360 : memref<!tpu.dma_semaphore, #tpu.memory_space<semaphore_mem>>)
      } else {
      }
      %mul3A_278 = arith.constant 5 : i32
      %mul3A_279 = arith.muli %scan3A_153, %mul3A_278 : i32
      %add3A_280 = arith.constant 1 : i32
      %add3A_281 = arith.addi %mul3A_279, %add3A_280 : i32
      %dma_wait3A_282 = arith.constant 1 : i32
      %dma_wait3A_283 = arith.constant 0 : i32
      %dma_wait3A_284 = tpu.memref_slice %arg11[%add3A_281, %dma_wait3A_283] : memref<80x128xi32, #tpu.memory_space<vmem>> -> memref<1x128xi32, #tpu.memory_space<vmem>>
      %dma_wait3A_285 = tpu.memref_squeeze %dma_wait3A_284 : memref<1x128xi32, #tpu.memory_space<vmem>> -> memref<128xi32, #tpu.memory_space<vmem>>
      %dma_wait3A_286 = arith.constant 0 : i32
      %dma_wait3A_287 = arith.constant 0 : i32
      %dma_wait3A_288 = tpu.memref_slice %arg20[%dma_wait3A_286, %dma_wait3A_287] : memref<10240x64xf32, #tpu.memory_space<vmem_shared>> -> memref<10240x64xf32, #tpu.memory_space<vmem_shared>>
      %dma_wait3A_289 = tpu.memref_slice %arg23[%dma_wait3A_282] : memref<5x!tpu.dma_semaphore, #tpu.memory_space<semaphore_mem>> -> memref<1x!tpu.dma_semaphore, #tpu.memory_space<semaphore_mem>>
      %dma_wait3A_290 = tpu.memref_squeeze %dma_wait3A_289 : memref<1x!tpu.dma_semaphore, #tpu.memory_space<semaphore_mem>> -> memref<!tpu.dma_semaphore, #tpu.memory_space<semaphore_mem>>
      tpu.wait_indirect_dma semaphore(%dma_wait3A_290 : memref<!tpu.dma_semaphore, #tpu.memory_space<semaphore_mem>>) src(%arg13 : memref<128x64xf32, #tpu.memory_space<vmem>>) dst(%dma_wait3A_288 : memref<10240x64xf32, #tpu.memory_space<vmem_shared>>)
      %lt3A_291 = arith.constant 15 : i32
      %lt3A_292 = arith.cmpi slt, %scan3A_153, %lt3A_291 : i32
      %convert_element_type3A_293 = arith.extui %lt3A_292 : i1 to i32
      %cond3A_294 = arith.constant 0 : i32
      %cond3A_295 = arith.cmpi ne, %convert_element_type3A_293, %cond3A_294 : i32
      scf.if %cond3A_295 {
        %add3A_350 = arith.constant 5 : i32
        %add3A_351 = arith.addi %add3A_281, %add3A_350 : i32
        %mul3A_352 = arith.constant 128 : i32
        %mul3A_353 = arith.muli %add3A_351, %mul3A_352 : i32
        %dma_start3A_354 = arith.constant 1 : i32
        %dma_start3A_355 = tpu.memref_slice %arg10[%mul3A_353] : memref<10240xi32, #tpu.memory_space<vmem>> -> memref<128xi32, #tpu.memory_space<vmem>>
        %dma_start3A_356 = arith.constant 0 : i32
        %dma_start3A_357 = arith.constant 0 : i32
        %dma_start3A_358 = tpu.memref_slice %arg2[%dma_start3A_356, %dma_start3A_357] : memref<40000x64xf32, #tpu.memory_space<hbm>> -> memref<40000x64xf32, #tpu.memory_space<hbm>>
        %dma_start3A_359 = tpu.memref_slice %arg22[%dma_start3A_354] : memref<5x!tpu.dma_semaphore, #tpu.memory_space<semaphore_mem>> -> memref<1x!tpu.dma_semaphore, #tpu.memory_space<semaphore_mem>>
        %dma_start3A_360 = tpu.memref_squeeze %dma_start3A_359 : memref<1x!tpu.dma_semaphore, #tpu.memory_space<semaphore_mem>> -> memref<!tpu.dma_semaphore, #tpu.memory_space<semaphore_mem>>
        tpu.enqueue_indirect_dma source(%dma_start3A_358 : memref<40000x64xf32, #tpu.memory_space<hbm>>) target(%arg13 : memref<128x64xf32, #tpu.memory_space<vmem>>) offsets(%dma_start3A_355 : memref<128xi32, #tpu.memory_space<vmem>>) semaphore(%dma_start3A_360 : memref<!tpu.dma_semaphore, #tpu.memory_space<semaphore_mem>>)
      } else {
      }
      %mul3A_296 = arith.constant 5 : i32
      %mul3A_297 = arith.muli %scan3A_153, %mul3A_296 : i32
      %add3A_298 = arith.constant 2 : i32
      %add3A_299 = arith.addi %mul3A_297, %add3A_298 : i32
      %dma_wait3A_300 = arith.constant 2 : i32
      %dma_wait3A_301 = arith.constant 0 : i32
      %dma_wait3A_302 = tpu.memref_slice %arg11[%add3A_299, %dma_wait3A_301] : memref<80x128xi32, #tpu.memory_space<vmem>> -> memref<1x128xi32, #tpu.memory_space<vmem>>
      %dma_wait3A_303 = tpu.memref_squeeze %dma_wait3A_302 : memref<1x128xi32, #tpu.memory_space<vmem>> -> memref<128xi32, #tpu.memory_space<vmem>>
      %dma_wait3A_304 = arith.constant 0 : i32
      %dma_wait3A_305 = arith.constant 0 : i32
      %dma_wait3A_306 = tpu.memref_slice %arg20[%dma_wait3A_304, %dma_wait3A_305] : memref<10240x64xf32, #tpu.memory_space<vmem_shared>> -> memref<10240x64xf32, #tpu.memory_space<vmem_shared>>
      %dma_wait3A_307 = tpu.memref_slice %arg23[%dma_wait3A_300] : memref<5x!tpu.dma_semaphore, #tpu.memory_space<semaphore_mem>> -> memref<1x!tpu.dma_semaphore, #tpu.memory_space<semaphore_mem>>
      %dma_wait3A_308 = tpu.memref_squeeze %dma_wait3A_307 : memref<1x!tpu.dma_semaphore, #tpu.memory_space<semaphore_mem>> -> memref<!tpu.dma_semaphore, #tpu.memory_space<semaphore_mem>>
      tpu.wait_indirect_dma semaphore(%dma_wait3A_308 : memref<!tpu.dma_semaphore, #tpu.memory_space<semaphore_mem>>) src(%arg14 : memref<128x64xf32, #tpu.memory_space<vmem>>) dst(%dma_wait3A_306 : memref<10240x64xf32, #tpu.memory_space<vmem_shared>>)
      %lt3A_309 = arith.constant 15 : i32
      %lt3A_310 = arith.cmpi slt, %scan3A_153, %lt3A_309 : i32
      %convert_element_type3A_311 = arith.extui %lt3A_310 : i1 to i32
      %cond3A_312 = arith.constant 0 : i32
      %cond3A_313 = arith.cmpi ne, %convert_element_type3A_311, %cond3A_312 : i32
      scf.if %cond3A_313 {
        %add3A_350 = arith.constant 5 : i32
        %add3A_351 = arith.addi %add3A_299, %add3A_350 : i32
        %mul3A_352 = arith.constant 128 : i32
        %mul3A_353 = arith.muli %add3A_351, %mul3A_352 : i32
        %dma_start3A_354 = arith.constant 2 : i32
        %dma_start3A_355 = tpu.memref_slice %arg10[%mul3A_353] : memref<10240xi32, #tpu.memory_space<vmem>> -> memref<128xi32, #tpu.memory_space<vmem>>
        %dma_start3A_356 = arith.constant 0 : i32
        %dma_start3A_357 = arith.constant 0 : i32
        %dma_start3A_358 = tpu.memref_slice %arg2[%dma_start3A_356, %dma_start3A_357] : memref<40000x64xf32, #tpu.memory_space<hbm>> -> memref<40000x64xf32, #tpu.memory_space<hbm>>
        %dma_start3A_359 = tpu.memref_slice %arg22[%dma_start3A_354] : memref<5x!tpu.dma_semaphore, #tpu.memory_space<semaphore_mem>> -> memref<1x!tpu.dma_semaphore, #tpu.memory_space<semaphore_mem>>
        %dma_start3A_360 = tpu.memref_squeeze %dma_start3A_359 : memref<1x!tpu.dma_semaphore, #tpu.memory_space<semaphore_mem>> -> memref<!tpu.dma_semaphore, #tpu.memory_space<semaphore_mem>>
        tpu.enqueue_indirect_dma source(%dma_start3A_358 : memref<40000x64xf32, #tpu.memory_space<hbm>>) target(%arg14 : memref<128x64xf32, #tpu.memory_space<vmem>>) offsets(%dma_start3A_355 : memref<128xi32, #tpu.memory_space<vmem>>) semaphore(%dma_start3A_360 : memref<!tpu.dma_semaphore, #tpu.memory_space<semaphore_mem>>)
      } else {
      }
      %mul3A_314 = arith.constant 5 : i32
      %mul3A_315 = arith.muli %scan3A_153, %mul3A_314 : i32
      %add3A_316 = arith.constant 3 : i32
      %add3A_317 = arith.addi %mul3A_315, %add3A_316 : i32
      %dma_wait3A_318 = arith.constant 3 : i32
      %dma_wait3A_319 = arith.constant 0 : i32
      %dma_wait3A_320 = tpu.memref_slice %arg11[%add3A_317, %dma_wait3A_319] : memref<80x128xi32, #tpu.memory_space<vmem>> -> memref<1x128xi32, #tpu.memory_space<vmem>>
      %dma_wait3A_321 = tpu.memref_squeeze %dma_wait3A_320 : memref<1x128xi32, #tpu.memory_space<vmem>> -> memref<128xi32, #tpu.memory_space<vmem>>
      %dma_wait3A_322 = arith.constant 0 : i32
      %dma_wait3A_323 = arith.constant 0 : i32
      %dma_wait3A_324 = tpu.memref_slice %arg20[%dma_wait3A_322, %dma_wait3A_323] : memref<10240x64xf32, #tpu.memory_space<vmem_shared>> -> memref<10240x64xf32, #tpu.memory_space<vmem_shared>>
      %dma_wait3A_325 = tpu.memref_slice %arg23[%dma_wait3A_318] : memref<5x!tpu.dma_semaphore, #tpu.memory_space<semaphore_mem>> -> memref<1x!tpu.dma_semaphore, #tpu.memory_space<semaphore_mem>>
      %dma_wait3A_326 = tpu.memref_squeeze %dma_wait3A_325 : memref<1x!tpu.dma_semaphore, #tpu.memory_space<semaphore_mem>> -> memref<!tpu.dma_semaphore, #tpu.memory_space<semaphore_mem>>
      tpu.wait_indirect_dma semaphore(%dma_wait3A_326 : memref<!tpu.dma_semaphore, #tpu.memory_space<semaphore_mem>>) src(%arg15 : memref<128x64xf32, #tpu.memory_space<vmem>>) dst(%dma_wait3A_324 : memref<10240x64xf32, #tpu.memory_space<vmem_shared>>)
      %lt3A_327 = arith.constant 15 : i32
      %lt3A_328 = arith.cmpi slt, %scan3A_153, %lt3A_327 : i32
      %convert_element_type3A_329 = arith.extui %lt3A_328 : i1 to i32
      %cond3A_330 = arith.constant 0 : i32
      %cond3A_331 = arith.cmpi ne, %convert_element_type3A_329, %cond3A_330 : i32
      scf.if %cond3A_331 {
        %add3A_350 = arith.constant 5 : i32
        %add3A_351 = arith.addi %add3A_317, %add3A_350 : i32
        %mul3A_352 = arith.constant 128 : i32
        %mul3A_353 = arith.muli %add3A_351, %mul3A_352 : i32
        %dma_start3A_354 = arith.constant 3 : i32
        %dma_start3A_355 = tpu.memref_slice %arg10[%mul3A_353] : memref<10240xi32, #tpu.memory_space<vmem>> -> memref<128xi32, #tpu.memory_space<vmem>>
        %dma_start3A_356 = arith.constant 0 : i32
        %dma_start3A_357 = arith.constant 0 : i32
        %dma_start3A_358 = tpu.memref_slice %arg2[%dma_start3A_356, %dma_start3A_357] : memref<40000x64xf32, #tpu.memory_space<hbm>> -> memref<40000x64xf32, #tpu.memory_space<hbm>>
        %dma_start3A_359 = tpu.memref_slice %arg22[%dma_start3A_354] : memref<5x!tpu.dma_semaphore, #tpu.memory_space<semaphore_mem>> -> memref<1x!tpu.dma_semaphore, #tpu.memory_space<semaphore_mem>>
        %dma_start3A_360 = tpu.memref_squeeze %dma_start3A_359 : memref<1x!tpu.dma_semaphore, #tpu.memory_space<semaphore_mem>> -> memref<!tpu.dma_semaphore, #tpu.memory_space<semaphore_mem>>
        tpu.enqueue_indirect_dma source(%dma_start3A_358 : memref<40000x64xf32, #tpu.memory_space<hbm>>) target(%arg15 : memref<128x64xf32, #tpu.memory_space<vmem>>) offsets(%dma_start3A_355 : memref<128xi32, #tpu.memory_space<vmem>>) semaphore(%dma_start3A_360 : memref<!tpu.dma_semaphore, #tpu.memory_space<semaphore_mem>>)
      } else {
      }
      %mul3A_332 = arith.constant 5 : i32
      %mul3A_333 = arith.muli %scan3A_153, %mul3A_332 : i32
      %add3A_334 = arith.constant 4 : i32
      %add3A_335 = arith.addi %mul3A_333, %add3A_334 : i32
      %dma_wait3A_336 = arith.constant 4 : i32
      %dma_wait3A_337 = arith.constant 0 : i32
      %dma_wait3A_338 = tpu.memref_slice %arg11[%add3A_335, %dma_wait3A_337] : memref<80x128xi32, #tpu.memory_space<vmem>> -> memref<1x128xi32, #tpu.memory_space<vmem>>
      %dma_wait3A_339 = tpu.memref_squeeze %dma_wait3A_338 : memref<1x128xi32, #tpu.memory_space<vmem>> -> memref<128xi32, #tpu.memory_space<vmem>>
      %dma_wait3A_340 = arith.constant 0 : i32
      %dma_wait3A_341 = arith.constant 0 : i32
      %dma_wait3A_342 = tpu.memref_slice %arg20[%dma_wait3A_340, %dma_wait3A_341] : memref<10240x64xf32, #tpu.memory_space<vmem_shared>> -> memref<10240x64xf32, #tpu.memory_space<vmem_shared>>
      %dma_wait3A_343 = tpu.memref_slice %arg23[%dma_wait3A_336] : memref<5x!tpu.dma_semaphore, #tpu.memory_space<semaphore_mem>> -> memref<1x!tpu.dma_semaphore, #tpu.memory_space<semaphore_mem>>
      %dma_wait3A_344 = tpu.memref_squeeze %dma_wait3A_343 : memref<1x!tpu.dma_semaphore, #tpu.memory_space<semaphore_mem>> -> memref<!tpu.dma_semaphore, #tpu.memory_space<semaphore_mem>>
      tpu.wait_indirect_dma semaphore(%dma_wait3A_344 : memref<!tpu.dma_semaphore, #tpu.memory_space<semaphore_mem>>) src(%arg16 : memref<128x64xf32, #tpu.memory_space<vmem>>) dst(%dma_wait3A_342 : memref<10240x64xf32, #tpu.memory_space<vmem_shared>>)
      %lt3A_345 = arith.constant 15 : i32
      %lt3A_346 = arith.cmpi slt, %scan3A_153, %lt3A_345 : i32
      %convert_element_type3A_347 = arith.extui %lt3A_346 : i1 to i32
      %cond3A_348 = arith.constant 0 : i32
      %cond3A_349 = arith.cmpi ne, %convert_element_type3A_347, %cond3A_348 : i32
      scf.if %cond3A_349 {
        %add3A_350 = arith.constant 5 : i32
        %add3A_351 = arith.addi %add3A_335, %add3A_350 : i32
        %mul3A_352 = arith.constant 128 : i32
        %mul3A_353 = arith.muli %add3A_351, %mul3A_352 : i32
        %dma_start3A_354 = arith.constant 4 : i32
        %dma_start3A_355 = tpu.memref_slice %arg10[%mul3A_353] : memref<10240xi32, #tpu.memory_space<vmem>> -> memref<128xi32, #tpu.memory_space<vmem>>
        %dma_start3A_356 = arith.constant 0 : i32
        %dma_start3A_357 = arith.constant 0 : i32
        %dma_start3A_358 = tpu.memref_slice %arg2[%dma_start3A_356, %dma_start3A_357] : memref<40000x64xf32, #tpu.memory_space<hbm>> -> memref<40000x64xf32, #tpu.memory_space<hbm>>
        %dma_start3A_359 = tpu.memref_slice %arg22[%dma_start3A_354] : memref<5x!tpu.dma_semaphore, #tpu.memory_space<semaphore_mem>> -> memref<1x!tpu.dma_semaphore, #tpu.memory_space<semaphore_mem>>
        %dma_start3A_360 = tpu.memref_squeeze %dma_start3A_359 : memref<1x!tpu.dma_semaphore, #tpu.memory_space<semaphore_mem>> -> memref<!tpu.dma_semaphore, #tpu.memory_space<semaphore_mem>>
        tpu.enqueue_indirect_dma source(%dma_start3A_358 : memref<40000x64xf32, #tpu.memory_space<hbm>>) target(%arg16 : memref<128x64xf32, #tpu.memory_space<vmem>>) offsets(%dma_start3A_355 : memref<128xi32, #tpu.memory_space<vmem>>) semaphore(%dma_start3A_360 : memref<!tpu.dma_semaphore, #tpu.memory_space<semaphore_mem>>)
      } else {
      }
    }
    %scan3A_151 = arith.constant 16 : i32
    %barrier3A_152 = arith.constant 0 : index
    tpu.barrier barrier_id(%barrier3A_152)
    "tpu.region"() ({
      %run_scoped3A = tpu.sem_alloc : memref<!tpu.dma_semaphore, #tpu.memory_space<semaphore_mem>>
      %dma_start3A_153 = arith.constant 0 : i32
      %dma_start3A_154 = tpu.memref_slice %arg8[%add3A_89, %mul3A_0, %dma_start3A_153] : memref<4x10240x64xf32, #tpu.memory_space<hbm>> -> memref<1x640x64xf32, #tpu.memory_space<hbm>>
      %dma_start3A_155 = tpu.memref_squeeze %dma_start3A_154 : memref<1x640x64xf32, #tpu.memory_space<hbm>> -> memref<640x64xf32, #tpu.memory_space<hbm>>
      %dma_start3A_156 = arith.constant 0 : i32
      %dma_start3A_157 = tpu.memref_slice %arg20[%mul3A_0, %dma_start3A_156] : memref<10240x64xf32, #tpu.memory_space<vmem_shared>> -> memref<640x64xf32, #tpu.memory_space<vmem_shared>>
      tpu.enqueue_dma source(%dma_start3A_157 : memref<640x64xf32, #tpu.memory_space<vmem_shared>>) target(%dma_start3A_155 : memref<640x64xf32, #tpu.memory_space<hbm>>) target_semaphore(%run_scoped3A : memref<!tpu.dma_semaphore, #tpu.memory_space<semaphore_mem>>)
      %dma_wait3A = arith.constant 0 : i32
      %dma_wait3A_158 = tpu.memref_slice %arg8[%add3A_89, %mul3A_0, %dma_wait3A] : memref<4x10240x64xf32, #tpu.memory_space<hbm>> -> memref<1x640x64xf32, #tpu.memory_space<hbm>>
      %dma_wait3A_159 = tpu.memref_squeeze %dma_wait3A_158 : memref<1x640x64xf32, #tpu.memory_space<hbm>> -> memref<640x64xf32, #tpu.memory_space<hbm>>
      %dma_wait3A_160 = arith.constant 0 : i32
      %dma_wait3A_161 = tpu.memref_slice %arg20[%mul3A_0, %dma_wait3A_160] : memref<10240x64xf32, #tpu.memory_space<vmem_shared>> -> memref<640x64xf32, #tpu.memory_space<vmem_shared>>
      tpu.wait_dma2 semaphore(%run_scoped3A : memref<!tpu.dma_semaphore, #tpu.memory_space<semaphore_mem>>) src(%dma_wait3A_161 : memref<640x64xf32, #tpu.memory_space<vmem_shared>>) dst(%dma_wait3A_159 : memref<640x64xf32, #tpu.memory_space<hbm>>)
      tpu.yield
    }) : () -> ()
    return
  }
}

module attributes {stable_mosaic.version = 14 : i64} {
  func.func @_tc_body(%arg0: i32, %arg1: memref<1000x256xf32, #tpu.memory_space<vmem>>, %arg2: memref<1000x256xf32, #tpu.memory_space<vmem>>, %arg3: memref<1x1000x64xf32, #tpu.memory_space<vmem>>, %arg4: memref<1x1000x64xf32, #tpu.memory_space<vmem>>, %arg5: memref<1x1000x64xf32, #tpu.memory_space<vmem>>, %arg6: memref<1x1000x64xf32, #tpu.memory_space<vmem>>, %arg7: memref<1x1000x64xf32, #tpu.memory_space<vmem>>, %arg8: memref<1x1000x64xf32, #tpu.memory_space<vmem>>, %arg9: memref<1x1000x64xf32, #tpu.memory_space<vmem>>, %arg10: memref<1x1000x64xf32, #tpu.memory_space<vmem>>, %arg11: memref<1000x8xf32, #tpu.memory_space<vmem>>, %arg12: memref<1000x8xf32, #tpu.memory_space<vmem>>, %arg13: memref<256x256xf32, #tpu.memory_space<vmem>>, %arg14: memref<64x256xf32, #tpu.memory_space<vmem>>, %arg15: memref<64x256xf32, #tpu.memory_space<vmem>>, %arg16: memref<64x256xf32, #tpu.memory_space<vmem>>, %arg17: memref<64x256xf32, #tpu.memory_space<vmem>>, %arg18: memref<1000x256xf32, #tpu.memory_space<vmem>>, %arg19: memref<1000x256xf32, #tpu.memory_space<vmem>>) attributes {dimension_semantics = [#tpu.dimension_semantics<arbitrary>], iteration_bounds = array<i64: 10>, scalar_prefetch = 0 : i64, scratch_operands = 0 : i64, tpu.core_type = #tpu.core_type<tc>, window_params = [{transform_indices = @transform_0, window_bounds = array<i64: 1000, 256>}, {transform_indices = @transform_1, window_bounds = array<i64: 1000, 256>}, {transform_indices = @transform_2, window_bounds = array<i64: 1, 1000, 64>}, {transform_indices = @transform_3, window_bounds = array<i64: 1, 1000, 64>}, {transform_indices = @transform_4, window_bounds = array<i64: 1, 1000, 64>}, {transform_indices = @transform_5, window_bounds = array<i64: 1, 1000, 64>}, {transform_indices = @transform_6, window_bounds = array<i64: 1, 1000, 64>}, {transform_indices = @transform_7, window_bounds = array<i64: 1, 1000, 64>}, {transform_indices = @transform_8, window_bounds = array<i64: 1, 1000, 64>}, {transform_indices = @transform_9, window_bounds = array<i64: 1, 1000, 64>}, {transform_indices = @transform_10, window_bounds = array<i64: 1000, 8>}, {transform_indices = @transform_11, window_bounds = array<i64: 1000, 8>}, {pipeline_mode = #tpu.pipeline_mode<synchronous>, transform_indices = @transform_12, window_bounds = array<i64: 256, 256>}, {pipeline_mode = #tpu.pipeline_mode<synchronous>, transform_indices = @transform_13, window_bounds = array<i64: 64, 256>}, {pipeline_mode = #tpu.pipeline_mode<synchronous>, transform_indices = @transform_14, window_bounds = array<i64: 64, 256>}, {pipeline_mode = #tpu.pipeline_mode<synchronous>, transform_indices = @transform_15, window_bounds = array<i64: 64, 256>}, {pipeline_mode = #tpu.pipeline_mode<synchronous>, transform_indices = @transform_16, window_bounds = array<i64: 64, 256>}, {transform_indices = @transform_17, window_bounds = array<i64: 1000, 256>}, {transform_indices = @transform_18, window_bounds = array<i64: 1000, 256>}]} {
    %get3A = arith.constant 0 : index
    %get3A_0 = arith.constant 0 : index
    %get3A_1 = vector.load %arg1[%get3A, %get3A_0] : memref<1000x256xf32, #tpu.memory_space<vmem>>, vector<1000x256xf32>
    %get3A_2 = arith.constant 0 : index
    %get3A_3 = arith.constant 0 : index
    %get3A_4 = vector.load %arg13[%get3A_2, %get3A_3] : memref<256x256xf32, #tpu.memory_space<vmem>>, vector<256x256xf32>
    %dot_general3A = arith.constant dense<0.000000e+00> : vector<1000x256xf32>
    %dot_general3A_5 = tpu.matmul %get3A_1, %get3A_4, %dot_general3A {dimension_numbers = #tpu.dot_dimension_numbers<[1], [0], [0], [1], [0, 0, 1, 1], [], []>, transpose_lhs_hint = false} : vector<1000x256xf32>, vector<256x256xf32>, vector<1000x256xf32> -> vector<1000x256xf32>
    %get3A_6 = arith.constant 0 : index
    %get3A_7 = arith.constant 0 : index
    %get3A_8 = arith.constant 0 : index
    %get3A_9 = vector.load %arg3[%get3A_6, %get3A_7, %get3A_8] : memref<1x1000x64xf32, #tpu.memory_space<vmem>>, vector<1x1000x64xf32>
    %get3A_10 = vector.shape_cast %get3A_9 : vector<1x1000x64xf32> to vector<1000x64xf32>
    %get3A_11 = arith.constant 0 : index
    %get3A_12 = arith.constant 0 : index
    %get3A_13 = vector.load %arg14[%get3A_11, %get3A_12] : memref<64x256xf32, #tpu.memory_space<vmem>>, vector<64x256xf32>
    %dot_general3A_14 = arith.constant dense<0.000000e+00> : vector<1000x256xf32>
    %dot_general3A_15 = tpu.matmul %get3A_10, %get3A_13, %dot_general3A_14 {dimension_numbers = #tpu.dot_dimension_numbers<[1], [0], [0], [1], [0, 0, 1, 1], [], []>, transpose_lhs_hint = false} : vector<1000x64xf32>, vector<64x256xf32>, vector<1000x256xf32> -> vector<1000x256xf32>
    %add3A = arith.constant 0.000000e+00 : f32
    %add3A_16 = vector.broadcast %add3A : f32 to vector<1000x256xf32>
    %add3A_17 = arith.addf %add3A_16, %dot_general3A_15 : vector<1000x256xf32>
    %get3A_18 = arith.constant 0 : index
    %get3A_19 = arith.constant 0 : index
    %get3A_20 = arith.constant 0 : index
    %get3A_21 = vector.load %arg4[%get3A_18, %get3A_19, %get3A_20] : memref<1x1000x64xf32, #tpu.memory_space<vmem>>, vector<1x1000x64xf32>
    %get3A_22 = vector.shape_cast %get3A_21 : vector<1x1000x64xf32> to vector<1000x64xf32>
    %get3A_23 = arith.constant 0 : index
    %get3A_24 = arith.constant 0 : index
    %get3A_25 = vector.load %arg15[%get3A_23, %get3A_24] : memref<64x256xf32, #tpu.memory_space<vmem>>, vector<64x256xf32>
    %dot_general3A_26 = arith.constant dense<0.000000e+00> : vector<1000x256xf32>
    %dot_general3A_27 = tpu.matmul %get3A_22, %get3A_25, %dot_general3A_26 {dimension_numbers = #tpu.dot_dimension_numbers<[1], [0], [0], [1], [0, 0, 1, 1], [], []>, transpose_lhs_hint = false} : vector<1000x64xf32>, vector<64x256xf32>, vector<1000x256xf32> -> vector<1000x256xf32>
    %add3A_28 = arith.addf %add3A_17, %dot_general3A_27 : vector<1000x256xf32>
    %get3A_29 = arith.constant 0 : index
    %get3A_30 = arith.constant 0 : index
    %get3A_31 = arith.constant 0 : index
    %get3A_32 = vector.load %arg5[%get3A_29, %get3A_30, %get3A_31] : memref<1x1000x64xf32, #tpu.memory_space<vmem>>, vector<1x1000x64xf32>
    %get3A_33 = vector.shape_cast %get3A_32 : vector<1x1000x64xf32> to vector<1000x64xf32>
    %get3A_34 = arith.constant 0 : index
    %get3A_35 = arith.constant 0 : index
    %get3A_36 = vector.load %arg16[%get3A_34, %get3A_35] : memref<64x256xf32, #tpu.memory_space<vmem>>, vector<64x256xf32>
    %dot_general3A_37 = arith.constant dense<0.000000e+00> : vector<1000x256xf32>
    %dot_general3A_38 = tpu.matmul %get3A_33, %get3A_36, %dot_general3A_37 {dimension_numbers = #tpu.dot_dimension_numbers<[1], [0], [0], [1], [0, 0, 1, 1], [], []>, transpose_lhs_hint = false} : vector<1000x64xf32>, vector<64x256xf32>, vector<1000x256xf32> -> vector<1000x256xf32>
    %add3A_39 = arith.addf %add3A_28, %dot_general3A_38 : vector<1000x256xf32>
    %get3A_40 = arith.constant 0 : index
    %get3A_41 = arith.constant 0 : index
    %get3A_42 = arith.constant 0 : index
    %get3A_43 = vector.load %arg6[%get3A_40, %get3A_41, %get3A_42] : memref<1x1000x64xf32, #tpu.memory_space<vmem>>, vector<1x1000x64xf32>
    %get3A_44 = vector.shape_cast %get3A_43 : vector<1x1000x64xf32> to vector<1000x64xf32>
    %get3A_45 = arith.constant 0 : index
    %get3A_46 = arith.constant 0 : index
    %get3A_47 = vector.load %arg17[%get3A_45, %get3A_46] : memref<64x256xf32, #tpu.memory_space<vmem>>, vector<64x256xf32>
    %dot_general3A_48 = arith.constant dense<0.000000e+00> : vector<1000x256xf32>
    %dot_general3A_49 = tpu.matmul %get3A_44, %get3A_47, %dot_general3A_48 {dimension_numbers = #tpu.dot_dimension_numbers<[1], [0], [0], [1], [0, 0, 1, 1], [], []>, transpose_lhs_hint = false} : vector<1000x64xf32>, vector<64x256xf32>, vector<1000x256xf32> -> vector<1000x256xf32>
    %add3A_50 = arith.addf %add3A_39, %dot_general3A_49 : vector<1000x256xf32>
    %get3A_51 = arith.constant 0 : index
    %get3A_52 = arith.constant 0 : index
    %get3A_53 = vector.load %arg11[%get3A_51, %get3A_52] : memref<1000x8xf32, #tpu.memory_space<vmem>>, vector<1000x1xf32>
    %max3A = arith.constant 1.000000e+00 : f32
    %max3A_54 = vector.broadcast %max3A : f32 to vector<1000x1xf32>
    %max3A_55 = arith.maximumf %get3A_53, %max3A_54 : vector<1000x1xf32>
    %div3A = arith.constant 1.000000e+00 : f32
    %div3A_56 = vector.broadcast %div3A : f32 to vector<1000x1xf32>
    %div3A_57 = arith.divf %div3A_56, %max3A_55 : vector<1000x1xf32>
    %mul3A = vector.broadcast %div3A_57 : vector<1000x1xf32> to vector<1000x256xf32>
    %mul3A_58 = arith.mulf %add3A_50, %mul3A : vector<1000x256xf32>
    %add3A_59 = arith.addf %dot_general3A_5, %mul3A_58 : vector<1000x256xf32>
    %swap3A = arith.constant 0 : index
    %swap3A_60 = arith.constant 0 : index
    %swap3A_61 = vector.load %arg18[%swap3A, %swap3A_60] : memref<1000x256xf32, #tpu.memory_space<vmem>>, vector<1000x256xf32>
    tpu.vector_store %arg18[%swap3A, %swap3A_60], %add3A_59 {strides = array<i32>} : memref<1000x256xf32, #tpu.memory_space<vmem>>, vector<1000x256xf32>,
    %get3A_62 = arith.constant 0 : index
    %get3A_63 = arith.constant 0 : index
    %get3A_64 = vector.load %arg2[%get3A_62, %get3A_63] : memref<1000x256xf32, #tpu.memory_space<vmem>>, vector<1000x256xf32>
    %get3A_65 = arith.constant 0 : index
    %get3A_66 = arith.constant 0 : index
    %get3A_67 = vector.load %arg13[%get3A_65, %get3A_66] : memref<256x256xf32, #tpu.memory_space<vmem>>, vector<256x256xf32>
    %dot_general3A_68 = arith.constant dense<0.000000e+00> : vector<1000x256xf32>
    %dot_general3A_69 = tpu.matmul %get3A_64, %get3A_67, %dot_general3A_68 {dimension_numbers = #tpu.dot_dimension_numbers<[1], [0], [0], [1], [0, 0, 1, 1], [], []>, transpose_lhs_hint = false} : vector<1000x256xf32>, vector<256x256xf32>, vector<1000x256xf32> -> vector<1000x256xf32>
    %get3A_70 = arith.constant 0 : index
    %get3A_71 = arith.constant 0 : index
    %get3A_72 = arith.constant 0 : index
    %get3A_73 = vector.load %arg7[%get3A_70, %get3A_71, %get3A_72] : memref<1x1000x64xf32, #tpu.memory_space<vmem>>, vector<1x1000x64xf32>
    %get3A_74 = vector.shape_cast %get3A_73 : vector<1x1000x64xf32> to vector<1000x64xf32>
    %get3A_75 = arith.constant 0 : index
    %get3A_76 = arith.constant 0 : index
    %get3A_77 = vector.load %arg14[%get3A_75, %get3A_76] : memref<64x256xf32, #tpu.memory_space<vmem>>, vector<64x256xf32>
    %dot_general3A_78 = arith.constant dense<0.000000e+00> : vector<1000x256xf32>
    %dot_general3A_79 = tpu.matmul %get3A_74, %get3A_77, %dot_general3A_78 {dimension_numbers = #tpu.dot_dimension_numbers<[1], [0], [0], [1], [0, 0, 1, 1], [], []>, transpose_lhs_hint = false} : vector<1000x64xf32>, vector<64x256xf32>, vector<1000x256xf32> -> vector<1000x256xf32>
    %add3A_80 = arith.constant 0.000000e+00 : f32
    %add3A_81 = vector.broadcast %add3A_80 : f32 to vector<1000x256xf32>
    %add3A_82 = arith.addf %add3A_81, %dot_general3A_79 : vector<1000x256xf32>
    %get3A_83 = arith.constant 0 : index
    %get3A_84 = arith.constant 0 : index
    %get3A_85 = arith.constant 0 : index
    %get3A_86 = vector.load %arg8[%get3A_83, %get3A_84, %get3A_85] : memref<1x1000x64xf32, #tpu.memory_space<vmem>>, vector<1x1000x64xf32>
    %get3A_87 = vector.shape_cast %get3A_86 : vector<1x1000x64xf32> to vector<1000x64xf32>
    %get3A_88 = arith.constant 0 : index
    %get3A_89 = arith.constant 0 : index
    %get3A_90 = vector.load %arg15[%get3A_88, %get3A_89] : memref<64x256xf32, #tpu.memory_space<vmem>>, vector<64x256xf32>
    %dot_general3A_91 = arith.constant dense<0.000000e+00> : vector<1000x256xf32>
    %dot_general3A_92 = tpu.matmul %get3A_87, %get3A_90, %dot_general3A_91 {dimension_numbers = #tpu.dot_dimension_numbers<[1], [0], [0], [1], [0, 0, 1, 1], [], []>, transpose_lhs_hint = false} : vector<1000x64xf32>, vector<64x256xf32>, vector<1000x256xf32> -> vector<1000x256xf32>
    %add3A_93 = arith.addf %add3A_82, %dot_general3A_92 : vector<1000x256xf32>
    %get3A_94 = arith.constant 0 : index
    %get3A_95 = arith.constant 0 : index
    %get3A_96 = arith.constant 0 : index
    %get3A_97 = vector.load %arg9[%get3A_94, %get3A_95, %get3A_96] : memref<1x1000x64xf32, #tpu.memory_space<vmem>>, vector<1x1000x64xf32>
    %get3A_98 = vector.shape_cast %get3A_97 : vector<1x1000x64xf32> to vector<1000x64xf32>
    %get3A_99 = arith.constant 0 : index
    %get3A_100 = arith.constant 0 : index
    %get3A_101 = vector.load %arg16[%get3A_99, %get3A_100] : memref<64x256xf32, #tpu.memory_space<vmem>>, vector<64x256xf32>
    %dot_general3A_102 = arith.constant dense<0.000000e+00> : vector<1000x256xf32>
    %dot_general3A_103 = tpu.matmul %get3A_98, %get3A_101, %dot_general3A_102 {dimension_numbers = #tpu.dot_dimension_numbers<[1], [0], [0], [1], [0, 0, 1, 1], [], []>, transpose_lhs_hint = false} : vector<1000x64xf32>, vector<64x256xf32>, vector<1000x256xf32> -> vector<1000x256xf32>
    %add3A_104 = arith.addf %add3A_93, %dot_general3A_103 : vector<1000x256xf32>
    %get3A_105 = arith.constant 0 : index
    %get3A_106 = arith.constant 0 : index
    %get3A_107 = arith.constant 0 : index
    %get3A_108 = vector.load %arg10[%get3A_105, %get3A_106, %get3A_107] : memref<1x1000x64xf32, #tpu.memory_space<vmem>>, vector<1x1000x64xf32>
    %get3A_109 = vector.shape_cast %get3A_108 : vector<1x1000x64xf32> to vector<1000x64xf32>
    %get3A_110 = arith.constant 0 : index
    %get3A_111 = arith.constant 0 : index
    %get3A_112 = vector.load %arg17[%get3A_110, %get3A_111] : memref<64x256xf32, #tpu.memory_space<vmem>>, vector<64x256xf32>
    %dot_general3A_113 = arith.constant dense<0.000000e+00> : vector<1000x256xf32>
    %dot_general3A_114 = tpu.matmul %get3A_109, %get3A_112, %dot_general3A_113 {dimension_numbers = #tpu.dot_dimension_numbers<[1], [0], [0], [1], [0, 0, 1, 1], [], []>, transpose_lhs_hint = false} : vector<1000x64xf32>, vector<64x256xf32>, vector<1000x256xf32> -> vector<1000x256xf32>
    %add3A_115 = arith.addf %add3A_104, %dot_general3A_114 : vector<1000x256xf32>
    %get3A_116 = arith.constant 0 : index
    %get3A_117 = arith.constant 0 : index
    %get3A_118 = vector.load %arg12[%get3A_116, %get3A_117] : memref<1000x8xf32, #tpu.memory_space<vmem>>, vector<1000x1xf32>
    %max3A_119 = arith.constant 1.000000e+00 : f32
    %max3A_120 = vector.broadcast %max3A_119 : f32 to vector<1000x1xf32>
    %max3A_121 = arith.maximumf %get3A_118, %max3A_120 : vector<1000x1xf32>
    %div3A_122 = arith.constant 1.000000e+00 : f32
    %div3A_123 = vector.broadcast %div3A_122 : f32 to vector<1000x1xf32>
    %div3A_124 = arith.divf %div3A_123, %max3A_121 : vector<1000x1xf32>
    %mul3A_125 = vector.broadcast %div3A_124 : vector<1000x1xf32> to vector<1000x256xf32>
    %mul3A_126 = arith.mulf %add3A_115, %mul3A_125 : vector<1000x256xf32>
    %add3A_127 = arith.addf %dot_general3A_69, %mul3A_126 : vector<1000x256xf32>
    %swap3A_128 = arith.constant 0 : index
    %swap3A_129 = arith.constant 0 : index
    %swap3A_130 = vector.load %arg19[%swap3A_128, %swap3A_129] : memref<1000x256xf32, #tpu.memory_space<vmem>>, vector<1000x256xf32>
    tpu.vector_store %arg19[%swap3A_128, %swap3A_129], %add3A_127 {strides = array<i32>} : memref<1000x256xf32, #tpu.memory_space<vmem>>, vector<1000x256xf32>,
    return
  }
  func.func @transform_0(%arg0: i32) -> (i32, i32) {
    %c0_i32 = arith.constant 0 : i32
    %c0_i32_0 = arith.constant 0 : i32
    return %arg0, %c0_i32 : i32, i32
  }
  func.func @transform_1(%arg0: i32) -> (i32, i32) {
    %c0_i32 = arith.constant 0 : i32
    %c0_i32_0 = arith.constant 0 : i32
    return %arg0, %c0_i32 : i32, i32
  }
  func.func @transform_2(%arg0: i32) -> (i32, i32, i32) {
    %c0_i32 = arith.constant 0 : i32
    %c0_i32_0 = arith.constant 0 : i32
    %c0_i32_1 = arith.constant 0 : i32
    return %c0_i32, %arg0, %c0_i32_0 : i32, i32, i32
  }
  func.func @transform_3(%arg0: i32) -> (i32, i32, i32) {
    %c1_i32 = arith.constant 1 : i32
    %c0_i32 = arith.constant 0 : i32
    %c0_i32_0 = arith.constant 0 : i32
    return %c1_i32, %arg0, %c0_i32 : i32, i32, i32
  }
  func.func @transform_4(%arg0: i32) -> (i32, i32, i32) {
    %c2_i32 = arith.constant 2 : i32
    %c0_i32 = arith.constant 0 : i32
    %c0_i32_0 = arith.constant 0 : i32
    return %c2_i32, %arg0, %c0_i32 : i32, i32, i32
  }
  func.func @transform_5(%arg0: i32) -> (i32, i32, i32) {
    %c3_i32 = arith.constant 3 : i32
    %c0_i32 = arith.constant 0 : i32
    %c0_i32_0 = arith.constant 0 : i32
    return %c3_i32, %arg0, %c0_i32 : i32, i32, i32
  }
  func.func @transform_6(%arg0: i32) -> (i32, i32, i32) {
    %c0_i32 = arith.constant 0 : i32
    %c0_i32_0 = arith.constant 0 : i32
    %c0_i32_1 = arith.constant 0 : i32
    return %c0_i32, %arg0, %c0_i32_0 : i32, i32, i32
  }
  func.func @transform_7(%arg0: i32) -> (i32, i32, i32) {
    %c1_i32 = arith.constant 1 : i32
    %c0_i32 = arith.constant 0 : i32
    %c0_i32_0 = arith.constant 0 : i32
    return %c1_i32, %arg0, %c0_i32 : i32, i32, i32
  }
  func.func @transform_8(%arg0: i32) -> (i32, i32, i32) {
    %c2_i32 = arith.constant 2 : i32
    %c0_i32 = arith.constant 0 : i32
    %c0_i32_0 = arith.constant 0 : i32
    return %c2_i32, %arg0, %c0_i32 : i32, i32, i32
  }
  func.func @transform_9(%arg0: i32) -> (i32, i32, i32) {
    %c3_i32 = arith.constant 3 : i32
    %c0_i32 = arith.constant 0 : i32
    %c0_i32_0 = arith.constant 0 : i32
    return %c3_i32, %arg0, %c0_i32 : i32, i32, i32
  }
  func.func @transform_10(%arg0: i32) -> (i32, i32) {
    %c0_i32 = arith.constant 0 : i32
    %c0_i32_0 = arith.constant 0 : i32
    return %arg0, %c0_i32 : i32, i32
  }
  func.func @transform_11(%arg0: i32) -> (i32, i32) {
    %c0_i32 = arith.constant 0 : i32
    %c0_i32_0 = arith.constant 0 : i32
    return %arg0, %c0_i32 : i32, i32
  }
  func.func @transform_12(%arg0: i32) -> (i32, i32) {
    %c0_i32 = arith.constant 0 : i32
    %c0_i32_0 = arith.constant 0 : i32
    %c0_i32_1 = arith.constant 0 : i32
    return %c0_i32, %c0_i32_0 : i32, i32
  }
  func.func @transform_13(%arg0: i32) -> (i32, i32) {
    %c0_i32 = arith.constant 0 : i32
    %c0_i32_0 = arith.constant 0 : i32
    %c0_i32_1 = arith.constant 0 : i32
    return %c0_i32, %c0_i32_0 : i32, i32
  }
  func.func @transform_14(%arg0: i32) -> (i32, i32) {
    %c0_i32 = arith.constant 0 : i32
    %c0_i32_0 = arith.constant 0 : i32
    %c0_i32_1 = arith.constant 0 : i32
    return %c0_i32, %c0_i32_0 : i32, i32
  }
  func.func @transform_15(%arg0: i32) -> (i32, i32) {
    %c0_i32 = arith.constant 0 : i32
    %c0_i32_0 = arith.constant 0 : i32
    %c0_i32_1 = arith.constant 0 : i32
    return %c0_i32, %c0_i32_0 : i32, i32
  }
  func.func @transform_16(%arg0: i32) -> (i32, i32) {
    %c0_i32 = arith.constant 0 : i32
    %c0_i32_0 = arith.constant 0 : i32
    %c0_i32_1 = arith.constant 0 : i32
    return %c0_i32, %c0_i32_0 : i32, i32
  }
  func.func @transform_17(%arg0: i32) -> (i32, i32) {
    %c0_i32 = arith.constant 0 : i32
    %c0_i32_0 = arith.constant 0 : i32
    return %arg0, %c0_i32 : i32, i32
  }
  func.func @transform_18(%arg0: i32) -> (i32, i32) {
    %c0_i32 = arith.constant 0 : i32
    %c0_i32_0 = arith.constant 0 : i32
    return %arg0, %c0_i32 : i32, i32
  }
}

</mosaic_0001>

<sc_bundles>
// kernel: kernel.5.cloned.1.call-start
scs
__scs_entry_jumppad:
0x0: {  	(pc) =	sbr.rel $0x88, $3  }
0x1: {  	(tag) =	ssettag $0x0;
	lr =	simm.s32 $0x1  }
0x2: {  	[smem:$0x3F9B] =	sst lr;
	_ =	strace $0xD0000000  }
0x3: {  	_ = 	snop  }
0x4: {  	_ = 	snop  }
0x5: {  	_ = 	snop  }
0x6: {  	_ = 	snop  }
0x7: {  	_ = 	snop  }
__scs_overlays_trampoline_lowered:
0x8: {  	[smem:$0x3FAA] =	sst s0  }
0x9: {  	[smem:$0x3FAB] =	sst s1  }
0xa: {  	[smem:$0x3FAC] =	sst s2  }
0xb: {  	[smem:$0x3FAD] =	sst s3  }
0xc: {  	[smem:$0x3FAE] =	sst s4  }
0xd: {  	[smem:$0x3FAF] =	sst s5  }
0xe: {  	[smem:$0x3FB0] =	sst s6  }
0xf: {  	[smem:$0x3FB1] =	sst s7  }
0x10: {  	[smem:$0x3FB2] =	sst s8  }
0x11: {  	[smem:$0x3FB3] =	sst s9;
	s0 =	simm.s32 @!p0 $0x0  }
0x12: {  	s1 =	sld [smem:$0x3F99];
	s0 =	simm.s32 @p0 $0x1  }
0x13: {  	[smem:$0x3FB4] =	sst s0;
	s0 =	simm.s32 @!p1 $0x0  }
0x14: {  	s2 =	sld [smem:$0x3F98];
	s0 =	simm.s32 @p1 $0x1  }
0x15: {  	[smem:$0x3FB5] =	sst s0;
	s0 =	simm.s32 @!p2 $0x0  }
0x16: {  	s3 =	sld [smem:$0x3FDB];
	s0 =	simm.s32 @p2 $0x1  }
0x17: {  	s4 =	simm.s32 $0x1BF5;
	[smem:$0x3FB7] =	sst s0  }
0x18: {  	s0 =	sld [smem:$0x3F9A];
	_ =	swait.ge [sflag:s4], $0x0  }
0x19: {  	s7 =	sld [smem:$0x3F9B]  }
0x1a: {  	s8 =	sadd.s32 $0xFFFFE003, lr  }
0x1b: {  	s9 =	sadd.s32 $0xFFFFFEF7, lr;
	s5 =	simm.s32 $0xFFFFFFFF;
	p2 =	slt.u32 s8, $0xFFFFF086  }
0x1c: {  	p1 =	slt.u32 s9, $0xF7A;
	s5 =	simm.s32 @!p2 $0x0  }
0x1d: {  	s5 =	simm.s32 @p1 $0x1;
	p0 =	seq.s32 s7, s2  }
0x1e: {  	s7 =	smul.u32 @!p0 $0xF7A, s2;
	p2 =	seq.s32 @!p0 s5, $0x0  }
0x1f: {  	s9 =	smul.u32 $0xF7A, s1;
	s8 =	simm.s32 @!p0 $0x1BF5;
	p2 =	por !p2, p0  }
0x20: {  	[sflag:s8] =	ssyncset.s32 @!p0 $0xFFFFF086;
	s6 =	sadd.s32 @!p0 s3, s7;
	s7 =	simm.s32 @!p0 $0x108  }
0x21: {  	s3 =	sadd.s32 s3, s9;
	s6 =	sadd.s32 @!p0 $0x88, s6;
	s7 =	simm.s32 @p2 $0x1082  }
0x22: {  	[simem:s7], [sflag:s8] =	dma.local @!p0 [hbm:s6], $0xF7A  }
0x23: {  	s9 =	sor.u32 $0xD0000000, s2;
	s6 =	simm.s32 $0x108;
	_ =	swait.ge @!p0 [sflag:s8], $0x0  }
0x24: {  	s3 =	sadd.s32 $0x88, s3;
	s6 =	simm.s32 @!p1 $0x1082;
	[sflag:s4] =	ssyncset.s32 $0xFFFFF086  }
0x25: {  	[simem:s6], [sflag:s4] =	dma.local [hbm:s3], $0xF7A  }
0x26: {  	[smem:$0x3F9B] =	sst s1;
	(tag) =	ssettag s2;
	_ =	strace s9  }
0x27: {  	s1 =	sld [smem:$0x3FAB]  }
0x28: {  	s2 =	sld [smem:$0x3FAC]  }
0x29: {  	s4 =	sld [smem:$0x3FAE]  }
0x2a: {  	p0 =	seq.s32 s5, $0x0;
	s5 =	sld [smem:$0x3FAF]  }
0x2b: {  	s6 =	sld [smem:$0x3FB0]  }
0x2c: {  	s7 =	sld [smem:$0x3FB1]  }
0x2d: {  	s3 =	simm.s32 $0x108;
	s8 =	sld [smem:$0x3FB2]  }
0x2e: {  	s3 =	simm.s32 @!p0 $0x1082;
	s9 =	sld [smem:$0x3FB3]  }
0x2f: {  	lr =	sadd.s32 s0, s3;
	s0 =	sld [smem:$0x3FAA]  }
0x30: {  	s3 =	sld [smem:$0x3FAD]  }
0x31: {  	[smem:$0x3FB6] =	sst s10  }
0x32: {  	s10 =	sld [smem:$0x3FB4];
	_ =	sdelay $0x3  }
0x33: {  	p0 =	seq.s32 s10, $0x1;
	s10 =	sld [smem:$0x3FB6];
	_ =	sdelay $0x3  }
0x34: {  	[smem:$0x3FB6] =	sst s10  }
0x35: {  	s10 =	sld [smem:$0x3FB5];
	_ =	sdelay $0x3  }
0x36: {  	p1 =	seq.s32 s10, $0x1;
	s10 =	sld [smem:$0x3FB6];
	_ =	sdelay $0x3  }
0x37: {  	[smem:$0x3FB6] =	sst s10  }
0x38: {  	s10 =	sld [smem:$0x3FB7]  }
0x39: {  	_ = 	snop;
	(pc) =	sbr.ind lr, $3  }
0x3a: {  	_ = 	snop  }
0x3b: {  	_ = 	snop  }
0x3c: {  	p2 =	seq.s32 s10, $0x1;
	s10 =	sld [smem:$0x3FB6]  }
0x3d: {  	_ =	shalt  }
0x3e: {  	_ =	shalt  }
0x3f: {  	_ =	shalt  }
0x40: {  	_ =	shalt  }
0x41: {  	_ =	shalt  }
0x42: {  	_ =	shalt  }
0x43: {  	_ =	shalt  }
0x44: {  	_ =	shalt  }
0x45: {  	_ =	shalt  }
0x46: {  	_ =	shalt  }
0x47: {  	_ =	shalt  }
0x48: {  	_ =	shalt  }
0x49: {  	_ =	shalt  }
0x4a: {  	_ =	shalt  }
0x4b: {  	_ =	shalt  }
0x4c: {  	_ =	shalt  }
0x4d: {  	_ =	shalt  }
0x4e: {  	_ =	shalt  }
0x4f: {  	_ =	shalt  }
0x50: {  	_ =	shalt  }
0x51: {  	_ =	shalt  }
0x52: {  	_ =	shalt  }
0x53: {  	_ =	shalt  }
0x54: {  	_ =	shalt  }
0x55: {  	_ =	shalt  }
0x56: {  	_ =	shalt  }
0x57: {  	_ =	shalt  }
0x58: {  	_ =	shalt  }
0x59: {  	_ =	shalt  }
0x5a: {  	_ =	shalt  }
0x5b: {  	_ =	shalt  }
0x5c: {  	_ =	shalt  }
0x5d: {  	_ =	shalt  }
0x5e: {  	_ =	shalt  }
0x5f: {  	_ =	shalt  }
0x60: {  	_ =	shalt  }
0x61: {  	_ =	shalt  }
0x62: {  	_ =	shalt  }
0x63: {  	_ =	shalt  }
0x64: {  	_ =	shalt  }
0x65: {  	_ =	shalt  }
0x66: {  	_ =	shalt  }
0x67: {  	_ =	shalt  }
0x68: {  	_ =	shalt  }
0x69: {  	_ =	shalt  }
0x6a: {  	_ =	shalt  }
0x6b: {  	_ =	shalt  }
0x6c: {  	_ =	shalt  }
0x6d: {  	_ =	shalt  }
0x6e: {  	_ =	shalt  }
0x6f: {  	_ =	shalt  }
0x70: {  	_ =	shalt  }
0x71: {  	_ =	shalt  }
0x72: {  	_ =	shalt  }
0x73: {  	_ =	shalt  }
0x74: {  	_ =	shalt  }
0x75: {  	_ =	shalt  }
0x76: {  	_ =	shalt  }
0x77: {  	_ =	shalt  }
0x78: {  	_ =	shalt  }
0x79: {  	_ =	shalt  }
0x7a: {  	_ =	shalt  }
0x7b: {  	_ =	shalt  }
0x7c: {  	_ =	shalt  }
0x7d: {  	_ =	shalt  }
0x7e: {  	_ =	shalt  }
0x7f: {  	_ =	shalt  }
0x80: {  	_ =	shalt  }
0x81: {  	_ =	shalt  }
0x82: {  	_ =	shalt  }
0x83: {  	_ =	shalt  }
0x84: {  	_ =	shalt  }
0x85: {  	_ =	shalt  }
0x86: {  	_ =	shalt  }
0x87: {  	_ =	shalt  }
.Lfunc_end0:
.L_simem_size_0:
called_computation_lowered:
.L_overlay_start_0:
0x88: {  	s2 =	sld [smem:$0x3FD9]  }
0x89: {  	s3 =	sld [smem:$0x3FFE];
	_ =	sdelay $0x1  }
0x8a: {  	s1 =	srdreg.scid  }
0x8b: {  	s0 =	sand.u32 $0x1, s1  }
0x8c: {  	s14 =	sshll.u32 s0, $0xA;
	s2 =	sadd.s32 s3, s2  }
0x8d: {  	s2 =	sadd.s32 s2, s14  }
0x8e: {  	[smem:$0x3FC2] =	sst s2  }
0x8f: {  	_ = 	snop  }
0x90: {  	s2 =	sld [smem:$0x3FD0];
	_ =	sdelay $0x2  }
0x91: {  	s15 =	simm.s32 $0xB;
	s4 =	simm.s32 $0x10  }
0x92: {  	[smem:s4], [sflag:s15] =	dma.local [hbm:s2], $0x1  }
0x93: {  	_ =	swait.eq [sflag:s15], $0x1  }
0x94: {  	[sflag:s15] =	ssyncset.done $0x0  }
0x95: {  	[sflag:s15] =	ssyncadd.s32 $0xFFFFFFFF  }
0x96: {  	s16 =	sld [smem:$0x10];
	(tm) =	ssettm $0x1  }
0x97: {  	s17 =	sld [smem:$0x3FFB];
	_ =	sdelay $0x3  }
0x98: {  	_ =	strace s17  }
0x99: {  	s3 =	sld [smem:$0x3FFC];
	_ =	sdelay $0x3  }
0x9a: {  	_ =	strace s3  }
0x9b: {  	s3 =	sld [smem:$0x3FFD];
	_ =	sdelay $0x3  }
0x9c: {  	_ =	strace s3  }
0x9d: {  	_ =	strace $0x8FFFFFFF  }
0x9e: {  	s18 =	sld [smem:$0x3FDB];
	_ =	sdelay $0x1  }
0x9f: {  	s19 =	simm.s32 $_scs_section_size  }
0xa0: {  	s5 =	simm.s32 $_size__tile_overlayer_lowered;
	s6 =	simm.s32 $_tile_overlayer_lowered  }
0xa1: {  	s22 =	simm.s32 $0x1BFF;
	s21 =	sshll.u32 s6, $0x1;
	s3 =	sadd.s32 s19, s18  }
0xa2: {  	s7 =	simm.s32 $0x0;
	s20 =	sshll.u32 s5, $0x1;
	s5 =	sadd.s32 s21, s3  }
0xa3: {  	[timem:s7], [sflag:s22] =	dma.local [hbm:s5], s20  }
0xa4: {  	_ =	swait.ge [sflag:s22], s20  }
0xa5: {  	s4 =	ssub.s32 $0x0, s20;
	[sflag:s22] =	ssyncset.done $0x0  }
0xa6: {  	[sflag:s22] =	ssyncadd.s32 s4;
	_ =	sdelay $0x1  }
0xa7: {  	s23 =	simm.s32 $0x1B8B  }
0xa8: {  	_ =	swait.ge [sflag:s23], $0x1  }
0xa9: {  	[sflag:s23] =	ssyncset.done $0x0  }
0xaa: {  	s25 =	simm.s32 $0x1B8E;
	s24 =	sld [smem:$0x3FFE];
	[sflag:s23] =	ssyncadd.s32 $0xFFFFFFFF  }
0xab: {  	s26 =	simm.s32 $execute0_lowered;
	[smem:$0x3FD2] =	sst s25  }
0xac: {  	s5 =	sshll.u32 s26, $0x1;
	_ =	strace $0x80000046;
	[dreg:$0x1] =	wrdreg $0xFFFFFFFF  }
0xad: {  	s28 =	simm.s32 $_size_execute0_lowered;
	s3 =	sadd.s32 s3, s5;
	[dreg:$0x0] =	wrdreg $0x0  }
0xae: {  	s5 =	sshll.u32 s28, $0x1;
	[dreg:$0x2] =	wrdreg s3  }
0xaf: {  	[dreg:$0x3] =	wrdreg s5  }
0xb0: {  	[dreg:$0x4] =	wrdreg $0xC0  }
0xb1: {  	_ =	task [dreg:s7], $0x5FFFF  }
0xb2: {  	[dreg:$0x1] =	wrdreg $0xFFFFFFFF  }
0xb3: {  	[dreg:$0x0] =	wrdreg $0x60  }
0xb4: {  	[dreg:$0x2] =	wrdreg s16  }
0xb5: {  	[dreg:$0x3] =	wrdreg s24  }
0xb6: {  	[dreg:$0x4] =	wrdreg $0x118000  }
0xb7: {  	[dreg:$0x5] =	wrdreg $0x1B8000  }
0xb8: {  	[dreg:$0x6] =	wrdreg $0x9  }
0xb9: {  	_ =	task.clear_ibuf [dreg:s7], $0x7FFFF;
	_ =	strace $0x90000046  }
0xba: {  	s29 =	simm.s32 $0x9;
	_ =	strace $0x80000048  }
0xbb: {  	_ =	swait.ge [sflag:s29], $0x1  }
0xbc: {  	[sflag:s29] =	ssyncadd.s32 $0xFFFFFFFF  }
0xbd: {  	_ =	strace $0x90000048  }
0xbe: {  	_ =	sfence  }
0xbf: {  	s30 =	sld [smem:$0x0];
	_ =	sdelay $0x2  }
0xc0: {  	s31 =	sshll.u32 s1, $0xD;
	s1 =	sshrl.u32 s1, $0x2  }
0xc1: {  	s3 =	sand.u32 $0x4000, s31;
	s1 =	sadd.s32 s1, s30  }
0xc2: {  	s0 =	sor.u32 s3, s0;
	s1 =	sshll.u32 s1, $0x11  }
0xc3: {  	s0 =	sor.u32 s1, s0  }
0xc4: {  	s0 =	sadd.s32 $0x8F2B, s0  }
0xc5: {  	[sflag:s0] =	ssyncadd.remote.s32 $0x1  }
0xc6: {  	_ =	sfence.sel $0xFFFF  }
0xc7: {  	[dreg:$0x0] =	wrdreg $0xFFFFFFFF;
	(pc) =	sbr.abs _section_cstart, $3  }
0xc8: {  	[dreg:$0x1] =	wrdreg $0xFFFFFFFF  }
0xc9: {  	_ =	task.clear_ibuf [dreg:s7], $0x2FFFF;
	_ =	strace $0x9FFFFFFF  }
0xca: {  	(tm) =	ssettm $0x7FFFFFFF  }
0xcb: {  	_ =	shalt  }
tec
execute0_lowered:
.L_overlay_start_1:
0x0: {  	(tag) =	ssettag $0x1  }
0x1: {  	s1 =	rddreg [dreg:$0x0]  }
0x2: {  	s0 =	rddreg [dreg:$0x1]  }
0x3: {  	s2 =	rddreg [dreg:$0x2]  }
0x4: {  	s4 =	rddreg [dreg:$0x3]  }
0x5: {  	s5 =	simm.s32 $0x0;
	s16 =	stileid.u32;
	s8 =	srdreg.scid  }
0x6: {  	s28 =	simm.s32 $0xF400;
	s31 =	simm.s32 $0xC;
	s3 =	smul.u32 $0x500, s16  }
0x7: {  	[smem:$0x7FF] =	sst s5;
	s7 =	smul.u32 $0x1400, s16;
	s8 =	sand.u32 $0x1, s8  }
0x8: {  	s9 =	smul.u32 $0x2800, s16;
	s10 =	sadd.s32 $0x1FE00, s0;
	s17 =	sadd.s32 $0x20000, s0  }
0x9: {  	s14 =	smul.u32 $0x280, s16;
	_ =	strace $0x80000047;
	[dreg:$0x5] =	wrdreg s10  }
0xa: {  	s11 =	sadd.s32 $0x1FC00, s0;
	s16 =	smul.u32 $0xA000, s16;
	[dreg:$0x6] =	wrdreg s17  }
0xb: {  	s6 =	sadd.s32 $0xBC00, s0;
	s18 =	smul.u32 $0x50000, s8;
	[dreg:$0x7] =	wrdreg s11  }
0xc: {  	s11 =	sadd.s32 $0x22C00, s0;
	s13 =	ssub.s32 $0x2, s8;
	s20 =	sshllo.u32 s8, $0x1  }
0xd: {  	s8 =	smul.u32 $0x140000, s8;
	s3 =	sadd.s32 s3, s0;
	s12 =	sshrl.u32 s7, $0x3  }
0xe: {  	s15 =	sshrl.u32 s13, $0x1;
	s25 =	sadd.s32 s16, s2;
	s19 =	sadd.s32 $0x80, s14  }
0xf: {  	s30 =	sadd.s32 s7, s4;
	s22 =	smul.u32 $0x28000, s20;
	s24 =	sadd.s32 $0x100, s14  }
0x10: {  	s10 =	sadd.s32 s9, s18;
	s0 =	sadd.s32 s12, s0;
	s12 =	ssub.s32 s13, s15  }
0x11: {  	s21 =	sshll.u32 s19, $0x6;
	s23 =	sshll.u32 s19, $0x3;
	s29 =	sshll.u32 s24, $0x6  }
0x12: {  	s13 =	smul.u32 $0xA0000, s20;
	s15 =	sadd.s32 $0x180, s14;
	[dreg:$0x9] =	wrdreg s25  }
0x13: {  	s17 =	sadd.s32 s16, s8;
	s8 =	simm.s32 $0x9000;
	[dreg:$0xa] =	wrdreg s30  }
0x14: {  	s10 =	sshrl.u32 s10, $0x3;
	s7 =	sadd.s32 s21, s2;
	s26 =	sadd.s32 s9, s22  }
0x15: {  	s9 =	sadd.s32 s29, s2;
	s19 =	sshll.u32 s15, $0x6;
	s20 =	sshrl.u32 s17, $0x3  }
0x16: {  	s21 =	sadd.s32 $0x200, s14;
	s0 =	sadd.s32 $0x20400, s0;
	[dreg:$0xb] =	wrdreg s7  }
0x17: {  	s29 =	sadd.s32 $0x1C80, s3;
	s3 =	simm.s32 $0x5000;
	[dreg:$0xd] =	wrdreg s9  }
0x18: {  	s14 =	simm.s32 $0x0;
	s10 =	sadd.s32 s6, s10;
	[dreg:$0x16] =	wrdreg s0  }
0x19: {  	s7 =	sadd.s32 s23, s4;
	s18 =	sadd.s32 s16, s13;
	[dreg:$0x18] =	wrdreg s29  }
0x1a: {  	s23 =	sshll.u32 s21, $0x6;
	s0 =	simm.s32 $0x80;
	[dreg:$0x8] =	wrdreg s10  }
0x1b: {  	s13 =	simm.s32 $0xB000;
	s16 =	simm.s32 $0xD000;
	[dreg:$0xc] =	wrdreg s7  }
0x1c: {  	s10 =	sshll.u32 s24, $0x3;
	s7 =	sshrl.u32 s26, $0x3;
	s22 =	sshrl.u32 s18, $0x3  }
0x1d: {  	s26 =	smax.u32 s12, $0x1;
	s12 =	simm.s32 $0xD;
	s18 =	simm.s32 $0x1  }
0x1e: {  	s9 =	sadd.s32 s10, s4;
	s6 =	sadd.s32 s6, s7;
	[dreg:$0x17] =	wrdreg s26  }
0x1f: {  	s7 =	sshll.u32 s21, $0x3;
	s26 =	simm.s32 $0xF000;
	[dreg:$0xe] =	wrdreg s9  }
0x20: {  	[dreg:$0xf] =	wrdreg s6;
	s6 =	sshll.u32 s15, $0x3;
	s9 =	sadd.s32 s19, s2  }
0x21: {  	s24 =	sadd.s32 s7, s4;
	s19 =	simm.s32 $0x2;
	s7 =	simm.s32 $0x4  }
0x22: {  	s15 =	simm.s32 $0x8;
	[dreg:$0x10] =	wrdreg s9;
	s6 =	sadd.s32 s6, s4  }
0x23: {  	[dreg:$0x15] =	wrdreg s24;
	s9 =	simm.s32 $0x5;
	s24 =	simm.s32 $0x9  }
0x24: {  	[dreg:$0x11] =	wrdreg s6;
	s6 =	sadd.s32 s11, s20;
	s20 =	simm.s32 $0x3  }
0x25: {  	[dreg:$0x12] =	wrdreg s6;
	s6 =	sadd.s32 s11, s22;
	s22 =	simm.s32 $0x6  }
0x26: {  	s11 =	simm.s32 $0xA;
	[dreg:$0x13] =	wrdreg s6;
	s6 =	sadd.s32 s23, s2  }
0x27: {  	s23 =	simm.s32 $0x7;
	[dreg:$0x14] =	wrdreg s6;
	s6 =	simm.s32 $0x7000  }
.LBB2_1:
0x28: {  	[dreg:$0x19] =	wrdreg s14  }
0x29: {  	s10 =	rddreg [dreg:$0x5]  }
0x2a: {  	[tilespmem:s26], [sflag:$0xD] =	stream.linear.gather [hbm4b:s10+s5], $0x400, $0x38;
	[tilespmem:$0x1CC00] =	vst v63  }
0x2b: {  	_ =	swait.ge [sflag:s12], $0x400  }
0x2c: {  	[sflag:s12] =	ssyncset.done $0x0  }
0x2d: {  	s17 =	rddreg [dreg:$0x6];
	[sflag:s12] =	ssyncadd.s32 $0xFFFFFC00  }
0x2e: {  	[tilespmem:s28], [sflag:$0xD] =	stream.linear.gather [hbm4b:s17+s5], $0x2000, $0x38;
	[tilespmem:$0x1CC00] =	vst v63  }
0x2f: {  	_ =	swait.ge [sflag:s12], $0x2000  }
0x30: {  	[sflag:s12] =	ssyncset.done $0x0  }
0x31: {  	s25 =	simm.s32 $0x11400;
	s21 =	rddreg [dreg:$0x7];
	[sflag:s12] =	ssyncadd.s32 $0xFFFFE000  }
0x32: {  	[tilespmem:s25], [sflag:$0xD] =	stream.linear.gather [hbm4b:s21+s5], $0x400, $0x38;
	[tilespmem:$0x1CC00] =	vst v63  }
0x33: {  	_ =	swait.ge [sflag:s12], $0x400  }
0x34: {  	[sflag:s12] =	ssyncset.done $0x0  }
0x35: {  	[sflag:s12] =	ssyncadd.s32 $0xFFFFFC00;
	s12 =	rddreg [dreg:$0x18]  }
0x36: {  	s30 =	simm.s32 $0x2800;
	s28 =	sadd.s32 $0xFFFFFF80, s12  }
0x37: {  	[tilespmem:s30], [sflag:$0xC] =	stream.linear.gather [hbm4b:s28+s5], $0x80, $0x38;
	[tilespmem:$0x1CC00] =	vst v63  }
0x38: {  	s14 =	simm.s32 $0x2880;
	s17 =	sadd.s32 $0xFFFFFF90, s12  }
0x39: {  	[tilespmem:s14], [sflag:$0xC] =	stream.linear.gather [hbm4b:s17+s5], $0x80, $0x38;
	[tilespmem:$0x1CC00] =	vst v63  }
0x3a: {  	s21 =	simm.s32 $0x2900;
	s25 =	sadd.s32 $0xFFFFFFA0, s12  }
0x3b: {  	[tilespmem:s21], [sflag:$0xC] =	stream.linear.gather [hbm4b:s25+s5], $0x80, $0x38;
	[tilespmem:$0x1CC00] =	vst v63  }
0x3c: {  	s28 =	simm.s32 $0x2980;
	s30 =	sadd.s32 $0xFFFFFFB0, s12  }
0x3d: {  	[tilespmem:s28], [sflag:$0xC] =	stream.linear.gather [hbm4b:s30+s5], $0x80, $0x38;
	[tilespmem:$0x1CC00] =	vst v63  }
0x3e: {  	s14 =	simm.s32 $0x2A00;
	s17 =	sadd.s32 $0xFFFFFFC0, s12  }
0x3f: {  	[tilespmem:s14], [sflag:$0xC] =	stream.linear.gather [hbm4b:s17+s5], $0x80, $0x38;
	[tilespmem:$0x1CC00] =	vst v63  }
0x40: {  	s21 =	simm.s32 $0x2A80;
	s25 =	sadd.s32 $0xFFFFFFD0, s12  }
0x41: {  	[tilespmem:s21], [sflag:$0xC] =	stream.linear.gather [hbm4b:s25+s5], $0x80, $0x38;
	[tilespmem:$0x1CC00] =	vst v63  }
0x42: {  	s28 =	simm.s32 $0x2B00;
	s30 =	sadd.s32 $0xFFFFFFE0, s12  }
0x43: {  	[tilespmem:s28], [sflag:$0xC] =	stream.linear.gather [hbm4b:s30+s5], $0x80, $0x38;
	[tilespmem:$0x1CC00] =	vst v63  }
0x44: {  	s17 =	simm.s32 $0x2B80;
	s21 =	sadd.s32 $0xFFFFFFF0, s12  }
0x45: {  	[tilespmem:s17], [sflag:$0xC] =	stream.linear.gather [hbm4b:s21+s5], $0x80, $0x38;
	[tilespmem:$0x1CC00] =	vst v63  }
0x46: {  	s25 =	simm.s32 $0x2C00  }
0x47: {  	[tilespmem:s25], [sflag:$0xC] =	stream.linear.gather [hbm4b:s12+s5], $0x80, $0x38;
	[tilespmem:$0x1CC00] =	vst v63  }
0x48: {  	s28 =	simm.s32 $0x2C80;
	s30 =	sadd.s32 $0x10, s12  }
0x49: {  	[tilespmem:s28], [sflag:$0xC] =	stream.linear.gather [hbm4b:s30+s5], $0x80, $0x38;
	[tilespmem:$0x1CC00] =	vst v63  }
0x4a: {  	s14 =	simm.s32 $0x2D00;
	s17 =	sadd.s32 $0x20, s12  }
0x4b: {  	[tilespmem:s14], [sflag:$0xC] =	stream.linear.gather [hbm4b:s17+s5], $0x80, $0x38;
	[tilespmem:$0x1CC00] =	vst v63  }
0x4c: {  	s21 =	simm.s32 $0x2D80;
	s25 =	sadd.s32 $0x30, s12  }
0x4d: {  	[tilespmem:s21], [sflag:$0xC] =	stream.linear.gather [hbm4b:s25+s5], $0x80, $0x38;
	[tilespmem:$0x1CC00] =	vst v63  }
0x4e: {  	s28 =	simm.s32 $0x2E00;
	s30 =	sadd.s32 $0x40, s12  }
0x4f: {  	[tilespmem:s28], [sflag:$0xC] =	stream.linear.gather [hbm4b:s30+s5], $0x80, $0x38;
	[tilespmem:$0x1CC00] =	vst v63  }
0x50: {  	s14 =	simm.s32 $0x2E80;
	s17 =	sadd.s32 $0x50, s12  }
0x51: {  	[tilespmem:s14], [sflag:$0xC] =	stream.linear.gather [hbm4b:s17+s5], $0x80, $0x38;
	[tilespmem:$0x1CC00] =	vst v63  }
0x52: {  	s21 =	simm.s32 $0x2F00;
	s25 =	sadd.s32 $0x60, s12  }
0x53: {  	[tilespmem:s21], [sflag:$0xC] =	stream.linear.gather [hbm4b:s25+s5], $0x80, $0x38;
	[tilespmem:$0x1CC00] =	vst v63  }
0x54: {  	s28 =	simm.s32 $0x2F80;
	s30 =	sadd.s32 $0x70, s12  }
0x55: {  	[tilespmem:s28], [sflag:$0xC] =	stream.linear.gather [hbm4b:s30+s5], $0x80, $0x38;
	[tilespmem:$0x1CC00] =	vst v63  }
0x56: {  	_ =	swait.ge [sflag:s31], $0x80  }
0x57: {  	[sflag:s31] =	ssyncset.done $0x0  }
0x58: {  	[sflag:s31] =	ssyncadd.s32 $0xFFFFFF80  }
0x59: {  	_ =	swait.ge [sflag:s31], $0x80  }
0x5a: {  	[sflag:s31] =	ssyncset.done $0x0  }
0x5b: {  	[sflag:s31] =	ssyncadd.s32 $0xFFFFFF80  }
0x5c: {  	_ =	swait.ge [sflag:s31], $0x80  }
0x5d: {  	[sflag:s31] =	ssyncset.done $0x0  }
0x5e: {  	[sflag:s31] =	ssyncadd.s32 $0xFFFFFF80  }
0x5f: {  	_ =	swait.ge [sflag:s31], $0x80  }
0x60: {  	[sflag:s31] =	ssyncset.done $0x0  }
0x61: {  	[sflag:s31] =	ssyncadd.s32 $0xFFFFFF80  }
0x62: {  	_ =	swait.ge [sflag:s31], $0x80  }
0x63: {  	[sflag:s31] =	ssyncset.done $0x0  }
0x64: {  	[sflag:s31] =	ssyncadd.s32 $0xFFFFFF80  }
0x65: {  	_ =	swait.ge [sflag:s31], $0x80  }
0x66: {  	[sflag:s31] =	ssyncset.done $0x0  }
0x67: {  	[sflag:s31] =	ssyncadd.s32 $0xFFFFFF80  }
0x68: {  	_ =	swait.ge [sflag:s31], $0x80  }
0x69: {  	[sflag:s31] =	ssyncset.done $0x0  }
0x6a: {  	[sflag:s31] =	ssyncadd.s32 $0xFFFFFF80  }
0x6b: {  	_ =	swait.ge [sflag:s31], $0x80  }
0x6c: {  	[sflag:s31] =	ssyncset.done $0x0  }
0x6d: {  	[sflag:s31] =	ssyncadd.s32 $0xFFFFFF80  }
0x6e: {  	_ =	swait.ge [sflag:s31], $0x80  }
0x6f: {  	[sflag:s31] =	ssyncset.done $0x0  }
0x70: {  	[sflag:s31] =	ssyncadd.s32 $0xFFFFFF80  }
0x71: {  	_ =	swait.ge [sflag:s31], $0x80  }
0x72: {  	[sflag:s31] =	ssyncset.done $0x0  }
0x73: {  	[sflag:s31] =	ssyncadd.s32 $0xFFFFFF80  }
0x74: {  	_ =	swait.ge [sflag:s31], $0x80  }
0x75: {  	[sflag:s31] =	ssyncset.done $0x0  }
0x76: {  	[sflag:s31] =	ssyncadd.s32 $0xFFFFFF80  }
0x77: {  	_ =	swait.ge [sflag:s31], $0x80  }
0x78: {  	[sflag:s31] =	ssyncset.done $0x0  }
0x79: {  	[sflag:s31] =	ssyncadd.s32 $0xFFFFFF80  }
0x7a: {  	_ =	swait.ge [sflag:s31], $0x80  }
0x7b: {  	[sflag:s31] =	ssyncset.done $0x0  }
0x7c: {  	[sflag:s31] =	ssyncadd.s32 $0xFFFFFF80  }
0x7d: {  	_ =	swait.ge [sflag:s31], $0x80  }
0x7e: {  	[sflag:s31] =	ssyncset.done $0x0  }
0x7f: {  	[sflag:s31] =	ssyncadd.s32 $0xFFFFFF80  }
0x80: {  	_ =	swait.ge [sflag:s31], $0x80  }
0x81: {  	[sflag:s31] =	ssyncset.done $0x0  }
0x82: {  	s29 =	simm.s32 $0x4000;
	[sflag:s31] =	ssyncadd.s32 $0xFFFFFF80  }
0x83: {  	s17 =	sadd.s32 $0x100, s12;
	s14 =	simm.s32 $0x800;
	_ =	swait.ge [sflag:s31], $0x80  }
0x84: {  	s10 =	sadd.s32 $0xFFFFFF80, s17;
	s21 =	sadd.s32 $0x100, s17;
	[sflag:s31] =	ssyncset.done $0x0  }
.LBB2_2:
0x85: {  	s28 =	sadd.s32 $0xFFFFFF80, s21  }
0x86: {  	s25 =	sadd.s32 $0x2800, s14;
	[sflag:s31] =	ssyncadd.s32 $0xFFFFFF80;
	s30 =	smov.u32 s29  }
0x87: {  	[tilespmem:s25], [sflag:$0xC] =	stream.linear.gather [hbm4b:s10+s5], $0x80, $0x38;
	[tilespmem:$0x1CC00] =	vst v63  }
0x88: {  	s12 =	sadd.s32 $0xFFFFFF90, s17;
	s25 =	sadd.s32 $0x2000, s29;
	s10 =	sadd.s32 $0x2880, s14  }
0x89: {  	[tilespmem:s10], [sflag:$0xC] =	stream.linear.gather [hbm4b:s12+s5], $0x80, $0x38;
	[tilespmem:$0x1CC00] =	vst v63  }
0x8a: {  	p0 =	sne.s32 s29, $0x8000;
	s10 =	sadd.s32 $0x2900, s14;
	s12 =	sadd.s32 $0xFFFFFFA0, s17  }
0x8b: {  	[tilespmem:s10], [sflag:$0xC] =	stream.linear.gather [hbm4b:s12+s5], $0x80, $0x38;
	[tilespmem:$0x1CC00] =	vst v63  }
0x8c: {  	s29 =	sadd.s32 $0xFFFFFFB0, s17;
	s12 =	sadd.s32 $0x2980, s14;
	s10 =	smov.u32 s28  }
0x8d: {  	[tilespmem:s12], [sflag:$0xC] =	stream.linear.gather [hbm4b:s29+s5], $0x80, $0x38;
	[tilespmem:$0x1CC00] =	vst v63  }
0x8e: {  	s28 =	sadd.s32 $0xFFFFFFC0, s17;
	s12 =	sadd.s32 $0x2A00, s14  }
0x8f: {  	[tilespmem:s12], [sflag:$0xC] =	stream.linear.gather [hbm4b:s28+s5], $0x80, $0x38;
	[tilespmem:$0x1CC00] =	vst v63  }
0x90: {  	s12 =	sadd.s32 $0x2A80, s14;
	s28 =	sadd.s32 $0xFFFFFFD0, s17  }
0x91: {  	[tilespmem:s12], [sflag:$0xC] =	stream.linear.gather [hbm4b:s28+s5], $0x80, $0x38;
	[tilespmem:$0x1CC00] =	vst v63  }
0x92: {  	s12 =	sadd.s32 $0x2B00, s14;
	s28 =	sadd.s32 $0xFFFFFFE0, s17  }
0x93: {  	[tilespmem:s12], [sflag:$0xC] =	stream.linear.gather [hbm4b:s28+s5], $0x80, $0x38;
	[tilespmem:$0x1CC00] =	vst v63  }
0x94: {  	s12 =	sadd.s32 $0x2B80, s14;
	s28 =	sadd.s32 $0xFFFFFFF0, s17  }
0x95: {  	[tilespmem:s12], [sflag:$0xC] =	stream.linear.gather [hbm4b:s28+s5], $0x80, $0x38;
	[tilespmem:$0x1CC00] =	vst v63  }
0x96: {  	s12 =	sadd.s32 $0x2C00, s14  }
0x97: {  	[tilespmem:s12], [sflag:$0xC] =	stream.linear.gather [hbm4b:s17+s5], $0x80, $0x38;
	[tilespmem:$0x1CC00] =	vst v63  }
0x98: {  	s28 =	sadd.s32 $0x10, s17;
	s12 =	sadd.s32 $0x2C80, s14  }
0x99: {  	[tilespmem:s12], [sflag:$0xC] =	stream.linear.gather [hbm4b:s28+s5], $0x80, $0x38;
	[tilespmem:$0x1CC00] =	vst v63  }
0x9a: {  	s12 =	sadd.s32 $0x2D00, s14;
	s28 =	sadd.s32 $0x20, s17  }
0x9b: {  	[tilespmem:s12], [sflag:$0xC] =	stream.linear.gather [hbm4b:s28+s5], $0x80, $0x38;
	[tilespmem:$0x1CC00] =	vst v63  }
0x9c: {  	s12 =	sadd.s32 $0x2D80, s14;
	s28 =	sadd.s32 $0x30, s17  }
0x9d: {  	[tilespmem:s12], [sflag:$0xC] =	stream.linear.gather [hbm4b:s28+s5], $0x80, $0x38;
	[tilespmem:$0x1CC00] =	vst v63  }
0x9e: {  	s12 =	sadd.s32 $0x2E00, s14;
	s28 =	sadd.s32 $0x40, s17  }
0x9f: {  	[tilespmem:s12], [sflag:$0xC] =	stream.linear.gather [hbm4b:s28+s5], $0x80, $0x38;
	[tilespmem:$0x1CC00] =	vst v63  }
0xa0: {  	s12 =	sadd.s32 $0x2E80, s14;
	s28 =	sadd.s32 $0x50, s17  }
0xa1: {  	[tilespmem:s12], [sflag:$0xC] =	stream.linear.gather [hbm4b:s28+s5], $0x80, $0x38;
	[tilespmem:$0x1CC00] =	vst v63  }
0xa2: {  	s12 =	sadd.s32 $0x2F00, s14;
	s28 =	sadd.s32 $0x60, s17  }
0xa3: {  	[tilespmem:s12], [sflag:$0xC] =	stream.linear.gather [hbm4b:s28+s5], $0x80, $0x38;
	[tilespmem:$0x1CC00] =	vst v63  }
0xa4: {  	s12 =	sadd.s32 $0x2F80, s14;
	s14 =	sadd.s32 $0x70, s17;
	s17 =	smov.u32 s21  }
0xa5: {  	[tilespmem:s12], [sflag:$0xC] =	stream.linear.gather [hbm4b:s14+s5], $0x80, $0x38;
	[tilespmem:$0x1CC00] =	vst v63  }
0xa6: {  	_ =	swait.ge [sflag:s31], $0x80  }
0xa7: {  	[sflag:s31] =	ssyncset.done $0x0  }
0xa8: {  	[sflag:s31] =	ssyncadd.s32 $0xFFFFFF80  }
0xa9: {  	_ =	swait.ge [sflag:s31], $0x80  }
0xaa: {  	[sflag:s31] =	ssyncset.done $0x0  }
0xab: {  	[sflag:s31] =	ssyncadd.s32 $0xFFFFFF80  }
0xac: {  	_ =	swait.ge [sflag:s31], $0x80  }
0xad: {  	[sflag:s31] =	ssyncset.done $0x0  }
0xae: {  	[sflag:s31] =	ssyncadd.s32 $0xFFFFFF80  }
0xaf: {  	_ =	swait.ge [sflag:s31], $0x80  }
0xb0: {  	[sflag:s31] =	ssyncset.done $0x0  }
0xb1: {  	[sflag:s31] =	ssyncadd.s32 $0xFFFFFF80  }
0xb2: {  	_ =	swait.ge [sflag:s31], $0x80  }
0xb3: {  	[sflag:s31] =	ssyncset.done $0x0  }
0xb4: {  	[sflag:s31] =	ssyncadd.s32 $0xFFFFFF80  }
0xb5: {  	_ =	swait.ge [sflag:s31], $0x80  }
0xb6: {  	[sflag:s31] =	ssyncset.done $0x0  }
0xb7: {  	[sflag:s31] =	ssyncadd.s32 $0xFFFFFF80  }
0xb8: {  	_ =	swait.ge [sflag:s31], $0x80  }
0xb9: {  	[sflag:s31] =	ssyncset.done $0x0  }
0xba: {  	[sflag:s31] =	ssyncadd.s32 $0xFFFFFF80  }
0xbb: {  	_ =	swait.ge [sflag:s31], $0x80  }
0xbc: {  	[sflag:s31] =	ssyncset.done $0x0  }
0xbd: {  	[sflag:s31] =	ssyncadd.s32 $0xFFFFFF80  }
0xbe: {  	_ =	swait.ge [sflag:s31], $0x80  }
0xbf: {  	[sflag:s31] =	ssyncset.done $0x0  }
0xc0: {  	[sflag:s31] =	ssyncadd.s32 $0xFFFFFF80  }
0xc1: {  	_ =	swait.ge [sflag:s31], $0x80  }
0xc2: {  	[sflag:s31] =	ssyncset.done $0x0  }
0xc3: {  	[sflag:s31] =	ssyncadd.s32 $0xFFFFFF80  }
0xc4: {  	_ =	swait.ge [sflag:s31], $0x80  }
0xc5: {  	[sflag:s31] =	ssyncset.done $0x0  }
0xc6: {  	[sflag:s31] =	ssyncadd.s32 $0xFFFFFF80  }
0xc7: {  	_ =	swait.ge [sflag:s31], $0x80  }
0xc8: {  	[sflag:s31] =	ssyncset.done $0x0  }
0xc9: {  	[sflag:s31] =	ssyncadd.s32 $0xFFFFFF80  }
0xca: {  	_ =	swait.ge [sflag:s31], $0x80  }
0xcb: {  	[sflag:s31] =	ssyncset.done $0x0  }
0xcc: {  	[sflag:s31] =	ssyncadd.s32 $0xFFFFFF80  }
0xcd: {  	_ =	swait.ge [sflag:s31], $0x80  }
0xce: {  	[sflag:s31] =	ssyncset.done $0x0  }
0xcf: {  	[sflag:s31] =	ssyncadd.s32 $0xFFFFFF80  }
.Ltmp0:
0xd0: {  	_ =	swait.ge [sflag:s31], $0x80;
	(pc) =	sbr.rel @p0 .LBB2_2-.Ltmp0, $4  }
0xd1: {  	[sflag:s31] =	ssyncset.done $0x0  }
0xd2: {  	[sflag:s31] =	ssyncadd.s32 $0xFFFFFF80  }
0xd3: {  	s29 =	smov.u32 s25;
	_ =	swait.ge [sflag:s31], $0x80  }
0xd4: {  	s21 =	sadd.s32 $0x100, s21;
	s14 =	sshra.s32 s30, $0x2;
	[sflag:s31] =	ssyncset.done $0x0  }
0xd5: {  	s12 =	sadd.s32 $0x2800, s14;
	[sflag:s31] =	ssyncadd.s32 $0xFFFFFF80  }
0xd6: {  	[tilespmem:s12], [sflag:$0xC] =	stream.linear.gather [hbm4b:s10+s5], $0x80, $0x38;
	[tilespmem:$0x1CC00] =	vst v63  }
0xd7: {  	s29 =	sadd.s32 $0x2880, s14;
	s30 =	sadd.s32 $0xFFFFFF90, s17  }
0xd8: {  	[tilespmem:s29], [sflag:$0xC] =	stream.linear.gather [hbm4b:s30+s5], $0x80, $0x38;
	[tilespmem:$0x1CC00] =	vst v63  }
0xd9: {  	s21 =	sadd.s32 $0x2900, s14;
	s25 =	sadd.s32 $0xFFFFFFA0, s17  }
0xda: {  	[tilespmem:s21], [sflag:$0xC] =	stream.linear.gather [hbm4b:s25+s5], $0x80, $0x38;
	[tilespmem:$0x1CC00] =	vst v63  }
0xdb: {  	s29 =	sadd.s32 $0x2980, s14;
	s30 =	sadd.s32 $0xFFFFFFB0, s17  }
0xdc: {  	[tilespmem:s29], [sflag:$0xC] =	stream.linear.gather [hbm4b:s30+s5], $0x80, $0x38;
	[tilespmem:$0x1CC00] =	vst v63  }
0xdd: {  	s21 =	sadd.s32 $0x2A00, s14;
	s25 =	sadd.s32 $0xFFFFFFC0, s17  }
0xde: {  	[tilespmem:s21], [sflag:$0xC] =	stream.linear.gather [hbm4b:s25+s5], $0x80, $0x38;
	[tilespmem:$0x1CC00] =	vst v63  }
0xdf: {  	s29 =	sadd.s32 $0x2A80, s14;
	s30 =	sadd.s32 $0xFFFFFFD0, s17  }
0xe0: {  	[tilespmem:s29], [sflag:$0xC] =	stream.linear.gather [hbm4b:s30+s5], $0x80, $0x38;
	[tilespmem:$0x1CC00] =	vst v63  }
0xe1: {  	s21 =	sadd.s32 $0x2B00, s14;
	s25 =	sadd.s32 $0xFFFFFFE0, s17  }
0xe2: {  	[tilespmem:s21], [sflag:$0xC] =	stream.linear.gather [hbm4b:s25+s5], $0x80, $0x38;
	[tilespmem:$0x1CC00] =	vst v63  }
0xe3: {  	s29 =	sadd.s32 $0x2B80, s14;
	s30 =	sadd.s32 $0xFFFFFFF0, s17  }
0xe4: {  	[tilespmem:s29], [sflag:$0xC] =	stream.linear.gather [hbm4b:s30+s5], $0x80, $0x38;
	[tilespmem:$0x1CC00] =	vst v63  }
0xe5: {  	s12 =	sadd.s32 $0x2C00, s14  }
0xe6: {  	[tilespmem:s12], [sflag:$0xC] =	stream.linear.gather [hbm4b:s17+s5], $0x80, $0x38;
	[tilespmem:$0x1CC00] =	vst v63  }
0xe7: {  	s21 =	sadd.s32 $0x2C80, s14;
	s25 =	sadd.s32 $0x10, s17  }
0xe8: {  	[tilespmem:s21], [sflag:$0xC] =	stream.linear.gather [hbm4b:s25+s5], $0x80, $0x38;
	[tilespmem:$0x1CC00] =	vst v63  }
0xe9: {  	s29 =	sadd.s32 $0x2D00, s14;
	s30 =	sadd.s32 $0x20, s17  }
0xea: {  	[tilespmem:s29], [sflag:$0xC] =	stream.linear.gather [hbm4b:s30+s5], $0x80, $0x38;
	[tilespmem:$0x1CC00] =	vst v63  }
0xeb: {  	s21 =	sadd.s32 $0x2D80, s14;
	s25 =	sadd.s32 $0x30, s17  }
0xec: {  	[tilespmem:s21], [sflag:$0xC] =	stream.linear.gather [hbm4b:s25+s5], $0x80, $0x38;
	[tilespmem:$0x1CC00] =	vst v63  }
0xed: {  	s29 =	sadd.s32 $0x2E00, s14;
	s30 =	sadd.s32 $0x40, s17  }
0xee: {  	[tilespmem:s29], [sflag:$0xC] =	stream.linear.gather [hbm4b:s30+s5], $0x80, $0x38;
	[tilespmem:$0x1CC00] =	vst v63  }
0xef: {  	s21 =	sadd.s32 $0x2E80, s14;
	s25 =	sadd.s32 $0x50, s17  }
0xf0: {  	[tilespmem:s21], [sflag:$0xC] =	stream.linear.gather [hbm4b:s25+s5], $0x80, $0x38;
	[tilespmem:$0x1CC00] =	vst v63  }
0xf1: {  	s29 =	sadd.s32 $0x2F00, s14;
	s30 =	sadd.s32 $0x60, s17  }
0xf2: {  	[tilespmem:s29], [sflag:$0xC] =	stream.linear.gather [hbm4b:s30+s5], $0x80, $0x38;
	[tilespmem:$0x1CC00] =	vst v63  }
0xf3: {  	s14 =	sadd.s32 $0x2F80, s14;
	s21 =	sadd.s32 $0x70, s17  }
0xf4: {  	[tilespmem:s14], [sflag:$0xC] =	stream.linear.gather [hbm4b:s21+s5], $0x80, $0x38;
	[tilespmem:$0x1CC00] =	vst v63  }
0xf5: {  	_ =	swait.ge [sflag:s31], $0x80  }
0xf6: {  	[sflag:s31] =	ssyncset.done $0x0  }
0xf7: {  	[sflag:s31] =	ssyncadd.s32 $0xFFFFFF80  }
0xf8: {  	_ =	swait.ge [sflag:s31], $0x80  }
0xf9: {  	[sflag:s31] =	ssyncset.done $0x0  }
0xfa: {  	[sflag:s31] =	ssyncadd.s32 $0xFFFFFF80  }
0xfb: {  	_ =	swait.ge [sflag:s31], $0x80  }
0xfc: {  	[sflag:s31] =	ssyncset.done $0x0  }
0xfd: {  	[sflag:s31] =	ssyncadd.s32 $0xFFFFFF80  }
0xfe: {  	_ =	swait.ge [sflag:s31], $0x80  }
0xff: {  	[sflag:s31] =	ssyncset.done $0x0  }
0x100: {  	[sflag:s31] =	ssyncadd.s32 $0xFFFFFF80  }
0x101: {  	_ =	swait.ge [sflag:s31], $0x80  }
0x102: {  	[sflag:s31] =	ssyncset.done $0x0  }
0x103: {  	[sflag:s31] =	ssyncadd.s32 $0xFFFFFF80  }
0x104: {  	_ =	swait.ge [sflag:s31], $0x80  }
0x105: {  	[sflag:s31] =	ssyncset.done $0x0  }
0x106: {  	[sflag:s31] =	ssyncadd.s32 $0xFFFFFF80  }
0x107: {  	_ =	swait.ge [sflag:s31], $0x80  }
0x108: {  	[sflag:s31] =	ssyncset.done $0x0  }
0x109: {  	[sflag:s31] =	ssyncadd.s32 $0xFFFFFF80  }
0x10a: {  	_ =	swait.ge [sflag:s31], $0x80  }
0x10b: {  	[sflag:s31] =	ssyncset.done $0x0  }
0x10c: {  	[sflag:s31] =	ssyncadd.s32 $0xFFFFFF80  }
0x10d: {  	_ =	swait.ge [sflag:s31], $0x80  }
0x10e: {  	[sflag:s31] =	ssyncset.done $0x0  }
0x10f: {  	[sflag:s31] =	ssyncadd.s32 $0xFFFFFF80  }
0x110: {  	_ =	swait.ge [sflag:s31], $0x80  }
0x111: {  	[sflag:s31] =	ssyncset.done $0x0  }
0x112: {  	[sflag:s31] =	ssyncadd.s32 $0xFFFFFF80  }
0x113: {  	_ =	swait.ge [sflag:s31], $0x80  }
0x114: {  	[sflag:s31] =	ssyncset.done $0x0  }
0x115: {  	[sflag:s31] =	ssyncadd.s32 $0xFFFFFF80  }
0x116: {  	_ =	swait.ge [sflag:s31], $0x80  }
0x117: {  	[sflag:s31] =	ssyncset.done $0x0  }
0x118: {  	[sflag:s31] =	ssyncadd.s32 $0xFFFFFF80  }
0x119: {  	_ =	swait.ge [sflag:s31], $0x80  }
0x11a: {  	[sflag:s31] =	ssyncset.done $0x0  }
0x11b: {  	[sflag:s31] =	ssyncadd.s32 $0xFFFFFF80  }
0x11c: {  	_ =	swait.ge [sflag:s31], $0x80  }
0x11d: {  	[sflag:s31] =	ssyncset.done $0x0  }
0x11e: {  	[sflag:s31] =	ssyncadd.s32 $0xFFFFFF80  }
0x11f: {  	_ =	swait.ge [sflag:s31], $0x80  }
0x120: {  	[sflag:s31] =	ssyncset.done $0x0  }
0x121: {  	[sflag:s31] =	ssyncadd.s32 $0xFFFFFF80  }
0x122: {  	_ =	swait.ge [sflag:s31], $0x80  }
0x123: {  	s10 =	simm.s32 $0x0;
	[sflag:s31] =	ssyncset.done $0x0  }
0x124: {  	s14 =	simm.s32 $0xD;
	s25 =	rddreg [dreg:$0x8];
	[sflag:s31] =	ssyncadd.s32 $0xFFFFFF80  }
0x125: {  	[tilespmem:s10], [sflag:$0xD] =	stream.linear.gather [hbm4b:s25+s10], $0x2800, $0x38;
	[tilespmem:$0x1CC00] =	vst v63  }
0x126: {  	_ =	swait.ge [sflag:s14], $0x2800  }
0x127: {  	[sflag:s14] =	ssyncset.done $0x0  }
0x128: {  	s17 =	simm.s32 $0xF400;
	s25 =	rddreg [dreg:$0x9];
	[sflag:s14] =	ssyncadd.s32 $0xFFFFD800  }
0x129: {  	[spmem:s25] =	stream.linear.scatter [tilespmem:s17], [sflag:$0xD], $0x2000, $0x38;
	[tilespmem:$0x1CC00] =	vst v63  }
0x12a: {  	_ =	swait.ge [sflag:s14], $0x2000  }
0x12b: {  	[sflag:s14] =	ssyncset.done $0x0  }
0x12c: {  	s21 =	simm.s32 $0x11400;
	s28 =	rddreg [dreg:$0xa];
	[sflag:s14] =	ssyncadd.s32 $0xFFFFE000  }
0x12d: {  	[spmem:s28] =	stream.linear.scatter [tilespmem:s21], [sflag:$0xD], $0x400, $0x38;
	[tilespmem:$0x1CC00] =	vst v63  }
0x12e: {  	_ =	swait.ge [sflag:s14], $0x400  }
0x12f: {  	[sflag:s14] =	ssyncset.done $0x0  }
0x130: {  	s29 =	rddreg [dreg:$0xb];
	[sflag:s14] =	ssyncadd.s32 $0xFFFFFC00  }
0x131: {  	[spmem:s29] =	stream.linear.scatter [tilespmem:s17], [sflag:$0xD], $0x2000, $0x38;
	[tilespmem:$0x1CC00] =	vst v63  }
0x132: {  	_ =	swait.ge [sflag:s14], $0x2000  }
0x133: {  	[sflag:s14] =	ssyncset.done $0x0  }
0x134: {  	s30 =	rddreg [dreg:$0xc];
	[sflag:s14] =	ssyncadd.s32 $0xFFFFE000  }
0x135: {  	[spmem:s30] =	stream.linear.scatter [tilespmem:s21], [sflag:$0xD], $0x400, $0x38;
	[tilespmem:$0x1CC00] =	vst v63  }
0x136: {  	_ =	swait.ge [sflag:s14], $0x400  }
0x137: {  	[sflag:s14] =	ssyncset.done $0x0  }
0x138: {  	s29 =	rddreg [dreg:$0xd];
	[sflag:s14] =	ssyncadd.s32 $0xFFFFFC00  }
0x139: {  	[spmem:s29] =	stream.linear.scatter [tilespmem:s17], [sflag:$0xD], $0x2000, $0x38;
	[tilespmem:$0x1CC00] =	vst v63  }
0x13a: {  	_ =	swait.ge [sflag:s14], $0x2000  }
0x13b: {  	[sflag:s14] =	ssyncset.done $0x0  }
0x13c: {  	s30 =	rddreg [dreg:$0xe];
	[sflag:s14] =	ssyncadd.s32 $0xFFFFE000  }
0x13d: {  	[spmem:s30] =	stream.linear.scatter [tilespmem:s21], [sflag:$0xD], $0x400, $0x38;
	[tilespmem:$0x1CC00] =	vst v63  }
0x13e: {  	_ =	swait.ge [sflag:s14], $0x400  }
0x13f: {  	[sflag:s14] =	ssyncset.done $0x0  }
0x140: {  	s29 =	rddreg [dreg:$0x10];
	[sflag:s14] =	ssyncadd.s32 $0xFFFFFC00  }
0x141: {  	[spmem:s29] =	stream.linear.scatter [tilespmem:s17], [sflag:$0xD], $0x2000, $0x38;
	[tilespmem:$0x1CC00] =	vst v63  }
0x142: {  	_ =	swait.ge [sflag:s14], $0x2000  }
0x143: {  	[sflag:s14] =	ssyncset.done $0x0  }
0x144: {  	s30 =	rddreg [dreg:$0x11];
	[sflag:s14] =	ssyncadd.s32 $0xFFFFE000  }
0x145: {  	[spmem:s30] =	stream.linear.scatter [tilespmem:s21], [sflag:$0xD], $0x400, $0x38;
	[tilespmem:$0x1CC00] =	vst v63  }
0x146: {  	_ =	swait.ge [sflag:s14], $0x400  }
0x147: {  	[sflag:s14] =	ssyncset.done $0x0  }
0x148: {  	s29 =	rddreg [dreg:$0x14];
	[sflag:s14] =	ssyncadd.s32 $0xFFFFFC00  }
0x149: {  	[spmem:s29] =	stream.linear.scatter [tilespmem:s17], [sflag:$0xD], $0x2000, $0x38;
	[tilespmem:$0x1CC00] =	vst v63  }
0x14a: {  	_ =	swait.ge [sflag:s14], $0x2000  }
0x14b: {  	[sflag:s14] =	ssyncset.done $0x0  }
0x14c: {  	s30 =	rddreg [dreg:$0x15];
	[sflag:s14] =	ssyncadd.s32 $0xFFFFE000  }
0x14d: {  	[spmem:s30] =	stream.linear.scatter [tilespmem:s21], [sflag:$0xD], $0x400, $0x38;
	[tilespmem:$0x1CC00] =	vst v63  }
0x14e: {  	_ =	swait.ge [sflag:s14], $0x400  }
0x14f: {  	[sflag:s14] =	ssyncset.done $0x0  }
0x150: {  	[sflag:s14] =	ssyncadd.s32 $0xFFFFFC00  }
0x151: {  	[bflag:$0x0] =	sbarrier.arrive $0xFFFF  }
0x152: {  	[tilespmem:s3], [sflag:$0x1] =	stream.indirect.gather [hbm4b:s1+s0], $0x40, s10, s0, $0xb8;
	[tilespmem:$0x1CC00] =	vst v63  }
0x153: {  	_ = 	snop  }
0x154: {  	[tilespmem:s6], [sflag:$0x2] =	stream.indirect.gather [hbm4b:s1+s0], $0x40, s0, s0, $0xb8;
	[tilespmem:$0x1CC00] =	vst v63  }
0x155: {  	s12 =	simm.s32 $0x100  }
0x156: {  	[tilespmem:s8], [sflag:$0x3] =	stream.indirect.gather [hbm4b:s1+s0], $0x40, s12, s0, $0xb8;
	[tilespmem:$0x1CC00] =	vst v63  }
0x157: {  	s14 =	simm.s32 $0x180  }
0x158: {  	[tilespmem:s13], [sflag:$0x4] =	stream.indirect.gather [hbm4b:s1+s0], $0x40, s14, s0, $0xb8;
	[tilespmem:$0x1CC00] =	vst v63  }
0x159: {  	s17 =	simm.s32 $0x200  }
0x15a: {  	[tilespmem:s16], [sflag:$0x5] =	stream.indirect.gather [hbm4b:s1+s0], $0x40, s17, s0, $0xb8;
	[tilespmem:$0x1CC00] =	vst v63  }
0x15b: {  	_ =	swait.ge [sflag:s18], $0x2000  }
0x15c: {  	[sflag:s18] =	ssyncset.done $0x0  }
0x15d: {  	s21 =	simm.s32 $0x2800;
	[sflag:s18] =	ssyncadd.s32 $0xFFFFE000  }
0x15e: {  	[spmem:s2] =	stream.indirect.scatter.add.f32 [tilespmem:s3], [sflag:$0x6], $0x40, s21, s0, $0xb8;
	[tilespmem:$0x1CC00] =	vst v63  }
0x15f: {  	_ = 	snop  }
0x160: {  	[spmem:s4] =	stream.indirect.scatter.add.f32 [tilespmem:s26], [sflag:$0xB], $0x8, s21, s0, $0xb8;
	[tilespmem:$0x1CC00] =	vst v63  }
0x161: {  	_ =	swait.ge [sflag:s19], $0x2000  }
0x162: {  	[sflag:s19] =	ssyncset.done $0x0  }
0x163: {  	s29 =	simm.s32 $0x2880;
	[sflag:s19] =	ssyncadd.s32 $0xFFFFE000  }
0x164: {  	[spmem:s2] =	stream.indirect.scatter.add.f32 [tilespmem:s6], [sflag:$0x7], $0x40, s29, s0, $0xb8;
	[tilespmem:$0x1CC00] =	vst v63  }
0x165: {  	_ = 	snop  }
0x166: {  	[spmem:s4] =	stream.indirect.scatter.add.f32 [tilespmem:s26], [sflag:$0xB], $0x8, s29, s0, $0xb8;
	[tilespmem:$0x1CC00] =	vst v63  }
0x167: {  	_ =	swait.ge [sflag:s20], $0x2000  }
0x168: {  	[sflag:s20] =	ssyncset.done $0x0  }
0x169: {  	s30 =	simm.s32 $0x2900;
	[sflag:s20] =	ssyncadd.s32 $0xFFFFE000  }
0x16a: {  	[spmem:s2] =	stream.indirect.scatter.add.f32 [tilespmem:s8], [sflag:$0x8], $0x40, s30, s0, $0xb8;
	[tilespmem:$0x1CC00] =	vst v63  }
0x16b: {  	_ = 	snop  }
0x16c: {  	[spmem:s4] =	stream.indirect.scatter.add.f32 [tilespmem:s26], [sflag:$0xB], $0x8, s30, s0, $0xb8;
	[tilespmem:$0x1CC00] =	vst v63  }
0x16d: {  	_ =	swait.ge [sflag:s7], $0x2000  }
0x16e: {  	[sflag:s7] =	ssyncset.done $0x0  }
0x16f: {  	s12 =	simm.s32 $0x2980;
	[sflag:s7] =	ssyncadd.s32 $0xFFFFE000  }
0x170: {  	[spmem:s2] =	stream.indirect.scatter.add.f32 [tilespmem:s13], [sflag:$0x9], $0x40, s12, s0, $0xb8;
	[tilespmem:$0x1CC00] =	vst v63  }
0x171: {  	_ = 	snop  }
0x172: {  	[spmem:s4] =	stream.indirect.scatter.add.f32 [tilespmem:s26], [sflag:$0xB], $0x8, s12, s0, $0xb8;
	[tilespmem:$0x1CC00] =	vst v63  }
0x173: {  	_ =	swait.ge [sflag:s9], $0x2000  }
0x174: {  	[sflag:s9] =	ssyncset.done $0x0  }
0x175: {  	s14 =	simm.s32 $0x2A00;
	[sflag:s9] =	ssyncadd.s32 $0xFFFFE000  }
0x176: {  	[spmem:s2] =	stream.indirect.scatter.add.f32 [tilespmem:s16], [sflag:$0xA], $0x40, s14, s0, $0xb8;
	[tilespmem:$0x1CC00] =	vst v63  }
0x177: {  	_ = 	snop  }
0x178: {  	[spmem:s4] =	stream.indirect.scatter.add.f32 [tilespmem:s26], [sflag:$0xB], $0x8, s14, s0, $0xb8;
	[tilespmem:$0x1CC00] =	vst v63  }
0x179: {  	_ =	swait.ge [sflag:s22], $0x2000  }
0x17a: {  	[sflag:s22] =	ssyncset.done $0x0  }
0x17b: {  	s17 =	simm.s32 $0x280;
	[sflag:s22] =	ssyncadd.s32 $0xFFFFE000  }
0x17c: {  	[tilespmem:s3], [sflag:$0x1] =	stream.indirect.gather [hbm4b:s1+s0], $0x40, s17, s0, $0xb8;
	[tilespmem:$0x1CC00] =	vst v63  }
0x17d: {  	_ =	swait.ge [sflag:s23], $0x2000  }
0x17e: {  	[sflag:s23] =	ssyncset.done $0x0  }
0x17f: {  	s21 =	simm.s32 $0x300;
	[sflag:s23] =	ssyncadd.s32 $0xFFFFE000  }
0x180: {  	[tilespmem:s6], [sflag:$0x2] =	stream.indirect.gather [hbm4b:s1+s0], $0x40, s21, s0, $0xb8;
	[tilespmem:$0x1CC00] =	vst v63  }
0x181: {  	_ =	swait.ge [sflag:s15], $0x2000  }
0x182: {  	[sflag:s15] =	ssyncset.done $0x0  }
0x183: {  	s29 =	simm.s32 $0x380;
	[sflag:s15] =	ssyncadd.s32 $0xFFFFE000  }
0x184: {  	[tilespmem:s8], [sflag:$0x3] =	stream.indirect.gather [hbm4b:s1+s0], $0x40, s29, s0, $0xb8;
	[tilespmem:$0x1CC00] =	vst v63  }
0x185: {  	_ =	swait.ge [sflag:s24], $0x2000  }
0x186: {  	[sflag:s24] =	ssyncset.done $0x0  }
0x187: {  	s30 =	simm.s32 $0x400;
	[sflag:s24] =	ssyncadd.s32 $0xFFFFE000  }
0x188: {  	[tilespmem:s13], [sflag:$0x4] =	stream.indirect.gather [hbm4b:s1+s0], $0x40, s30, s0, $0xb8;
	[tilespmem:$0x1CC00] =	vst v63  }
0x189: {  	_ =	swait.ge [sflag:s11], $0x2000  }
0x18a: {  	[sflag:s11] =	ssyncset.done $0x0  }
0x18b: {  	s10 =	simm.s32 $0xA00;
	s14 =	simm.s32 $0x480;
	[sflag:s11] =	ssyncadd.s32 $0xFFFFE000  }
.LBB2_4:
0x18c: {  	[tilespmem:s16], [sflag:$0x5] =	stream.indirect.gather [hbm4b:s1+s0], $0x40, s14, s0, $0xb8;
	[tilespmem:$0x1CC00] =	vst v63  }
0x18d: {  	s12 =	smov.u32 s10  }
0x18e: {  	p0 =	sne.s32 s10, $0x8C00;
	s10 =	sadd.s32 $0xA00, s10;
	_ =	swait.ge [sflag:s18], $0x2000  }
0x18f: {  	s14 =	sshra.s32 s12, $0x2;
	[sflag:s18] =	ssyncset.done $0x0  }
0x190: {  	s12 =	sadd.s32 $0x2800, s14;
	[sflag:s18] =	ssyncadd.s32 $0xFFFFE000  }
0x191: {  	[spmem:s2] =	stream.indirect.scatter.add.f32 [tilespmem:s3], [sflag:$0x6], $0x40, s12, s0, $0xb8;
	[tilespmem:$0x1CC00] =	vst v63  }
0x192: {  	_ = 	snop  }
0x193: {  	[spmem:s4] =	stream.indirect.scatter.add.f32 [tilespmem:s26], [sflag:$0xB], $0x8, s12, s0, $0xb8;
	[tilespmem:$0x1CC00] =	vst v63  }
0x194: {  	_ =	swait.ge [sflag:s19], $0x2000  }
0x195: {  	[sflag:s19] =	ssyncset.done $0x0  }
0x196: {  	s12 =	sadd.s32 $0x2880, s14;
	[sflag:s19] =	ssyncadd.s32 $0xFFFFE000  }
0x197: {  	[spmem:s2] =	stream.indirect.scatter.add.f32 [tilespmem:s6], [sflag:$0x7], $0x40, s12, s0, $0xb8;
	[tilespmem:$0x1CC00] =	vst v63  }
0x198: {  	_ = 	snop  }
0x199: {  	[spmem:s4] =	stream.indirect.scatter.add.f32 [tilespmem:s26], [sflag:$0xB], $0x8, s12, s0, $0xb8;
	[tilespmem:$0x1CC00] =	vst v63  }
0x19a: {  	_ =	swait.ge [sflag:s20], $0x2000  }
0x19b: {  	[sflag:s20] =	ssyncset.done $0x0  }
0x19c: {  	s12 =	sadd.s32 $0x2900, s14;
	[sflag:s20] =	ssyncadd.s32 $0xFFFFE000  }
0x19d: {  	[spmem:s2] =	stream.indirect.scatter.add.f32 [tilespmem:s8], [sflag:$0x8], $0x40, s12, s0, $0xb8;
	[tilespmem:$0x1CC00] =	vst v63  }
0x19e: {  	_ = 	snop  }
0x19f: {  	[spmem:s4] =	stream.indirect.scatter.add.f32 [tilespmem:s26], [sflag:$0xB], $0x8, s12, s0, $0xb8;
	[tilespmem:$0x1CC00] =	vst v63  }
0x1a0: {  	_ =	swait.ge [sflag:s7], $0x2000  }
0x1a1: {  	[sflag:s7] =	ssyncset.done $0x0  }
0x1a2: {  	s12 =	sadd.s32 $0x2980, s14;
	[sflag:s7] =	ssyncadd.s32 $0xFFFFE000  }
0x1a3: {  	[spmem:s2] =	stream.indirect.scatter.add.f32 [tilespmem:s13], [sflag:$0x9], $0x40, s12, s0, $0xb8;
	[tilespmem:$0x1CC00] =	vst v63  }
0x1a4: {  	_ = 	snop  }
0x1a5: {  	[spmem:s4] =	stream.indirect.scatter.add.f32 [tilespmem:s26], [sflag:$0xB], $0x8, s12, s0, $0xb8;
	[tilespmem:$0x1CC00] =	vst v63  }
0x1a6: {  	_ =	swait.ge [sflag:s9], $0x2000  }
0x1a7: {  	[sflag:s9] =	ssyncset.done $0x0  }
0x1a8: {  	s12 =	sadd.s32 $0x2A00, s14;
	[sflag:s9] =	ssyncadd.s32 $0xFFFFE000  }
0x1a9: {  	[spmem:s2] =	stream.indirect.scatter.add.f32 [tilespmem:s16], [sflag:$0xA], $0x40, s12, s0, $0xb8;
	[tilespmem:$0x1CC00] =	vst v63  }
0x1aa: {  	_ = 	snop  }
0x1ab: {  	[spmem:s4] =	stream.indirect.scatter.add.f32 [tilespmem:s26], [sflag:$0xB], $0x8, s12, s0, $0xb8;
	[tilespmem:$0x1CC00] =	vst v63  }
0x1ac: {  	_ =	swait.ge [sflag:s22], $0x2000  }
0x1ad: {  	[sflag:s22] =	ssyncset.done $0x0  }
0x1ae: {  	s12 =	sadd.s32 $0x280, s14;
	[sflag:s22] =	ssyncadd.s32 $0xFFFFE000  }
0x1af: {  	[tilespmem:s3], [sflag:$0x1] =	stream.indirect.gather [hbm4b:s1+s0], $0x40, s12, s0, $0xb8;
	[tilespmem:$0x1CC00] =	vst v63  }
0x1b0: {  	_ =	swait.ge [sflag:s23], $0x2000  }
0x1b1: {  	[sflag:s23] =	ssyncset.done $0x0  }
0x1b2: {  	s12 =	sadd.s32 $0x300, s14;
	[sflag:s23] =	ssyncadd.s32 $0xFFFFE000  }
0x1b3: {  	[tilespmem:s6], [sflag:$0x2] =	stream.indirect.gather [hbm4b:s1+s0], $0x40, s12, s0, $0xb8;
	[tilespmem:$0x1CC00] =	vst v63  }
0x1b4: {  	_ =	swait.ge [sflag:s15], $0x2000  }
0x1b5: {  	[sflag:s15] =	ssyncset.done $0x0  }
0x1b6: {  	s12 =	sadd.s32 $0x380, s14;
	[sflag:s15] =	ssyncadd.s32 $0xFFFFE000  }
0x1b7: {  	[tilespmem:s8], [sflag:$0x3] =	stream.indirect.gather [hbm4b:s1+s0], $0x40, s12, s0, $0xb8;
	[tilespmem:$0x1CC00] =	vst v63  }
0x1b8: {  	_ =	swait.ge [sflag:s24], $0x2000  }
0x1b9: {  	[sflag:s24] =	ssyncset.done $0x0  }
.Ltmp1:
0x1ba: {  	s12 =	sadd.s32 $0x400, s14;
	[sflag:s24] =	ssyncadd.s32 $0xFFFFE000;
	(pc) =	sbr.rel @p0 .LBB2_4-.Ltmp1, $4  }
0x1bb: {  	[tilespmem:s13], [sflag:$0x4] =	stream.indirect.gather [hbm4b:s1+s0], $0x40, s12, s0, $0xb8;
	[tilespmem:$0x1CC00] =	vst v63  }
0x1bc: {  	_ =	swait.ge [sflag:s11], $0x2000  }
0x1bd: {  	[sflag:s11] =	ssyncset.done $0x0  }
0x1be: {  	s14 =	sadd.s32 $0x480, s14;
	[sflag:s11] =	ssyncadd.s32 $0xFFFFE000  }
0x1bf: {  	[tilespmem:s16], [sflag:$0x5] =	stream.indirect.gather [hbm4b:s1+s0], $0x40, s14, s0, $0xb8;
	[tilespmem:$0x1CC00] =	vst v63  }
0x1c0: {  	_ =	swait.ge [sflag:s18], $0x2000  }
0x1c1: {  	[sflag:s18] =	ssyncset.done $0x0  }
0x1c2: {  	s10 =	simm.s32 $0x4D80;
	[sflag:s18] =	ssyncadd.s32 $0xFFFFE000  }
0x1c3: {  	[spmem:s2] =	stream.indirect.scatter.add.f32 [tilespmem:s3], [sflag:$0x6], $0x40, s10, s0, $0xb8;
	[tilespmem:$0x1CC00] =	vst v63  }
0x1c4: {  	_ = 	snop  }
0x1c5: {  	[spmem:s4] =	stream.indirect.scatter.add.f32 [tilespmem:s26], [sflag:$0xB], $0x8, s10, s0, $0xb8;
	[tilespmem:$0x1CC00] =	vst v63  }
0x1c6: {  	_ =	swait.ge [sflag:s19], $0x2000  }
0x1c7: {  	[sflag:s19] =	ssyncset.done $0x0  }
0x1c8: {  	s17 =	simm.s32 $0x4E00;
	[sflag:s19] =	ssyncadd.s32 $0xFFFFE000  }
0x1c9: {  	[spmem:s2] =	stream.indirect.scatter.add.f32 [tilespmem:s6], [sflag:$0x7], $0x40, s17, s0, $0xb8;
	[tilespmem:$0x1CC00] =	vst v63  }
0x1ca: {  	_ = 	snop  }
0x1cb: {  	[spmem:s4] =	stream.indirect.scatter.add.f32 [tilespmem:s26], [sflag:$0xB], $0x8, s17, s0, $0xb8;
	[tilespmem:$0x1CC00] =	vst v63  }
0x1cc: {  	_ =	swait.ge [sflag:s20], $0x2000  }
0x1cd: {  	[sflag:s20] =	ssyncset.done $0x0  }
0x1ce: {  	s21 =	simm.s32 $0x4E80;
	[sflag:s20] =	ssyncadd.s32 $0xFFFFE000  }
0x1cf: {  	[spmem:s2] =	stream.indirect.scatter.add.f32 [tilespmem:s8], [sflag:$0x8], $0x40, s21, s0, $0xb8;
	[tilespmem:$0x1CC00] =	vst v63  }
0x1d0: {  	_ = 	snop  }
0x1d1: {  	[spmem:s4] =	stream.indirect.scatter.add.f32 [tilespmem:s26], [sflag:$0xB], $0x8, s21, s0, $0xb8;
	[tilespmem:$0x1CC00] =	vst v63  }
0x1d2: {  	_ =	swait.ge [sflag:s7], $0x2000  }
0x1d3: {  	[sflag:s7] =	ssyncset.done $0x0  }
0x1d4: {  	s29 =	simm.s32 $0x4F00;
	[sflag:s7] =	ssyncadd.s32 $0xFFFFE000  }
0x1d5: {  	[spmem:s2] =	stream.indirect.scatter.add.f32 [tilespmem:s13], [sflag:$0x9], $0x40, s29, s0, $0xb8;
	[tilespmem:$0x1CC00] =	vst v63  }
0x1d6: {  	_ = 	snop  }
0x1d7: {  	[spmem:s4] =	stream.indirect.scatter.add.f32 [tilespmem:s26], [sflag:$0xB], $0x8, s29, s0, $0xb8;
	[tilespmem:$0x1CC00] =	vst v63  }
0x1d8: {  	_ =	swait.ge [sflag:s9], $0x2000  }
0x1d9: {  	[sflag:s9] =	ssyncset.done $0x0  }
0x1da: {  	s30 =	simm.s32 $0x4F80;
	[sflag:s9] =	ssyncadd.s32 $0xFFFFE000  }
0x1db: {  	[spmem:s2] =	stream.indirect.scatter.add.f32 [tilespmem:s16], [sflag:$0xA], $0x40, s30, s0, $0xb8;
	[tilespmem:$0x1CC00] =	vst v63  }
0x1dc: {  	_ = 	snop  }
0x1dd: {  	[spmem:s4] =	stream.indirect.scatter.add.f32 [tilespmem:s26], [sflag:$0xB], $0x8, s30, s0, $0xb8;
	[tilespmem:$0x1CC00] =	vst v63  }
0x1de: {  	_ =	swait.ge [sflag:s22], $0x2000  }
0x1df: {  	[sflag:s22] =	ssyncset.done $0x0  }
0x1e0: {  	[sflag:s22] =	ssyncadd.s32 $0xFFFFE000  }
0x1e1: {  	_ =	swait.ge [sflag:s23], $0x2000  }
0x1e2: {  	[sflag:s23] =	ssyncset.done $0x0  }
0x1e3: {  	[sflag:s23] =	ssyncadd.s32 $0xFFFFE000  }
0x1e4: {  	_ =	swait.ge [sflag:s15], $0x2000  }
0x1e5: {  	[sflag:s15] =	ssyncset.done $0x0  }
0x1e6: {  	[sflag:s15] =	ssyncadd.s32 $0xFFFFE000  }
0x1e7: {  	_ =	swait.ge [sflag:s24], $0x2000  }
0x1e8: {  	[sflag:s24] =	ssyncset.done $0x0  }
0x1e9: {  	[sflag:s24] =	ssyncadd.s32 $0xFFFFE000  }
0x1ea: {  	_ =	swait.ge [sflag:s11], $0x2000  }
0x1eb: {  	[sflag:s11] =	ssyncset.done $0x0  }
0x1ec: {  	s12 =	simm.s32 $0xB;
	[sflag:s11] =	ssyncadd.s32 $0xFFFFE000  }
0x1ed: {  	_ =	swait.ge [sflag:s12], $0x400  }
0x1ee: {  	s10 =	simm.s32 $0x4F;
	[sflag:s12] =	ssyncset.done $0x0  }
.LBB2_6:
0x1ef: {  	p0 =	sne.s32 s10, $0x1;
	s10 =	sadd.s32 $0xFFFFFFFF, s10;
	[sflag:s12] =	ssyncadd.s32 $0xFFFFFC00  }
.Ltmp2:
0x1f0: {  	(pc) =	sbr.rel @p0 .LBB2_6-.Ltmp2, $3  }
0x1f1: {  	_ =	sdelay $0x1  }
0x1f2: {  	_ =	swait.ge [sflag:s12], $0x400  }
0x1f3: {  	[sflag:s12] =	ssyncset.done $0x0  }
0x1f4: {  	[sflag:s12] =	ssyncadd.s32 $0xFFFFFC00;
	s10 =	stileid.u32  }
0x1f5: {  	s10 =	sshll.u32 s10, $0x6;
	[bflag:$0x0] =	sbarrier.arrive $0xFFFF  }
0x1f6: {  	s21 =	sshrl.u32 s25, $0x3;
	s17 =	sor.u32 $0x1C0D, s10;
	s14 =	rddreg [dreg:$0x12]  }
0x1f7: {  	[hbm:s14], [sflag:s17] =	dma.local [spmem:s21], $0x1400  }
0x1f8: {  	s14 =	simm.s32 $0xD  }
0x1f9: {  	_ =	swait.ge [sflag:s14], $0x1400  }
0x1fa: {  	[sflag:s14] =	ssyncset.done $0x0  }
0x1fb: {  	s29 =	sshrl.u32 s28, $0x3;
	s30 =	rddreg [dreg:$0x16];
	[sflag:s14] =	ssyncadd.s32 $0xFFFFEC00  }
0x1fc: {  	[hbm:s30], [sflag:s17] =	dma.local [spmem:s29], $0x280  }
0x1fd: {  	_ =	swait.ge [sflag:s14], $0x280  }
0x1fe: {  	[sflag:s14] =	ssyncset.done $0x0  }
0x1ff: {  	s10 =	simm.s32 $0x0;
	s29 =	rddreg [dreg:$0xf];
	[sflag:s14] =	ssyncadd.s32 $0xFFFFFD80  }
0x200: {  	[tilespmem:s10], [sflag:$0xD] =	stream.linear.gather [hbm4b:s29+s10], $0x2800, $0x38;
	[tilespmem:$0x1CC00] =	vst v63  }
0x201: {  	_ =	swait.ge [sflag:s14], $0x2800  }
0x202: {  	[sflag:s14] =	ssyncset.done $0x0  }
0x203: {  	s29 =	simm.s32 $0xF400;
	[sflag:s14] =	ssyncadd.s32 $0xFFFFD800  }
0x204: {  	[spmem:s25] =	stream.linear.scatter [tilespmem:s29], [sflag:$0xD], $0x2000, $0x38;
	[tilespmem:$0x1CC00] =	vst v63  }
0x205: {  	_ =	swait.ge [sflag:s14], $0x2000  }
0x206: {  	[sflag:s14] =	ssyncset.done $0x0  }
0x207: {  	s30 =	rddreg [dreg:$0xb];
	[sflag:s14] =	ssyncadd.s32 $0xFFFFE000  }
0x208: {  	[spmem:s30] =	stream.linear.scatter [tilespmem:s29], [sflag:$0xD], $0x2000, $0x38;
	[tilespmem:$0x1CC00] =	vst v63  }
0x209: {  	_ =	swait.ge [sflag:s14], $0x2000  }
0x20a: {  	[sflag:s14] =	ssyncset.done $0x0  }
0x20b: {  	s25 =	rddreg [dreg:$0xd];
	[sflag:s14] =	ssyncadd.s32 $0xFFFFE000  }
0x20c: {  	[spmem:s25] =	stream.linear.scatter [tilespmem:s29], [sflag:$0xD], $0x2000, $0x38;
	[tilespmem:$0x1CC00] =	vst v63  }
0x20d: {  	_ =	swait.ge [sflag:s14], $0x2000  }
0x20e: {  	[sflag:s14] =	ssyncset.done $0x0  }
0x20f: {  	s30 =	rddreg [dreg:$0x10];
	[sflag:s14] =	ssyncadd.s32 $0xFFFFE000  }
0x210: {  	[spmem:s30] =	stream.linear.scatter [tilespmem:s29], [sflag:$0xD], $0x2000, $0x38;
	[tilespmem:$0x1CC00] =	vst v63  }
0x211: {  	_ =	swait.ge [sflag:s14], $0x2000  }
0x212: {  	[sflag:s14] =	ssyncset.done $0x0  }
0x213: {  	s25 =	rddreg [dreg:$0x14];
	[sflag:s14] =	ssyncadd.s32 $0xFFFFE000  }
0x214: {  	[spmem:s25] =	stream.linear.scatter [tilespmem:s29], [sflag:$0xD], $0x2000, $0x38;
	[tilespmem:$0x1CC00] =	vst v63  }
0x215: {  	_ =	swait.ge [sflag:s14], $0x2000  }
0x216: {  	[sflag:s14] =	ssyncset.done $0x0  }
0x217: {  	[sflag:s14] =	ssyncadd.s32 $0xFFFFE000  }
0x218: {  	[bflag:$0x0] =	sbarrier.arrive $0xFFFF  }
0x219: {  	[tilespmem:s3], [sflag:$0x1] =	stream.indirect.gather [hbm4b:s1+s0], $0x40, s10, s0, $0xb8;
	[tilespmem:$0x1CC00] =	vst v63  }
0x21a: {  	_ = 	snop  }
0x21b: {  	[tilespmem:s6], [sflag:$0x2] =	stream.indirect.gather [hbm4b:s1+s0], $0x40, s0, s0, $0xb8;
	[tilespmem:$0x1CC00] =	vst v63  }
0x21c: {  	s29 =	simm.s32 $0x100  }
0x21d: {  	[tilespmem:s8], [sflag:$0x3] =	stream.indirect.gather [hbm4b:s1+s0], $0x40, s29, s0, $0xb8;
	[tilespmem:$0x1CC00] =	vst v63  }
0x21e: {  	s30 =	simm.s32 $0x180  }
0x21f: {  	[tilespmem:s13], [sflag:$0x4] =	stream.indirect.gather [hbm4b:s1+s0], $0x40, s30, s0, $0xb8;
	[tilespmem:$0x1CC00] =	vst v63  }
0x220: {  	s12 =	simm.s32 $0x200  }
0x221: {  	[tilespmem:s16], [sflag:$0x5] =	stream.indirect.gather [hbm4b:s1+s0], $0x40, s12, s0, $0xb8;
	[tilespmem:$0x1CC00] =	vst v63  }
0x222: {  	_ =	swait.ge [sflag:s18], $0x2000  }
0x223: {  	[sflag:s18] =	ssyncset.done $0x0  }
0x224: {  	s14 =	simm.s32 $0x2800;
	[sflag:s18] =	ssyncadd.s32 $0xFFFFE000  }
0x225: {  	[spmem:s2] =	stream.indirect.scatter.add.f32 [tilespmem:s3], [sflag:$0x6], $0x40, s14, s0, $0xb8;
	[tilespmem:$0x1CC00] =	vst v63  }
0x226: {  	_ =	swait.ge [sflag:s19], $0x2000  }
0x227: {  	[sflag:s19] =	ssyncset.done $0x0  }
0x228: {  	s25 =	simm.s32 $0x2880;
	[sflag:s19] =	ssyncadd.s32 $0xFFFFE000  }
0x229: {  	[spmem:s2] =	stream.indirect.scatter.add.f32 [tilespmem:s6], [sflag:$0x7], $0x40, s25, s0, $0xb8;
	[tilespmem:$0x1CC00] =	vst v63  }
0x22a: {  	_ =	swait.ge [sflag:s20], $0x2000  }
0x22b: {  	[sflag:s20] =	ssyncset.done $0x0  }
0x22c: {  	s29 =	simm.s32 $0x2900;
	[sflag:s20] =	ssyncadd.s32 $0xFFFFE000  }
0x22d: {  	[spmem:s2] =	stream.indirect.scatter.add.f32 [tilespmem:s8], [sflag:$0x8], $0x40, s29, s0, $0xb8;
	[tilespmem:$0x1CC00] =	vst v63  }
0x22e: {  	_ =	swait.ge [sflag:s7], $0x2000  }
0x22f: {  	[sflag:s7] =	ssyncset.done $0x0  }
0x230: {  	s30 =	simm.s32 $0x2980;
	[sflag:s7] =	ssyncadd.s32 $0xFFFFE000  }
0x231: {  	[spmem:s2] =	stream.indirect.scatter.add.f32 [tilespmem:s13], [sflag:$0x9], $0x40, s30, s0, $0xb8;
	[tilespmem:$0x1CC00] =	vst v63  }
0x232: {  	_ =	swait.ge [sflag:s9], $0x2000  }
0x233: {  	[sflag:s9] =	ssyncset.done $0x0  }
0x234: {  	s12 =	simm.s32 $0x2A00;
	[sflag:s9] =	ssyncadd.s32 $0xFFFFE000  }
0x235: {  	[spmem:s2] =	stream.indirect.scatter.add.f32 [tilespmem:s16], [sflag:$0xA], $0x40, s12, s0, $0xb8;
	[tilespmem:$0x1CC00] =	vst v63  }
0x236: {  	_ =	swait.ge [sflag:s22], $0x2000  }
0x237: {  	[sflag:s22] =	ssyncset.done $0x0  }
0x238: {  	s14 =	simm.s32 $0x280;
	[sflag:s22] =	ssyncadd.s32 $0xFFFFE000  }
0x239: {  	[tilespmem:s3], [sflag:$0x1] =	stream.indirect.gather [hbm4b:s1+s0], $0x40, s14, s0, $0xb8;
	[tilespmem:$0x1CC00] =	vst v63  }
0x23a: {  	_ =	swait.ge [sflag:s23], $0x2000  }
0x23b: {  	[sflag:s23] =	ssyncset.done $0x0  }
0x23c: {  	s25 =	simm.s32 $0x300;
	[sflag:s23] =	ssyncadd.s32 $0xFFFFE000  }
0x23d: {  	[tilespmem:s6], [sflag:$0x2] =	stream.indirect.gather [hbm4b:s1+s0], $0x40, s25, s0, $0xb8;
	[tilespmem:$0x1CC00] =	vst v63  }
0x23e: {  	_ =	swait.ge [sflag:s15], $0x2000  }
0x23f: {  	[sflag:s15] =	ssyncset.done $0x0  }
0x240: {  	s29 =	simm.s32 $0x380;
	[sflag:s15] =	ssyncadd.s32 $0xFFFFE000  }
0x241: {  	[tilespmem:s8], [sflag:$0x3] =	stream.indirect.gather [hbm4b:s1+s0], $0x40, s29, s0, $0xb8;
	[tilespmem:$0x1CC00] =	vst v63  }
0x242: {  	_ =	swait.ge [sflag:s24], $0x2000  }
0x243: {  	[sflag:s24] =	ssyncset.done $0x0  }
0x244: {  	s30 =	simm.s32 $0x400;
	[sflag:s24] =	ssyncadd.s32 $0xFFFFE000  }
0x245: {  	[tilespmem:s13], [sflag:$0x4] =	stream.indirect.gather [hbm4b:s1+s0], $0x40, s30, s0, $0xb8;
	[tilespmem:$0x1CC00] =	vst v63  }
0x246: {  	_ =	swait.ge [sflag:s11], $0x2000  }
0x247: {  	s28 =	simm.s32 $0xF400;
	[sflag:s11] =	ssyncset.done $0x0  }
0x248: {  	s10 =	simm.s32 $0xA00;
	s14 =	simm.s32 $0x480;
	[sflag:s11] =	ssyncadd.s32 $0xFFFFE000  }
.LBB2_8:
0x249: {  	[tilespmem:s16], [sflag:$0x5] =	stream.indirect.gather [hbm4b:s1+s0], $0x40, s14, s0, $0xb8;
	[tilespmem:$0x1CC00] =	vst v63  }
0x24a: {  	s12 =	smov.u32 s10  }
0x24b: {  	p0 =	sne.s32 s10, $0x8C00;
	s10 =	sadd.s32 $0xA00, s10;
	_ =	swait.ge [sflag:s18], $0x2000  }
0x24c: {  	s14 =	sshra.s32 s12, $0x2;
	[sflag:s18] =	ssyncset.done $0x0  }
0x24d: {  	s12 =	sadd.s32 $0x2800, s14;
	[sflag:s18] =	ssyncadd.s32 $0xFFFFE000  }
0x24e: {  	[spmem:s2] =	stream.indirect.scatter.add.f32 [tilespmem:s3], [sflag:$0x6], $0x40, s12, s0, $0xb8;
	[tilespmem:$0x1CC00] =	vst v63  }
0x24f: {  	_ =	swait.ge [sflag:s19], $0x2000  }
0x250: {  	[sflag:s19] =	ssyncset.done $0x0  }
0x251: {  	s12 =	sadd.s32 $0x2880, s14;
	[sflag:s19] =	ssyncadd.s32 $0xFFFFE000  }
0x252: {  	[spmem:s2] =	stream.indirect.scatter.add.f32 [tilespmem:s6], [sflag:$0x7], $0x40, s12, s0, $0xb8;
	[tilespmem:$0x1CC00] =	vst v63  }
0x253: {  	_ =	swait.ge [sflag:s20], $0x2000  }
0x254: {  	[sflag:s20] =	ssyncset.done $0x0  }
0x255: {  	s12 =	sadd.s32 $0x2900, s14;
	[sflag:s20] =	ssyncadd.s32 $0xFFFFE000  }
0x256: {  	[spmem:s2] =	stream.indirect.scatter.add.f32 [tilespmem:s8], [sflag:$0x8], $0x40, s12, s0, $0xb8;
	[tilespmem:$0x1CC00] =	vst v63  }
0x257: {  	_ =	swait.ge [sflag:s7], $0x2000  }
0x258: {  	[sflag:s7] =	ssyncset.done $0x0  }
0x259: {  	s12 =	sadd.s32 $0x2980, s14;
	[sflag:s7] =	ssyncadd.s32 $0xFFFFE000  }
0x25a: {  	[spmem:s2] =	stream.indirect.scatter.add.f32 [tilespmem:s13], [sflag:$0x9], $0x40, s12, s0, $0xb8;
	[tilespmem:$0x1CC00] =	vst v63  }
0x25b: {  	_ =	swait.ge [sflag:s9], $0x2000  }
0x25c: {  	[sflag:s9] =	ssyncset.done $0x0  }
0x25d: {  	s12 =	sadd.s32 $0x2A00, s14;
	[sflag:s9] =	ssyncadd.s32 $0xFFFFE000  }
0x25e: {  	[spmem:s2] =	stream.indirect.scatter.add.f32 [tilespmem:s16], [sflag:$0xA], $0x40, s12, s0, $0xb8;
	[tilespmem:$0x1CC00] =	vst v63  }
0x25f: {  	_ =	swait.ge [sflag:s22], $0x2000  }
0x260: {  	[sflag:s22] =	ssyncset.done $0x0  }
0x261: {  	s12 =	sadd.s32 $0x280, s14;
	[sflag:s22] =	ssyncadd.s32 $0xFFFFE000  }
0x262: {  	[tilespmem:s3], [sflag:$0x1] =	stream.indirect.gather [hbm4b:s1+s0], $0x40, s12, s0, $0xb8;
	[tilespmem:$0x1CC00] =	vst v63  }
0x263: {  	_ =	swait.ge [sflag:s23], $0x2000  }
0x264: {  	[sflag:s23] =	ssyncset.done $0x0  }
0x265: {  	s12 =	sadd.s32 $0x300, s14;
	[sflag:s23] =	ssyncadd.s32 $0xFFFFE000  }
0x266: {  	[tilespmem:s6], [sflag:$0x2] =	stream.indirect.gather [hbm4b:s1+s0], $0x40, s12, s0, $0xb8;
	[tilespmem:$0x1CC00] =	vst v63  }
0x267: {  	_ =	swait.ge [sflag:s15], $0x2000  }
0x268: {  	[sflag:s15] =	ssyncset.done $0x0  }
0x269: {  	s12 =	sadd.s32 $0x380, s14;
	[sflag:s15] =	ssyncadd.s32 $0xFFFFE000  }
0x26a: {  	[tilespmem:s8], [sflag:$0x3] =	stream.indirect.gather [hbm4b:s1+s0], $0x40, s12, s0, $0xb8;
	[tilespmem:$0x1CC00] =	vst v63  }
0x26b: {  	_ =	swait.ge [sflag:s24], $0x2000  }
0x26c: {  	[sflag:s24] =	ssyncset.done $0x0  }
.Ltmp3:
0x26d: {  	s12 =	sadd.s32 $0x400, s14;
	[sflag:s24] =	ssyncadd.s32 $0xFFFFE000;
	(pc) =	sbr.rel @p0 .LBB2_8-.Ltmp3, $4  }
0x26e: {  	[tilespmem:s13], [sflag:$0x4] =	stream.indirect.gather [hbm4b:s1+s0], $0x40, s12, s0, $0xb8;
	[tilespmem:$0x1CC00] =	vst v63  }
0x26f: {  	_ =	swait.ge [sflag:s11], $0x2000  }
0x270: {  	[sflag:s11] =	ssyncset.done $0x0  }
0x271: {  	s14 =	sadd.s32 $0x480, s14;
	[sflag:s11] =	ssyncadd.s32 $0xFFFFE000  }
0x272: {  	[tilespmem:s16], [sflag:$0x5] =	stream.indirect.gather [hbm4b:s1+s0], $0x40, s14, s0, $0xb8;
	[tilespmem:$0x1CC00] =	vst v63  }
0x273: {  	_ =	swait.ge [sflag:s18], $0x2000  }
0x274: {  	[sflag:s18] =	ssyncset.done $0x0  }
0x275: {  	s10 =	simm.s32 $0x4D80;
	[sflag:s18] =	ssyncadd.s32 $0xFFFFE000  }
0x276: {  	[spmem:s2] =	stream.indirect.scatter.add.f32 [tilespmem:s3], [sflag:$0x6], $0x40, s10, s0, $0xb8;
	[tilespmem:$0x1CC00] =	vst v63  }
0x277: {  	_ =	swait.ge [sflag:s19], $0x2000  }
0x278: {  	[sflag:s19] =	ssyncset.done $0x0  }
0x279: {  	s29 =	simm.s32 $0x4E00;
	[sflag:s19] =	ssyncadd.s32 $0xFFFFE000  }
0x27a: {  	[spmem:s2] =	stream.indirect.scatter.add.f32 [tilespmem:s6], [sflag:$0x7], $0x40, s29, s0, $0xb8;
	[tilespmem:$0x1CC00] =	vst v63  }
0x27b: {  	_ =	swait.ge [sflag:s20], $0x2000  }
0x27c: {  	[sflag:s20] =	ssyncset.done $0x0  }
0x27d: {  	s30 =	simm.s32 $0x4E80;
	[sflag:s20] =	ssyncadd.s32 $0xFFFFE000  }
0x27e: {  	[spmem:s2] =	stream.indirect.scatter.add.f32 [tilespmem:s8], [sflag:$0x8], $0x40, s30, s0, $0xb8;
	[tilespmem:$0x1CC00] =	vst v63  }
0x27f: {  	_ =	swait.ge [sflag:s7], $0x2000  }
0x280: {  	[sflag:s7] =	ssyncset.done $0x0  }
0x281: {  	s12 =	simm.s32 $0x4F00;
	[sflag:s7] =	ssyncadd.s32 $0xFFFFE000  }
0x282: {  	[spmem:s2] =	stream.indirect.scatter.add.f32 [tilespmem:s13], [sflag:$0x9], $0x40, s12, s0, $0xb8;
	[tilespmem:$0x1CC00] =	vst v63  }
0x283: {  	_ =	swait.ge [sflag:s9], $0x2000  }
0x284: {  	[sflag:s9] =	ssyncset.done $0x0  }
0x285: {  	s14 =	simm.s32 $0x4F80;
	[sflag:s9] =	ssyncadd.s32 $0xFFFFE000  }
0x286: {  	[spmem:s2] =	stream.indirect.scatter.add.f32 [tilespmem:s16], [sflag:$0xA], $0x40, s14, s0, $0xb8;
	[tilespmem:$0x1CC00] =	vst v63  }
0x287: {  	_ =	swait.ge [sflag:s22], $0x2000  }
0x288: {  	[sflag:s22] =	ssyncset.done $0x0  }
0x289: {  	[sflag:s22] =	ssyncadd.s32 $0xFFFFE000  }
0x28a: {  	_ =	swait.ge [sflag:s23], $0x2000  }
0x28b: {  	[sflag:s23] =	ssyncset.done $0x0  }
0x28c: {  	[sflag:s23] =	ssyncadd.s32 $0xFFFFE000  }
0x28d: {  	_ =	swait.ge [sflag:s15], $0x2000  }
0x28e: {  	[sflag:s15] =	ssyncset.done $0x0  }
0x28f: {  	[sflag:s15] =	ssyncadd.s32 $0xFFFFE000  }
0x290: {  	_ =	swait.ge [sflag:s24], $0x2000  }
0x291: {  	[sflag:s24] =	ssyncset.done $0x0  }
0x292: {  	[sflag:s24] =	ssyncadd.s32 $0xFFFFE000  }
0x293: {  	_ =	swait.ge [sflag:s11], $0x2000  }
0x294: {  	[sflag:s11] =	ssyncset.done $0x0  }
0x295: {  	[sflag:s11] =	ssyncadd.s32 $0xFFFFE000  }
0x296: {  	[bflag:$0x0] =	sbarrier.arrive $0xFFFF  }
0x297: {  	s12 =	simm.s32 $0xD;
	s25 =	rddreg [dreg:$0x13]  }
0x298: {  	[hbm:s25], [sflag:s17] =	dma.local [spmem:s21], $0x1400  }
0x299: {  	_ =	swait.ge [sflag:s12], $0x1400  }
0x29a: {  	s29 =	rddreg [dreg:$0x19]  }
0x29b: {  	s30 =	rddreg [dreg:$0x17];
	s14 =	sadd.s32 $0x1, s29  }
0x29c: {  	p0 =	sne.s32 s14, s30  }
.Ltmp4:
0x29d: {  	_ = 	snop;
	(pc) =	sbr.rel @p0 .LBB2_1-.Ltmp4, $3  }
0x29e: {  	_ =	sdelay $0x1  }
0x29f: {  	[sflag:s12] =	ssyncset.done $0x0  }
0x2a0: {  	[sflag:s12] =	ssyncadd.s32 $0xFFFFEC00  }
0x2a1: {  	_ =	sfence.sel $0x180000  }
0x2a2: {  	[bflag:$0x0] =	sbarrier.arrive $0xFFFF  }
0x2a3: {  	_ =	strace $0x90000047  }
0x2a4: {  	s0 =	stileid.u32;
	[bflag:$0x2] =	sbarrier.arrive $0xFFFF  }
0x2a5: {  	p0 =	sne.s32 s0, $0x0;
	s0 =	rddreg [dreg:$0x4]  }
0x2a6: {  	s0 =	sadd.s32 @!p0 $0x100000, s0  }
0x2a7: {  	[sflag:s0] =	ssyncadd.tile.s32 @!p0 $0x1;
	_ =	shalt  }
.Lfunc_end2:
_tile_overlayer_lowered:
.L_overlay_start_2:
0x2a8: {  	(tag) =	ssettag $0x2  }
0x2a9: {  	s0 =	rddreg [dreg:$0x0];
	s2 =	stileid.u32  }
0x2aa: {  	s1 =	rddreg [dreg:$0x1];
	p0 =	sne.s32 s2, $0x0  }
0x2ab: {  	s3 =	rddreg [dreg:$0x2];
	[bflag:$0x3] =	sbarrier.arrive $0xFFFF;
	s2 =	simm.s32 @!p0 $0x1C0D  }
0x2ac: {  	[timem:s3], [sflag:s2] =	dma.local @!p0 [hbm:s0], s1  }
0x2ad: {  	s0 =	simm.s32 @!p0 $0xD  }
0x2ae: {  	_ =	swait.ge @!p0 [sflag:s0], s1  }
0x2af: {  	s1 =	ssub.s32 @!p0 $0x0, s1;
	[sflag:s0] =	ssyncset.done @!p0 $0x0  }
0x2b0: {  	[sflag:s0] =	ssyncadd.s32 @!p0 s1  }
0x2b1: {  	[bflag:$0x3] =	sbarrier.arrive $0xFFFF  }
0x2b2: {  	_ =	shalt  }

// kernel: kernel.8.cloned.1.call-start
scs
__scs_entry_jumppad:
0x0: {  	(pc) =	sbr.rel $0x88, $3  }
0x1: {  	(tag) =	ssettag $0x0;
	lr =	simm.s32 $0x1  }
0x2: {  	[smem:$0x3F9B] =	sst lr;
	_ =	strace $0xD0000000  }
0x3: {  	_ = 	snop  }
0x4: {  	_ = 	snop  }
0x5: {  	_ = 	snop  }
0x6: {  	_ = 	snop  }
0x7: {  	_ = 	snop  }
__scs_overlays_trampoline_lowered:
0x8: {  	[smem:$0x3FAA] =	sst s0  }
0x9: {  	[smem:$0x3FAB] =	sst s1  }
0xa: {  	[smem:$0x3FAC] =	sst s2  }
0xb: {  	[smem:$0x3FAD] =	sst s3  }
0xc: {  	[smem:$0x3FAE] =	sst s4  }
0xd: {  	[smem:$0x3FAF] =	sst s5  }
0xe: {  	[smem:$0x3FB0] =	sst s6  }
0xf: {  	[smem:$0x3FB1] =	sst s7  }
0x10: {  	[smem:$0x3FB2] =	sst s8  }
0x11: {  	[smem:$0x3FB3] =	sst s9;
	s0 =	simm.s32 @!p0 $0x0  }
0x12: {  	s1 =	sld [smem:$0x3F99];
	s0 =	simm.s32 @p0 $0x1  }
0x13: {  	[smem:$0x3FB4] =	sst s0;
	s0 =	simm.s32 @!p1 $0x0  }
0x14: {  	s2 =	sld [smem:$0x3F98];
	s0 =	simm.s32 @p1 $0x1  }
0x15: {  	[smem:$0x3FB5] =	sst s0;
	s0 =	simm.s32 @!p2 $0x0  }
0x16: {  	s3 =	sld [smem:$0x3FDB];
	s0 =	simm.s32 @p2 $0x1  }
0x17: {  	s4 =	simm.s32 $0x1BF5;
	[smem:$0x3FB7] =	sst s0  }
0x18: {  	s0 =	sld [smem:$0x3F9A];
	_ =	swait.ge [sflag:s4], $0x0  }
0x19: {  	s7 =	sld [smem:$0x3F9B]  }
0x1a: {  	s8 =	sadd.s32 $0xFFFFE003, lr  }
0x1b: {  	s9 =	sadd.s32 $0xFFFFFEF7, lr;
	s5 =	simm.s32 $0xFFFFFFFF;
	p2 =	slt.u32 s8, $0xFFFFF086  }
0x1c: {  	p1 =	slt.u32 s9, $0xF7A;
	s5 =	simm.s32 @!p2 $0x0  }
0x1d: {  	s5 =	simm.s32 @p1 $0x1;
	p0 =	seq.s32 s7, s2  }
0x1e: {  	s7 =	smul.u32 @!p0 $0xF7A, s2;
	p2 =	seq.s32 @!p0 s5, $0x0  }
0x1f: {  	s9 =	smul.u32 $0xF7A, s1;
	s8 =	simm.s32 @!p0 $0x1BF5;
	p2 =	por !p2, p0  }
0x20: {  	[sflag:s8] =	ssyncset.s32 @!p0 $0xFFFFF086;
	s6 =	sadd.s32 @!p0 s3, s7;
	s7 =	simm.s32 @!p0 $0x108  }
0x21: {  	s3 =	sadd.s32 s3, s9;
	s6 =	sadd.s32 @!p0 $0x88, s6;
	s7 =	simm.s32 @p2 $0x1082  }
0x22: {  	[simem:s7], [sflag:s8] =	dma.local @!p0 [hbm:s6], $0xF7A  }
0x23: {  	s9 =	sor.u32 $0xD0000000, s2;
	s6 =	simm.s32 $0x108;
	_ =	swait.ge @!p0 [sflag:s8], $0x0  }
0x24: {  	s3 =	sadd.s32 $0x88, s3;
	s6 =	simm.s32 @!p1 $0x1082;
	[sflag:s4] =	ssyncset.s32 $0xFFFFF086  }
0x25: {  	[simem:s6], [sflag:s4] =	dma.local [hbm:s3], $0xF7A  }
0x26: {  	[smem:$0x3F9B] =	sst s1;
	(tag) =	ssettag s2;
	_ =	strace s9  }
0x27: {  	s1 =	sld [smem:$0x3FAB]  }
0x28: {  	s2 =	sld [smem:$0x3FAC]  }
0x29: {  	s4 =	sld [smem:$0x3FAE]  }
0x2a: {  	p0 =	seq.s32 s5, $0x0;
	s5 =	sld [smem:$0x3FAF]  }
0x2b: {  	s6 =	sld [smem:$0x3FB0]  }
0x2c: {  	s7 =	sld [smem:$0x3FB1]  }
0x2d: {  	s3 =	simm.s32 $0x108;
	s8 =	sld [smem:$0x3FB2]  }
0x2e: {  	s3 =	simm.s32 @!p0 $0x1082;
	s9 =	sld [smem:$0x3FB3]  }
0x2f: {  	lr =	sadd.s32 s0, s3;
	s0 =	sld [smem:$0x3FAA]  }
0x30: {  	s3 =	sld [smem:$0x3FAD]  }
0x31: {  	[smem:$0x3FB6] =	sst s10  }
0x32: {  	s10 =	sld [smem:$0x3FB4];
	_ =	sdelay $0x3  }
0x33: {  	p0 =	seq.s32 s10, $0x1;
	s10 =	sld [smem:$0x3FB6];
	_ =	sdelay $0x3  }
0x34: {  	[smem:$0x3FB6] =	sst s10  }
0x35: {  	s10 =	sld [smem:$0x3FB5];
	_ =	sdelay $0x3  }
0x36: {  	p1 =	seq.s32 s10, $0x1;
	s10 =	sld [smem:$0x3FB6];
	_ =	sdelay $0x3  }
0x37: {  	[smem:$0x3FB6] =	sst s10  }
0x38: {  	s10 =	sld [smem:$0x3FB7]  }
0x39: {  	_ = 	snop;
	(pc) =	sbr.ind lr, $3  }
0x3a: {  	_ = 	snop  }
0x3b: {  	_ = 	snop  }
0x3c: {  	p2 =	seq.s32 s10, $0x1;
	s10 =	sld [smem:$0x3FB6]  }
0x3d: {  	_ =	shalt  }
0x3e: {  	_ =	shalt  }
0x3f: {  	_ =	shalt  }
0x40: {  	_ =	shalt  }
0x41: {  	_ =	shalt  }
0x42: {  	_ =	shalt  }
0x43: {  	_ =	shalt  }
0x44: {  	_ =	shalt  }
0x45: {  	_ =	shalt  }
0x46: {  	_ =	shalt  }
0x47: {  	_ =	shalt  }
0x48: {  	_ =	shalt  }
0x49: {  	_ =	shalt  }
0x4a: {  	_ =	shalt  }
0x4b: {  	_ =	shalt  }
0x4c: {  	_ =	shalt  }
0x4d: {  	_ =	shalt  }
0x4e: {  	_ =	shalt  }
0x4f: {  	_ =	shalt  }
0x50: {  	_ =	shalt  }
0x51: {  	_ =	shalt  }
0x52: {  	_ =	shalt  }
0x53: {  	_ =	shalt  }
0x54: {  	_ =	shalt  }
0x55: {  	_ =	shalt  }
0x56: {  	_ =	shalt  }
0x57: {  	_ =	shalt  }
0x58: {  	_ =	shalt  }
0x59: {  	_ =	shalt  }
0x5a: {  	_ =	shalt  }
0x5b: {  	_ =	shalt  }
0x5c: {  	_ =	shalt  }
0x5d: {  	_ =	shalt  }
0x5e: {  	_ =	shalt  }
0x5f: {  	_ =	shalt  }
0x60: {  	_ =	shalt  }
0x61: {  	_ =	shalt  }
0x62: {  	_ =	shalt  }
0x63: {  	_ =	shalt  }
0x64: {  	_ =	shalt  }
0x65: {  	_ =	shalt  }
0x66: {  	_ =	shalt  }
0x67: {  	_ =	shalt  }
0x68: {  	_ =	shalt  }
0x69: {  	_ =	shalt  }
0x6a: {  	_ =	shalt  }
0x6b: {  	_ =	shalt  }
0x6c: {  	_ =	shalt  }
0x6d: {  	_ =	shalt  }
0x6e: {  	_ =	shalt  }
0x6f: {  	_ =	shalt  }
0x70: {  	_ =	shalt  }
0x71: {  	_ =	shalt  }
0x72: {  	_ =	shalt  }
0x73: {  	_ =	shalt  }
0x74: {  	_ =	shalt  }
0x75: {  	_ =	shalt  }
0x76: {  	_ =	shalt  }
0x77: {  	_ =	shalt  }
0x78: {  	_ =	shalt  }
0x79: {  	_ =	shalt  }
0x7a: {  	_ =	shalt  }
0x7b: {  	_ =	shalt  }
0x7c: {  	_ =	shalt  }
0x7d: {  	_ =	shalt  }
0x7e: {  	_ =	shalt  }
0x7f: {  	_ =	shalt  }
0x80: {  	_ =	shalt  }
0x81: {  	_ =	shalt  }
0x82: {  	_ =	shalt  }
0x83: {  	_ =	shalt  }
0x84: {  	_ =	shalt  }
0x85: {  	_ =	shalt  }
0x86: {  	_ =	shalt  }
0x87: {  	_ =	shalt  }
.Lfunc_end0:
.L_simem_size_0:
called_computation.1_lowered:
.L_overlay_start_0:
0x88: {  	s2 =	sld [smem:$0x3FD9]  }
0x89: {  	s3 =	sld [smem:$0x3FFE];
	_ =	sdelay $0x1  }
0x8a: {  	s1 =	srdreg.scid  }
0x8b: {  	s0 =	sand.u32 $0x1, s1  }
0x8c: {  	s15 =	sshll.u32 s0, $0xA;
	s2 =	sadd.s32 s3, s2  }
0x8d: {  	s2 =	sadd.s32 s2, s15  }
0x8e: {  	[smem:$0x3FC2] =	sst s2  }
0x8f: {  	_ = 	snop  }
0x90: {  	s2 =	sld [smem:$0x3FD0];
	_ =	sdelay $0x2  }
0x91: {  	s16 =	simm.s32 $0xB;
	s4 =	simm.s32 $0x10  }
0x92: {  	[smem:s4], [sflag:s16] =	dma.local [hbm:s2], $0x1  }
0x93: {  	_ =	swait.eq [sflag:s16], $0x1  }
0x94: {  	[sflag:s16] =	ssyncset.done $0x0  }
0x95: {  	[sflag:s16] =	ssyncadd.s32 $0xFFFFFFFF  }
0x96: {  	s17 =	sld [smem:$0x11];
	(tm) =	ssettm $0x1  }
0x97: {  	s18 =	sld [smem:$0x3FFB];
	_ =	sdelay $0x3  }
0x98: {  	_ =	strace s18  }
0x99: {  	s2 =	sld [smem:$0x3FFC];
	_ =	sdelay $0x3  }
0x9a: {  	_ =	strace s2  }
0x9b: {  	s2 =	sld [smem:$0x3FFD];
	_ =	sdelay $0x3  }
0x9c: {  	_ =	strace s2  }
0x9d: {  	_ =	strace $0x8FFFFFFF  }
0x9e: {  	s19 =	sld [smem:$0x3FDB];
	_ =	sdelay $0x1  }
0x9f: {  	s20 =	simm.s32 $_scs_section_size  }
0xa0: {  	s5 =	simm.s32 $_size__tile_overlayer_lowered;
	s6 =	simm.s32 $_tile_overlayer_lowered  }
0xa1: {  	s7 =	simm.s32 $0x1BFF;
	s21 =	sshll.u32 s6, $0x1;
	s4 =	sadd.s32 s20, s19  }
0xa2: {  	s22 =	simm.s32 $0x0;
	s5 =	sshll.u32 s5, $0x1;
	s6 =	sadd.s32 s21, s4  }
0xa3: {  	[timem:s22], [sflag:s7] =	dma.local [hbm:s6], s5  }
0xa4: {  	_ =	swait.ge [sflag:s7], s5  }
0xa5: {  	s5 =	ssub.s32 $0x0, s5;
	[sflag:s7] =	ssyncset.done $0x0  }
0xa6: {  	[sflag:s7] =	ssyncadd.s32 s5;
	_ =	sdelay $0x1  }
0xa7: {  	s23 =	simm.s32 $0x1B8B  }
0xa8: {  	_ =	swait.ge [sflag:s23], $0x1  }
0xa9: {  	[sflag:s23] =	ssyncset.done $0x0  }
0xaa: {  	[sflag:s23] =	ssyncadd.s32 $0xFFFFFFFF  }
0xab: {  	s5 =	sld [smem:$0x0]  }
0xac: {  	s6 =	sand.u32 $0xFFFFFFFE, s1  }
0xad: {  	p0 =	sne.s32 s1, s6  }
0xae: {  	s6 =	sshll.u32 @p0 s6, $0xE  }
0xaf: {  	s6 =	sadd.s32 @p0 $0x11B8D, s6;
	s7 =	sshll.u32 @p0 s5, $0x11  }
0xb0: {  	s6 =	sor.u32 @p0 s7, s6  }
0xb1: {  	[sflag:s6] =	ssyncadd.remote.s32 @p0 $0x1;
	_ =	sdelay $0x1  }
0xb2: {  	s6 =	simm.s32 @p0 $0x1B8D  }
0xb3: {  	_ =	swait.eq @p0 [sflag:s6], $0x1  }
0xb4: {  	[sflag:s6] =	ssyncadd.s32 @p0 $0xFFFFFFFF  }
0xb5: {  	s7 =	sshll.u32 @!p0 s1, $0xE  }
0xb6: {  	s7 =	sor.u32 @!p0 $0x4000, s7;
	s6 =	simm.s32 @!p0 $0x1B8D  }
0xb7: {  	s5 =	sshll.u32 @!p0 s5, $0x11;
	s7 =	sadd.s32 @!p0 $0x11B8D, s7;
	_ =	swait.eq @!p0 [sflag:s6], $0x1  }
0xb8: {  	s5 =	sor.u32 @!p0 s5, s7;
	[sflag:s6] =	ssyncadd.s32 @!p0 $0xFFFFFFFF  }
0xb9: {  	s25 =	simm.s32 $0x1B8E;
	s24 =	sld [smem:$0x3FFE];
	[sflag:s5] =	ssyncadd.remote.s32 @!p0 $0x1  }
0xba: {  	s26 =	simm.s32 $execute0_lowered;
	[smem:$0x3FD2] =	sst s25  }
0xbb: {  	s6 =	sshll.u32 s26, $0x1;
	_ =	strace $0x80000049;
	[dreg:$0x1] =	wrdreg $0xFFFFFFFF  }
0xbc: {  	s28 =	simm.s32 $_size_execute0_lowered;
	s4 =	sadd.s32 s4, s6;
	[dreg:$0x0] =	wrdreg $0x0  }
0xbd: {  	s6 =	sshll.u32 s28, $0x1;
	[dreg:$0x2] =	wrdreg s4  }
0xbe: {  	[dreg:$0x3] =	wrdreg s6  }
0xbf: {  	[dreg:$0x4] =	wrdreg $0xC0  }
0xc0: {  	_ =	task [dreg:s22], $0x5FFFF  }
0xc1: {  	[dreg:$0x1] =	wrdreg $0xFFFFFFFF  }
0xc2: {  	[dreg:$0x0] =	wrdreg $0x60  }
0xc3: {  	[dreg:$0x2] =	wrdreg s17  }
0xc4: {  	[dreg:$0x3] =	wrdreg s24  }
0xc5: {  	[dreg:$0x4] =	wrdreg $0x118000  }
0xc6: {  	[dreg:$0x5] =	wrdreg $0x1B8000  }
0xc7: {  	[dreg:$0x6] =	wrdreg $0xA  }
0xc8: {  	_ =	task.clear_ibuf [dreg:s22], $0x7FFFF;
	_ =	strace $0x90000049  }
0xc9: {  	s29 =	simm.s32 $0xA;
	_ =	strace $0x8000004B  }
0xca: {  	_ =	swait.ge [sflag:s29], $0x1  }
0xcb: {  	[sflag:s29] =	ssyncadd.s32 $0xFFFFFFFF  }
0xcc: {  	_ =	strace $0x9000004B  }
0xcd: {  	_ =	sfence  }
0xce: {  	s30 =	sld [smem:$0x0];
	_ =	sdelay $0x2  }
0xcf: {  	s31 =	sshll.u32 s1, $0xD;
	s1 =	sshrl.u32 s1, $0x2  }
0xd0: {  	s4 =	sand.u32 $0x4000, s31;
	s1 =	sadd.s32 s1, s30  }
0xd1: {  	s0 =	sor.u32 s4, s0;
	s1 =	sshll.u32 s1, $0x11  }
0xd2: {  	s0 =	sor.u32 s1, s0  }
0xd3: {  	s0 =	sadd.s32 $0x8F2B, s0  }
0xd4: {  	[sflag:s0] =	ssyncadd.remote.s32 $0x1  }
0xd5: {  	_ =	sfence.sel $0xFFFF  }
0xd6: {  	[dreg:$0x0] =	wrdreg $0xFFFFFFFF;
	(pc) =	sbr.abs _section_cstart, $3  }
0xd7: {  	[dreg:$0x1] =	wrdreg $0xFFFFFFFF  }
0xd8: {  	_ =	task.clear_ibuf [dreg:s22], $0x2FFFF;
	_ =	strace $0x9FFFFFFF  }
0xd9: {  	(tm) =	ssettm $0x7FFFFFFF  }
tec
execute0_lowered:
.L_overlay_start_1:
0x0: {  	(tag) =	ssettag $0x1  }
0x1: {  	s1 =	rddreg [dreg:$0x0]  }
0x2: {  	s0 =	rddreg [dreg:$0x1]  }
0x3: {  	s2 =	rddreg [dreg:$0x2]  }
0x4: {  	s4 =	rddreg [dreg:$0x3]  }
0x5: {  	s5 =	simm.s32 $0x0;
	s16 =	stileid.u32;
	s8 =	srdreg.scid  }
0x6: {  	s28 =	simm.s32 $0xF400;
	s31 =	simm.s32 $0xC;
	s3 =	smul.u32 $0x500, s16  }
0x7: {  	[smem:$0x7FF] =	sst s5;
	s7 =	smul.u32 $0x1400, s16;
	s8 =	sand.u32 $0x1, s8  }
0x8: {  	s9 =	smul.u32 $0x2800, s16;
	s10 =	sadd.s32 $0x1FE00, s0;
	s17 =	sadd.s32 $0x20000, s0  }
0x9: {  	s14 =	smul.u32 $0x280, s16;
	_ =	strace $0x8000004A;
	[dreg:$0x5] =	wrdreg s10  }
0xa: {  	s11 =	sadd.s32 $0x1FC00, s0;
	s16 =	smul.u32 $0xA000, s16;
	[dreg:$0x6] =	wrdreg s17  }
0xb: {  	s6 =	sadd.s32 $0x72C00, s0;
	s18 =	smul.u32 $0x50000, s8;
	[dreg:$0x7] =	wrdreg s11  }
0xc: {  	s11 =	sadd.s32 $0x89400, s0;
	s13 =	ssub.s32 $0x2, s8;
	s20 =	sshllo.u32 s8, $0x1  }
0xd: {  	s8 =	smul.u32 $0x140000, s8;
	s3 =	sadd.s32 s3, s0;
	s12 =	sshrl.u32 s7, $0x3  }
0xe: {  	s15 =	sshrl.u32 s13, $0x1;
	s25 =	sadd.s32 s16, s2;
	s19 =	sadd.s32 $0x80, s14  }
0xf: {  	s30 =	sadd.s32 s7, s4;
	s22 =	smul.u32 $0x28000, s20;
	s24 =	sadd.s32 $0x100, s14  }
0x10: {  	s10 =	sadd.s32 s9, s18;
	s0 =	sadd.s32 s12, s0;
	s12 =	ssub.s32 s13, s15  }
0x11: {  	s21 =	sshll.u32 s19, $0x6;
	s23 =	sshll.u32 s19, $0x3;
	s29 =	sshll.u32 s24, $0x6  }
0x12: {  	s13 =	smul.u32 $0xA0000, s20;
	s15 =	sadd.s32 $0x180, s14;
	[dreg:$0x9] =	wrdreg s25  }
0x13: {  	s17 =	sadd.s32 s16, s8;
	s8 =	simm.s32 $0x9000;
	[dreg:$0xa] =	wrdreg s30  }
0x14: {  	s10 =	sshrl.u32 s10, $0x3;
	s7 =	sadd.s32 s21, s2;
	s26 =	sadd.s32 s9, s22  }
0x15: {  	s9 =	sadd.s32 s29, s2;
	s19 =	sshll.u32 s15, $0x6;
	s20 =	sshrl.u32 s17, $0x3  }
0x16: {  	s21 =	sadd.s32 $0x200, s14;
	s0 =	sadd.s32 $0x86C00, s0;
	[dreg:$0xb] =	wrdreg s7  }
0x17: {  	s29 =	sadd.s32 $0x6C80, s3;
	s3 =	simm.s32 $0x5000;
	[dreg:$0xd] =	wrdreg s9  }
0x18: {  	s14 =	simm.s32 $0x0;
	s10 =	sadd.s32 s6, s10;
	[dreg:$0x16] =	wrdreg s0  }
0x19: {  	s7 =	sadd.s32 s23, s4;
	s18 =	sadd.s32 s16, s13;
	[dreg:$0x18] =	wrdreg s29  }
0x1a: {  	s23 =	sshll.u32 s21, $0x6;
	s0 =	simm.s32 $0x80;
	[dreg:$0x8] =	wrdreg s10  }
0x1b: {  	s13 =	simm.s32 $0xB000;
	s16 =	simm.s32 $0xD000;
	[dreg:$0xc] =	wrdreg s7  }
0x1c: {  	s10 =	sshll.u32 s24, $0x3;
	s7 =	sshrl.u32 s26, $0x3;
	s22 =	sshrl.u32 s18, $0x3  }
0x1d: {  	s26 =	smax.u32 s12, $0x1;
	s12 =	simm.s32 $0xD;
	s18 =	simm.s32 $0x1  }
0x1e: {  	s9 =	sadd.s32 s10, s4;
	s6 =	sadd.s32 s6, s7;
	[dreg:$0x17] =	wrdreg s26  }
0x1f: {  	s7 =	sshll.u32 s21, $0x3;
	s26 =	simm.s32 $0xF000;
	[dreg:$0xe] =	wrdreg s9  }
0x20: {  	[dreg:$0xf] =	wrdreg s6;
	s6 =	sshll.u32 s15, $0x3;
	s9 =	sadd.s32 s19, s2  }
0x21: {  	s24 =	sadd.s32 s7, s4;
	s19 =	simm.s32 $0x2;
	s7 =	simm.s32 $0x4  }
0x22: {  	s15 =	simm.s32 $0x8;
	[dreg:$0x10] =	wrdreg s9;
	s6 =	sadd.s32 s6, s4  }
0x23: {  	[dreg:$0x15] =	wrdreg s24;
	s9 =	simm.s32 $0x5;
	s24 =	simm.s32 $0x9  }
0x24: {  	[dreg:$0x11] =	wrdreg s6;
	s6 =	sadd.s32 s11, s20;
	s20 =	simm.s32 $0x3  }
0x25: {  	[dreg:$0x12] =	wrdreg s6;
	s6 =	sadd.s32 s11, s22;
	s22 =	simm.s32 $0x6  }
0x26: {  	s11 =	simm.s32 $0xA;
	[dreg:$0x13] =	wrdreg s6;
	s6 =	sadd.s32 s23, s2  }
0x27: {  	s23 =	simm.s32 $0x7;
	[dreg:$0x14] =	wrdreg s6;
	s6 =	simm.s32 $0x7000  }
.LBB2_1:
0x28: {  	[dreg:$0x19] =	wrdreg s14  }
0x29: {  	s10 =	rddreg [dreg:$0x5]  }
0x2a: {  	[tilespmem:s26], [sflag:$0xD] =	stream.linear.gather [hbm4b:s10+s5], $0x400, $0x38;
	[tilespmem:$0x1CC00] =	vst v63  }
0x2b: {  	_ =	swait.ge [sflag:s12], $0x400  }
0x2c: {  	[sflag:s12] =	ssyncset.done $0x0  }
0x2d: {  	s17 =	rddreg [dreg:$0x6];
	[sflag:s12] =	ssyncadd.s32 $0xFFFFFC00  }
0x2e: {  	[tilespmem:s28], [sflag:$0xD] =	stream.linear.gather [hbm4b:s17+s5], $0x2000, $0x38;
	[tilespmem:$0x1CC00] =	vst v63  }
0x2f: {  	_ =	swait.ge [sflag:s12], $0x2000  }
0x30: {  	[sflag:s12] =	ssyncset.done $0x0  }
0x31: {  	s25 =	simm.s32 $0x11400;
	s21 =	rddreg [dreg:$0x7];
	[sflag:s12] =	ssyncadd.s32 $0xFFFFE000  }
0x32: {  	[tilespmem:s25], [sflag:$0xD] =	stream.linear.gather [hbm4b:s21+s5], $0x400, $0x38;
	[tilespmem:$0x1CC00] =	vst v63  }
0x33: {  	_ =	swait.ge [sflag:s12], $0x400  }
0x34: {  	[sflag:s12] =	ssyncset.done $0x0  }
0x35: {  	[sflag:s12] =	ssyncadd.s32 $0xFFFFFC00;
	s12 =	rddreg [dreg:$0x18]  }
0x36: {  	s30 =	simm.s32 $0x2800;
	s28 =	sadd.s32 $0xFFFFFF80, s12  }
0x37: {  	[tilespmem:s30], [sflag:$0xC] =	stream.linear.gather [hbm4b:s28+s5], $0x80, $0x38;
	[tilespmem:$0x1CC00] =	vst v63  }
0x38: {  	s14 =	simm.s32 $0x2880;
	s17 =	sadd.s32 $0xFFFFFF90, s12  }
0x39: {  	[tilespmem:s14], [sflag:$0xC] =	stream.linear.gather [hbm4b:s17+s5], $0x80, $0x38;
	[tilespmem:$0x1CC00] =	vst v63  }
0x3a: {  	s21 =	simm.s32 $0x2900;
	s25 =	sadd.s32 $0xFFFFFFA0, s12  }
0x3b: {  	[tilespmem:s21], [sflag:$0xC] =	stream.linear.gather [hbm4b:s25+s5], $0x80, $0x38;
	[tilespmem:$0x1CC00] =	vst v63  }
0x3c: {  	s28 =	simm.s32 $0x2980;
	s30 =	sadd.s32 $0xFFFFFFB0, s12  }
0x3d: {  	[tilespmem:s28], [sflag:$0xC] =	stream.linear.gather [hbm4b:s30+s5], $0x80, $0x38;
	[tilespmem:$0x1CC00] =	vst v63  }
0x3e: {  	s14 =	simm.s32 $0x2A00;
	s17 =	sadd.s32 $0xFFFFFFC0, s12  }
0x3f: {  	[tilespmem:s14], [sflag:$0xC] =	stream.linear.gather [hbm4b:s17+s5], $0x80, $0x38;
	[tilespmem:$0x1CC00] =	vst v63  }
0x40: {  	s21 =	simm.s32 $0x2A80;
	s25 =	sadd.s32 $0xFFFFFFD0, s12  }
0x41: {  	[tilespmem:s21], [sflag:$0xC] =	stream.linear.gather [hbm4b:s25+s5], $0x80, $0x38;
	[tilespmem:$0x1CC00] =	vst v63  }
0x42: {  	s28 =	simm.s32 $0x2B00;
	s30 =	sadd.s32 $0xFFFFFFE0, s12  }
0x43: {  	[tilespmem:s28], [sflag:$0xC] =	stream.linear.gather [hbm4b:s30+s5], $0x80, $0x38;
	[tilespmem:$0x1CC00] =	vst v63  }
0x44: {  	s17 =	simm.s32 $0x2B80;
	s21 =	sadd.s32 $0xFFFFFFF0, s12  }
0x45: {  	[tilespmem:s17], [sflag:$0xC] =	stream.linear.gather [hbm4b:s21+s5], $0x80, $0x38;
	[tilespmem:$0x1CC00] =	vst v63  }
0x46: {  	s25 =	simm.s32 $0x2C00  }
0x47: {  	[tilespmem:s25], [sflag:$0xC] =	stream.linear.gather [hbm4b:s12+s5], $0x80, $0x38;
	[tilespmem:$0x1CC00] =	vst v63  }
0x48: {  	s28 =	simm.s32 $0x2C80;
	s30 =	sadd.s32 $0x10, s12  }
0x49: {  	[tilespmem:s28], [sflag:$0xC] =	stream.linear.gather [hbm4b:s30+s5], $0x80, $0x38;
	[tilespmem:$0x1CC00] =	vst v63  }
0x4a: {  	s14 =	simm.s32 $0x2D00;
	s17 =	sadd.s32 $0x20, s12  }
0x4b: {  	[tilespmem:s14], [sflag:$0xC] =	stream.linear.gather [hbm4b:s17+s5], $0x80, $0x38;
	[tilespmem:$0x1CC00] =	vst v63  }
0x4c: {  	s21 =	simm.s32 $0x2D80;
	s25 =	sadd.s32 $0x30, s12  }
0x4d: {  	[tilespmem:s21], [sflag:$0xC] =	stream.linear.gather [hbm4b:s25+s5], $0x80, $0x38;
	[tilespmem:$0x1CC00] =	vst v63  }
0x4e: {  	s28 =	simm.s32 $0x2E00;
	s30 =	sadd.s32 $0x40, s12  }
0x4f: {  	[tilespmem:s28], [sflag:$0xC] =	stream.linear.gather [hbm4b:s30+s5], $0x80, $0x38;
	[tilespmem:$0x1CC00] =	vst v63  }
0x50: {  	s14 =	simm.s32 $0x2E80;
	s17 =	sadd.s32 $0x50, s12  }
0x51: {  	[tilespmem:s14], [sflag:$0xC] =	stream.linear.gather [hbm4b:s17+s5], $0x80, $0x38;
	[tilespmem:$0x1CC00] =	vst v63  }
0x52: {  	s21 =	simm.s32 $0x2F00;
	s25 =	sadd.s32 $0x60, s12  }
0x53: {  	[tilespmem:s21], [sflag:$0xC] =	stream.linear.gather [hbm4b:s25+s5], $0x80, $0x38;
	[tilespmem:$0x1CC00] =	vst v63  }
0x54: {  	s28 =	simm.s32 $0x2F80;
	s30 =	sadd.s32 $0x70, s12  }
0x55: {  	[tilespmem:s28], [sflag:$0xC] =	stream.linear.gather [hbm4b:s30+s5], $0x80, $0x38;
	[tilespmem:$0x1CC00] =	vst v63  }
0x56: {  	_ =	swait.ge [sflag:s31], $0x80  }
0x57: {  	[sflag:s31] =	ssyncset.done $0x0  }
0x58: {  	[sflag:s31] =	ssyncadd.s32 $0xFFFFFF80  }
0x59: {  	_ =	swait.ge [sflag:s31], $0x80  }
0x5a: {  	[sflag:s31] =	ssyncset.done $0x0  }
0x5b: {  	[sflag:s31] =	ssyncadd.s32 $0xFFFFFF80  }
0x5c: {  	_ =	swait.ge [sflag:s31], $0x80  }
0x5d: {  	[sflag:s31] =	ssyncset.done $0x0  }
0x5e: {  	[sflag:s31] =	ssyncadd.s32 $0xFFFFFF80  }
0x5f: {  	_ =	swait.ge [sflag:s31], $0x80  }
0x60: {  	[sflag:s31] =	ssyncset.done $0x0  }
0x61: {  	[sflag:s31] =	ssyncadd.s32 $0xFFFFFF80  }
0x62: {  	_ =	swait.ge [sflag:s31], $0x80  }
0x63: {  	[sflag:s31] =	ssyncset.done $0x0  }
0x64: {  	[sflag:s31] =	ssyncadd.s32 $0xFFFFFF80  }
0x65: {  	_ =	swait.ge [sflag:s31], $0x80  }
0x66: {  	[sflag:s31] =	ssyncset.done $0x0  }
0x67: {  	[sflag:s31] =	ssyncadd.s32 $0xFFFFFF80  }
0x68: {  	_ =	swait.ge [sflag:s31], $0x80  }
0x69: {  	[sflag:s31] =	ssyncset.done $0x0  }
0x6a: {  	[sflag:s31] =	ssyncadd.s32 $0xFFFFFF80  }
0x6b: {  	_ =	swait.ge [sflag:s31], $0x80  }
0x6c: {  	[sflag:s31] =	ssyncset.done $0x0  }
0x6d: {  	[sflag:s31] =	ssyncadd.s32 $0xFFFFFF80  }
0x6e: {  	_ =	swait.ge [sflag:s31], $0x80  }
0x6f: {  	[sflag:s31] =	ssyncset.done $0x0  }
0x70: {  	[sflag:s31] =	ssyncadd.s32 $0xFFFFFF80  }
0x71: {  	_ =	swait.ge [sflag:s31], $0x80  }
0x72: {  	[sflag:s31] =	ssyncset.done $0x0  }
0x73: {  	[sflag:s31] =	ssyncadd.s32 $0xFFFFFF80  }
0x74: {  	_ =	swait.ge [sflag:s31], $0x80  }
0x75: {  	[sflag:s31] =	ssyncset.done $0x0  }
0x76: {  	[sflag:s31] =	ssyncadd.s32 $0xFFFFFF80  }
0x77: {  	_ =	swait.ge [sflag:s31], $0x80  }
0x78: {  	[sflag:s31] =	ssyncset.done $0x0  }
0x79: {  	[sflag:s31] =	ssyncadd.s32 $0xFFFFFF80  }
0x7a: {  	_ =	swait.ge [sflag:s31], $0x80  }
0x7b: {  	[sflag:s31] =	ssyncset.done $0x0  }
0x7c: {  	[sflag:s31] =	ssyncadd.s32 $0xFFFFFF80  }
0x7d: {  	_ =	swait.ge [sflag:s31], $0x80  }
0x7e: {  	[sflag:s31] =	ssyncset.done $0x0  }
0x7f: {  	[sflag:s31] =	ssyncadd.s32 $0xFFFFFF80  }
0x80: {  	_ =	swait.ge [sflag:s31], $0x80  }
0x81: {  	[sflag:s31] =	ssyncset.done $0x0  }
0x82: {  	s29 =	simm.s32 $0x4000;
	[sflag:s31] =	ssyncadd.s32 $0xFFFFFF80  }
0x83: {  	s17 =	sadd.s32 $0x100, s12;
	s14 =	simm.s32 $0x800;
	_ =	swait.ge [sflag:s31], $0x80  }
0x84: {  	s10 =	sadd.s32 $0xFFFFFF80, s17;
	s21 =	sadd.s32 $0x100, s17;
	[sflag:s31] =	ssyncset.done $0x0  }
.LBB2_2:
0x85: {  	s28 =	sadd.s32 $0xFFFFFF80, s21  }
0x86: {  	s25 =	sadd.s32 $0x2800, s14;
	[sflag:s31] =	ssyncadd.s32 $0xFFFFFF80;
	s30 =	smov.u32 s29  }
0x87: {  	[tilespmem:s25], [sflag:$0xC] =	stream.linear.gather [hbm4b:s10+s5], $0x80, $0x38;
	[tilespmem:$0x1CC00] =	vst v63  }
0x88: {  	s12 =	sadd.s32 $0xFFFFFF90, s17;
	s25 =	sadd.s32 $0x2000, s29;
	s10 =	sadd.s32 $0x2880, s14  }
0x89: {  	[tilespmem:s10], [sflag:$0xC] =	stream.linear.gather [hbm4b:s12+s5], $0x80, $0x38;
	[tilespmem:$0x1CC00] =	vst v63  }
0x8a: {  	p0 =	sne.s32 s29, $0x8000;
	s10 =	sadd.s32 $0x2900, s14;
	s12 =	sadd.s32 $0xFFFFFFA0, s17  }
0x8b: {  	[tilespmem:s10], [sflag:$0xC] =	stream.linear.gather [hbm4b:s12+s5], $0x80, $0x38;
	[tilespmem:$0x1CC00] =	vst v63  }
0x8c: {  	s29 =	sadd.s32 $0xFFFFFFB0, s17;
	s12 =	sadd.s32 $0x2980, s14;
	s10 =	smov.u32 s28  }
0x8d: {  	[tilespmem:s12], [sflag:$0xC] =	stream.linear.gather [hbm4b:s29+s5], $0x80, $0x38;
	[tilespmem:$0x1CC00] =	vst v63  }
0x8e: {  	s28 =	sadd.s32 $0xFFFFFFC0, s17;
	s12 =	sadd.s32 $0x2A00, s14  }
0x8f: {  	[tilespmem:s12], [sflag:$0xC] =	stream.linear.gather [hbm4b:s28+s5], $0x80, $0x38;
	[tilespmem:$0x1CC00] =	vst v63  }
0x90: {  	s12 =	sadd.s32 $0x2A80, s14;
	s28 =	sadd.s32 $0xFFFFFFD0, s17  }
0x91: {  	[tilespmem:s12], [sflag:$0xC] =	stream.linear.gather [hbm4b:s28+s5], $0x80, $0x38;
	[tilespmem:$0x1CC00] =	vst v63  }
0x92: {  	s12 =	sadd.s32 $0x2B00, s14;
	s28 =	sadd.s32 $0xFFFFFFE0, s17  }
0x93: {  	[tilespmem:s12], [sflag:$0xC] =	stream.linear.gather [hbm4b:s28+s5], $0x80, $0x38;
	[tilespmem:$0x1CC00] =	vst v63  }
0x94: {  	s12 =	sadd.s32 $0x2B80, s14;
	s28 =	sadd.s32 $0xFFFFFFF0, s17  }
0x95: {  	[tilespmem:s12], [sflag:$0xC] =	stream.linear.gather [hbm4b:s28+s5], $0x80, $0x38;
	[tilespmem:$0x1CC00] =	vst v63  }
0x96: {  	s12 =	sadd.s32 $0x2C00, s14  }
0x97: {  	[tilespmem:s12], [sflag:$0xC] =	stream.linear.gather [hbm4b:s17+s5], $0x80, $0x38;
	[tilespmem:$0x1CC00] =	vst v63  }
0x98: {  	s28 =	sadd.s32 $0x10, s17;
	s12 =	sadd.s32 $0x2C80, s14  }
0x99: {  	[tilespmem:s12], [sflag:$0xC] =	stream.linear.gather [hbm4b:s28+s5], $0x80, $0x38;
	[tilespmem:$0x1CC00] =	vst v63  }
0x9a: {  	s12 =	sadd.s32 $0x2D00, s14;
	s28 =	sadd.s32 $0x20, s17  }
0x9b: {  	[tilespmem:s12], [sflag:$0xC] =	stream.linear.gather [hbm4b:s28+s5], $0x80, $0x38;
	[tilespmem:$0x1CC00] =	vst v63  }
0x9c: {  	s12 =	sadd.s32 $0x2D80, s14;
	s28 =	sadd.s32 $0x30, s17  }
0x9d: {  	[tilespmem:s12], [sflag:$0xC] =	stream.linear.gather [hbm4b:s28+s5], $0x80, $0x38;
	[tilespmem:$0x1CC00] =	vst v63  }
0x9e: {  	s12 =	sadd.s32 $0x2E00, s14;
	s28 =	sadd.s32 $0x40, s17  }
0x9f: {  	[tilespmem:s12], [sflag:$0xC] =	stream.linear.gather [hbm4b:s28+s5], $0x80, $0x38;
	[tilespmem:$0x1CC00] =	vst v63  }
0xa0: {  	s12 =	sadd.s32 $0x2E80, s14;
	s28 =	sadd.s32 $0x50, s17  }
0xa1: {  	[tilespmem:s12], [sflag:$0xC] =	stream.linear.gather [hbm4b:s28+s5], $0x80, $0x38;
	[tilespmem:$0x1CC00] =	vst v63  }
0xa2: {  	s12 =	sadd.s32 $0x2F00, s14;
	s28 =	sadd.s32 $0x60, s17  }
0xa3: {  	[tilespmem:s12], [sflag:$0xC] =	stream.linear.gather [hbm4b:s28+s5], $0x80, $0x38;
	[tilespmem:$0x1CC00] =	vst v63  }
0xa4: {  	s12 =	sadd.s32 $0x2F80, s14;
	s14 =	sadd.s32 $0x70, s17;
	s17 =	smov.u32 s21  }
0xa5: {  	[tilespmem:s12], [sflag:$0xC] =	stream.linear.gather [hbm4b:s14+s5], $0x80, $0x38;
	[tilespmem:$0x1CC00] =	vst v63  }
0xa6: {  	_ =	swait.ge [sflag:s31], $0x80  }
0xa7: {  	[sflag:s31] =	ssyncset.done $0x0  }
0xa8: {  	[sflag:s31] =	ssyncadd.s32 $0xFFFFFF80  }
0xa9: {  	_ =	swait.ge [sflag:s31], $0x80  }
0xaa: {  	[sflag:s31] =	ssyncset.done $0x0  }
0xab: {  	[sflag:s31] =	ssyncadd.s32 $0xFFFFFF80  }
0xac: {  	_ =	swait.ge [sflag:s31], $0x80  }
0xad: {  	[sflag:s31] =	ssyncset.done $0x0  }
0xae: {  	[sflag:s31] =	ssyncadd.s32 $0xFFFFFF80  }
0xaf: {  	_ =	swait.ge [sflag:s31], $0x80  }
0xb0: {  	[sflag:s31] =	ssyncset.done $0x0  }
0xb1: {  	[sflag:s31] =	ssyncadd.s32 $0xFFFFFF80  }
0xb2: {  	_ =	swait.ge [sflag:s31], $0x80  }
0xb3: {  	[sflag:s31] =	ssyncset.done $0x0  }
0xb4: {  	[sflag:s31] =	ssyncadd.s32 $0xFFFFFF80  }
0xb5: {  	_ =	swait.ge [sflag:s31], $0x80  }
0xb6: {  	[sflag:s31] =	ssyncset.done $0x0  }
0xb7: {  	[sflag:s31] =	ssyncadd.s32 $0xFFFFFF80  }
0xb8: {  	_ =	swait.ge [sflag:s31], $0x80  }
0xb9: {  	[sflag:s31] =	ssyncset.done $0x0  }
0xba: {  	[sflag:s31] =	ssyncadd.s32 $0xFFFFFF80  }
0xbb: {  	_ =	swait.ge [sflag:s31], $0x80  }
0xbc: {  	[sflag:s31] =	ssyncset.done $0x0  }
0xbd: {  	[sflag:s31] =	ssyncadd.s32 $0xFFFFFF80  }
0xbe: {  	_ =	swait.ge [sflag:s31], $0x80  }
0xbf: {  	[sflag:s31] =	ssyncset.done $0x0  }
0xc0: {  	[sflag:s31] =	ssyncadd.s32 $0xFFFFFF80  }
0xc1: {  	_ =	swait.ge [sflag:s31], $0x80  }
0xc2: {  	[sflag:s31] =	ssyncset.done $0x0  }
0xc3: {  	[sflag:s31] =	ssyncadd.s32 $0xFFFFFF80  }
0xc4: {  	_ =	swait.ge [sflag:s31], $0x80  }
0xc5: {  	[sflag:s31] =	ssyncset.done $0x0  }
0xc6: {  	[sflag:s31] =	ssyncadd.s32 $0xFFFFFF80  }
0xc7: {  	_ =	swait.ge [sflag:s31], $0x80  }
0xc8: {  	[sflag:s31] =	ssyncset.done $0x0  }
0xc9: {  	[sflag:s31] =	ssyncadd.s32 $0xFFFFFF80  }
0xca: {  	_ =	swait.ge [sflag:s31], $0x80  }
0xcb: {  	[sflag:s31] =	ssyncset.done $0x0  }
0xcc: {  	[sflag:s31] =	ssyncadd.s32 $0xFFFFFF80  }
0xcd: {  	_ =	swait.ge [sflag:s31], $0x80  }
0xce: {  	[sflag:s31] =	ssyncset.done $0x0  }
0xcf: {  	[sflag:s31] =	ssyncadd.s32 $0xFFFFFF80  }
.Ltmp0:
0xd0: {  	_ =	swait.ge [sflag:s31], $0x80;
	(pc) =	sbr.rel @p0 .LBB2_2-.Ltmp0, $4  }
0xd1: {  	[sflag:s31] =	ssyncset.done $0x0  }
0xd2: {  	[sflag:s31] =	ssyncadd.s32 $0xFFFFFF80  }
0xd3: {  	s29 =	smov.u32 s25;
	_ =	swait.ge [sflag:s31], $0x80  }
0xd4: {  	s21 =	sadd.s32 $0x100, s21;
	s14 =	sshra.s32 s30, $0x2;
	[sflag:s31] =	ssyncset.done $0x0  }
0xd5: {  	s12 =	sadd.s32 $0x2800, s14;
	[sflag:s31] =	ssyncadd.s32 $0xFFFFFF80  }
0xd6: {  	[tilespmem:s12], [sflag:$0xC] =	stream.linear.gather [hbm4b:s10+s5], $0x80, $0x38;
	[tilespmem:$0x1CC00] =	vst v63  }
0xd7: {  	s29 =	sadd.s32 $0x2880, s14;
	s30 =	sadd.s32 $0xFFFFFF90, s17  }
0xd8: {  	[tilespmem:s29], [sflag:$0xC] =	stream.linear.gather [hbm4b:s30+s5], $0x80, $0x38;
	[tilespmem:$0x1CC00] =	vst v63  }
0xd9: {  	s21 =	sadd.s32 $0x2900, s14;
	s25 =	sadd.s32 $0xFFFFFFA0, s17  }
0xda: {  	[tilespmem:s21], [sflag:$0xC] =	stream.linear.gather [hbm4b:s25+s5], $0x80, $0x38;
	[tilespmem:$0x1CC00] =	vst v63  }
0xdb: {  	s29 =	sadd.s32 $0x2980, s14;
	s30 =	sadd.s32 $0xFFFFFFB0, s17  }
0xdc: {  	[tilespmem:s29], [sflag:$0xC] =	stream.linear.gather [hbm4b:s30+s5], $0x80, $0x38;
	[tilespmem:$0x1CC00] =	vst v63  }
0xdd: {  	s21 =	sadd.s32 $0x2A00, s14;
	s25 =	sadd.s32 $0xFFFFFFC0, s17  }
0xde: {  	[tilespmem:s21], [sflag:$0xC] =	stream.linear.gather [hbm4b:s25+s5], $0x80, $0x38;
	[tilespmem:$0x1CC00] =	vst v63  }
0xdf: {  	s29 =	sadd.s32 $0x2A80, s14;
	s30 =	sadd.s32 $0xFFFFFFD0, s17  }
0xe0: {  	[tilespmem:s29], [sflag:$0xC] =	stream.linear.gather [hbm4b:s30+s5], $0x80, $0x38;
	[tilespmem:$0x1CC00] =	vst v63  }
0xe1: {  	s21 =	sadd.s32 $0x2B00, s14;
	s25 =	sadd.s32 $0xFFFFFFE0, s17  }
0xe2: {  	[tilespmem:s21], [sflag:$0xC] =	stream.linear.gather [hbm4b:s25+s5], $0x80, $0x38;
	[tilespmem:$0x1CC00] =	vst v63  }
0xe3: {  	s29 =	sadd.s32 $0x2B80, s14;
	s30 =	sadd.s32 $0xFFFFFFF0, s17  }
0xe4: {  	[tilespmem:s29], [sflag:$0xC] =	stream.linear.gather [hbm4b:s30+s5], $0x80, $0x38;
	[tilespmem:$0x1CC00] =	vst v63  }
0xe5: {  	s12 =	sadd.s32 $0x2C00, s14  }
0xe6: {  	[tilespmem:s12], [sflag:$0xC] =	stream.linear.gather [hbm4b:s17+s5], $0x80, $0x38;
	[tilespmem:$0x1CC00] =	vst v63  }
0xe7: {  	s21 =	sadd.s32 $0x2C80, s14;
	s25 =	sadd.s32 $0x10, s17  }
0xe8: {  	[tilespmem:s21], [sflag:$0xC] =	stream.linear.gather [hbm4b:s25+s5], $0x80, $0x38;
	[tilespmem:$0x1CC00] =	vst v63  }
0xe9: {  	s29 =	sadd.s32 $0x2D00, s14;
	s30 =	sadd.s32 $0x20, s17  }
0xea: {  	[tilespmem:s29], [sflag:$0xC] =	stream.linear.gather [hbm4b:s30+s5], $0x80, $0x38;
	[tilespmem:$0x1CC00] =	vst v63  }
0xeb: {  	s21 =	sadd.s32 $0x2D80, s14;
	s25 =	sadd.s32 $0x30, s17  }
0xec: {  	[tilespmem:s21], [sflag:$0xC] =	stream.linear.gather [hbm4b:s25+s5], $0x80, $0x38;
	[tilespmem:$0x1CC00] =	vst v63  }
0xed: {  	s29 =	sadd.s32 $0x2E00, s14;
	s30 =	sadd.s32 $0x40, s17  }
0xee: {  	[tilespmem:s29], [sflag:$0xC] =	stream.linear.gather [hbm4b:s30+s5], $0x80, $0x38;
	[tilespmem:$0x1CC00] =	vst v63  }
0xef: {  	s21 =	sadd.s32 $0x2E80, s14;
	s25 =	sadd.s32 $0x50, s17  }
0xf0: {  	[tilespmem:s21], [sflag:$0xC] =	stream.linear.gather [hbm4b:s25+s5], $0x80, $0x38;
	[tilespmem:$0x1CC00] =	vst v63  }
0xf1: {  	s29 =	sadd.s32 $0x2F00, s14;
	s30 =	sadd.s32 $0x60, s17  }
0xf2: {  	[tilespmem:s29], [sflag:$0xC] =	stream.linear.gather [hbm4b:s30+s5], $0x80, $0x38;
	[tilespmem:$0x1CC00] =	vst v63  }
0xf3: {  	s14 =	sadd.s32 $0x2F80, s14;
	s21 =	sadd.s32 $0x70, s17  }
0xf4: {  	[tilespmem:s14], [sflag:$0xC] =	stream.linear.gather [hbm4b:s21+s5], $0x80, $0x38;
	[tilespmem:$0x1CC00] =	vst v63  }
0xf5: {  	_ =	swait.ge [sflag:s31], $0x80  }
0xf6: {  	[sflag:s31] =	ssyncset.done $0x0  }
0xf7: {  	[sflag:s31] =	ssyncadd.s32 $0xFFFFFF80  }
0xf8: {  	_ =	swait.ge [sflag:s31], $0x80  }
0xf9: {  	[sflag:s31] =	ssyncset.done $0x0  }
0xfa: {  	[sflag:s31] =	ssyncadd.s32 $0xFFFFFF80  }
0xfb: {  	_ =	swait.ge [sflag:s31], $0x80  }
0xfc: {  	[sflag:s31] =	ssyncset.done $0x0  }
0xfd: {  	[sflag:s31] =	ssyncadd.s32 $0xFFFFFF80  }
0xfe: {  	_ =	swait.ge [sflag:s31], $0x80  }
0xff: {  	[sflag:s31] =	ssyncset.done $0x0  }
0x100: {  	[sflag:s31] =	ssyncadd.s32 $0xFFFFFF80  }
0x101: {  	_ =	swait.ge [sflag:s31], $0x80  }
0x102: {  	[sflag:s31] =	ssyncset.done $0x0  }
0x103: {  	[sflag:s31] =	ssyncadd.s32 $0xFFFFFF80  }
0x104: {  	_ =	swait.ge [sflag:s31], $0x80  }
0x105: {  	[sflag:s31] =	ssyncset.done $0x0  }
0x106: {  	[sflag:s31] =	ssyncadd.s32 $0xFFFFFF80  }
0x107: {  	_ =	swait.ge [sflag:s31], $0x80  }
0x108: {  	[sflag:s31] =	ssyncset.done $0x0  }
0x109: {  	[sflag:s31] =	ssyncadd.s32 $0xFFFFFF80  }
0x10a: {  	_ =	swait.ge [sflag:s31], $0x80  }
0x10b: {  	[sflag:s31] =	ssyncset.done $0x0  }
0x10c: {  	[sflag:s31] =	ssyncadd.s32 $0xFFFFFF80  }
0x10d: {  	_ =	swait.ge [sflag:s31], $0x80  }
0x10e: {  	[sflag:s31] =	ssyncset.done $0x0  }
0x10f: {  	[sflag:s31] =	ssyncadd.s32 $0xFFFFFF80  }
0x110: {  	_ =	swait.ge [sflag:s31], $0x80  }
0x111: {  	[sflag:s31] =	ssyncset.done $0x0  }
0x112: {  	[sflag:s31] =	ssyncadd.s32 $0xFFFFFF80  }
0x113: {  	_ =	swait.ge [sflag:s31], $0x80  }
0x114: {  	[sflag:s31] =	ssyncset.done $0x0  }
0x115: {  	[sflag:s31] =	ssyncadd.s32 $0xFFFFFF80  }
0x116: {  	_ =	swait.ge [sflag:s31], $0x80  }
0x117: {  	[sflag:s31] =	ssyncset.done $0x0  }
0x118: {  	[sflag:s31] =	ssyncadd.s32 $0xFFFFFF80  }
0x119: {  	_ =	swait.ge [sflag:s31], $0x80  }
0x11a: {  	[sflag:s31] =	ssyncset.done $0x0  }
0x11b: {  	[sflag:s31] =	ssyncadd.s32 $0xFFFFFF80  }
0x11c: {  	_ =	swait.ge [sflag:s31], $0x80  }
0x11d: {  	[sflag:s31] =	ssyncset.done $0x0  }
0x11e: {  	[sflag:s31] =	ssyncadd.s32 $0xFFFFFF80  }
0x11f: {  	_ =	swait.ge [sflag:s31], $0x80  }
0x120: {  	[sflag:s31] =	ssyncset.done $0x0  }
0x121: {  	[sflag:s31] =	ssyncadd.s32 $0xFFFFFF80  }
0x122: {  	_ =	swait.ge [sflag:s31], $0x80  }
0x123: {  	s10 =	simm.s32 $0x0;
	[sflag:s31] =	ssyncset.done $0x0  }
0x124: {  	s14 =	simm.s32 $0xD;
	s25 =	rddreg [dreg:$0x8];
	[sflag:s31] =	ssyncadd.s32 $0xFFFFFF80  }
0x125: {  	[tilespmem:s10], [sflag:$0xD] =	stream.linear.gather [hbm4b:s25+s10], $0x2800, $0x38;
	[tilespmem:$0x1CC00] =	vst v63  }
0x126: {  	_ =	swait.ge [sflag:s14], $0x2800  }
0x127: {  	[sflag:s14] =	ssyncset.done $0x0  }
0x128: {  	s17 =	simm.s32 $0xF400;
	s25 =	rddreg [dreg:$0x9];
	[sflag:s14] =	ssyncadd.s32 $0xFFFFD800  }
0x129: {  	[spmem:s25] =	stream.linear.scatter [tilespmem:s17], [sflag:$0xD], $0x2000, $0x38;
	[tilespmem:$0x1CC00] =	vst v63  }
0x12a: {  	_ =	swait.ge [sflag:s14], $0x2000  }
0x12b: {  	[sflag:s14] =	ssyncset.done $0x0  }
0x12c: {  	s21 =	simm.s32 $0x11400;
	s28 =	rddreg [dreg:$0xa];
	[sflag:s14] =	ssyncadd.s32 $0xFFFFE000  }
0x12d: {  	[spmem:s28] =	stream.linear.scatter [tilespmem:s21], [sflag:$0xD], $0x400, $0x38;
	[tilespmem:$0x1CC00] =	vst v63  }
0x12e: {  	_ =	swait.ge [sflag:s14], $0x400  }
0x12f: {  	[sflag:s14] =	ssyncset.done $0x0  }
0x130: {  	s29 =	rddreg [dreg:$0xb];
	[sflag:s14] =	ssyncadd.s32 $0xFFFFFC00  }
0x131: {  	[spmem:s29] =	stream.linear.scatter [tilespmem:s17], [sflag:$0xD], $0x2000, $0x38;
	[tilespmem:$0x1CC00] =	vst v63  }
0x132: {  	_ =	swait.ge [sflag:s14], $0x2000  }
0x133: {  	[sflag:s14] =	ssyncset.done $0x0  }
0x134: {  	s30 =	rddreg [dreg:$0xc];
	[sflag:s14] =	ssyncadd.s32 $0xFFFFE000  }
0x135: {  	[spmem:s30] =	stream.linear.scatter [tilespmem:s21], [sflag:$0xD], $0x400, $0x38;
	[tilespmem:$0x1CC00] =	vst v63  }
0x136: {  	_ =	swait.ge [sflag:s14], $0x400  }
0x137: {  	[sflag:s14] =	ssyncset.done $0x0  }
0x138: {  	s29 =	rddreg [dreg:$0xd];
	[sflag:s14] =	ssyncadd.s32 $0xFFFFFC00  }
0x139: {  	[spmem:s29] =	stream.linear.scatter [tilespmem:s17], [sflag:$0xD], $0x2000, $0x38;
	[tilespmem:$0x1CC00] =	vst v63  }
0x13a: {  	_ =	swait.ge [sflag:s14], $0x2000  }
0x13b: {  	[sflag:s14] =	ssyncset.done $0x0  }
0x13c: {  	s30 =	rddreg [dreg:$0xe];
	[sflag:s14] =	ssyncadd.s32 $0xFFFFE000  }
0x13d: {  	[spmem:s30] =	stream.linear.scatter [tilespmem:s21], [sflag:$0xD], $0x400, $0x38;
	[tilespmem:$0x1CC00] =	vst v63  }
0x13e: {  	_ =	swait.ge [sflag:s14], $0x400  }
0x13f: {  	[sflag:s14] =	ssyncset.done $0x0  }
0x140: {  	s29 =	rddreg [dreg:$0x10];
	[sflag:s14] =	ssyncadd.s32 $0xFFFFFC00  }
0x141: {  	[spmem:s29] =	stream.linear.scatter [tilespmem:s17], [sflag:$0xD], $0x2000, $0x38;
	[tilespmem:$0x1CC00] =	vst v63  }
0x142: {  	_ =	swait.ge [sflag:s14], $0x2000  }
0x143: {  	[sflag:s14] =	ssyncset.done $0x0  }
0x144: {  	s30 =	rddreg [dreg:$0x11];
	[sflag:s14] =	ssyncadd.s32 $0xFFFFE000  }
0x145: {  	[spmem:s30] =	stream.linear.scatter [tilespmem:s21], [sflag:$0xD], $0x400, $0x38;
	[tilespmem:$0x1CC00] =	vst v63  }
0x146: {  	_ =	swait.ge [sflag:s14], $0x400  }
0x147: {  	[sflag:s14] =	ssyncset.done $0x0  }
0x148: {  	s29 =	rddreg [dreg:$0x14];
	[sflag:s14] =	ssyncadd.s32 $0xFFFFFC00  }
0x149: {  	[spmem:s29] =	stream.linear.scatter [tilespmem:s17], [sflag:$0xD], $0x2000, $0x38;
	[tilespmem:$0x1CC00] =	vst v63  }
0x14a: {  	_ =	swait.ge [sflag:s14], $0x2000  }
0x14b: {  	[sflag:s14] =	ssyncset.done $0x0  }
0x14c: {  	s30 =	rddreg [dreg:$0x15];
	[sflag:s14] =	ssyncadd.s32 $0xFFFFE000  }
0x14d: {  	[spmem:s30] =	stream.linear.scatter [tilespmem:s21], [sflag:$0xD], $0x400, $0x38;
	[tilespmem:$0x1CC00] =	vst v63  }
0x14e: {  	_ =	swait.ge [sflag:s14], $0x400  }
0x14f: {  	[sflag:s14] =	ssyncset.done $0x0  }
0x150: {  	[sflag:s14] =	ssyncadd.s32 $0xFFFFFC00  }
0x151: {  	[bflag:$0x0] =	sbarrier.arrive $0xFFFF  }
0x152: {  	[tilespmem:s3], [sflag:$0x1] =	stream.indirect.gather [hbm4b:s1+s0], $0x40, s10, s0, $0xb8;
	[tilespmem:$0x1CC00] =	vst v63  }
0x153: {  	_ = 	snop  }
0x154: {  	[tilespmem:s6], [sflag:$0x2] =	stream.indirect.gather [hbm4b:s1+s0], $0x40, s0, s0, $0xb8;
	[tilespmem:$0x1CC00] =	vst v63  }
0x155: {  	s12 =	simm.s32 $0x100  }
0x156: {  	[tilespmem:s8], [sflag:$0x3] =	stream.indirect.gather [hbm4b:s1+s0], $0x40, s12, s0, $0xb8;
	[tilespmem:$0x1CC00] =	vst v63  }
0x157: {  	s14 =	simm.s32 $0x180  }
0x158: {  	[tilespmem:s13], [sflag:$0x4] =	stream.indirect.gather [hbm4b:s1+s0], $0x40, s14, s0, $0xb8;
	[tilespmem:$0x1CC00] =	vst v63  }
0x159: {  	s17 =	simm.s32 $0x200  }
0x15a: {  	[tilespmem:s16], [sflag:$0x5] =	stream.indirect.gather [hbm4b:s1+s0], $0x40, s17, s0, $0xb8;
	[tilespmem:$0x1CC00] =	vst v63  }
0x15b: {  	_ =	swait.ge [sflag:s18], $0x2000  }
0x15c: {  	[sflag:s18] =	ssyncset.done $0x0  }
0x15d: {  	s21 =	simm.s32 $0x2800;
	[sflag:s18] =	ssyncadd.s32 $0xFFFFE000  }
0x15e: {  	[spmem:s2] =	stream.indirect.scatter.add.f32 [tilespmem:s3], [sflag:$0x6], $0x40, s21, s0, $0xb8;
	[tilespmem:$0x1CC00] =	vst v63  }
0x15f: {  	_ = 	snop  }
0x160: {  	[spmem:s4] =	stream.indirect.scatter.add.f32 [tilespmem:s26], [sflag:$0xB], $0x8, s21, s0, $0xb8;
	[tilespmem:$0x1CC00] =	vst v63  }
0x161: {  	_ =	swait.ge [sflag:s19], $0x2000  }
0x162: {  	[sflag:s19] =	ssyncset.done $0x0  }
0x163: {  	s29 =	simm.s32 $0x2880;
	[sflag:s19] =	ssyncadd.s32 $0xFFFFE000  }
0x164: {  	[spmem:s2] =	stream.indirect.scatter.add.f32 [tilespmem:s6], [sflag:$0x7], $0x40, s29, s0, $0xb8;
	[tilespmem:$0x1CC00] =	vst v63  }
0x165: {  	_ = 	snop  }
0x166: {  	[spmem:s4] =	stream.indirect.scatter.add.f32 [tilespmem:s26], [sflag:$0xB], $0x8, s29, s0, $0xb8;
	[tilespmem:$0x1CC00] =	vst v63  }
0x167: {  	_ =	swait.ge [sflag:s20], $0x2000  }
0x168: {  	[sflag:s20] =	ssyncset.done $0x0  }
0x169: {  	s30 =	simm.s32 $0x2900;
	[sflag:s20] =	ssyncadd.s32 $0xFFFFE000  }
0x16a: {  	[spmem:s2] =	stream.indirect.scatter.add.f32 [tilespmem:s8], [sflag:$0x8], $0x40, s30, s0, $0xb8;
	[tilespmem:$0x1CC00] =	vst v63  }
0x16b: {  	_ = 	snop  }
0x16c: {  	[spmem:s4] =	stream.indirect.scatter.add.f32 [tilespmem:s26], [sflag:$0xB], $0x8, s30, s0, $0xb8;
	[tilespmem:$0x1CC00] =	vst v63  }
0x16d: {  	_ =	swait.ge [sflag:s7], $0x2000  }
0x16e: {  	[sflag:s7] =	ssyncset.done $0x0  }
0x16f: {  	s12 =	simm.s32 $0x2980;
	[sflag:s7] =	ssyncadd.s32 $0xFFFFE000  }
0x170: {  	[spmem:s2] =	stream.indirect.scatter.add.f32 [tilespmem:s13], [sflag:$0x9], $0x40, s12, s0, $0xb8;
	[tilespmem:$0x1CC00] =	vst v63  }
0x171: {  	_ = 	snop  }
0x172: {  	[spmem:s4] =	stream.indirect.scatter.add.f32 [tilespmem:s26], [sflag:$0xB], $0x8, s12, s0, $0xb8;
	[tilespmem:$0x1CC00] =	vst v63  }
0x173: {  	_ =	swait.ge [sflag:s9], $0x2000  }
0x174: {  	[sflag:s9] =	ssyncset.done $0x0  }
0x175: {  	s14 =	simm.s32 $0x2A00;
	[sflag:s9] =	ssyncadd.s32 $0xFFFFE000  }
0x176: {  	[spmem:s2] =	stream.indirect.scatter.add.f32 [tilespmem:s16], [sflag:$0xA], $0x40, s14, s0, $0xb8;
	[tilespmem:$0x1CC00] =	vst v63  }
0x177: {  	_ = 	snop  }
0x178: {  	[spmem:s4] =	stream.indirect.scatter.add.f32 [tilespmem:s26], [sflag:$0xB], $0x8, s14, s0, $0xb8;
	[tilespmem:$0x1CC00] =	vst v63  }
0x179: {  	_ =	swait.ge [sflag:s22], $0x2000  }
0x17a: {  	[sflag:s22] =	ssyncset.done $0x0  }
0x17b: {  	s17 =	simm.s32 $0x280;
	[sflag:s22] =	ssyncadd.s32 $0xFFFFE000  }
0x17c: {  	[tilespmem:s3], [sflag:$0x1] =	stream.indirect.gather [hbm4b:s1+s0], $0x40, s17, s0, $0xb8;
	[tilespmem:$0x1CC00] =	vst v63  }
0x17d: {  	_ =	swait.ge [sflag:s23], $0x2000  }
0x17e: {  	[sflag:s23] =	ssyncset.done $0x0  }
0x17f: {  	s21 =	simm.s32 $0x300;
	[sflag:s23] =	ssyncadd.s32 $0xFFFFE000  }
0x180: {  	[tilespmem:s6], [sflag:$0x2] =	stream.indirect.gather [hbm4b:s1+s0], $0x40, s21, s0, $0xb8;
	[tilespmem:$0x1CC00] =	vst v63  }
0x181: {  	_ =	swait.ge [sflag:s15], $0x2000  }
0x182: {  	[sflag:s15] =	ssyncset.done $0x0  }
0x183: {  	s29 =	simm.s32 $0x380;
	[sflag:s15] =	ssyncadd.s32 $0xFFFFE000  }
0x184: {  	[tilespmem:s8], [sflag:$0x3] =	stream.indirect.gather [hbm4b:s1+s0], $0x40, s29, s0, $0xb8;
	[tilespmem:$0x1CC00] =	vst v63  }
0x185: {  	_ =	swait.ge [sflag:s24], $0x2000  }
0x186: {  	[sflag:s24] =	ssyncset.done $0x0  }
0x187: {  	s30 =	simm.s32 $0x400;
	[sflag:s24] =	ssyncadd.s32 $0xFFFFE000  }
0x188: {  	[tilespmem:s13], [sflag:$0x4] =	stream.indirect.gather [hbm4b:s1+s0], $0x40, s30, s0, $0xb8;
	[tilespmem:$0x1CC00] =	vst v63  }
0x189: {  	_ =	swait.ge [sflag:s11], $0x2000  }
0x18a: {  	[sflag:s11] =	ssyncset.done $0x0  }
0x18b: {  	s10 =	simm.s32 $0xA00;
	s14 =	simm.s32 $0x480;
	[sflag:s11] =	ssyncadd.s32 $0xFFFFE000  }
.LBB2_4:
0x18c: {  	[tilespmem:s16], [sflag:$0x5] =	stream.indirect.gather [hbm4b:s1+s0], $0x40, s14, s0, $0xb8;
	[tilespmem:$0x1CC00] =	vst v63  }
0x18d: {  	s12 =	smov.u32 s10  }
0x18e: {  	p0 =	sne.s32 s10, $0x8C00;
	s10 =	sadd.s32 $0xA00, s10;
	_ =	swait.ge [sflag:s18], $0x2000  }
0x18f: {  	s14 =	sshra.s32 s12, $0x2;
	[sflag:s18] =	ssyncset.done $0x0  }
0x190: {  	s12 =	sadd.s32 $0x2800, s14;
	[sflag:s18] =	ssyncadd.s32 $0xFFFFE000  }
0x191: {  	[spmem:s2] =	stream.indirect.scatter.add.f32 [tilespmem:s3], [sflag:$0x6], $0x40, s12, s0, $0xb8;
	[tilespmem:$0x1CC00] =	vst v63  }
0x192: {  	_ = 	snop  }
0x193: {  	[spmem:s4] =	stream.indirect.scatter.add.f32 [tilespmem:s26], [sflag:$0xB], $0x8, s12, s0, $0xb8;
	[tilespmem:$0x1CC00] =	vst v63  }
0x194: {  	_ =	swait.ge [sflag:s19], $0x2000  }
0x195: {  	[sflag:s19] =	ssyncset.done $0x0  }
0x196: {  	s12 =	sadd.s32 $0x2880, s14;
	[sflag:s19] =	ssyncadd.s32 $0xFFFFE000  }
0x197: {  	[spmem:s2] =	stream.indirect.scatter.add.f32 [tilespmem:s6], [sflag:$0x7], $0x40, s12, s0, $0xb8;
	[tilespmem:$0x1CC00] =	vst v63  }
0x198: {  	_ = 	snop  }
0x199: {  	[spmem:s4] =	stream.indirect.scatter.add.f32 [tilespmem:s26], [sflag:$0xB], $0x8, s12, s0, $0xb8;
	[tilespmem:$0x1CC00] =	vst v63  }
0x19a: {  	_ =	swait.ge [sflag:s20], $0x2000  }
0x19b: {  	[sflag:s20] =	ssyncset.done $0x0  }
0x19c: {  	s12 =	sadd.s32 $0x2900, s14;
	[sflag:s20] =	ssyncadd.s32 $0xFFFFE000  }
0x19d: {  	[spmem:s2] =	stream.indirect.scatter.add.f32 [tilespmem:s8], [sflag:$0x8], $0x40, s12, s0, $0xb8;
	[tilespmem:$0x1CC00] =	vst v63  }
0x19e: {  	_ = 	snop  }
0x19f: {  	[spmem:s4] =	stream.indirect.scatter.add.f32 [tilespmem:s26], [sflag:$0xB], $0x8, s12, s0, $0xb8;
	[tilespmem:$0x1CC00] =	vst v63  }
0x1a0: {  	_ =	swait.ge [sflag:s7], $0x2000  }
0x1a1: {  	[sflag:s7] =	ssyncset.done $0x0  }
0x1a2: {  	s12 =	sadd.s32 $0x2980, s14;
	[sflag:s7] =	ssyncadd.s32 $0xFFFFE000  }
0x1a3: {  	[spmem:s2] =	stream.indirect.scatter.add.f32 [tilespmem:s13], [sflag:$0x9], $0x40, s12, s0, $0xb8;
	[tilespmem:$0x1CC00] =	vst v63  }
0x1a4: {  	_ = 	snop  }
0x1a5: {  	[spmem:s4] =	stream.indirect.scatter.add.f32 [tilespmem:s26], [sflag:$0xB], $0x8, s12, s0, $0xb8;
	[tilespmem:$0x1CC00] =	vst v63  }
0x1a6: {  	_ =	swait.ge [sflag:s9], $0x2000  }
0x1a7: {  	[sflag:s9] =	ssyncset.done $0x0  }
0x1a8: {  	s12 =	sadd.s32 $0x2A00, s14;
	[sflag:s9] =	ssyncadd.s32 $0xFFFFE000  }
0x1a9: {  	[spmem:s2] =	stream.indirect.scatter.add.f32 [tilespmem:s16], [sflag:$0xA], $0x40, s12, s0, $0xb8;
	[tilespmem:$0x1CC00] =	vst v63  }
0x1aa: {  	_ = 	snop  }
0x1ab: {  	[spmem:s4] =	stream.indirect.scatter.add.f32 [tilespmem:s26], [sflag:$0xB], $0x8, s12, s0, $0xb8;
	[tilespmem:$0x1CC00] =	vst v63  }
0x1ac: {  	_ =	swait.ge [sflag:s22], $0x2000  }
0x1ad: {  	[sflag:s22] =	ssyncset.done $0x0  }
0x1ae: {  	s12 =	sadd.s32 $0x280, s14;
	[sflag:s22] =	ssyncadd.s32 $0xFFFFE000  }
0x1af: {  	[tilespmem:s3], [sflag:$0x1] =	stream.indirect.gather [hbm4b:s1+s0], $0x40, s12, s0, $0xb8;
	[tilespmem:$0x1CC00] =	vst v63  }
0x1b0: {  	_ =	swait.ge [sflag:s23], $0x2000  }
0x1b1: {  	[sflag:s23] =	ssyncset.done $0x0  }
0x1b2: {  	s12 =	sadd.s32 $0x300, s14;
	[sflag:s23] =	ssyncadd.s32 $0xFFFFE000  }
0x1b3: {  	[tilespmem:s6], [sflag:$0x2] =	stream.indirect.gather [hbm4b:s1+s0], $0x40, s12, s0, $0xb8;
	[tilespmem:$0x1CC00] =	vst v63  }
0x1b4: {  	_ =	swait.ge [sflag:s15], $0x2000  }
0x1b5: {  	[sflag:s15] =	ssyncset.done $0x0  }
0x1b6: {  	s12 =	sadd.s32 $0x380, s14;
	[sflag:s15] =	ssyncadd.s32 $0xFFFFE000  }
0x1b7: {  	[tilespmem:s8], [sflag:$0x3] =	stream.indirect.gather [hbm4b:s1+s0], $0x40, s12, s0, $0xb8;
	[tilespmem:$0x1CC00] =	vst v63  }
0x1b8: {  	_ =	swait.ge [sflag:s24], $0x2000  }
0x1b9: {  	[sflag:s24] =	ssyncset.done $0x0  }
.Ltmp1:
0x1ba: {  	s12 =	sadd.s32 $0x400, s14;
	[sflag:s24] =	ssyncadd.s32 $0xFFFFE000;
	(pc) =	sbr.rel @p0 .LBB2_4-.Ltmp1, $4  }
0x1bb: {  	[tilespmem:s13], [sflag:$0x4] =	stream.indirect.gather [hbm4b:s1+s0], $0x40, s12, s0, $0xb8;
	[tilespmem:$0x1CC00] =	vst v63  }
0x1bc: {  	_ =	swait.ge [sflag:s11], $0x2000  }
0x1bd: {  	[sflag:s11] =	ssyncset.done $0x0  }
0x1be: {  	s14 =	sadd.s32 $0x480, s14;
	[sflag:s11] =	ssyncadd.s32 $0xFFFFE000  }
0x1bf: {  	[tilespmem:s16], [sflag:$0x5] =	stream.indirect.gather [hbm4b:s1+s0], $0x40, s14, s0, $0xb8;
	[tilespmem:$0x1CC00] =	vst v63  }
0x1c0: {  	_ =	swait.ge [sflag:s18], $0x2000  }
0x1c1: {  	[sflag:s18] =	ssyncset.done $0x0  }
0x1c2: {  	s10 =	simm.s32 $0x4D80;
	[sflag:s18] =	ssyncadd.s32 $0xFFFFE000  }
0x1c3: {  	[spmem:s2] =	stream.indirect.scatter.add.f32 [tilespmem:s3], [sflag:$0x6], $0x40, s10, s0, $0xb8;
	[tilespmem:$0x1CC00] =	vst v63  }
0x1c4: {  	_ = 	snop  }
0x1c5: {  	[spmem:s4] =	stream.indirect.scatter.add.f32 [tilespmem:s26], [sflag:$0xB], $0x8, s10, s0, $0xb8;
	[tilespmem:$0x1CC00] =	vst v63  }
0x1c6: {  	_ =	swait.ge [sflag:s19], $0x2000  }
0x1c7: {  	[sflag:s19] =	ssyncset.done $0x0  }
0x1c8: {  	s17 =	simm.s32 $0x4E00;
	[sflag:s19] =	ssyncadd.s32 $0xFFFFE000  }
0x1c9: {  	[spmem:s2] =	stream.indirect.scatter.add.f32 [tilespmem:s6], [sflag:$0x7], $0x40, s17, s0, $0xb8;
	[tilespmem:$0x1CC00] =	vst v63  }
0x1ca: {  	_ = 	snop  }
0x1cb: {  	[spmem:s4] =	stream.indirect.scatter.add.f32 [tilespmem:s26], [sflag:$0xB], $0x8, s17, s0, $0xb8;
	[tilespmem:$0x1CC00] =	vst v63  }
0x1cc: {  	_ =	swait.ge [sflag:s20], $0x2000  }
0x1cd: {  	[sflag:s20] =	ssyncset.done $0x0  }
0x1ce: {  	s21 =	simm.s32 $0x4E80;
	[sflag:s20] =	ssyncadd.s32 $0xFFFFE000  }
0x1cf: {  	[spmem:s2] =	stream.indirect.scatter.add.f32 [tilespmem:s8], [sflag:$0x8], $0x40, s21, s0, $0xb8;
	[tilespmem:$0x1CC00] =	vst v63  }
0x1d0: {  	_ = 	snop  }
0x1d1: {  	[spmem:s4] =	stream.indirect.scatter.add.f32 [tilespmem:s26], [sflag:$0xB], $0x8, s21, s0, $0xb8;
	[tilespmem:$0x1CC00] =	vst v63  }
0x1d2: {  	_ =	swait.ge [sflag:s7], $0x2000  }
0x1d3: {  	[sflag:s7] =	ssyncset.done $0x0  }
0x1d4: {  	s29 =	simm.s32 $0x4F00;
	[sflag:s7] =	ssyncadd.s32 $0xFFFFE000  }
0x1d5: {  	[spmem:s2] =	stream.indirect.scatter.add.f32 [tilespmem:s13], [sflag:$0x9], $0x40, s29, s0, $0xb8;
	[tilespmem:$0x1CC00] =	vst v63  }
0x1d6: {  	_ = 	snop  }
0x1d7: {  	[spmem:s4] =	stream.indirect.scatter.add.f32 [tilespmem:s26], [sflag:$0xB], $0x8, s29, s0, $0xb8;
	[tilespmem:$0x1CC00] =	vst v63  }
0x1d8: {  	_ =	swait.ge [sflag:s9], $0x2000  }
0x1d9: {  	[sflag:s9] =	ssyncset.done $0x0  }
0x1da: {  	s30 =	simm.s32 $0x4F80;
	[sflag:s9] =	ssyncadd.s32 $0xFFFFE000  }
0x1db: {  	[spmem:s2] =	stream.indirect.scatter.add.f32 [tilespmem:s16], [sflag:$0xA], $0x40, s30, s0, $0xb8;
	[tilespmem:$0x1CC00] =	vst v63  }
0x1dc: {  	_ = 	snop  }
0x1dd: {  	[spmem:s4] =	stream.indirect.scatter.add.f32 [tilespmem:s26], [sflag:$0xB], $0x8, s30, s0, $0xb8;
	[tilespmem:$0x1CC00] =	vst v63  }
0x1de: {  	_ =	swait.ge [sflag:s22], $0x2000  }
0x1df: {  	[sflag:s22] =	ssyncset.done $0x0  }
0x1e0: {  	[sflag:s22] =	ssyncadd.s32 $0xFFFFE000  }
0x1e1: {  	_ =	swait.ge [sflag:s23], $0x2000  }
0x1e2: {  	[sflag:s23] =	ssyncset.done $0x0  }
0x1e3: {  	[sflag:s23] =	ssyncadd.s32 $0xFFFFE000  }
0x1e4: {  	_ =	swait.ge [sflag:s15], $0x2000  }
0x1e5: {  	[sflag:s15] =	ssyncset.done $0x0  }
0x1e6: {  	[sflag:s15] =	ssyncadd.s32 $0xFFFFE000  }
0x1e7: {  	_ =	swait.ge [sflag:s24], $0x2000  }
0x1e8: {  	[sflag:s24] =	ssyncset.done $0x0  }
0x1e9: {  	[sflag:s24] =	ssyncadd.s32 $0xFFFFE000  }
0x1ea: {  	_ =	swait.ge [sflag:s11], $0x2000  }
0x1eb: {  	[sflag:s11] =	ssyncset.done $0x0  }
0x1ec: {  	s12 =	simm.s32 $0xB;
	[sflag:s11] =	ssyncadd.s32 $0xFFFFE000  }
0x1ed: {  	_ =	swait.ge [sflag:s12], $0x400  }
0x1ee: {  	s10 =	simm.s32 $0x4F;
	[sflag:s12] =	ssyncset.done $0x0  }
.LBB2_6:
0x1ef: {  	p0 =	sne.s32 s10, $0x1;
	s10 =	sadd.s32 $0xFFFFFFFF, s10;
	[sflag:s12] =	ssyncadd.s32 $0xFFFFFC00  }
.Ltmp2:
0x1f0: {  	(pc) =	sbr.rel @p0 .LBB2_6-.Ltmp2, $3  }
0x1f1: {  	_ =	sdelay $0x1  }
0x1f2: {  	_ =	swait.ge [sflag:s12], $0x400  }
0x1f3: {  	[sflag:s12] =	ssyncset.done $0x0  }
0x1f4: {  	[sflag:s12] =	ssyncadd.s32 $0xFFFFFC00;
	s10 =	stileid.u32  }
0x1f5: {  	s10 =	sshll.u32 s10, $0x6;
	[bflag:$0x0] =	sbarrier.arrive $0xFFFF  }
0x1f6: {  	s21 =	sshrl.u32 s25, $0x3;
	s17 =	sor.u32 $0x1C0D, s10;
	s14 =	rddreg [dreg:$0x12]  }
0x1f7: {  	[hbm:s14], [sflag:s17] =	dma.local [spmem:s21], $0x1400  }
0x1f8: {  	s14 =	simm.s32 $0xD  }
0x1f9: {  	_ =	swait.ge [sflag:s14], $0x1400  }
0x1fa: {  	[sflag:s14] =	ssyncset.done $0x0  }
0x1fb: {  	s29 =	sshrl.u32 s28, $0x3;
	s30 =	rddreg [dreg:$0x16];
	[sflag:s14] =	ssyncadd.s32 $0xFFFFEC00  }
0x1fc: {  	[hbm:s30], [sflag:s17] =	dma.local [spmem:s29], $0x280  }
0x1fd: {  	_ =	swait.ge [sflag:s14], $0x280  }
0x1fe: {  	[sflag:s14] =	ssyncset.done $0x0  }
0x1ff: {  	s10 =	simm.s32 $0x0;
	s29 =	rddreg [dreg:$0xf];
	[sflag:s14] =	ssyncadd.s32 $0xFFFFFD80  }
0x200: {  	[tilespmem:s10], [sflag:$0xD] =	stream.linear.gather [hbm4b:s29+s10], $0x2800, $0x38;
	[tilespmem:$0x1CC00] =	vst v63  }
0x201: {  	_ =	swait.ge [sflag:s14], $0x2800  }
0x202: {  	[sflag:s14] =	ssyncset.done $0x0  }
0x203: {  	s29 =	simm.s32 $0xF400;
	[sflag:s14] =	ssyncadd.s32 $0xFFFFD800  }
0x204: {  	[spmem:s25] =	stream.linear.scatter [tilespmem:s29], [sflag:$0xD], $0x2000, $0x38;
	[tilespmem:$0x1CC00] =	vst v63  }
0x205: {  	_ =	swait.ge [sflag:s14], $0x2000  }
0x206: {  	[sflag:s14] =	ssyncset.done $0x0  }
0x207: {  	s30 =	rddreg [dreg:$0xb];
	[sflag:s14] =	ssyncadd.s32 $0xFFFFE000  }
0x208: {  	[spmem:s30] =	stream.linear.scatter [tilespmem:s29], [sflag:$0xD], $0x2000, $0x38;
	[tilespmem:$0x1CC00] =	vst v63  }
0x209: {  	_ =	swait.ge [sflag:s14], $0x2000  }
0x20a: {  	[sflag:s14] =	ssyncset.done $0x0  }
0x20b: {  	s25 =	rddreg [dreg:$0xd];
	[sflag:s14] =	ssyncadd.s32 $0xFFFFE000  }
0x20c: {  	[spmem:s25] =	stream.linear.scatter [tilespmem:s29], [sflag:$0xD], $0x2000, $0x38;
	[tilespmem:$0x1CC00] =	vst v63  }
0x20d: {  	_ =	swait.ge [sflag:s14], $0x2000  }
0x20e: {  	[sflag:s14] =	ssyncset.done $0x0  }
0x20f: {  	s30 =	rddreg [dreg:$0x10];
	[sflag:s14] =	ssyncadd.s32 $0xFFFFE000  }
0x210: {  	[spmem:s30] =	stream.linear.scatter [tilespmem:s29], [sflag:$0xD], $0x2000, $0x38;
	[tilespmem:$0x1CC00] =	vst v63  }
0x211: {  	_ =	swait.ge [sflag:s14], $0x2000  }
0x212: {  	[sflag:s14] =	ssyncset.done $0x0  }
0x213: {  	s25 =	rddreg [dreg:$0x14];
	[sflag:s14] =	ssyncadd.s32 $0xFFFFE000  }
0x214: {  	[spmem:s25] =	stream.linear.scatter [tilespmem:s29], [sflag:$0xD], $0x2000, $0x38;
	[tilespmem:$0x1CC00] =	vst v63  }
0x215: {  	_ =	swait.ge [sflag:s14], $0x2000  }
0x216: {  	[sflag:s14] =	ssyncset.done $0x0  }
0x217: {  	[sflag:s14] =	ssyncadd.s32 $0xFFFFE000  }
0x218: {  	[bflag:$0x0] =	sbarrier.arrive $0xFFFF  }
0x219: {  	[tilespmem:s3], [sflag:$0x1] =	stream.indirect.gather [hbm4b:s1+s0], $0x40, s10, s0, $0xb8;
	[tilespmem:$0x1CC00] =	vst v63  }
0x21a: {  	_ = 	snop  }
0x21b: {  	[tilespmem:s6], [sflag:$0x2] =	stream.indirect.gather [hbm4b:s1+s0], $0x40, s0, s0, $0xb8;
	[tilespmem:$0x1CC00] =	vst v63  }
0x21c: {  	s29 =	simm.s32 $0x100  }
0x21d: {  	[tilespmem:s8], [sflag:$0x3] =	stream.indirect.gather [hbm4b:s1+s0], $0x40, s29, s0, $0xb8;
	[tilespmem:$0x1CC00] =	vst v63  }
0x21e: {  	s30 =	simm.s32 $0x180  }
0x21f: {  	[tilespmem:s13], [sflag:$0x4] =	stream.indirect.gather [hbm4b:s1+s0], $0x40, s30, s0, $0xb8;
	[tilespmem:$0x1CC00] =	vst v63  }
0x220: {  	s12 =	simm.s32 $0x200  }
0x221: {  	[tilespmem:s16], [sflag:$0x5] =	stream.indirect.gather [hbm4b:s1+s0], $0x40, s12, s0, $0xb8;
	[tilespmem:$0x1CC00] =	vst v63  }
0x222: {  	_ =	swait.ge [sflag:s18], $0x2000  }
0x223: {  	[sflag:s18] =	ssyncset.done $0x0  }
0x224: {  	s14 =	simm.s32 $0x2800;
	[sflag:s18] =	ssyncadd.s32 $0xFFFFE000  }
0x225: {  	[spmem:s2] =	stream.indirect.scatter.add.f32 [tilespmem:s3], [sflag:$0x6], $0x40, s14, s0, $0xb8;
	[tilespmem:$0x1CC00] =	vst v63  }
0x226: {  	_ =	swait.ge [sflag:s19], $0x2000  }
0x227: {  	[sflag:s19] =	ssyncset.done $0x0  }
0x228: {  	s25 =	simm.s32 $0x2880;
	[sflag:s19] =	ssyncadd.s32 $0xFFFFE000  }
0x229: {  	[spmem:s2] =	stream.indirect.scatter.add.f32 [tilespmem:s6], [sflag:$0x7], $0x40, s25, s0, $0xb8;
	[tilespmem:$0x1CC00] =	vst v63  }
0x22a: {  	_ =	swait.ge [sflag:s20], $0x2000  }
0x22b: {  	[sflag:s20] =	ssyncset.done $0x0  }
0x22c: {  	s29 =	simm.s32 $0x2900;
	[sflag:s20] =	ssyncadd.s32 $0xFFFFE000  }
0x22d: {  	[spmem:s2] =	stream.indirect.scatter.add.f32 [tilespmem:s8], [sflag:$0x8], $0x40, s29, s0, $0xb8;
	[tilespmem:$0x1CC00] =	vst v63  }
0x22e: {  	_ =	swait.ge [sflag:s7], $0x2000  }
0x22f: {  	[sflag:s7] =	ssyncset.done $0x0  }
0x230: {  	s30 =	simm.s32 $0x2980;
	[sflag:s7] =	ssyncadd.s32 $0xFFFFE000  }
0x231: {  	[spmem:s2] =	stream.indirect.scatter.add.f32 [tilespmem:s13], [sflag:$0x9], $0x40, s30, s0, $0xb8;
	[tilespmem:$0x1CC00] =	vst v63  }
0x232: {  	_ =	swait.ge [sflag:s9], $0x2000  }
0x233: {  	[sflag:s9] =	ssyncset.done $0x0  }
0x234: {  	s12 =	simm.s32 $0x2A00;
	[sflag:s9] =	ssyncadd.s32 $0xFFFFE000  }
0x235: {  	[spmem:s2] =	stream.indirect.scatter.add.f32 [tilespmem:s16], [sflag:$0xA], $0x40, s12, s0, $0xb8;
	[tilespmem:$0x1CC00] =	vst v63  }
0x236: {  	_ =	swait.ge [sflag:s22], $0x2000  }
0x237: {  	[sflag:s22] =	ssyncset.done $0x0  }
0x238: {  	s14 =	simm.s32 $0x280;
	[sflag:s22] =	ssyncadd.s32 $0xFFFFE000  }
0x239: {  	[tilespmem:s3], [sflag:$0x1] =	stream.indirect.gather [hbm4b:s1+s0], $0x40, s14, s0, $0xb8;
	[tilespmem:$0x1CC00] =	vst v63  }
0x23a: {  	_ =	swait.ge [sflag:s23], $0x2000  }
0x23b: {  	[sflag:s23] =	ssyncset.done $0x0  }
0x23c: {  	s25 =	simm.s32 $0x300;
	[sflag:s23] =	ssyncadd.s32 $0xFFFFE000  }
0x23d: {  	[tilespmem:s6], [sflag:$0x2] =	stream.indirect.gather [hbm4b:s1+s0], $0x40, s25, s0, $0xb8;
	[tilespmem:$0x1CC00] =	vst v63  }
0x23e: {  	_ =	swait.ge [sflag:s15], $0x2000  }
0x23f: {  	[sflag:s15] =	ssyncset.done $0x0  }
0x240: {  	s29 =	simm.s32 $0x380;
	[sflag:s15] =	ssyncadd.s32 $0xFFFFE000  }
0x241: {  	[tilespmem:s8], [sflag:$0x3] =	stream.indirect.gather [hbm4b:s1+s0], $0x40, s29, s0, $0xb8;
	[tilespmem:$0x1CC00] =	vst v63  }
0x242: {  	_ =	swait.ge [sflag:s24], $0x2000  }
0x243: {  	[sflag:s24] =	ssyncset.done $0x0  }
0x244: {  	s30 =	simm.s32 $0x400;
	[sflag:s24] =	ssyncadd.s32 $0xFFFFE000  }
0x245: {  	[tilespmem:s13], [sflag:$0x4] =	stream.indirect.gather [hbm4b:s1+s0], $0x40, s30, s0, $0xb8;
	[tilespmem:$0x1CC00] =	vst v63  }
0x246: {  	_ =	swait.ge [sflag:s11], $0x2000  }
0x247: {  	s28 =	simm.s32 $0xF400;
	[sflag:s11] =	ssyncset.done $0x0  }
0x248: {  	s10 =	simm.s32 $0xA00;
	s14 =	simm.s32 $0x480;
	[sflag:s11] =	ssyncadd.s32 $0xFFFFE000  }
.LBB2_8:
0x249: {  	[tilespmem:s16], [sflag:$0x5] =	stream.indirect.gather [hbm4b:s1+s0], $0x40, s14, s0, $0xb8;
	[tilespmem:$0x1CC00] =	vst v63  }
0x24a: {  	s12 =	smov.u32 s10  }
0x24b: {  	p0 =	sne.s32 s10, $0x8C00;
	s10 =	sadd.s32 $0xA00, s10;
	_ =	swait.ge [sflag:s18], $0x2000  }
0x24c: {  	s14 =	sshra.s32 s12, $0x2;
	[sflag:s18] =	ssyncset.done $0x0  }
0x24d: {  	s12 =	sadd.s32 $0x2800, s14;
	[sflag:s18] =	ssyncadd.s32 $0xFFFFE000  }
0x24e: {  	[spmem:s2] =	stream.indirect.scatter.add.f32 [tilespmem:s3], [sflag:$0x6], $0x40, s12, s0, $0xb8;
	[tilespmem:$0x1CC00] =	vst v63  }
0x24f: {  	_ =	swait.ge [sflag:s19], $0x2000  }
0x250: {  	[sflag:s19] =	ssyncset.done $0x0  }
0x251: {  	s12 =	sadd.s32 $0x2880, s14;
	[sflag:s19] =	ssyncadd.s32 $0xFFFFE000  }
0x252: {  	[spmem:s2] =	stream.indirect.scatter.add.f32 [tilespmem:s6], [sflag:$0x7], $0x40, s12, s0, $0xb8;
	[tilespmem:$0x1CC00] =	vst v63  }
0x253: {  	_ =	swait.ge [sflag:s20], $0x2000  }
0x254: {  	[sflag:s20] =	ssyncset.done $0x0  }
0x255: {  	s12 =	sadd.s32 $0x2900, s14;
	[sflag:s20] =	ssyncadd.s32 $0xFFFFE000  }
0x256: {  	[spmem:s2] =	stream.indirect.scatter.add.f32 [tilespmem:s8], [sflag:$0x8], $0x40, s12, s0, $0xb8;
	[tilespmem:$0x1CC00] =	vst v63  }
0x257: {  	_ =	swait.ge [sflag:s7], $0x2000  }
0x258: {  	[sflag:s7] =	ssyncset.done $0x0  }
0x259: {  	s12 =	sadd.s32 $0x2980, s14;
	[sflag:s7] =	ssyncadd.s32 $0xFFFFE000  }
0x25a: {  	[spmem:s2] =	stream.indirect.scatter.add.f32 [tilespmem:s13], [sflag:$0x9], $0x40, s12, s0, $0xb8;
	[tilespmem:$0x1CC00] =	vst v63  }
0x25b: {  	_ =	swait.ge [sflag:s9], $0x2000  }
0x25c: {  	[sflag:s9] =	ssyncset.done $0x0  }
0x25d: {  	s12 =	sadd.s32 $0x2A00, s14;
	[sflag:s9] =	ssyncadd.s32 $0xFFFFE000  }
0x25e: {  	[spmem:s2] =	stream.indirect.scatter.add.f32 [tilespmem:s16], [sflag:$0xA], $0x40, s12, s0, $0xb8;
	[tilespmem:$0x1CC00] =	vst v63  }
0x25f: {  	_ =	swait.ge [sflag:s22], $0x2000  }
0x260: {  	[sflag:s22] =	ssyncset.done $0x0  }
0x261: {  	s12 =	sadd.s32 $0x280, s14;
	[sflag:s22] =	ssyncadd.s32 $0xFFFFE000  }
0x262: {  	[tilespmem:s3], [sflag:$0x1] =	stream.indirect.gather [hbm4b:s1+s0], $0x40, s12, s0, $0xb8;
	[tilespmem:$0x1CC00] =	vst v63  }
0x263: {  	_ =	swait.ge [sflag:s23], $0x2000  }
0x264: {  	[sflag:s23] =	ssyncset.done $0x0  }
0x265: {  	s12 =	sadd.s32 $0x300, s14;
	[sflag:s23] =	ssyncadd.s32 $0xFFFFE000  }
0x266: {  	[tilespmem:s6], [sflag:$0x2] =	stream.indirect.gather [hbm4b:s1+s0], $0x40, s12, s0, $0xb8;
	[tilespmem:$0x1CC00] =	vst v63  }
0x267: {  	_ =	swait.ge [sflag:s15], $0x2000  }
0x268: {  	[sflag:s15] =	ssyncset.done $0x0  }
0x269: {  	s12 =	sadd.s32 $0x380, s14;
	[sflag:s15] =	ssyncadd.s32 $0xFFFFE000  }
0x26a: {  	[tilespmem:s8], [sflag:$0x3] =	stream.indirect.gather [hbm4b:s1+s0], $0x40, s12, s0, $0xb8;
	[tilespmem:$0x1CC00] =	vst v63  }
0x26b: {  	_ =	swait.ge [sflag:s24], $0x2000  }
0x26c: {  	[sflag:s24] =	ssyncset.done $0x0  }
.Ltmp3:
0x26d: {  	s12 =	sadd.s32 $0x400, s14;
	[sflag:s24] =	ssyncadd.s32 $0xFFFFE000;
	(pc) =	sbr.rel @p0 .LBB2_8-.Ltmp3, $4  }
0x26e: {  	[tilespmem:s13], [sflag:$0x4] =	stream.indirect.gather [hbm4b:s1+s0], $0x40, s12, s0, $0xb8;
	[tilespmem:$0x1CC00] =	vst v63  }
0x26f: {  	_ =	swait.ge [sflag:s11], $0x2000  }
0x270: {  	[sflag:s11] =	ssyncset.done $0x0  }
0x271: {  	s14 =	sadd.s32 $0x480, s14;
	[sflag:s11] =	ssyncadd.s32 $0xFFFFE000  }
0x272: {  	[tilespmem:s16], [sflag:$0x5] =	stream.indirect.gather [hbm4b:s1+s0], $0x40, s14, s0, $0xb8;
	[tilespmem:$0x1CC00] =	vst v63  }
0x273: {  	_ =	swait.ge [sflag:s18], $0x2000  }
0x274: {  	[sflag:s18] =	ssyncset.done $0x0  }
0x275: {  	s10 =	simm.s32 $0x4D80;
	[sflag:s18] =	ssyncadd.s32 $0xFFFFE000  }
0x276: {  	[spmem:s2] =	stream.indirect.scatter.add.f32 [tilespmem:s3], [sflag:$0x6], $0x40, s10, s0, $0xb8;
	[tilespmem:$0x1CC00] =	vst v63  }
0x277: {  	_ =	swait.ge [sflag:s19], $0x2000  }
0x278: {  	[sflag:s19] =	ssyncset.done $0x0  }
0x279: {  	s29 =	simm.s32 $0x4E00;
	[sflag:s19] =	ssyncadd.s32 $0xFFFFE000  }
0x27a: {  	[spmem:s2] =	stream.indirect.scatter.add.f32 [tilespmem:s6], [sflag:$0x7], $0x40, s29, s0, $0xb8;
	[tilespmem:$0x1CC00] =	vst v63  }
0x27b: {  	_ =	swait.ge [sflag:s20], $0x2000  }
0x27c: {  	[sflag:s20] =	ssyncset.done $0x0  }
0x27d: {  	s30 =	simm.s32 $0x4E80;
	[sflag:s20] =	ssyncadd.s32 $0xFFFFE000  }
0x27e: {  	[spmem:s2] =	stream.indirect.scatter.add.f32 [tilespmem:s8], [sflag:$0x8], $0x40, s30, s0, $0xb8;
	[tilespmem:$0x1CC00] =	vst v63  }
0x27f: {  	_ =	swait.ge [sflag:s7], $0x2000  }
0x280: {  	[sflag:s7] =	ssyncset.done $0x0  }
0x281: {  	s12 =	simm.s32 $0x4F00;
	[sflag:s7] =	ssyncadd.s32 $0xFFFFE000  }
0x282: {  	[spmem:s2] =	stream.indirect.scatter.add.f32 [tilespmem:s13], [sflag:$0x9], $0x40, s12, s0, $0xb8;
	[tilespmem:$0x1CC00] =	vst v63  }
0x283: {  	_ =	swait.ge [sflag:s9], $0x2000  }
0x284: {  	[sflag:s9] =	ssyncset.done $0x0  }
0x285: {  	s14 =	simm.s32 $0x4F80;
	[sflag:s9] =	ssyncadd.s32 $0xFFFFE000  }
0x286: {  	[spmem:s2] =	stream.indirect.scatter.add.f32 [tilespmem:s16], [sflag:$0xA], $0x40, s14, s0, $0xb8;
	[tilespmem:$0x1CC00] =	vst v63  }
0x287: {  	_ =	swait.ge [sflag:s22], $0x2000  }
0x288: {  	[sflag:s22] =	ssyncset.done $0x0  }
0x289: {  	[sflag:s22] =	ssyncadd.s32 $0xFFFFE000  }
0x28a: {  	_ =	swait.ge [sflag:s23], $0x2000  }
0x28b: {  	[sflag:s23] =	ssyncset.done $0x0  }
0x28c: {  	[sflag:s23] =	ssyncadd.s32 $0xFFFFE000  }
0x28d: {  	_ =	swait.ge [sflag:s15], $0x2000  }
0x28e: {  	[sflag:s15] =	ssyncset.done $0x0  }
0x28f: {  	[sflag:s15] =	ssyncadd.s32 $0xFFFFE000  }
0x290: {  	_ =	swait.ge [sflag:s24], $0x2000  }
0x291: {  	[sflag:s24] =	ssyncset.done $0x0  }
0x292: {  	[sflag:s24] =	ssyncadd.s32 $0xFFFFE000  }
0x293: {  	_ =	swait.ge [sflag:s11], $0x2000  }
0x294: {  	[sflag:s11] =	ssyncset.done $0x0  }
0x295: {  	[sflag:s11] =	ssyncadd.s32 $0xFFFFE000  }
0x296: {  	[bflag:$0x0] =	sbarrier.arrive $0xFFFF  }
0x297: {  	s12 =	simm.s32 $0xD;
	s25 =	rddreg [dreg:$0x13]  }
0x298: {  	[hbm:s25], [sflag:s17] =	dma.local [spmem:s21], $0x1400  }
0x299: {  	_ =	swait.ge [sflag:s12], $0x1400  }
0x29a: {  	s29 =	rddreg [dreg:$0x19]  }
0x29b: {  	s30 =	rddreg [dreg:$0x17];
	s14 =	sadd.s32 $0x1, s29  }
0x29c: {  	p0 =	sne.s32 s14, s30  }
.Ltmp4:
0x29d: {  	_ = 	snop;
	(pc) =	sbr.rel @p0 .LBB2_1-.Ltmp4, $3  }
0x29e: {  	_ =	sdelay $0x1  }
0x29f: {  	[sflag:s12] =	ssyncset.done $0x0  }
0x2a0: {  	[sflag:s12] =	ssyncadd.s32 $0xFFFFEC00  }
0x2a1: {  	_ =	sfence.sel $0x180000  }
0x2a2: {  	[bflag:$0x0] =	sbarrier.arrive $0xFFFF  }
0x2a3: {  	_ =	strace $0x9000004A  }
0x2a4: {  	s0 =	stileid.u32;
	[bflag:$0x2] =	sbarrier.arrive $0xFFFF  }
0x2a5: {  	p0 =	sne.s32 s0, $0x0;
	s0 =	rddreg [dreg:$0x4]  }
0x2a6: {  	s0 =	sadd.s32 @!p0 $0x100000, s0  }
0x2a7: {  	[sflag:s0] =	ssyncadd.tile.s32 @!p0 $0x1;
	_ =	shalt  }
.Lfunc_end2:
_tile_overlayer_lowered:
.L_overlay_start_2:
0x2a8: {  	(tag) =	ssettag $0x2  }
0x2a9: {  	s0 =	rddreg [dreg:$0x0];
	s2 =	stileid.u32  }
0x2aa: {  	s1 =	rddreg [dreg:$0x1];
	p0 =	sne.s32 s2, $0x0  }
0x2ab: {  	s3 =	rddreg [dreg:$0x2];
	[bflag:$0x3] =	sbarrier.arrive $0xFFFF;
	s2 =	simm.s32 @!p0 $0x1C0D  }
0x2ac: {  	[timem:s3], [sflag:s2] =	dma.local @!p0 [hbm:s0], s1  }
0x2ad: {  	s0 =	simm.s32 @!p0 $0xD  }
0x2ae: {  	_ =	swait.ge @!p0 [sflag:s0], s1  }
0x2af: {  	s1 =	ssub.s32 @!p0 $0x0, s1;
	[sflag:s0] =	ssyncset.done @!p0 $0x0  }
0x2b0: {  	[sflag:s0] =	ssyncadd.s32 @!p0 s1  }
0x2b1: {  	[bflag:$0x3] =	sbarrier.arrive $0xFFFF  }
0x2b2: {  	_ =	shalt  }

</sc_bundles>
